<compile_context>
chip_gen: v7x
topology: tpu7x:2x2x1
jax: 0.10.2.dev20260603
libtpu: 0.0.44.dev20260713+nightly
codegen_flags: <defaults>
</compile_context>

<pallas_src>
import functools

import jax
import jax.numpy as jnp
import numpy as np
from jax import lax
from jax.experimental import pallas as pl
from jax.experimental.pallas import tpu as pltpu
from jax.experimental.pallas import tpu_sc as plsc

N = 10000
NP = 10112
E = 320000
D = 128
NMASK = 1500
EMASK = 48000
NM_PAD = 1536
EM_PAD = 48128

EPT = E // 16


def _tf_block(k0, k1, x1):
    x0 = np.zeros_like(x1)
    x1 = x1.copy()
    ks = [np.uint32(k0), np.uint32(k1),
          np.uint32(k0) ^ np.uint32(k1) ^ np.uint32(0x1BD11BDA)]
    rots = [(13, 15, 26, 6), (17, 29, 16, 24)]
    x0 = x0 + ks[0]
    x1 = x1 + ks[1]
    for i in range(5):
        for d in rots[i % 2]:
            x0 = x0 + x1
            x1 = ((x1 << np.uint32(d)) | (x1 >> np.uint32(32 - d))) ^ x0
        x0 = x0 + ks[(i + 1) % 3]
        x1 = x1 + ks[(i + 2) % 3] + np.uint32(i + 1)
    return x0, x1


def _np_permutation(seed, n):
    key = (np.uint32(0), np.uint32(seed))
    num_rounds = int(np.ceil(3 * np.log(max(1, n)) / np.log(0xFFFFFFFF)))
    x = np.arange(n, dtype=np.int32)
    for _ in range(num_rounds):
        b1, b2 = _tf_block(key[0], key[1], np.arange(2, dtype=np.uint32))
        key, sub = (b1[0], b2[0]), (b1[1], b2[1])
        c1, c2 = _tf_block(sub[0], sub[1], np.arange(n, dtype=np.uint32))
        x = x[np.argsort(c1 ^ c2, kind='stable')]
    return x


@functools.cache
def _mask_indices():
    idx_n = _np_permutation(123, N)[:NMASK]
    idx_e = _np_permutation(456, E)[:EMASK]
    idx_n_pad = np.concatenate(
        [idx_n, np.full(NM_PAD - NMASK, idx_n[0], np.int32)])
    idx_e_pad = np.concatenate(
        [idx_e, np.full(EM_PAD - EMASK, idx_e[0], np.int32)])
    eflag = np.zeros((E, 1), np.bool_)
    eflag[idx_e] = True
    nflag = np.zeros((N, 1), np.bool_)
    nflag[idx_n] = True
    rowids = (idx_e_pad // 32).astype(np.int32)
    off8 = np.repeat(((idx_e_pad % 32) * 4)[:, None], 8,
                     axis=1).astype(np.int32)
    return idx_n_pad, idx_e_pad, eflag, nflag, rowids, off8


@functools.cache
def _mesh():
    return plsc.VectorSubcoreMesh(core_axis_name="c", subcore_axis_name="s")


def _wid():
    return lax.axis_index("s") * 2 + lax.axis_index("c")


def _zeros16():
    return jnp.broadcast_to(jnp.float32(0.0), (16,))


def _k1_body(x_h, ep_h, idn_h, idr_h, xg_h, g_h,
             idx48, row48, idx128, grow128, idx96, grow96, sem):
    w = _wid()
    nb = w * 48
    pltpu.sync_copy(idn_h.at[pl.ds(nb, 48)], idx48)
    pltpu.async_copy(x_h.at[idx48], row48, sem).wait()
    pltpu.sync_copy(row48, xg_h.at[pl.ds(nb, 48)])

    eb = w * 1504

    @pl.loop(0, 11)
    def _(i):
        b = eb + i * 128
        pltpu.sync_copy(idr_h.at[pl.ds(b, 128)], idx128)
        pltpu.async_copy(ep_h.at[idx128], grow128, sem).wait()
        pltpu.sync_copy(grow128, g_h.at[pl.ds(b, 128)])

    b = eb + 11 * 128
    pltpu.sync_copy(idr_h.at[pl.ds(b, 96)], idx96)
    pltpu.async_copy(ep_h.at[idx96], grow96, sem).wait()
    pltpu.sync_copy(grow96, g_h.at[pl.ds(b, 96)])


@functools.cache
def _k1():
    return pl.kernel(
        _k1_body,
        mesh=_mesh(),
        out_type=(jax.ShapeDtypeStruct((NM_PAD, D), jnp.float32),
                  jax.ShapeDtypeStruct((EM_PAD, D), jnp.int32)),
        scratch_types=[pltpu.VMEM((48,), jnp.int32),
                       pltpu.VMEM((48, D), jnp.float32),
                       pltpu.VMEM((128,), jnp.int32),
                       pltpu.VMEM((128, D), jnp.int32),
                       pltpu.VMEM((96,), jnp.int32),
                       pltpu.VMEM((96, D), jnp.int32),
                       pltpu.SemaphoreType.DMA])


def _kx_body(g_ref, off_ref, o_ref):
    g = g_ref[...]
    off = off_ref[:, 0:1]
    lane = lax.broadcasted_iota(jnp.int32, g.shape, 1)
    out = jnp.zeros_like(g)
    for j in range(4):
        fj = jnp.sum(jnp.where(lane == off + j, g, 0), axis=1, keepdims=True)
        out = out + jnp.where(lane == j, fj, 0)
    o_ref[...] = out


def _k2a_body(x_ref, w_ref, b_ref, o_ref):
    o_ref[...] = jnp.maximum(
        jnp.dot(x_ref[...], w_ref[...], preferred_element_type=jnp.float32)
        + b_ref[...], 0.0)


def _k4_body(h_h, hm_h, idn_h, src_h, dst_h,
             A_h, Amg_h,
             accA, zb, sidx, didx, rows,
             sidx_t, didx_t, rows_t, hrbuf, hidx, sem):
    c = lax.axis_index("c")
    s = lax.axis_index("s")
    z16 = _zeros16()
    r0 = s * 632
    nb = s * 96

    @pl.loop(0, 128)
    def _(r):
        for k in range(8):
            zb[r, pl.ds(k * 16, 16)] = z16

    for j in range(4):
        pltpu.sync_copy(zb, accA.at[pl.ds(r0 + j * 128, 128)])
    pltpu.sync_copy(zb.at[pl.ds(0, 120)], accA.at[pl.ds(r0 + 512, 120)])

    pltpu.sync_copy(idn_h.at[pl.ds(nb, 96)], hidx)

    plsc.subcore_barrier()

    def edge_pass(tbl):
        e0 = s * EPT

        def chunk(b, si, di, rw):
            pltpu.sync_copy(src_h.at[pl.ds(b, si.shape[0])], si)
            pltpu.sync_copy(dst_h.at[pl.ds(b, di.shape[0])], di)
            pltpu.async_copy(tbl.at[si], rw, sem).wait()
            pltpu.sync_copy(rw, accA.at[di], add=True)

        @pl.loop(0, 156)
        def _(i):
            chunk(e0 + i * 128, sidx, didx, rows)

        chunk(e0 + 156 * 128, sidx_t, didx_t, rows_t)

    @pl.when(c == 0)
    def _():
        edge_pass(h_h)

    @pl.when(c == 1)
    def _():
        edge_pass(hm_h)

    plsc.subcore_barrier()

    @pl.when(c == 0)
    def _():
        pltpu.sync_copy(accA.at[pl.ds(r0, 632)], A_h.at[pl.ds(r0, 632)])

    @pl.when(c == 1)
    def _():
        pltpu.sync_copy(accA.at[hidx], hrbuf)
        pltpu.sync_copy(hrbuf, Amg_h.at[pl.ds(nb, 96)])


@functools.cache
def _k4():
    return pl.kernel(
        _k4_body,
        mesh=_mesh(),
        out_type=(jax.ShapeDtypeStruct((NP, D), jnp.float32),
                  jax.ShapeDtypeStruct((NM_PAD, D), jnp.float32)),
        scratch_types=[pltpu.VMEM_SHARED((NP, D), jnp.float32),
                       pltpu.VMEM((128, D), jnp.float32),
                       pltpu.VMEM((128,), jnp.int32),
                       pltpu.VMEM((128,), jnp.int32),
                       pltpu.VMEM((128, D), jnp.float32),
                       pltpu.VMEM((32,), jnp.int32),
                       pltpu.VMEM((32,), jnp.int32),
                       pltpu.VMEM((32, D), jnp.float32),
                       pltpu.VMEM((96, D), jnp.float32),
                       pltpu.VMEM((96,), jnp.int32),
                       pltpu.SemaphoreType.DMA])


def _k4b_body(dst_h, ea_h, eam_h,
              Bm_h, B_h,
              accB, zb, bufw, didx, eav):
    c = lax.axis_index("c")
    s = lax.axis_index("s")
    z16 = _zeros16()
    r0 = s * 632
    nb = s * 96

    @pl.loop(0, 128)
    def _(r):
        for k in range(8):
            zb[r, pl.ds(k * 16, 16)] = z16
            bufw[r, pl.ds(k * 16, 16)] = z16

    for j in range(4):
        pltpu.sync_copy(zb, accB.at[pl.ds(r0 + j * 128, 128)])
    pltpu.sync_copy(zb.at[pl.ds(0, 120)], accB.at[pl.ds(r0 + 512, 120)])
    plsc.subcore_barrier()

    def sweep(ea):
        def chunk(j):
            b = j * 128
            pltpu.sync_copy(dst_h.at[pl.ds(b, 128)], didx)
            pltpu.sync_copy(ea.at[pl.ds(j * 16, 16)], eav)

            @pl.loop(0, 128)
            def _(r):
                bufw[r, pl.ds(0, 16)] = eav[r // 8, pl.ds((r % 8) * 16, 16)]

            pltpu.sync_copy(bufw, accB.at[didx], add=True)

        @pl.loop(0, 156)
        def _(i):
            chunk(i * 16 + s)

        @pl.when(s < 4)
        def _():
            chunk(2496 + s)

    @pl.when(c == 0)
    def _():
        sweep(ea_h)

    @pl.when(c == 1)
    def _():
        sweep(eam_h)

    plsc.subcore_barrier()

    @pl.when(c == 0)
    def _():
        pltpu.sync_copy(accB.at[pl.ds(r0, 632)], B_h.at[pl.ds(r0, 632)])

    @pl.when(c == 1)
    def _():
        pltpu.sync_copy(accB.at[pl.ds(r0, 632)], Bm_h.at[pl.ds(r0, 632)])


@functools.cache
def _k4b():
    return pl.kernel(
        _k4b_body,
        mesh=_mesh(),
        out_type=(jax.ShapeDtypeStruct((NP, D), jnp.float32),
                  jax.ShapeDtypeStruct((NP, D), jnp.float32)),
        scratch_types=[pltpu.VMEM_SHARED((NP, D), jnp.float32),
                       pltpu.VMEM((128, D), jnp.float32),
                       pltpu.VMEM((128, D), jnp.float32),
                       pltpu.VMEM((128,), jnp.int32),
                       pltpu.VMEM((16, D), jnp.float32)])


def _k5_body(a_ref, bm_ref, h_ref, wm_ref, we_ref, ws_ref, w1a_ref, w1b_ref,
             p_ref, q_ref):
    emb = jnp.maximum(
        jnp.dot(a_ref[...], wm_ref[...], preferred_element_type=jnp.float32)
        + jnp.dot(bm_ref[...], we_ref[...], preferred_element_type=jnp.float32)
        + jnp.dot(h_ref[...], ws_ref[...], preferred_element_type=jnp.float32),
        0.0)
    p_ref[...] = jnp.dot(emb, w1a_ref[...], preferred_element_type=jnp.float32)
    q_ref[...] = jnp.dot(emb, w1b_ref[...], preferred_element_type=jnp.float32)


def _k6b_body(sm_h, dm_h, p_h, q_h, hm_h, b_h, idn_h, r_h, hmg_h, bg_h,
              pv, si, di, rp, rq, pv96, si96, di96, rp96, rq96,
              idx48, buf48, sem):
    w = _wid()
    nb = w * 48
    pltpu.sync_copy(idn_h.at[pl.ds(nb, 48)], idx48)
    pltpu.async_copy(hm_h.at[idx48], buf48, sem).wait()
    pltpu.sync_copy(buf48, hmg_h.at[pl.ds(nb, 48)])
    pltpu.async_copy(b_h.at[idx48], buf48, sem).wait()
    pltpu.sync_copy(buf48, bg_h.at[pl.ds(nb, 48)])
    eb = w * 1504

    def chunk(b, pvb, sib, dib, bp, bq, nrow, ngrp):
        pltpu.sync_copy(sm_h.at[pl.ds(b, nrow)], sib)
        pltpu.sync_copy(dm_h.at[pl.ds(b, nrow)], dib)
        pltpu.async_copy(p_h.at[sib], bp, sem).wait()
        pltpu.async_copy(q_h.at[dib], bq, sem).wait()

        @pl.loop(0, nrow)
        def _(r):
            for k in range(8):
                sl = pl.ds(k * 16, 16)
                bp[r, sl] = bp[r, sl] + bq[r, sl]

        pltpu.sync_copy(bp, r_h.at[pl.ds(b, nrow)])

    @pl.loop(0, 11)
    def _(i):
        chunk(eb + i * 128, pv, si, di, rp, rq, 128, 8)

    chunk(eb + 11 * 128, pv96, si96, di96, rp96, rq96, 96, 6)


@functools.cache
def _k6b():
    return pl.kernel(
        _k6b_body,
        mesh=_mesh(),
        out_type=(jax.ShapeDtypeStruct((EM_PAD, D), jnp.float32),
                  jax.ShapeDtypeStruct((NM_PAD, D), jnp.float32),
                  jax.ShapeDtypeStruct((NM_PAD, D), jnp.float32)),
        scratch_types=[pltpu.VMEM((128,), jnp.int32),
                       pltpu.VMEM((128,), jnp.int32),
                       pltpu.VMEM((128,), jnp.int32),
                       pltpu.VMEM((128, D), jnp.float32),
                       pltpu.VMEM((128, D), jnp.float32),
                       pltpu.VMEM((96,), jnp.int32),
                       pltpu.VMEM((96,), jnp.int32),
                       pltpu.VMEM((96,), jnp.int32),
                       pltpu.VMEM((96, D), jnp.float32),
                       pltpu.VMEM((96, D), jnp.float32),
                       pltpu.VMEM((48,), jnp.int32),
                       pltpu.VMEM((48, D), jnp.float32),
                       pltpu.SemaphoreType.DMA])


_EBLK = 512
_NEB = EM_PAD // _EBLK


def _k7_body(amg_ref, bg_ref, hmr_ref, oinj_ref, wm_ref, we_ref, ws_ref,
             nw1_ref, nb1_ref, nw2_ref, nb2_ref,
             r_ref, oef_ref, eb1_ref, ew2_ref, eb2_ref,
             out_ref, acc):
    pid = pl.program_id(0)

    @pl.when(pid == 0)
    def _():
        emb = jnp.maximum(
            jnp.dot(amg_ref[...], wm_ref[...],
                    preferred_element_type=jnp.float32)
            + jnp.dot(bg_ref[...], we_ref[...],
                      preferred_element_type=jnp.float32)
            + jnp.dot(hmr_ref[...], ws_ref[...],
                      preferred_element_type=jnp.float32), 0.0)
        hn = jnp.maximum(
            jnp.dot(emb, nw1_ref[...], preferred_element_type=jnp.float32)
            + nb1_ref[...], 0.0)
        pred = jnp.dot(hn, nw2_ref[...],
                       preferred_element_type=jnp.float32) + nb2_ref[...]
        row = lax.broadcasted_iota(jnp.int32, (NM_PAD, D), 0)
        col = lax.broadcasted_iota(jnp.int32, (NM_PAD, D), 1)
        err = jnp.where((row < NMASK) & (col < 2),
                        jnp.abs(pred - oinj_ref[...]), 0.0)
        acc[0] = jnp.sum(err)
        acc[1] = 0.0

    @pl.when(pid > 0)
    def _():
        he = jnp.maximum(r_ref[...] + eb1_ref[...], 0.0)
        pred = jnp.dot(he, ew2_ref[...],
                       preferred_element_type=jnp.float32) + eb2_ref[...]
        row = (pid - 1) * _EBLK + lax.broadcasted_iota(
            jnp.int32, (_EBLK, D), 0)
        col = lax.broadcasted_iota(jnp.int32, (_EBLK, D), 1)
        err = jnp.where((row < EMASK) & (col < 2),
                        jnp.abs(pred - oef_ref[...]), 0.0)
        acc[1] = acc[1] + jnp.sum(err)

    out_ref[0, 0] = 0.5 * acc[0] / (NMASK * 2) + 0.5 * acc[1] / (EMASK * 2)


def kernel(x, edge_index, edge_attr, W_in, b_in, W_msg, W_edge, W_self,
           nm_W1, nm_b1, nm_W2, nm_b2, node_mask_token,
           em_W1, em_b1, em_W2, em_b2, edge_mask_token):
    f32 = jnp.float32
    (idx_n_np, idx_e_np, eflag_np, nflag_np,
     rowids_np, off8_np) = _mask_indices()
    idx_n_pad = jnp.asarray(idx_n_np)

    src = edge_index[0]
    dst = edge_index[1]
    ea_bits = lax.bitcast_convert_type(edge_attr[:, :2], jnp.int32)
    epack32 = jnp.reshape(
        jnp.concatenate([src[:, None], dst[:, None], ea_bits], axis=1),
        (E // 32, D))
    ea16 = jnp.pad(edge_attr, ((0, 0), (0, 12)))
    tokrow = jnp.concatenate([edge_mask_token, jnp.zeros((14,), f32)])[None, :]
    colmask = (lax.broadcasted_iota(jnp.int32, (1, 16), 1) < 2)
    eam16 = jnp.where(jnp.asarray(eflag_np) & colmask, tokrow, ea16)
    x_pad = jnp.pad(x, ((0, NP - N), (0, 0)))
    ntokrow = jnp.concatenate(
        [node_mask_token, jnp.zeros((D - 2,), f32)])[None, :]
    ncolmask = (lax.broadcasted_iota(jnp.int32, (1, D), 1) < 2)
    xm = jnp.where(jnp.asarray(nflag_np) & ncolmask, ntokrow, x)
    xm_pad = jnp.pad(xm, ((0, NP - N), (0, 0)))

    xg, G = _k1()(x_pad, epack32, idx_n_pad, jnp.asarray(rowids_np))

    recs = pl.pallas_call(
        _kx_body, grid=(_NEB,),
        in_specs=[pl.BlockSpec((_EBLK, D), lambda i: (i, 0)),
                  pl.BlockSpec((_EBLK, 8), lambda i: (i, 0))],
        out_specs=pl.BlockSpec((_EBLK, D), lambda i: (i, 0)),
        out_shape=jax.ShapeDtypeStruct((EM_PAD, D), jnp.int32))(
            G, jnp.asarray(off8_np))
    srcm = recs[:, 0]
    dstm = recs[:, 1]

    b_row = b_in[None, :]
    h_pad = pl.pallas_call(
        _k2a_body, grid=(16,),
        in_specs=[pl.BlockSpec((632, D), lambda i: (i, 0)),
                  pl.BlockSpec((D, D), lambda i: (0, 0)),
                  pl.BlockSpec((1, D), lambda i: (0, 0))],
        out_specs=pl.BlockSpec((632, D), lambda i: (i, 0)),
        out_shape=jax.ShapeDtypeStruct((NP, D), f32))(x_pad, W_in, b_row)

    hm_pad = pl.pallas_call(
        _k2a_body, grid=(16,),
        in_specs=[pl.BlockSpec((632, D), lambda i: (i, 0)),
                  pl.BlockSpec((D, D), lambda i: (0, 0)),
                  pl.BlockSpec((1, D), lambda i: (0, 0))],
        out_specs=pl.BlockSpec((632, D), lambda i: (i, 0)),
        out_shape=jax.ShapeDtypeStruct((NP, D), f32))(xm_pad, W_in, b_row)

    Bm128, B128 = _k4b()(dst, jnp.reshape(ea16, (E * 16 // D, D)),
                         jnp.reshape(eam16, (E * 16 // D, D)))
    Bm = Bm128[:, :16]
    A, Amg = _k4()(h_pad, hm_pad, idx_n_pad, src, dst)

    W_edge16 = jnp.pad(W_edge, ((0, 12), (0, 0)))
    W1a = em_W1[:D]
    W1b = em_W1[D:]
    P, Q = pl.pallas_call(
        _k5_body, grid=(16,),
        in_specs=[pl.BlockSpec((632, D), lambda i: (i, 0)),
                  pl.BlockSpec((632, 16), lambda i: (i, 0)),
                  pl.BlockSpec((632, D), lambda i: (i, 0)),
                  pl.BlockSpec((D, D), lambda i: (0, 0)),
                  pl.BlockSpec((16, D), lambda i: (0, 0)),
                  pl.BlockSpec((D, D), lambda i: (0, 0)),
                  pl.BlockSpec((D, D), lambda i: (0, 0)),
                  pl.BlockSpec((D, D), lambda i: (0, 0))],
        out_specs=[pl.BlockSpec((632, D), lambda i: (i, 0)),
                   pl.BlockSpec((632, D), lambda i: (i, 0))],
        out_shape=(jax.ShapeDtypeStruct((NP, D), f32),
                   jax.ShapeDtypeStruct((NP, D), f32)))(
            A, Bm, h_pad, W_msg, W_edge16, W_self, W1a, W1b)

    R, hmg, Bg128 = _k6b()(srcm, dstm, P, Q, hm_pad, B128, idx_n_pad)
    Bg = Bg128[:, :16]

    orig_ef = lax.bitcast_convert_type(recs[:EMASK, 2:4], f32)
    oinj_pad = jnp.pad(xg[:, :2], ((0, 0), (0, D - 2)))
    nm_W2p = jnp.pad(nm_W2, ((0, 0), (0, D - 2)))
    nm_b2p = jnp.pad(nm_b2, (0, D - 2))[None, :]
    em_W2p = jnp.pad(em_W2, ((0, 0), (0, D - 2)))
    em_b2p = jnp.pad(em_b2, (0, D - 2))[None, :]
    oef_pad = jnp.pad(orig_ef, ((0, EM_PAD - EMASK), (0, D - 2)))

    const = lambda i: (0, 0)
    eblk = lambda i: (jnp.maximum(i - 1, 0), 0)
    out = pl.pallas_call(
        _k7_body, grid=(1 + _NEB,),
        in_specs=[pl.BlockSpec((NM_PAD, D), const),
                  pl.BlockSpec((NM_PAD, 16), const),
                  pl.BlockSpec((NM_PAD, D), const),
                  pl.BlockSpec((NM_PAD, D), const),
                  pl.BlockSpec((D, D), const),
                  pl.BlockSpec((16, D), const),
                  pl.BlockSpec((D, D), const),
                  pl.BlockSpec((D, D), const),
                  pl.BlockSpec((1, D), const),
                  pl.BlockSpec((D, D), const),
                  pl.BlockSpec((1, D), const),
                  pl.BlockSpec((_EBLK, D), eblk),
                  pl.BlockSpec((_EBLK, D), eblk),
                  pl.BlockSpec((1, D), const),
                  pl.BlockSpec((D, D), const),
                  pl.BlockSpec((1, D), const)],
        out_specs=pl.BlockSpec(memory_space=pltpu.SMEM),
        out_shape=jax.ShapeDtypeStruct((1, 1), f32),
        scratch_shapes=[pltpu.SMEM((2,), f32)])(
            Amg, Bg, hmg, oinj_pad, W_msg, W_edge16, W_self,
            nm_W1, nm_b1[None, :], nm_W2p, nm_b2p,
            R, oef_pad, em_b1[None, :], em_W2p, em_b2p)

    return out[0, 0]

# --- scband reference (transcript-rebuilt; emitter-appended) ---
"""Pipeline reference for scband-combined-ssl-25967372272022 (READ-ONLY COPY).

The authoritative reference and input builder live on the scoring server;
editing this copy changes nothing except your own understanding.
"""

import jax, jax.numpy as jnp
import numpy as np

N = 10000
E = 320000
D = 128
DE = 4
EDGE_DIM = 2
INJ_DIM = 2
MASK_RATIO = 0.15


def setup_inputs(seed: int = 0) -> dict:
    key = jax.random.key(seed)
    ks = jax.random.split(key, 20)
    s = 0.02
    inp = {}
    inp["x"] = jax.random.normal(ks[0], (N, D), dtype=jnp.float32)
    inp["edge_index"] = jax.random.randint(ks[1], (2, E), 0, N, dtype=jnp.int32)
    inp["edge_attr"] = jax.random.normal(ks[2], (E, DE), dtype=jnp.float32)
    # encoder params (simple 1-layer message passing GNN with edge features)
    inp["W_in"] = jax.random.normal(ks[3], (D, D), dtype=jnp.float32) / np.sqrt(D)
    inp["b_in"] = jnp.zeros((D,), dtype=jnp.float32)
    inp["W_msg"] = jax.random.normal(ks[4], (D, D), dtype=jnp.float32) / np.sqrt(D)
    inp["W_edge"] = jax.random.normal(ks[5], (DE, D), dtype=jnp.float32) / np.sqrt(DE)
    inp["W_self"] = jax.random.normal(ks[6], (D, D), dtype=jnp.float32) / np.sqrt(D)
    # node-injection reconstructor (Linear(D,D) -> ReLU -> Linear(D,INJ_DIM))
    inp["nm_W1"] = jax.random.normal(ks[7], (D, D), dtype=jnp.float32) / np.sqrt(D)
    inp["nm_b1"] = jnp.zeros((D,), dtype=jnp.float32)
    inp["nm_W2"] = jax.random.normal(ks[8], (D, INJ_DIM), dtype=jnp.float32) / np.sqrt(D)
    inp["nm_b2"] = jnp.zeros((INJ_DIM,), dtype=jnp.float32)
    inp["node_mask_token"] = jax.random.normal(ks[9], (INJ_DIM,), dtype=jnp.float32) * s
    # edge reconstructor (Linear(2D,D) -> ReLU -> Linear(D,EDGE_DIM))
    inp["em_W1"] = jax.random.normal(ks[10], (2 * D, D), dtype=jnp.float32) / np.sqrt(2 * D)
    inp["em_b1"] = jnp.zeros((D,), dtype=jnp.float32)
    inp["em_W2"] = jax.random.normal(ks[11], (D, EDGE_DIM), dtype=jnp.float32) / np.sqrt(D)
    inp["em_b2"] = jnp.zeros((EDGE_DIM,), dtype=jnp.float32)
    inp["edge_mask_token"] = jax.random.normal(ks[12], (EDGE_DIM,), dtype=jnp.float32) * s
    return inp


def reference(x, edge_index, edge_attr, W_in, b_in, W_msg, W_edge, W_self,
              nm_W1, nm_b1, nm_W2, nm_b2, node_mask_token,
              em_W1, em_b1, em_W2, em_b2, edge_mask_token):
    src = edge_index[0]
    dst = edge_index[1]
    num_mask_n = max(1, int(N * MASK_RATIO))
    num_mask_e = max(1, int(E * MASK_RATIO))
    # deterministic stand-in for torch.randperm
    node_mask_idx = jax.random.permutation(jax.random.key(123), N)[:num_mask_n]
    edge_mask_idx = jax.random.permutation(jax.random.key(456), E)[:num_mask_e]

    def enc(xx, ea):
        h = jax.nn.relu(xx @ W_in + b_in)
        m = jnp.take(h, src, axis=0) @ W_msg + ea @ W_edge
        agg = jax.ops.segment_sum(m, dst, num_segments=N)
        return jax.nn.relu(agg + h @ W_self)

    # ---- node (injection) SSL ----
    orig_inj = x[node_mask_idx, :INJ_DIM]
    x_m = x.at[node_mask_idx, :INJ_DIM].set(node_mask_token)
    emb_n = enc(x_m, edge_attr)
    hn = jax.nn.relu(jnp.take(emb_n, node_mask_idx, axis=0) @ nm_W1 + nm_b1)
    pred_inj = hn @ nm_W2 + nm_b2
    node_loss = jnp.mean(jnp.abs(pred_inj - orig_inj))

    # ---- edge SSL ----
    orig_ef = edge_attr[edge_mask_idx, :EDGE_DIM]
    ea_m = edge_attr.at[edge_mask_idx, :EDGE_DIM].set(edge_mask_token)
    emb_e = enc(x, ea_m)
    ms = jnp.take(src, edge_mask_idx)
    md = jnp.take(dst, edge_mask_idx)
    ee = jnp.concatenate([jnp.take(emb_e, ms, axis=0), jnp.take(emb_e, md, axis=0)], axis=-1)
    he = jax.nn.relu(ee @ em_W1 + em_b1)
    pred_ef = he @ em_W2 + em_b2
    edge_loss = jnp.mean(jnp.abs(pred_ef - orig_ef))

    total_loss = 0.5 * node_loss + 0.5 * edge_loss
    return total_loss

if __name__ == "__main__":
    import jax
    _d = setup_inputs()
    print(jax.jit(kernel)(*tuple(_d.values())))

</pallas_src>

<mosaic_0001>
#map = affine_map<(d0, d1) -> (0)>
#map1 = affine_map<(d0, d1) -> (0, 0)>
module attributes {stable_mosaic.version = 14 : i64} {
  func.func @_k6b_body(%arg0: i32, %arg1: i32, %arg2: memref<48128xi32, #tpu.memory_space<hbm>>, %arg3: memref<48128xi32, #tpu.memory_space<hbm>>, %arg4: memref<10112x128xf32, #tpu.memory_space<hbm>>, %arg5: memref<10112x128xf32, #tpu.memory_space<hbm>>, %arg6: memref<10112x128xf32, #tpu.memory_space<hbm>>, %arg7: memref<10112x128xf32, #tpu.memory_space<hbm>>, %arg8: memref<1536xi32, #tpu.memory_space<hbm>>, %arg9: memref<48128x128xf32, #tpu.memory_space<hbm>>, %arg10: memref<1536x128xf32, #tpu.memory_space<hbm>>, %arg11: memref<1536x128xf32, #tpu.memory_space<hbm>>, %arg12: memref<128xi32, #tpu.memory_space<vmem>>, %arg13: memref<128xi32, #tpu.memory_space<vmem>>, %arg14: memref<128xi32, #tpu.memory_space<vmem>>, %arg15: memref<128x128xf32, #tpu.memory_space<vmem>>, %arg16: memref<128x128xf32, #tpu.memory_space<vmem>>, %arg17: memref<96xi32, #tpu.memory_space<vmem>>, %arg18: memref<96xi32, #tpu.memory_space<vmem>>, %arg19: memref<96xi32, #tpu.memory_space<vmem>>, %arg20: memref<96x128xf32, #tpu.memory_space<vmem>>, %arg21: memref<96x128xf32, #tpu.memory_space<vmem>>, %arg22: memref<48xi32, #tpu.memory_space<vmem>>, %arg23: memref<48x128xf32, #tpu.memory_space<vmem>>, %arg24: memref<!tpu.dma_semaphore, #tpu.memory_space<semaphore_mem>>) attributes {dimension_semantics = [#tpu.dimension_semantics<core_parallel>, #tpu.dimension_semantics<subcore_parallel>], iteration_bounds = array<i64: 2, 16>, scalar_prefetch = 0 : i64, scratch_operands = 13 : i64, tpu.core_type = #tpu.core_type<sc_vector_subcore>, window_params = [{transform_indices = #map}, {transform_indices = #map}, {transform_indices = #map1}, {transform_indices = #map1}, {transform_indices = #map1}, {transform_indices = #map1}, {transform_indices = #map}, {transform_indices = #map1}, {transform_indices = #map1}, {transform_indices = #map1}]} {
    %mul3A = arith.constant 2 : i32
    %mul3A_0 = arith.muli %arg1, %mul3A : i32
    %add3A = arith.addi %mul3A_0, %arg0 : i32
    %mul3A_1 = arith.constant 48 : i32
    %mul3A_2 = arith.muli %add3A, %mul3A_1 : i32
    "tpu.region"() ({
      %run_scoped3A = tpu.sem_alloc : memref<!tpu.dma_semaphore, #tpu.memory_space<semaphore_mem>>
      %dma_start3A_38 = tpu.memref_slice %arg8[%mul3A_2] : memref<1536xi32, #tpu.memory_space<hbm>> -> memref<48xi32, #tpu.memory_space<hbm>>
      %dma_start3A_39 = tpu.memref_slice %arg8[%mul3A_2] : memref<1536xi32, #tpu.memory_space<hbm>> -> memref<48xi32, #tpu.memory_space<hbm>>
      tpu.enqueue_dma source(%dma_start3A_39 : memref<48xi32, #tpu.memory_space<hbm>>) target(%arg22 : memref<48xi32, #tpu.memory_space<vmem>>) target_semaphore(%run_scoped3A : memref<!tpu.dma_semaphore, #tpu.memory_space<semaphore_mem>>)
      %dma_wait3A_40 = tpu.memref_slice %arg8[%mul3A_2] : memref<1536xi32, #tpu.memory_space<hbm>> -> memref<48xi32, #tpu.memory_space<hbm>>
      %dma_wait3A_41 = tpu.memref_slice %arg8[%mul3A_2] : memref<1536xi32, #tpu.memory_space<hbm>> -> memref<48xi32, #tpu.memory_space<hbm>>
      tpu.wait_dma2 semaphore(%run_scoped3A : memref<!tpu.dma_semaphore, #tpu.memory_space<semaphore_mem>>) src(%dma_wait3A_41 : memref<48xi32, #tpu.memory_space<hbm>>) dst(%arg22 : memref<48xi32, #tpu.memory_space<vmem>>)
      tpu.yield
    }) : () -> ()
    %dma_start3A = arith.constant 0 : i32
    %dma_start3A_3 = arith.constant 0 : i32
    %dma_start3A_4 = tpu.memref_slice %arg6[%dma_start3A, %dma_start3A_3] : memref<10112x128xf32, #tpu.memory_space<hbm>> -> memref<10112x128xf32, #tpu.memory_space<hbm>>
    tpu.enqueue_indirect_dma source(%dma_start3A_4 : memref<10112x128xf32, #tpu.memory_space<hbm>>) target(%arg23 : memref<48x128xf32, #tpu.memory_space<vmem>>) offsets(%arg22 : memref<48xi32, #tpu.memory_space<vmem>>) semaphore(%arg24 : memref<!tpu.dma_semaphore, #tpu.memory_space<semaphore_mem>>)
    %dma_wait3A = arith.constant 0 : i32
    %dma_wait3A_5 = arith.constant 0 : i32
    %dma_wait3A_6 = tpu.memref_slice %arg6[%dma_wait3A, %dma_wait3A_5] : memref<10112x128xf32, #tpu.memory_space<hbm>> -> memref<10112x128xf32, #tpu.memory_space<hbm>>
    tpu.wait_indirect_dma semaphore(%arg24 : memref<!tpu.dma_semaphore, #tpu.memory_space<semaphore_mem>>) src(%dma_wait3A_6 : memref<10112x128xf32, #tpu.memory_space<hbm>>) dst(%arg23 : memref<48x128xf32, #tpu.memory_space<vmem>>)
    "tpu.region"() ({
      %run_scoped3A = tpu.sem_alloc : memref<!tpu.dma_semaphore, #tpu.memory_space<semaphore_mem>>
      %dma_start3A_38 = arith.constant 0 : i32
      %dma_start3A_39 = tpu.memref_slice %arg10[%mul3A_2, %dma_start3A_38] : memref<1536x128xf32, #tpu.memory_space<hbm>> -> memref<48x128xf32, #tpu.memory_space<hbm>>
      %dma_start3A_40 = arith.constant 0 : i32
      %dma_start3A_41 = tpu.memref_slice %arg10[%mul3A_2, %dma_start3A_40] : memref<1536x128xf32, #tpu.memory_space<hbm>> -> memref<48x128xf32, #tpu.memory_space<hbm>>
      tpu.enqueue_dma source(%arg23 : memref<48x128xf32, #tpu.memory_space<vmem>>) target(%dma_start3A_41 : memref<48x128xf32, #tpu.memory_space<hbm>>) target_semaphore(%run_scoped3A : memref<!tpu.dma_semaphore, #tpu.memory_space<semaphore_mem>>)
      %dma_wait3A_42 = arith.constant 0 : i32
      %dma_wait3A_43 = tpu.memref_slice %arg10[%mul3A_2, %dma_wait3A_42] : memref<1536x128xf32, #tpu.memory_space<hbm>> -> memref<48x128xf32, #tpu.memory_space<hbm>>
      %dma_wait3A_44 = arith.constant 0 : i32
      %dma_wait3A_45 = tpu.memref_slice %arg10[%mul3A_2, %dma_wait3A_44] : memref<1536x128xf32, #tpu.memory_space<hbm>> -> memref<48x128xf32, #tpu.memory_space<hbm>>
      tpu.wait_dma2 semaphore(%run_scoped3A : memref<!tpu.dma_semaphore, #tpu.memory_space<semaphore_mem>>) src(%arg23 : memref<48x128xf32, #tpu.memory_space<vmem>>) dst(%dma_wait3A_45 : memref<48x128xf32, #tpu.memory_space<hbm>>)
      tpu.yield
    }) : () -> ()
    %dma_start3A_7 = arith.constant 0 : i32
    %dma_start3A_8 = arith.constant 0 : i32
    %dma_start3A_9 = tpu.memref_slice %arg7[%dma_start3A_7, %dma_start3A_8] : memref<10112x128xf32, #tpu.memory_space<hbm>> -> memref<10112x128xf32, #tpu.memory_space<hbm>>
    tpu.enqueue_indirect_dma source(%dma_start3A_9 : memref<10112x128xf32, #tpu.memory_space<hbm>>) target(%arg23 : memref<48x128xf32, #tpu.memory_space<vmem>>) offsets(%arg22 : memref<48xi32, #tpu.memory_space<vmem>>) semaphore(%arg24 : memref<!tpu.dma_semaphore, #tpu.memory_space<semaphore_mem>>)
    %dma_wait3A_10 = arith.constant 0 : i32
    %dma_wait3A_11 = arith.constant 0 : i32
    %dma_wait3A_12 = tpu.memref_slice %arg7[%dma_wait3A_10, %dma_wait3A_11] : memref<10112x128xf32, #tpu.memory_space<hbm>> -> memref<10112x128xf32, #tpu.memory_space<hbm>>
    tpu.wait_indirect_dma semaphore(%arg24 : memref<!tpu.dma_semaphore, #tpu.memory_space<semaphore_mem>>) src(%dma_wait3A_12 : memref<10112x128xf32, #tpu.memory_space<hbm>>) dst(%arg23 : memref<48x128xf32, #tpu.memory_space<vmem>>)
    "tpu.region"() ({
      %run_scoped3A = tpu.sem_alloc : memref<!tpu.dma_semaphore, #tpu.memory_space<semaphore_mem>>
      %dma_start3A_38 = arith.constant 0 : i32
      %dma_start3A_39 = tpu.memref_slice %arg11[%mul3A_2, %dma_start3A_38] : memref<1536x128xf32, #tpu.memory_space<hbm>> -> memref<48x128xf32, #tpu.memory_space<hbm>>
      %dma_start3A_40 = arith.constant 0 : i32
      %dma_start3A_41 = tpu.memref_slice %arg11[%mul3A_2, %dma_start3A_40] : memref<1536x128xf32, #tpu.memory_space<hbm>> -> memref<48x128xf32, #tpu.memory_space<hbm>>
      tpu.enqueue_dma source(%arg23 : memref<48x128xf32, #tpu.memory_space<vmem>>) target(%dma_start3A_41 : memref<48x128xf32, #tpu.memory_space<hbm>>) target_semaphore(%run_scoped3A : memref<!tpu.dma_semaphore, #tpu.memory_space<semaphore_mem>>)
      %dma_wait3A_42 = arith.constant 0 : i32
      %dma_wait3A_43 = tpu.memref_slice %arg11[%mul3A_2, %dma_wait3A_42] : memref<1536x128xf32, #tpu.memory_space<hbm>> -> memref<48x128xf32, #tpu.memory_space<hbm>>
      %dma_wait3A_44 = arith.constant 0 : i32
      %dma_wait3A_45 = tpu.memref_slice %arg11[%mul3A_2, %dma_wait3A_44] : memref<1536x128xf32, #tpu.memory_space<hbm>> -> memref<48x128xf32, #tpu.memory_space<hbm>>
      tpu.wait_dma2 semaphore(%run_scoped3A : memref<!tpu.dma_semaphore, #tpu.memory_space<semaphore_mem>>) src(%arg23 : memref<48x128xf32, #tpu.memory_space<vmem>>) dst(%dma_wait3A_45 : memref<48x128xf32, #tpu.memory_space<hbm>>)
      tpu.yield
    }) : () -> ()
    %mul3A_13 = arith.constant 1504 : i32
    %mul3A_14 = arith.muli %add3A, %mul3A_13 : i32
    %scan3A = arith.constant 0 : i32
    %scan3A_15 = arith.constant 11 : i32
    %scan3A_16 = arith.addi %scan3A, %scan3A_15 : i32
    %scan3A_17 = arith.constant 1 : i32
    scf.for %scan3A_38 = %scan3A to %scan3A_16 step %scan3A_17  : i32 {
      %mul3A_39 = arith.constant 1 : i32
      %mul3A_40 = arith.muli %scan3A_38, %mul3A_39 : i32
      %add3A_41 = arith.constant 0 : i32
      %add3A_42 = arith.addi %add3A_41, %mul3A_40 : i32
      %mul3A_43 = arith.constant 128 : i32
      %mul3A_44 = arith.muli %add3A_42, %mul3A_43 : i32
      %add3A_45 = arith.addi %mul3A_14, %mul3A_44 : i32
      "tpu.region"() ({
        %run_scoped3A = tpu.sem_alloc : memref<!tpu.dma_semaphore, #tpu.memory_space<semaphore_mem>>
        %dma_start3A_63 = tpu.memref_slice %arg2[%add3A_45] : memref<48128xi32, #tpu.memory_space<hbm>> -> memref<128xi32, #tpu.memory_space<hbm>>
        %dma_start3A_64 = tpu.memref_slice %arg2[%add3A_45] : memref<48128xi32, #tpu.memory_space<hbm>> -> memref<128xi32, #tpu.memory_space<hbm>>
        tpu.enqueue_dma source(%dma_start3A_64 : memref<128xi32, #tpu.memory_space<hbm>>) target(%arg13 : memref<128xi32, #tpu.memory_space<vmem>>) target_semaphore(%run_scoped3A : memref<!tpu.dma_semaphore, #tpu.memory_space<semaphore_mem>>)
        %dma_wait3A_65 = tpu.memref_slice %arg2[%add3A_45] : memref<48128xi32, #tpu.memory_space<hbm>> -> memref<128xi32, #tpu.memory_space<hbm>>
        %dma_wait3A_66 = tpu.memref_slice %arg2[%add3A_45] : memref<48128xi32, #tpu.memory_space<hbm>> -> memref<128xi32, #tpu.memory_space<hbm>>
        tpu.wait_dma2 semaphore(%run_scoped3A : memref<!tpu.dma_semaphore, #tpu.memory_space<semaphore_mem>>) src(%dma_wait3A_66 : memref<128xi32, #tpu.memory_space<hbm>>) dst(%arg13 : memref<128xi32, #tpu.memory_space<vmem>>)
        tpu.yield
      }) : () -> ()
      "tpu.region"() ({
        %run_scoped3A = tpu.sem_alloc : memref<!tpu.dma_semaphore, #tpu.memory_space<semaphore_mem>>
        %dma_start3A_63 = tpu.memref_slice %arg3[%add3A_45] : memref<48128xi32, #tpu.memory_space<hbm>> -> memref<128xi32, #tpu.memory_space<hbm>>
        %dma_start3A_64 = tpu.memref_slice %arg3[%add3A_45] : memref<48128xi32, #tpu.memory_space<hbm>> -> memref<128xi32, #tpu.memory_space<hbm>>
        tpu.enqueue_dma source(%dma_start3A_64 : memref<128xi32, #tpu.memory_space<hbm>>) target(%arg14 : memref<128xi32, #tpu.memory_space<vmem>>) target_semaphore(%run_scoped3A : memref<!tpu.dma_semaphore, #tpu.memory_space<semaphore_mem>>)
        %dma_wait3A_65 = tpu.memref_slice %arg3[%add3A_45] : memref<48128xi32, #tpu.memory_space<hbm>> -> memref<128xi32, #tpu.memory_space<hbm>>
        %dma_wait3A_66 = tpu.memref_slice %arg3[%add3A_45] : memref<48128xi32, #tpu.memory_space<hbm>> -> memref<128xi32, #tpu.memory_space<hbm>>
        tpu.wait_dma2 semaphore(%run_scoped3A : memref<!tpu.dma_semaphore, #tpu.memory_space<semaphore_mem>>) src(%dma_wait3A_66 : memref<128xi32, #tpu.memory_space<hbm>>) dst(%arg14 : memref<128xi32, #tpu.memory_space<vmem>>)
        tpu.yield
      }) : () -> ()
      %dma_start3A_46 = arith.constant 0 : i32
      %dma_start3A_47 = arith.constant 0 : i32
      %dma_start3A_48 = tpu.memref_slice %arg4[%dma_start3A_46, %dma_start3A_47] : memref<10112x128xf32, #tpu.memory_space<hbm>> -> memref<10112x128xf32, #tpu.memory_space<hbm>>
      tpu.enqueue_indirect_dma source(%dma_start3A_48 : memref<10112x128xf32, #tpu.memory_space<hbm>>) target(%arg15 : memref<128x128xf32, #tpu.memory_space<vmem>>) offsets(%arg13 : memref<128xi32, #tpu.memory_space<vmem>>) semaphore(%arg24 : memref<!tpu.dma_semaphore, #tpu.memory_space<semaphore_mem>>)
      %dma_wait3A_49 = arith.constant 0 : i32
      %dma_wait3A_50 = arith.constant 0 : i32
      %dma_wait3A_51 = tpu.memref_slice %arg4[%dma_wait3A_49, %dma_wait3A_50] : memref<10112x128xf32, #tpu.memory_space<hbm>> -> memref<10112x128xf32, #tpu.memory_space<hbm>>
      tpu.wait_indirect_dma semaphore(%arg24 : memref<!tpu.dma_semaphore, #tpu.memory_space<semaphore_mem>>) src(%dma_wait3A_51 : memref<10112x128xf32, #tpu.memory_space<hbm>>) dst(%arg15 : memref<128x128xf32, #tpu.memory_space<vmem>>)
      %dma_start3A_52 = arith.constant 0 : i32
      %dma_start3A_53 = arith.constant 0 : i32
      %dma_start3A_54 = tpu.memref_slice %arg5[%dma_start3A_52, %dma_start3A_53] : memref<10112x128xf32, #tpu.memory_space<hbm>> -> memref<10112x128xf32, #tpu.memory_space<hbm>>
      tpu.enqueue_indirect_dma source(%dma_start3A_54 : memref<10112x128xf32, #tpu.memory_space<hbm>>) target(%arg16 : memref<128x128xf32, #tpu.memory_space<vmem>>) offsets(%arg14 : memref<128xi32, #tpu.memory_space<vmem>>) semaphore(%arg24 : memref<!tpu.dma_semaphore, #tpu.memory_space<semaphore_mem>>)
      %dma_wait3A_55 = arith.constant 0 : i32
      %dma_wait3A_56 = arith.constant 0 : i32
      %dma_wait3A_57 = tpu.memref_slice %arg5[%dma_wait3A_55, %dma_wait3A_56] : memref<10112x128xf32, #tpu.memory_space<hbm>> -> memref<10112x128xf32, #tpu.memory_space<hbm>>
      tpu.wait_indirect_dma semaphore(%arg24 : memref<!tpu.dma_semaphore, #tpu.memory_space<semaphore_mem>>) src(%dma_wait3A_57 : memref<10112x128xf32, #tpu.memory_space<hbm>>) dst(%arg16 : memref<128x128xf32, #tpu.memory_space<vmem>>)
      %scan3A_58 = arith.constant 0 : i32
      %scan3A_59 = arith.constant 128 : i32
      %scan3A_60 = arith.addi %scan3A_58, %scan3A_59 : i32
      %scan3A_61 = arith.constant 1 : i32
      scf.for %scan3A_63 = %scan3A_58 to %scan3A_60 step %scan3A_61  : i32 {
        %mul3A_64 = arith.constant 1 : i32
        %mul3A_65 = arith.muli %scan3A_63, %mul3A_64 : i32
        %add3A_66 = arith.constant 0 : i32
        %add3A_67 = arith.addi %add3A_66, %mul3A_65 : i32
        %get3A = arith.index_cast %add3A_67 : i32 to index
        %get3A_68 = arith.constant 0 : index
        %get3A_69 = tpu.vector_load %arg15[%get3A, %get3A_68] {strides = array<i32>} : memref<128x128xf32, #tpu.memory_space<vmem>>, vector<1x16xf32>,
        %get3A_70 = vector.shape_cast %get3A_69 : vector<1x16xf32> to vector<16xf32>
        %get3A_71 = arith.index_cast %add3A_67 : i32 to index
        %get3A_72 = arith.constant 0 : index
        %get3A_73 = tpu.vector_load %arg16[%get3A_71, %get3A_72] {strides = array<i32>} : memref<128x128xf32, #tpu.memory_space<vmem>>, vector<1x16xf32>,
        %get3A_74 = vector.shape_cast %get3A_73 : vector<1x16xf32> to vector<16xf32>
        %add3A_75 = arith.addf %get3A_70, %get3A_74 : vector<16xf32>
        %swap3A = arith.index_cast %add3A_67 : i32 to index
        %swap3A_76 = arith.constant 0 : index
        %swap3A_77 = tpu.vector_load %arg15[%swap3A, %swap3A_76] {strides = array<i32>} : memref<128x128xf32, #tpu.memory_space<vmem>>, vector<1x16xf32>,
        %swap3A_78 = vector.shape_cast %swap3A_77 : vector<1x16xf32> to vector<16xf32>
        %swap3A_79 = vector.shape_cast %add3A_75 : vector<16xf32> to vector<1x16xf32>
        tpu.vector_store %arg15[%swap3A, %swap3A_76], %swap3A_79 {strides = array<i32>} : memref<128x128xf32, #tpu.memory_space<vmem>>, vector<1x16xf32>,
        %get3A_80 = arith.index_cast %add3A_67 : i32 to index
        %get3A_81 = arith.constant 16 : index
        %get3A_82 = tpu.vector_load %arg15[%get3A_80, %get3A_81] {strides = array<i32>} : memref<128x128xf32, #tpu.memory_space<vmem>>, vector<1x16xf32>,
        %get3A_83 = vector.shape_cast %get3A_82 : vector<1x16xf32> to vector<16xf32>
        %get3A_84 = arith.index_cast %add3A_67 : i32 to index
        %get3A_85 = arith.constant 16 : index
        %get3A_86 = tpu.vector_load %arg16[%get3A_84, %get3A_85] {strides = array<i32>} : memref<128x128xf32, #tpu.memory_space<vmem>>, vector<1x16xf32>,
        %get3A_87 = vector.shape_cast %get3A_86 : vector<1x16xf32> to vector<16xf32>
        %add3A_88 = arith.addf %get3A_83, %get3A_87 : vector<16xf32>
        %swap3A_89 = arith.index_cast %add3A_67 : i32 to index
        %swap3A_90 = arith.constant 16 : index
        %swap3A_91 = tpu.vector_load %arg15[%swap3A_89, %swap3A_90] {strides = array<i32>} : memref<128x128xf32, #tpu.memory_space<vmem>>, vector<1x16xf32>,
        %swap3A_92 = vector.shape_cast %swap3A_91 : vector<1x16xf32> to vector<16xf32>
        %swap3A_93 = vector.shape_cast %add3A_88 : vector<16xf32> to vector<1x16xf32>
        tpu.vector_store %arg15[%swap3A_89, %swap3A_90], %swap3A_93 {strides = array<i32>} : memref<128x128xf32, #tpu.memory_space<vmem>>, vector<1x16xf32>,
        %get3A_94 = arith.index_cast %add3A_67 : i32 to index
        %get3A_95 = arith.constant 32 : index
        %get3A_96 = tpu.vector_load %arg15[%get3A_94, %get3A_95] {strides = array<i32>} : memref<128x128xf32, #tpu.memory_space<vmem>>, vector<1x16xf32>,
        %get3A_97 = vector.shape_cast %get3A_96 : vector<1x16xf32> to vector<16xf32>
        %get3A_98 = arith.index_cast %add3A_67 : i32 to index
        %get3A_99 = arith.constant 32 : index
        %get3A_100 = tpu.vector_load %arg16[%get3A_98, %get3A_99] {strides = array<i32>} : memref<128x128xf32, #tpu.memory_space<vmem>>, vector<1x16xf32>,
        %get3A_101 = vector.shape_cast %get3A_100 : vector<1x16xf32> to vector<16xf32>
        %add3A_102 = arith.addf %get3A_97, %get3A_101 : vector<16xf32>
        %swap3A_103 = arith.index_cast %add3A_67 : i32 to index
        %swap3A_104 = arith.constant 32 : index
        %swap3A_105 = tpu.vector_load %arg15[%swap3A_103, %swap3A_104] {strides = array<i32>} : memref<128x128xf32, #tpu.memory_space<vmem>>, vector<1x16xf32>,
        %swap3A_106 = vector.shape_cast %swap3A_105 : vector<1x16xf32> to vector<16xf32>
        %swap3A_107 = vector.shape_cast %add3A_102 : vector<16xf32> to vector<1x16xf32>
        tpu.vector_store %arg15[%swap3A_103, %swap3A_104], %swap3A_107 {strides = array<i32>} : memref<128x128xf32, #tpu.memory_space<vmem>>, vector<1x16xf32>,
        %get3A_108 = arith.index_cast %add3A_67 : i32 to index
        %get3A_109 = arith.constant 48 : index
        %get3A_110 = tpu.vector_load %arg15[%get3A_108, %get3A_109] {strides = array<i32>} : memref<128x128xf32, #tpu.memory_space<vmem>>, vector<1x16xf32>,
        %get3A_111 = vector.shape_cast %get3A_110 : vector<1x16xf32> to vector<16xf32>
        %get3A_112 = arith.index_cast %add3A_67 : i32 to index
        %get3A_113 = arith.constant 48 : index
        %get3A_114 = tpu.vector_load %arg16[%get3A_112, %get3A_113] {strides = array<i32>} : memref<128x128xf32, #tpu.memory_space<vmem>>, vector<1x16xf32>,
        %get3A_115 = vector.shape_cast %get3A_114 : vector<1x16xf32> to vector<16xf32>
        %add3A_116 = arith.addf %get3A_111, %get3A_115 : vector<16xf32>
        %swap3A_117 = arith.index_cast %add3A_67 : i32 to index
        %swap3A_118 = arith.constant 48 : index
        %swap3A_119 = tpu.vector_load %arg15[%swap3A_117, %swap3A_118] {strides = array<i32>} : memref<128x128xf32, #tpu.memory_space<vmem>>, vector<1x16xf32>,
        %swap3A_120 = vector.shape_cast %swap3A_119 : vector<1x16xf32> to vector<16xf32>
        %swap3A_121 = vector.shape_cast %add3A_116 : vector<16xf32> to vector<1x16xf32>
        tpu.vector_store %arg15[%swap3A_117, %swap3A_118], %swap3A_121 {strides = array<i32>} : memref<128x128xf32, #tpu.memory_space<vmem>>, vector<1x16xf32>,
        %get3A_122 = arith.index_cast %add3A_67 : i32 to index
        %get3A_123 = arith.constant 64 : index
        %get3A_124 = tpu.vector_load %arg15[%get3A_122, %get3A_123] {strides = array<i32>} : memref<128x128xf32, #tpu.memory_space<vmem>>, vector<1x16xf32>,
        %get3A_125 = vector.shape_cast %get3A_124 : vector<1x16xf32> to vector<16xf32>
        %get3A_126 = arith.index_cast %add3A_67 : i32 to index
        %get3A_127 = arith.constant 64 : index
        %get3A_128 = tpu.vector_load %arg16[%get3A_126, %get3A_127] {strides = array<i32>} : memref<128x128xf32, #tpu.memory_space<vmem>>, vector<1x16xf32>,
        %get3A_129 = vector.shape_cast %get3A_128 : vector<1x16xf32> to vector<16xf32>
        %add3A_130 = arith.addf %get3A_125, %get3A_129 : vector<16xf32>
        %swap3A_131 = arith.index_cast %add3A_67 : i32 to index
        %swap3A_132 = arith.constant 64 : index
        %swap3A_133 = tpu.vector_load %arg15[%swap3A_131, %swap3A_132] {strides = array<i32>} : memref<128x128xf32, #tpu.memory_space<vmem>>, vector<1x16xf32>,
        %swap3A_134 = vector.shape_cast %swap3A_133 : vector<1x16xf32> to vector<16xf32>
        %swap3A_135 = vector.shape_cast %add3A_130 : vector<16xf32> to vector<1x16xf32>
        tpu.vector_store %arg15[%swap3A_131, %swap3A_132], %swap3A_135 {strides = array<i32>} : memref<128x128xf32, #tpu.memory_space<vmem>>, vector<1x16xf32>,
        %get3A_136 = arith.index_cast %add3A_67 : i32 to index
        %get3A_137 = arith.constant 80 : index
        %get3A_138 = tpu.vector_load %arg15[%get3A_136, %get3A_137] {strides = array<i32>} : memref<128x128xf32, #tpu.memory_space<vmem>>, vector<1x16xf32>,
        %get3A_139 = vector.shape_cast %get3A_138 : vector<1x16xf32> to vector<16xf32>
        %get3A_140 = arith.index_cast %add3A_67 : i32 to index
        %get3A_141 = arith.constant 80 : index
        %get3A_142 = tpu.vector_load %arg16[%get3A_140, %get3A_141] {strides = array<i32>} : memref<128x128xf32, #tpu.memory_space<vmem>>, vector<1x16xf32>,
        %get3A_143 = vector.shape_cast %get3A_142 : vector<1x16xf32> to vector<16xf32>
        %add3A_144 = arith.addf %get3A_139, %get3A_143 : vector<16xf32>
        %swap3A_145 = arith.index_cast %add3A_67 : i32 to index
        %swap3A_146 = arith.constant 80 : index
        %swap3A_147 = tpu.vector_load %arg15[%swap3A_145, %swap3A_146] {strides = array<i32>} : memref<128x128xf32, #tpu.memory_space<vmem>>, vector<1x16xf32>,
        %swap3A_148 = vector.shape_cast %swap3A_147 : vector<1x16xf32> to vector<16xf32>
        %swap3A_149 = vector.shape_cast %add3A_144 : vector<16xf32> to vector<1x16xf32>
        tpu.vector_store %arg15[%swap3A_145, %swap3A_146], %swap3A_149 {strides = array<i32>} : memref<128x128xf32, #tpu.memory_space<vmem>>, vector<1x16xf32>,
        %get3A_150 = arith.index_cast %add3A_67 : i32 to index
        %get3A_151 = arith.constant 96 : index
        %get3A_152 = tpu.vector_load %arg15[%get3A_150, %get3A_151] {strides = array<i32>} : memref<128x128xf32, #tpu.memory_space<vmem>>, vector<1x16xf32>,
        %get3A_153 = vector.shape_cast %get3A_152 : vector<1x16xf32> to vector<16xf32>
        %get3A_154 = arith.index_cast %add3A_67 : i32 to index
        %get3A_155 = arith.constant 96 : index
        %get3A_156 = tpu.vector_load %arg16[%get3A_154, %get3A_155] {strides = array<i32>} : memref<128x128xf32, #tpu.memory_space<vmem>>, vector<1x16xf32>,
        %get3A_157 = vector.shape_cast %get3A_156 : vector<1x16xf32> to vector<16xf32>
        %add3A_158 = arith.addf %get3A_153, %get3A_157 : vector<16xf32>
        %swap3A_159 = arith.index_cast %add3A_67 : i32 to index
        %swap3A_160 = arith.constant 96 : index
        %swap3A_161 = tpu.vector_load %arg15[%swap3A_159, %swap3A_160] {strides = array<i32>} : memref<128x128xf32, #tpu.memory_space<vmem>>, vector<1x16xf32>,
        %swap3A_162 = vector.shape_cast %swap3A_161 : vector<1x16xf32> to vector<16xf32>
        %swap3A_163 = vector.shape_cast %add3A_158 : vector<16xf32> to vector<1x16xf32>
        tpu.vector_store %arg15[%swap3A_159, %swap3A_160], %swap3A_163 {strides = array<i32>} : memref<128x128xf32, #tpu.memory_space<vmem>>, vector<1x16xf32>,
        %get3A_164 = arith.index_cast %add3A_67 : i32 to index
        %get3A_165 = arith.constant 112 : index
        %get3A_166 = tpu.vector_load %arg15[%get3A_164, %get3A_165] {strides = array<i32>} : memref<128x128xf32, #tpu.memory_space<vmem>>, vector<1x16xf32>,
        %get3A_167 = vector.shape_cast %get3A_166 : vector<1x16xf32> to vector<16xf32>
        %get3A_168 = arith.index_cast %add3A_67 : i32 to index
        %get3A_169 = arith.constant 112 : index
        %get3A_170 = tpu.vector_load %arg16[%get3A_168, %get3A_169] {strides = array<i32>} : memref<128x128xf32, #tpu.memory_space<vmem>>, vector<1x16xf32>,
        %get3A_171 = vector.shape_cast %get3A_170 : vector<1x16xf32> to vector<16xf32>
        %add3A_172 = arith.addf %get3A_167, %get3A_171 : vector<16xf32>
        %swap3A_173 = arith.index_cast %add3A_67 : i32 to index
        %swap3A_174 = arith.constant 112 : index
        %swap3A_175 = tpu.vector_load %arg15[%swap3A_173, %swap3A_174] {strides = array<i32>} : memref<128x128xf32, #tpu.memory_space<vmem>>, vector<1x16xf32>,
        %swap3A_176 = vector.shape_cast %swap3A_175 : vector<1x16xf32> to vector<16xf32>
        %swap3A_177 = vector.shape_cast %add3A_172 : vector<16xf32> to vector<1x16xf32>
        tpu.vector_store %arg15[%swap3A_173, %swap3A_174], %swap3A_177 {strides = array<i32>} : memref<128x128xf32, #tpu.memory_space<vmem>>, vector<1x16xf32>,
      }
      %scan3A_62 = arith.constant 128 : i32
      "tpu.region"() ({
        %run_scoped3A = tpu.sem_alloc : memref<!tpu.dma_semaphore, #tpu.memory_space<semaphore_mem>>
        %dma_start3A_63 = arith.constant 0 : i32
        %dma_start3A_64 = tpu.memref_slice %arg9[%add3A_45, %dma_start3A_63] : memref<48128x128xf32, #tpu.memory_space<hbm>> -> memref<128x128xf32, #tpu.memory_space<hbm>>
        %dma_start3A_65 = arith.constant 0 : i32
        %dma_start3A_66 = tpu.memref_slice %arg9[%add3A_45, %dma_start3A_65] : memref<48128x128xf32, #tpu.memory_space<hbm>> -> memref<128x128xf32, #tpu.memory_space<hbm>>
        tpu.enqueue_dma source(%arg15 : memref<128x128xf32, #tpu.memory_space<vmem>>) target(%dma_start3A_66 : memref<128x128xf32, #tpu.memory_space<hbm>>) target_semaphore(%run_scoped3A : memref<!tpu.dma_semaphore, #tpu.memory_space<semaphore_mem>>)
        %dma_wait3A_67 = arith.constant 0 : i32
        %dma_wait3A_68 = tpu.memref_slice %arg9[%add3A_45, %dma_wait3A_67] : memref<48128x128xf32, #tpu.memory_space<hbm>> -> memref<128x128xf32, #tpu.memory_space<hbm>>
        %dma_wait3A_69 = arith.constant 0 : i32
        %dma_wait3A_70 = tpu.memref_slice %arg9[%add3A_45, %dma_wait3A_69] : memref<48128x128xf32, #tpu.memory_space<hbm>> -> memref<128x128xf32, #tpu.memory_space<hbm>>
        tpu.wait_dma2 semaphore(%run_scoped3A : memref<!tpu.dma_semaphore, #tpu.memory_space<semaphore_mem>>) src(%arg15 : memref<128x128xf32, #tpu.memory_space<vmem>>) dst(%dma_wait3A_70 : memref<128x128xf32, #tpu.memory_space<hbm>>)
        tpu.yield
      }) : () -> ()
    }
    %scan3A_18 = arith.constant 11 : i32
    %add3A_19 = arith.constant 1408 : i32
    %add3A_20 = arith.addi %mul3A_14, %add3A_19 : i32
    "tpu.region"() ({
      %run_scoped3A = tpu.sem_alloc : memref<!tpu.dma_semaphore, #tpu.memory_space<semaphore_mem>>
      %dma_start3A_38 = tpu.memref_slice %arg2[%add3A_20] : memref<48128xi32, #tpu.memory_space<hbm>> -> memref<96xi32, #tpu.memory_space<hbm>>
      %dma_start3A_39 = tpu.memref_slice %arg2[%add3A_20] : memref<48128xi32, #tpu.memory_space<hbm>> -> memref<96xi32, #tpu.memory_space<hbm>>
      tpu.enqueue_dma source(%dma_start3A_39 : memref<96xi32, #tpu.memory_space<hbm>>) target(%arg18 : memref<96xi32, #tpu.memory_space<vmem>>) target_semaphore(%run_scoped3A : memref<!tpu.dma_semaphore, #tpu.memory_space<semaphore_mem>>)
      %dma_wait3A_40 = tpu.memref_slice %arg2[%add3A_20] : memref<48128xi32, #tpu.memory_space<hbm>> -> memref<96xi32, #tpu.memory_space<hbm>>
      %dma_wait3A_41 = tpu.memref_slice %arg2[%add3A_20] : memref<48128xi32, #tpu.memory_space<hbm>> -> memref<96xi32, #tpu.memory_space<hbm>>
      tpu.wait_dma2 semaphore(%run_scoped3A : memref<!tpu.dma_semaphore, #tpu.memory_space<semaphore_mem>>) src(%dma_wait3A_41 : memref<96xi32, #tpu.memory_space<hbm>>) dst(%arg18 : memref<96xi32, #tpu.memory_space<vmem>>)
      tpu.yield
    }) : () -> ()
    "tpu.region"() ({
      %run_scoped3A = tpu.sem_alloc : memref<!tpu.dma_semaphore, #tpu.memory_space<semaphore_mem>>
      %dma_start3A_38 = tpu.memref_slice %arg3[%add3A_20] : memref<48128xi32, #tpu.memory_space<hbm>> -> memref<96xi32, #tpu.memory_space<hbm>>
      %dma_start3A_39 = tpu.memref_slice %arg3[%add3A_20] : memref<48128xi32, #tpu.memory_space<hbm>> -> memref<96xi32, #tpu.memory_space<hbm>>
      tpu.enqueue_dma source(%dma_start3A_39 : memref<96xi32, #tpu.memory_space<hbm>>) target(%arg19 : memref<96xi32, #tpu.memory_space<vmem>>) target_semaphore(%run_scoped3A : memref<!tpu.dma_semaphore, #tpu.memory_space<semaphore_mem>>)
      %dma_wait3A_40 = tpu.memref_slice %arg3[%add3A_20] : memref<48128xi32, #tpu.memory_space<hbm>> -> memref<96xi32, #tpu.memory_space<hbm>>
      %dma_wait3A_41 = tpu.memref_slice %arg3[%add3A_20] : memref<48128xi32, #tpu.memory_space<hbm>> -> memref<96xi32, #tpu.memory_space<hbm>>
      tpu.wait_dma2 semaphore(%run_scoped3A : memref<!tpu.dma_semaphore, #tpu.memory_space<semaphore_mem>>) src(%dma_wait3A_41 : memref<96xi32, #tpu.memory_space<hbm>>) dst(%arg19 : memref<96xi32, #tpu.memory_space<vmem>>)
      tpu.yield
    }) : () -> ()
    %dma_start3A_21 = arith.constant 0 : i32
    %dma_start3A_22 = arith.constant 0 : i32
    %dma_start3A_23 = tpu.memref_slice %arg4[%dma_start3A_21, %dma_start3A_22] : memref<10112x128xf32, #tpu.memory_space<hbm>> -> memref<10112x128xf32, #tpu.memory_space<hbm>>
    tpu.enqueue_indirect_dma source(%dma_start3A_23 : memref<10112x128xf32, #tpu.memory_space<hbm>>) target(%arg20 : memref<96x128xf32, #tpu.memory_space<vmem>>) offsets(%arg18 : memref<96xi32, #tpu.memory_space<vmem>>) semaphore(%arg24 : memref<!tpu.dma_semaphore, #tpu.memory_space<semaphore_mem>>)
    %dma_wait3A_24 = arith.constant 0 : i32
    %dma_wait3A_25 = arith.constant 0 : i32
    %dma_wait3A_26 = tpu.memref_slice %arg4[%dma_wait3A_24, %dma_wait3A_25] : memref<10112x128xf32, #tpu.memory_space<hbm>> -> memref<10112x128xf32, #tpu.memory_space<hbm>>
    tpu.wait_indirect_dma semaphore(%arg24 : memref<!tpu.dma_semaphore, #tpu.memory_space<semaphore_mem>>) src(%dma_wait3A_26 : memref<10112x128xf32, #tpu.memory_space<hbm>>) dst(%arg20 : memref<96x128xf32, #tpu.memory_space<vmem>>)
    %dma_start3A_27 = arith.constant 0 : i32
    %dma_start3A_28 = arith.constant 0 : i32
    %dma_start3A_29 = tpu.memref_slice %arg5[%dma_start3A_27, %dma_start3A_28] : memref<10112x128xf32, #tpu.memory_space<hbm>> -> memref<10112x128xf32, #tpu.memory_space<hbm>>
    tpu.enqueue_indirect_dma source(%dma_start3A_29 : memref<10112x128xf32, #tpu.memory_space<hbm>>) target(%arg21 : memref<96x128xf32, #tpu.memory_space<vmem>>) offsets(%arg19 : memref<96xi32, #tpu.memory_space<vmem>>) semaphore(%arg24 : memref<!tpu.dma_semaphore, #tpu.memory_space<semaphore_mem>>)
    %dma_wait3A_30 = arith.constant 0 : i32
    %dma_wait3A_31 = arith.constant 0 : i32
    %dma_wait3A_32 = tpu.memref_slice %arg5[%dma_wait3A_30, %dma_wait3A_31] : memref<10112x128xf32, #tpu.memory_space<hbm>> -> memref<10112x128xf32, #tpu.memory_space<hbm>>
    tpu.wait_indirect_dma semaphore(%arg24 : memref<!tpu.dma_semaphore, #tpu.memory_space<semaphore_mem>>) src(%dma_wait3A_32 : memref<10112x128xf32, #tpu.memory_space<hbm>>) dst(%arg21 : memref<96x128xf32, #tpu.memory_space<vmem>>)
    %scan3A_33 = arith.constant 0 : i32
    %scan3A_34 = arith.constant 96 : i32
    %scan3A_35 = arith.addi %scan3A_33, %scan3A_34 : i32
    %scan3A_36 = arith.constant 1 : i32
    scf.for %scan3A_38 = %scan3A_33 to %scan3A_35 step %scan3A_36  : i32 {
      %mul3A_39 = arith.constant 1 : i32
      %mul3A_40 = arith.muli %scan3A_38, %mul3A_39 : i32
      %add3A_41 = arith.constant 0 : i32
      %add3A_42 = arith.addi %add3A_41, %mul3A_40 : i32
      %get3A = arith.index_cast %add3A_42 : i32 to index
      %get3A_43 = arith.constant 0 : index
      %get3A_44 = tpu.vector_load %arg20[%get3A, %get3A_43] {strides = array<i32>} : memref<96x128xf32, #tpu.memory_space<vmem>>, vector<1x16xf32>,
      %get3A_45 = vector.shape_cast %get3A_44 : vector<1x16xf32> to vector<16xf32>
      %get3A_46 = arith.index_cast %add3A_42 : i32 to index
      %get3A_47 = arith.constant 0 : index
      %get3A_48 = tpu.vector_load %arg21[%get3A_46, %get3A_47] {strides = array<i32>} : memref<96x128xf32, #tpu.memory_space<vmem>>, vector<1x16xf32>,
      %get3A_49 = vector.shape_cast %get3A_48 : vector<1x16xf32> to vector<16xf32>
      %add3A_50 = arith.addf %get3A_45, %get3A_49 : vector<16xf32>
      %swap3A = arith.index_cast %add3A_42 : i32 to index
      %swap3A_51 = arith.constant 0 : index
      %swap3A_52 = tpu.vector_load %arg20[%swap3A, %swap3A_51] {strides = array<i32>} : memref<96x128xf32, #tpu.memory_space<vmem>>, vector<1x16xf32>,
      %swap3A_53 = vector.shape_cast %swap3A_52 : vector<1x16xf32> to vector<16xf32>
      %swap3A_54 = vector.shape_cast %add3A_50 : vector<16xf32> to vector<1x16xf32>
      tpu.vector_store %arg20[%swap3A, %swap3A_51], %swap3A_54 {strides = array<i32>} : memref<96x128xf32, #tpu.memory_space<vmem>>, vector<1x16xf32>,
      %get3A_55 = arith.index_cast %add3A_42 : i32 to index
      %get3A_56 = arith.constant 16 : index
      %get3A_57 = tpu.vector_load %arg20[%get3A_55, %get3A_56] {strides = array<i32>} : memref<96x128xf32, #tpu.memory_space<vmem>>, vector<1x16xf32>,
      %get3A_58 = vector.shape_cast %get3A_57 : vector<1x16xf32> to vector<16xf32>
      %get3A_59 = arith.index_cast %add3A_42 : i32 to index
      %get3A_60 = arith.constant 16 : index
      %get3A_61 = tpu.vector_load %arg21[%get3A_59, %get3A_60] {strides = array<i32>} : memref<96x128xf32, #tpu.memory_space<vmem>>, vector<1x16xf32>,
      %get3A_62 = vector.shape_cast %get3A_61 : vector<1x16xf32> to vector<16xf32>
      %add3A_63 = arith.addf %get3A_58, %get3A_62 : vector<16xf32>
      %swap3A_64 = arith.index_cast %add3A_42 : i32 to index
      %swap3A_65 = arith.constant 16 : index
      %swap3A_66 = tpu.vector_load %arg20[%swap3A_64, %swap3A_65] {strides = array<i32>} : memref<96x128xf32, #tpu.memory_space<vmem>>, vector<1x16xf32>,
      %swap3A_67 = vector.shape_cast %swap3A_66 : vector<1x16xf32> to vector<16xf32>
      %swap3A_68 = vector.shape_cast %add3A_63 : vector<16xf32> to vector<1x16xf32>
      tpu.vector_store %arg20[%swap3A_64, %swap3A_65], %swap3A_68 {strides = array<i32>} : memref<96x128xf32, #tpu.memory_space<vmem>>, vector<1x16xf32>,
      %get3A_69 = arith.index_cast %add3A_42 : i32 to index
      %get3A_70 = arith.constant 32 : index
      %get3A_71 = tpu.vector_load %arg20[%get3A_69, %get3A_70] {strides = array<i32>} : memref<96x128xf32, #tpu.memory_space<vmem>>, vector<1x16xf32>,
      %get3A_72 = vector.shape_cast %get3A_71 : vector<1x16xf32> to vector<16xf32>
      %get3A_73 = arith.index_cast %add3A_42 : i32 to index
      %get3A_74 = arith.constant 32 : index
      %get3A_75 = tpu.vector_load %arg21[%get3A_73, %get3A_74] {strides = array<i32>} : memref<96x128xf32, #tpu.memory_space<vmem>>, vector<1x16xf32>,
      %get3A_76 = vector.shape_cast %get3A_75 : vector<1x16xf32> to vector<16xf32>
      %add3A_77 = arith.addf %get3A_72, %get3A_76 : vector<16xf32>
      %swap3A_78 = arith.index_cast %add3A_42 : i32 to index
      %swap3A_79 = arith.constant 32 : index
      %swap3A_80 = tpu.vector_load %arg20[%swap3A_78, %swap3A_79] {strides = array<i32>} : memref<96x128xf32, #tpu.memory_space<vmem>>, vector<1x16xf32>,
      %swap3A_81 = vector.shape_cast %swap3A_80 : vector<1x16xf32> to vector<16xf32>
      %swap3A_82 = vector.shape_cast %add3A_77 : vector<16xf32> to vector<1x16xf32>
      tpu.vector_store %arg20[%swap3A_78, %swap3A_79], %swap3A_82 {strides = array<i32>} : memref<96x128xf32, #tpu.memory_space<vmem>>, vector<1x16xf32>,
      %get3A_83 = arith.index_cast %add3A_42 : i32 to index
      %get3A_84 = arith.constant 48 : index
      %get3A_85 = tpu.vector_load %arg20[%get3A_83, %get3A_84] {strides = array<i32>} : memref<96x128xf32, #tpu.memory_space<vmem>>, vector<1x16xf32>,
      %get3A_86 = vector.shape_cast %get3A_85 : vector<1x16xf32> to vector<16xf32>
      %get3A_87 = arith.index_cast %add3A_42 : i32 to index
      %get3A_88 = arith.constant 48 : index
      %get3A_89 = tpu.vector_load %arg21[%get3A_87, %get3A_88] {strides = array<i32>} : memref<96x128xf32, #tpu.memory_space<vmem>>, vector<1x16xf32>,
      %get3A_90 = vector.shape_cast %get3A_89 : vector<1x16xf32> to vector<16xf32>
      %add3A_91 = arith.addf %get3A_86, %get3A_90 : vector<16xf32>
      %swap3A_92 = arith.index_cast %add3A_42 : i32 to index
      %swap3A_93 = arith.constant 48 : index
      %swap3A_94 = tpu.vector_load %arg20[%swap3A_92, %swap3A_93] {strides = array<i32>} : memref<96x128xf32, #tpu.memory_space<vmem>>, vector<1x16xf32>,
      %swap3A_95 = vector.shape_cast %swap3A_94 : vector<1x16xf32> to vector<16xf32>
      %swap3A_96 = vector.shape_cast %add3A_91 : vector<16xf32> to vector<1x16xf32>
      tpu.vector_store %arg20[%swap3A_92, %swap3A_93], %swap3A_96 {strides = array<i32>} : memref<96x128xf32, #tpu.memory_space<vmem>>, vector<1x16xf32>,
      %get3A_97 = arith.index_cast %add3A_42 : i32 to index
      %get3A_98 = arith.constant 64 : index
      %get3A_99 = tpu.vector_load %arg20[%get3A_97, %get3A_98] {strides = array<i32>} : memref<96x128xf32, #tpu.memory_space<vmem>>, vector<1x16xf32>,
      %get3A_100 = vector.shape_cast %get3A_99 : vector<1x16xf32> to vector<16xf32>
      %get3A_101 = arith.index_cast %add3A_42 : i32 to index
      %get3A_102 = arith.constant 64 : index
      %get3A_103 = tpu.vector_load %arg21[%get3A_101, %get3A_102] {strides = array<i32>} : memref<96x128xf32, #tpu.memory_space<vmem>>, vector<1x16xf32>,
      %get3A_104 = vector.shape_cast %get3A_103 : vector<1x16xf32> to vector<16xf32>
      %add3A_105 = arith.addf %get3A_100, %get3A_104 : vector<16xf32>
      %swap3A_106 = arith.index_cast %add3A_42 : i32 to index
      %swap3A_107 = arith.constant 64 : index
      %swap3A_108 = tpu.vector_load %arg20[%swap3A_106, %swap3A_107] {strides = array<i32>} : memref<96x128xf32, #tpu.memory_space<vmem>>, vector<1x16xf32>,
      %swap3A_109 = vector.shape_cast %swap3A_108 : vector<1x16xf32> to vector<16xf32>
      %swap3A_110 = vector.shape_cast %add3A_105 : vector<16xf32> to vector<1x16xf32>
      tpu.vector_store %arg20[%swap3A_106, %swap3A_107], %swap3A_110 {strides = array<i32>} : memref<96x128xf32, #tpu.memory_space<vmem>>, vector<1x16xf32>,
      %get3A_111 = arith.index_cast %add3A_42 : i32 to index
      %get3A_112 = arith.constant 80 : index
      %get3A_113 = tpu.vector_load %arg20[%get3A_111, %get3A_112] {strides = array<i32>} : memref<96x128xf32, #tpu.memory_space<vmem>>, vector<1x16xf32>,
      %get3A_114 = vector.shape_cast %get3A_113 : vector<1x16xf32> to vector<16xf32>
      %get3A_115 = arith.index_cast %add3A_42 : i32 to index
      %get3A_116 = arith.constant 80 : index
      %get3A_117 = tpu.vector_load %arg21[%get3A_115, %get3A_116] {strides = array<i32>} : memref<96x128xf32, #tpu.memory_space<vmem>>, vector<1x16xf32>,
      %get3A_118 = vector.shape_cast %get3A_117 : vector<1x16xf32> to vector<16xf32>
      %add3A_119 = arith.addf %get3A_114, %get3A_118 : vector<16xf32>
      %swap3A_120 = arith.index_cast %add3A_42 : i32 to index
      %swap3A_121 = arith.constant 80 : index
      %swap3A_122 = tpu.vector_load %arg20[%swap3A_120, %swap3A_121] {strides = array<i32>} : memref<96x128xf32, #tpu.memory_space<vmem>>, vector<1x16xf32>,
      %swap3A_123 = vector.shape_cast %swap3A_122 : vector<1x16xf32> to vector<16xf32>
      %swap3A_124 = vector.shape_cast %add3A_119 : vector<16xf32> to vector<1x16xf32>
      tpu.vector_store %arg20[%swap3A_120, %swap3A_121], %swap3A_124 {strides = array<i32>} : memref<96x128xf32, #tpu.memory_space<vmem>>, vector<1x16xf32>,
      %get3A_125 = arith.index_cast %add3A_42 : i32 to index
      %get3A_126 = arith.constant 96 : index
      %get3A_127 = tpu.vector_load %arg20[%get3A_125, %get3A_126] {strides = array<i32>} : memref<96x128xf32, #tpu.memory_space<vmem>>, vector<1x16xf32>,
      %get3A_128 = vector.shape_cast %get3A_127 : vector<1x16xf32> to vector<16xf32>
      %get3A_129 = arith.index_cast %add3A_42 : i32 to index
      %get3A_130 = arith.constant 96 : index
      %get3A_131 = tpu.vector_load %arg21[%get3A_129, %get3A_130] {strides = array<i32>} : memref<96x128xf32, #tpu.memory_space<vmem>>, vector<1x16xf32>,
      %get3A_132 = vector.shape_cast %get3A_131 : vector<1x16xf32> to vector<16xf32>
      %add3A_133 = arith.addf %get3A_128, %get3A_132 : vector<16xf32>
      %swap3A_134 = arith.index_cast %add3A_42 : i32 to index
      %swap3A_135 = arith.constant 96 : index
      %swap3A_136 = tpu.vector_load %arg20[%swap3A_134, %swap3A_135] {strides = array<i32>} : memref<96x128xf32, #tpu.memory_space<vmem>>, vector<1x16xf32>,
      %swap3A_137 = vector.shape_cast %swap3A_136 : vector<1x16xf32> to vector<16xf32>
      %swap3A_138 = vector.shape_cast %add3A_133 : vector<16xf32> to vector<1x16xf32>
      tpu.vector_store %arg20[%swap3A_134, %swap3A_135], %swap3A_138 {strides = array<i32>} : memref<96x128xf32, #tpu.memory_space<vmem>>, vector<1x16xf32>,
      %get3A_139 = arith.index_cast %add3A_42 : i32 to index
      %get3A_140 = arith.constant 112 : index
      %get3A_141 = tpu.vector_load %arg20[%get3A_139, %get3A_140] {strides = array<i32>} : memref<96x128xf32, #tpu.memory_space<vmem>>, vector<1x16xf32>,
      %get3A_142 = vector.shape_cast %get3A_141 : vector<1x16xf32> to vector<16xf32>
      %get3A_143 = arith.index_cast %add3A_42 : i32 to index
      %get3A_144 = arith.constant 112 : index
      %get3A_145 = tpu.vector_load %arg21[%get3A_143, %get3A_144] {strides = array<i32>} : memref<96x128xf32, #tpu.memory_space<vmem>>, vector<1x16xf32>,
      %get3A_146 = vector.shape_cast %get3A_145 : vector<1x16xf32> to vector<16xf32>
      %add3A_147 = arith.addf %get3A_142, %get3A_146 : vector<16xf32>
      %swap3A_148 = arith.index_cast %add3A_42 : i32 to index
      %swap3A_149 = arith.constant 112 : index
      %swap3A_150 = tpu.vector_load %arg20[%swap3A_148, %swap3A_149] {strides = array<i32>} : memref<96x128xf32, #tpu.memory_space<vmem>>, vector<1x16xf32>,
      %swap3A_151 = vector.shape_cast %swap3A_150 : vector<1x16xf32> to vector<16xf32>
      %swap3A_152 = vector.shape_cast %add3A_147 : vector<16xf32> to vector<1x16xf32>
      tpu.vector_store %arg20[%swap3A_148, %swap3A_149], %swap3A_152 {strides = array<i32>} : memref<96x128xf32, #tpu.memory_space<vmem>>, vector<1x16xf32>,
    }
    %scan3A_37 = arith.constant 96 : i32
    "tpu.region"() ({
      %run_scoped3A = tpu.sem_alloc : memref<!tpu.dma_semaphore, #tpu.memory_space<semaphore_mem>>
      %dma_start3A_38 = arith.constant 0 : i32
      %dma_start3A_39 = tpu.memref_slice %arg9[%add3A_20, %dma_start3A_38] : memref<48128x128xf32, #tpu.memory_space<hbm>> -> memref<96x128xf32, #tpu.memory_space<hbm>>
      %dma_start3A_40 = arith.constant 0 : i32
      %dma_start3A_41 = tpu.memref_slice %arg9[%add3A_20, %dma_start3A_40] : memref<48128x128xf32, #tpu.memory_space<hbm>> -> memref<96x128xf32, #tpu.memory_space<hbm>>
      tpu.enqueue_dma source(%arg20 : memref<96x128xf32, #tpu.memory_space<vmem>>) target(%dma_start3A_41 : memref<96x128xf32, #tpu.memory_space<hbm>>) target_semaphore(%run_scoped3A : memref<!tpu.dma_semaphore, #tpu.memory_space<semaphore_mem>>)
      %dma_wait3A_42 = arith.constant 0 : i32
      %dma_wait3A_43 = tpu.memref_slice %arg9[%add3A_20, %dma_wait3A_42] : memref<48128x128xf32, #tpu.memory_space<hbm>> -> memref<96x128xf32, #tpu.memory_space<hbm>>
      %dma_wait3A_44 = arith.constant 0 : i32
      %dma_wait3A_45 = tpu.memref_slice %arg9[%add3A_20, %dma_wait3A_44] : memref<48128x128xf32, #tpu.memory_space<hbm>> -> memref<96x128xf32, #tpu.memory_space<hbm>>
      tpu.wait_dma2 semaphore(%run_scoped3A : memref<!tpu.dma_semaphore, #tpu.memory_space<semaphore_mem>>) src(%arg20 : memref<96x128xf32, #tpu.memory_space<vmem>>) dst(%dma_wait3A_45 : memref<96x128xf32, #tpu.memory_space<hbm>>)
      tpu.yield
    }) : () -> ()
    return
  }
}

#map = affine_map<(d0, d1) -> (0, 0)>
#map1 = affine_map<(d0, d1) -> (0)>
module attributes {stable_mosaic.version = 14 : i64} {
  func.func @_k1_body(%arg0: i32, %arg1: i32, %arg2: memref<10112x128xf32, #tpu.memory_space<hbm>>, %arg3: memref<10000x128xi32, #tpu.memory_space<hbm>>, %arg4: memref<1536xi32, #tpu.memory_space<hbm>>, %arg5: memref<48128xi32, #tpu.memory_space<hbm>>, %arg6: memref<1536x128xf32, #tpu.memory_space<hbm>>, %arg7: memref<48128x128xi32, #tpu.memory_space<hbm>>, %arg8: memref<48xi32, #tpu.memory_space<vmem>>, %arg9: memref<48x128xf32, #tpu.memory_space<vmem>>, %arg10: memref<128xi32, #tpu.memory_space<vmem>>, %arg11: memref<128x128xi32, #tpu.memory_space<vmem>>, %arg12: memref<96xi32, #tpu.memory_space<vmem>>, %arg13: memref<96x128xi32, #tpu.memory_space<vmem>>, %arg14: memref<!tpu.dma_semaphore, #tpu.memory_space<semaphore_mem>>) attributes {dimension_semantics = [#tpu.dimension_semantics<core_parallel>, #tpu.dimension_semantics<subcore_parallel>], iteration_bounds = array<i64: 2, 16>, scalar_prefetch = 0 : i64, scratch_operands = 7 : i64, tpu.core_type = #tpu.core_type<sc_vector_subcore>, window_params = [{transform_indices = #map}, {transform_indices = #map}, {transform_indices = #map1}, {transform_indices = #map1}, {transform_indices = #map}, {transform_indices = #map}]} {
    %mul3A = arith.constant 2 : i32
    %mul3A_0 = arith.muli %arg1, %mul3A : i32
    %add3A = arith.addi %mul3A_0, %arg0 : i32
    %mul3A_1 = arith.constant 48 : i32
    %mul3A_2 = arith.muli %add3A, %mul3A_1 : i32
    "tpu.region"() ({
      %run_scoped3A = tpu.sem_alloc : memref<!tpu.dma_semaphore, #tpu.memory_space<semaphore_mem>>
      %dma_start3A_21 = tpu.memref_slice %arg4[%mul3A_2] : memref<1536xi32, #tpu.memory_space<hbm>> -> memref<48xi32, #tpu.memory_space<hbm>>
      %dma_start3A_22 = tpu.memref_slice %arg4[%mul3A_2] : memref<1536xi32, #tpu.memory_space<hbm>> -> memref<48xi32, #tpu.memory_space<hbm>>
      tpu.enqueue_dma source(%dma_start3A_22 : memref<48xi32, #tpu.memory_space<hbm>>) target(%arg8 : memref<48xi32, #tpu.memory_space<vmem>>) target_semaphore(%run_scoped3A : memref<!tpu.dma_semaphore, #tpu.memory_space<semaphore_mem>>)
      %dma_wait3A_23 = tpu.memref_slice %arg4[%mul3A_2] : memref<1536xi32, #tpu.memory_space<hbm>> -> memref<48xi32, #tpu.memory_space<hbm>>
      %dma_wait3A_24 = tpu.memref_slice %arg4[%mul3A_2] : memref<1536xi32, #tpu.memory_space<hbm>> -> memref<48xi32, #tpu.memory_space<hbm>>
      tpu.wait_dma2 semaphore(%run_scoped3A : memref<!tpu.dma_semaphore, #tpu.memory_space<semaphore_mem>>) src(%dma_wait3A_24 : memref<48xi32, #tpu.memory_space<hbm>>) dst(%arg8 : memref<48xi32, #tpu.memory_space<vmem>>)
      tpu.yield
    }) : () -> ()
    %dma_start3A = arith.constant 0 : i32
    %dma_start3A_3 = arith.constant 0 : i32
    %dma_start3A_4 = tpu.memref_slice %arg2[%dma_start3A, %dma_start3A_3] : memref<10112x128xf32, #tpu.memory_space<hbm>> -> memref<10112x128xf32, #tpu.memory_space<hbm>>
    tpu.enqueue_indirect_dma source(%dma_start3A_4 : memref<10112x128xf32, #tpu.memory_space<hbm>>) target(%arg9 : memref<48x128xf32, #tpu.memory_space<vmem>>) offsets(%arg8 : memref<48xi32, #tpu.memory_space<vmem>>) semaphore(%arg14 : memref<!tpu.dma_semaphore, #tpu.memory_space<semaphore_mem>>)
    %dma_wait3A = arith.constant 0 : i32
    %dma_wait3A_5 = arith.constant 0 : i32
    %dma_wait3A_6 = tpu.memref_slice %arg2[%dma_wait3A, %dma_wait3A_5] : memref<10112x128xf32, #tpu.memory_space<hbm>> -> memref<10112x128xf32, #tpu.memory_space<hbm>>
    tpu.wait_indirect_dma semaphore(%arg14 : memref<!tpu.dma_semaphore, #tpu.memory_space<semaphore_mem>>) src(%dma_wait3A_6 : memref<10112x128xf32, #tpu.memory_space<hbm>>) dst(%arg9 : memref<48x128xf32, #tpu.memory_space<vmem>>)
    "tpu.region"() ({
      %run_scoped3A = tpu.sem_alloc : memref<!tpu.dma_semaphore, #tpu.memory_space<semaphore_mem>>
      %dma_start3A_21 = arith.constant 0 : i32
      %dma_start3A_22 = tpu.memref_slice %arg6[%mul3A_2, %dma_start3A_21] : memref<1536x128xf32, #tpu.memory_space<hbm>> -> memref<48x128xf32, #tpu.memory_space<hbm>>
      %dma_start3A_23 = arith.constant 0 : i32
      %dma_start3A_24 = tpu.memref_slice %arg6[%mul3A_2, %dma_start3A_23] : memref<1536x128xf32, #tpu.memory_space<hbm>> -> memref<48x128xf32, #tpu.memory_space<hbm>>
      tpu.enqueue_dma source(%arg9 : memref<48x128xf32, #tpu.memory_space<vmem>>) target(%dma_start3A_24 : memref<48x128xf32, #tpu.memory_space<hbm>>) target_semaphore(%run_scoped3A : memref<!tpu.dma_semaphore, #tpu.memory_space<semaphore_mem>>)
      %dma_wait3A_25 = arith.constant 0 : i32
      %dma_wait3A_26 = tpu.memref_slice %arg6[%mul3A_2, %dma_wait3A_25] : memref<1536x128xf32, #tpu.memory_space<hbm>> -> memref<48x128xf32, #tpu.memory_space<hbm>>
      %dma_wait3A_27 = arith.constant 0 : i32
      %dma_wait3A_28 = tpu.memref_slice %arg6[%mul3A_2, %dma_wait3A_27] : memref<1536x128xf32, #tpu.memory_space<hbm>> -> memref<48x128xf32, #tpu.memory_space<hbm>>
      tpu.wait_dma2 semaphore(%run_scoped3A : memref<!tpu.dma_semaphore, #tpu.memory_space<semaphore_mem>>) src(%arg9 : memref<48x128xf32, #tpu.memory_space<vmem>>) dst(%dma_wait3A_28 : memref<48x128xf32, #tpu.memory_space<hbm>>)
      tpu.yield
    }) : () -> ()
    %mul3A_7 = arith.constant 1504 : i32
    %mul3A_8 = arith.muli %add3A, %mul3A_7 : i32
    %scan3A = arith.constant 0 : i32
    %scan3A_9 = arith.constant 11 : i32
    %scan3A_10 = arith.addi %scan3A, %scan3A_9 : i32
    %scan3A_11 = arith.constant 1 : i32
    scf.for %scan3A_21 = %scan3A to %scan3A_10 step %scan3A_11  : i32 {
      %mul3A_22 = arith.constant 1 : i32
      %mul3A_23 = arith.muli %scan3A_21, %mul3A_22 : i32
      %add3A_24 = arith.constant 0 : i32
      %add3A_25 = arith.addi %add3A_24, %mul3A_23 : i32
      %mul3A_26 = arith.constant 128 : i32
      %mul3A_27 = arith.muli %add3A_25, %mul3A_26 : i32
      %add3A_28 = arith.addi %mul3A_8, %mul3A_27 : i32
      "tpu.region"() ({
        %run_scoped3A = tpu.sem_alloc : memref<!tpu.dma_semaphore, #tpu.memory_space<semaphore_mem>>
        %dma_start3A_35 = tpu.memref_slice %arg5[%add3A_28] : memref<48128xi32, #tpu.memory_space<hbm>> -> memref<128xi32, #tpu.memory_space<hbm>>
        %dma_start3A_36 = tpu.memref_slice %arg5[%add3A_28] : memref<48128xi32, #tpu.memory_space<hbm>> -> memref<128xi32, #tpu.memory_space<hbm>>
        tpu.enqueue_dma source(%dma_start3A_36 : memref<128xi32, #tpu.memory_space<hbm>>) target(%arg10 : memref<128xi32, #tpu.memory_space<vmem>>) target_semaphore(%run_scoped3A : memref<!tpu.dma_semaphore, #tpu.memory_space<semaphore_mem>>)
        %dma_wait3A_37 = tpu.memref_slice %arg5[%add3A_28] : memref<48128xi32, #tpu.memory_space<hbm>> -> memref<128xi32, #tpu.memory_space<hbm>>
        %dma_wait3A_38 = tpu.memref_slice %arg5[%add3A_28] : memref<48128xi32, #tpu.memory_space<hbm>> -> memref<128xi32, #tpu.memory_space<hbm>>
        tpu.wait_dma2 semaphore(%run_scoped3A : memref<!tpu.dma_semaphore, #tpu.memory_space<semaphore_mem>>) src(%dma_wait3A_38 : memref<128xi32, #tpu.memory_space<hbm>>) dst(%arg10 : memref<128xi32, #tpu.memory_space<vmem>>)
        tpu.yield
      }) : () -> ()
      %dma_start3A_29 = arith.constant 0 : i32
      %dma_start3A_30 = arith.constant 0 : i32
      %dma_start3A_31 = tpu.memref_slice %arg3[%dma_start3A_29, %dma_start3A_30] : memref<10000x128xi32, #tpu.memory_space<hbm>> -> memref<10000x128xi32, #tpu.memory_space<hbm>>
      tpu.enqueue_indirect_dma source(%dma_start3A_31 : memref<10000x128xi32, #tpu.memory_space<hbm>>) target(%arg11 : memref<128x128xi32, #tpu.memory_space<vmem>>) offsets(%arg10 : memref<128xi32, #tpu.memory_space<vmem>>) semaphore(%arg14 : memref<!tpu.dma_semaphore, #tpu.memory_space<semaphore_mem>>)
      %dma_wait3A_32 = arith.constant 0 : i32
      %dma_wait3A_33 = arith.constant 0 : i32
      %dma_wait3A_34 = tpu.memref_slice %arg3[%dma_wait3A_32, %dma_wait3A_33] : memref<10000x128xi32, #tpu.memory_space<hbm>> -> memref<10000x128xi32, #tpu.memory_space<hbm>>
      tpu.wait_indirect_dma semaphore(%arg14 : memref<!tpu.dma_semaphore, #tpu.memory_space<semaphore_mem>>) src(%dma_wait3A_34 : memref<10000x128xi32, #tpu.memory_space<hbm>>) dst(%arg11 : memref<128x128xi32, #tpu.memory_space<vmem>>)
      "tpu.region"() ({
        %run_scoped3A = tpu.sem_alloc : memref<!tpu.dma_semaphore, #tpu.memory_space<semaphore_mem>>
        %dma_start3A_35 = arith.constant 0 : i32
        %dma_start3A_36 = tpu.memref_slice %arg7[%add3A_28, %dma_start3A_35] : memref<48128x128xi32, #tpu.memory_space<hbm>> -> memref<128x128xi32, #tpu.memory_space<hbm>>
        %dma_start3A_37 = arith.constant 0 : i32
        %dma_start3A_38 = tpu.memref_slice %arg7[%add3A_28, %dma_start3A_37] : memref<48128x128xi32, #tpu.memory_space<hbm>> -> memref<128x128xi32, #tpu.memory_space<hbm>>
        tpu.enqueue_dma source(%arg11 : memref<128x128xi32, #tpu.memory_space<vmem>>) target(%dma_start3A_38 : memref<128x128xi32, #tpu.memory_space<hbm>>) target_semaphore(%run_scoped3A : memref<!tpu.dma_semaphore, #tpu.memory_space<semaphore_mem>>)
        %dma_wait3A_39 = arith.constant 0 : i32
        %dma_wait3A_40 = tpu.memref_slice %arg7[%add3A_28, %dma_wait3A_39] : memref<48128x128xi32, #tpu.memory_space<hbm>> -> memref<128x128xi32, #tpu.memory_space<hbm>>
        %dma_wait3A_41 = arith.constant 0 : i32
        %dma_wait3A_42 = tpu.memref_slice %arg7[%add3A_28, %dma_wait3A_41] : memref<48128x128xi32, #tpu.memory_space<hbm>> -> memref<128x128xi32, #tpu.memory_space<hbm>>
        tpu.wait_dma2 semaphore(%run_scoped3A : memref<!tpu.dma_semaphore, #tpu.memory_space<semaphore_mem>>) src(%arg11 : memref<128x128xi32, #tpu.memory_space<vmem>>) dst(%dma_wait3A_42 : memref<128x128xi32, #tpu.memory_space<hbm>>)
        tpu.yield
      }) : () -> ()
    }
    %scan3A_12 = arith.constant 11 : i32
    %add3A_13 = arith.constant 1408 : i32
    %add3A_14 = arith.addi %mul3A_8, %add3A_13 : i32
    "tpu.region"() ({
      %run_scoped3A = tpu.sem_alloc : memref<!tpu.dma_semaphore, #tpu.memory_space<semaphore_mem>>
      %dma_start3A_21 = tpu.memref_slice %arg5[%add3A_14] : memref<48128xi32, #tpu.memory_space<hbm>> -> memref<96xi32, #tpu.memory_space<hbm>>
      %dma_start3A_22 = tpu.memref_slice %arg5[%add3A_14] : memref<48128xi32, #tpu.memory_space<hbm>> -> memref<96xi32, #tpu.memory_space<hbm>>
      tpu.enqueue_dma source(%dma_start3A_22 : memref<96xi32, #tpu.memory_space<hbm>>) target(%arg12 : memref<96xi32, #tpu.memory_space<vmem>>) target_semaphore(%run_scoped3A : memref<!tpu.dma_semaphore, #tpu.memory_space<semaphore_mem>>)
      %dma_wait3A_23 = tpu.memref_slice %arg5[%add3A_14] : memref<48128xi32, #tpu.memory_space<hbm>> -> memref<96xi32, #tpu.memory_space<hbm>>
      %dma_wait3A_24 = tpu.memref_slice %arg5[%add3A_14] : memref<48128xi32, #tpu.memory_space<hbm>> -> memref<96xi32, #tpu.memory_space<hbm>>
      tpu.wait_dma2 semaphore(%run_scoped3A : memref<!tpu.dma_semaphore, #tpu.memory_space<semaphore_mem>>) src(%dma_wait3A_24 : memref<96xi32, #tpu.memory_space<hbm>>) dst(%arg12 : memref<96xi32, #tpu.memory_space<vmem>>)
      tpu.yield
    }) : () -> ()
    %dma_start3A_15 = arith.constant 0 : i32
    %dma_start3A_16 = arith.constant 0 : i32
    %dma_start3A_17 = tpu.memref_slice %arg3[%dma_start3A_15, %dma_start3A_16] : memref<10000x128xi32, #tpu.memory_space<hbm>> -> memref<10000x128xi32, #tpu.memory_space<hbm>>
    tpu.enqueue_indirect_dma source(%dma_start3A_17 : memref<10000x128xi32, #tpu.memory_space<hbm>>) target(%arg13 : memref<96x128xi32, #tpu.memory_space<vmem>>) offsets(%arg12 : memref<96xi32, #tpu.memory_space<vmem>>) semaphore(%arg14 : memref<!tpu.dma_semaphore, #tpu.memory_space<semaphore_mem>>)
    %dma_wait3A_18 = arith.constant 0 : i32
    %dma_wait3A_19 = arith.constant 0 : i32
    %dma_wait3A_20 = tpu.memref_slice %arg3[%dma_wait3A_18, %dma_wait3A_19] : memref<10000x128xi32, #tpu.memory_space<hbm>> -> memref<10000x128xi32, #tpu.memory_space<hbm>>
    tpu.wait_indirect_dma semaphore(%arg14 : memref<!tpu.dma_semaphore, #tpu.memory_space<semaphore_mem>>) src(%dma_wait3A_20 : memref<10000x128xi32, #tpu.memory_space<hbm>>) dst(%arg13 : memref<96x128xi32, #tpu.memory_space<vmem>>)
    "tpu.region"() ({
      %run_scoped3A = tpu.sem_alloc : memref<!tpu.dma_semaphore, #tpu.memory_space<semaphore_mem>>
      %dma_start3A_21 = arith.constant 0 : i32
      %dma_start3A_22 = tpu.memref_slice %arg7[%add3A_14, %dma_start3A_21] : memref<48128x128xi32, #tpu.memory_space<hbm>> -> memref<96x128xi32, #tpu.memory_space<hbm>>
      %dma_start3A_23 = arith.constant 0 : i32
      %dma_start3A_24 = tpu.memref_slice %arg7[%add3A_14, %dma_start3A_23] : memref<48128x128xi32, #tpu.memory_space<hbm>> -> memref<96x128xi32, #tpu.memory_space<hbm>>
      tpu.enqueue_dma source(%arg13 : memref<96x128xi32, #tpu.memory_space<vmem>>) target(%dma_start3A_24 : memref<96x128xi32, #tpu.memory_space<hbm>>) target_semaphore(%run_scoped3A : memref<!tpu.dma_semaphore, #tpu.memory_space<semaphore_mem>>)
      %dma_wait3A_25 = arith.constant 0 : i32
      %dma_wait3A_26 = tpu.memref_slice %arg7[%add3A_14, %dma_wait3A_25] : memref<48128x128xi32, #tpu.memory_space<hbm>> -> memref<96x128xi32, #tpu.memory_space<hbm>>
      %dma_wait3A_27 = arith.constant 0 : i32
      %dma_wait3A_28 = tpu.memref_slice %arg7[%add3A_14, %dma_wait3A_27] : memref<48128x128xi32, #tpu.memory_space<hbm>> -> memref<96x128xi32, #tpu.memory_space<hbm>>
      tpu.wait_dma2 semaphore(%run_scoped3A : memref<!tpu.dma_semaphore, #tpu.memory_space<semaphore_mem>>) src(%arg13 : memref<96x128xi32, #tpu.memory_space<vmem>>) dst(%dma_wait3A_28 : memref<96x128xi32, #tpu.memory_space<hbm>>)
      tpu.yield
    }) : () -> ()
    return
  }
}

#map = affine_map<(d0, d1) -> (0, 0)>
#map1 = affine_map<(d0, d1) -> (0)>
module attributes {stable_mosaic.version = 14 : i64} {
  func.func @_k4_body(%arg0: i32, %arg1: i32, %arg2: memref<10112x128xf32, #tpu.memory_space<hbm>>, %arg3: memref<10112x128xf32, #tpu.memory_space<hbm>>, %arg4: memref<1536xi32, #tpu.memory_space<hbm>>, %arg5: memref<320000xi32, #tpu.memory_space<hbm>>, %arg6: memref<320000xi32, #tpu.memory_space<hbm>>, %arg7: memref<10112x128xf32, #tpu.memory_space<hbm>>, %arg8: memref<1536x128xf32, #tpu.memory_space<hbm>>, %arg9: memref<10112x128xf32, #tpu.memory_space<vmem_shared>>, %arg10: memref<128x128xf32, #tpu.memory_space<vmem>>, %arg11: memref<128xi32, #tpu.memory_space<vmem>>, %arg12: memref<128xi32, #tpu.memory_space<vmem>>, %arg13: memref<128x128xf32, #tpu.memory_space<vmem>>, %arg14: memref<32xi32, #tpu.memory_space<vmem>>, %arg15: memref<32xi32, #tpu.memory_space<vmem>>, %arg16: memref<32x128xf32, #tpu.memory_space<vmem>>, %arg17: memref<96x128xf32, #tpu.memory_space<vmem>>, %arg18: memref<96xi32, #tpu.memory_space<vmem>>, %arg19: memref<!tpu.dma_semaphore, #tpu.memory_space<semaphore_mem>>) attributes {dimension_semantics = [#tpu.dimension_semantics<core_parallel>, #tpu.dimension_semantics<subcore_parallel>], iteration_bounds = array<i64: 2, 16>, scalar_prefetch = 0 : i64, scratch_operands = 11 : i64, tpu.core_type = #tpu.core_type<sc_vector_subcore>, window_params = [{transform_indices = #map}, {transform_indices = #map}, {transform_indices = #map1}, {transform_indices = #map1}, {transform_indices = #map1}, {transform_indices = #map}, {transform_indices = #map}]} {
    %broadcast_in_dim3A = arith.constant 0.000000e+00 : f32
    %broadcast_in_dim3A_0 = vector.broadcast %broadcast_in_dim3A : f32 to vector<16xf32>
    %mul3A = arith.constant 632 : i32
    %mul3A_1 = arith.muli %arg1, %mul3A : i32
    %mul3A_2 = arith.constant 96 : i32
    %mul3A_3 = arith.muli %arg1, %mul3A_2 : i32
    %scan3A = arith.constant 0 : i32
    %scan3A_4 = arith.constant 128 : i32
    %scan3A_5 = arith.addi %scan3A, %scan3A_4 : i32
    %scan3A_6 = arith.constant 1 : i32
    scf.for %scan3A_35 = %scan3A to %scan3A_5 step %scan3A_6  : i32 {
      %mul3A_36 = arith.constant 1 : i32
      %mul3A_37 = arith.muli %scan3A_35, %mul3A_36 : i32
      %add3A_38 = arith.constant 0 : i32
      %add3A_39 = arith.addi %add3A_38, %mul3A_37 : i32
      %swap3A = arith.index_cast %add3A_39 : i32 to index
      %swap3A_40 = arith.constant 0 : index
      %swap3A_41 = tpu.vector_load %arg10[%swap3A, %swap3A_40] {strides = array<i32>} : memref<128x128xf32, #tpu.memory_space<vmem>>, vector<1x16xf32>,
      %swap3A_42 = vector.shape_cast %swap3A_41 : vector<1x16xf32> to vector<16xf32>
      %swap3A_43 = vector.shape_cast %broadcast_in_dim3A_0 : vector<16xf32> to vector<1x16xf32>
      tpu.vector_store %arg10[%swap3A, %swap3A_40], %swap3A_43 {strides = array<i32>} : memref<128x128xf32, #tpu.memory_space<vmem>>, vector<1x16xf32>,
      %swap3A_44 = arith.index_cast %add3A_39 : i32 to index
      %swap3A_45 = arith.constant 16 : index
      %swap3A_46 = tpu.vector_load %arg10[%swap3A_44, %swap3A_45] {strides = array<i32>} : memref<128x128xf32, #tpu.memory_space<vmem>>, vector<1x16xf32>,
      %swap3A_47 = vector.shape_cast %swap3A_46 : vector<1x16xf32> to vector<16xf32>
      %swap3A_48 = vector.shape_cast %broadcast_in_dim3A_0 : vector<16xf32> to vector<1x16xf32>
      tpu.vector_store %arg10[%swap3A_44, %swap3A_45], %swap3A_48 {strides = array<i32>} : memref<128x128xf32, #tpu.memory_space<vmem>>, vector<1x16xf32>,
      %swap3A_49 = arith.index_cast %add3A_39 : i32 to index
      %swap3A_50 = arith.constant 32 : index
      %swap3A_51 = tpu.vector_load %arg10[%swap3A_49, %swap3A_50] {strides = array<i32>} : memref<128x128xf32, #tpu.memory_space<vmem>>, vector<1x16xf32>,
      %swap3A_52 = vector.shape_cast %swap3A_51 : vector<1x16xf32> to vector<16xf32>
      %swap3A_53 = vector.shape_cast %broadcast_in_dim3A_0 : vector<16xf32> to vector<1x16xf32>
      tpu.vector_store %arg10[%swap3A_49, %swap3A_50], %swap3A_53 {strides = array<i32>} : memref<128x128xf32, #tpu.memory_space<vmem>>, vector<1x16xf32>,
      %swap3A_54 = arith.index_cast %add3A_39 : i32 to index
      %swap3A_55 = arith.constant 48 : index
      %swap3A_56 = tpu.vector_load %arg10[%swap3A_54, %swap3A_55] {strides = array<i32>} : memref<128x128xf32, #tpu.memory_space<vmem>>, vector<1x16xf32>,
      %swap3A_57 = vector.shape_cast %swap3A_56 : vector<1x16xf32> to vector<16xf32>
      %swap3A_58 = vector.shape_cast %broadcast_in_dim3A_0 : vector<16xf32> to vector<1x16xf32>
      tpu.vector_store %arg10[%swap3A_54, %swap3A_55], %swap3A_58 {strides = array<i32>} : memref<128x128xf32, #tpu.memory_space<vmem>>, vector<1x16xf32>,
      %swap3A_59 = arith.index_cast %add3A_39 : i32 to index
      %swap3A_60 = arith.constant 64 : index
      %swap3A_61 = tpu.vector_load %arg10[%swap3A_59, %swap3A_60] {strides = array<i32>} : memref<128x128xf32, #tpu.memory_space<vmem>>, vector<1x16xf32>,
      %swap3A_62 = vector.shape_cast %swap3A_61 : vector<1x16xf32> to vector<16xf32>
      %swap3A_63 = vector.shape_cast %broadcast_in_dim3A_0 : vector<16xf32> to vector<1x16xf32>
      tpu.vector_store %arg10[%swap3A_59, %swap3A_60], %swap3A_63 {strides = array<i32>} : memref<128x128xf32, #tpu.memory_space<vmem>>, vector<1x16xf32>,
      %swap3A_64 = arith.index_cast %add3A_39 : i32 to index
      %swap3A_65 = arith.constant 80 : index
      %swap3A_66 = tpu.vector_load %arg10[%swap3A_64, %swap3A_65] {strides = array<i32>} : memref<128x128xf32, #tpu.memory_space<vmem>>, vector<1x16xf32>,
      %swap3A_67 = vector.shape_cast %swap3A_66 : vector<1x16xf32> to vector<16xf32>
      %swap3A_68 = vector.shape_cast %broadcast_in_dim3A_0 : vector<16xf32> to vector<1x16xf32>
      tpu.vector_store %arg10[%swap3A_64, %swap3A_65], %swap3A_68 {strides = array<i32>} : memref<128x128xf32, #tpu.memory_space<vmem>>, vector<1x16xf32>,
      %swap3A_69 = arith.index_cast %add3A_39 : i32 to index
      %swap3A_70 = arith.constant 96 : index
      %swap3A_71 = tpu.vector_load %arg10[%swap3A_69, %swap3A_70] {strides = array<i32>} : memref<128x128xf32, #tpu.memory_space<vmem>>, vector<1x16xf32>,
      %swap3A_72 = vector.shape_cast %swap3A_71 : vector<1x16xf32> to vector<16xf32>
      %swap3A_73 = vector.shape_cast %broadcast_in_dim3A_0 : vector<16xf32> to vector<1x16xf32>
      tpu.vector_store %arg10[%swap3A_69, %swap3A_70], %swap3A_73 {strides = array<i32>} : memref<128x128xf32, #tpu.memory_space<vmem>>, vector<1x16xf32>,
      %swap3A_74 = arith.index_cast %add3A_39 : i32 to index
      %swap3A_75 = arith.constant 112 : index
      %swap3A_76 = tpu.vector_load %arg10[%swap3A_74, %swap3A_75] {strides = array<i32>} : memref<128x128xf32, #tpu.memory_space<vmem>>, vector<1x16xf32>,
      %swap3A_77 = vector.shape_cast %swap3A_76 : vector<1x16xf32> to vector<16xf32>
      %swap3A_78 = vector.shape_cast %broadcast_in_dim3A_0 : vector<16xf32> to vector<1x16xf32>
      tpu.vector_store %arg10[%swap3A_74, %swap3A_75], %swap3A_78 {strides = array<i32>} : memref<128x128xf32, #tpu.memory_space<vmem>>, vector<1x16xf32>,
    }
    %scan3A_7 = arith.constant 128 : i32
    %add3A = arith.constant 0 : i32
    %add3A_8 = arith.addi %mul3A_1, %add3A : i32
    "tpu.region"() ({
      %run_scoped3A = tpu.sem_alloc : memref<!tpu.dma_semaphore, #tpu.memory_space<semaphore_mem>>
      %dma_start3A = arith.constant 0 : i32
      %dma_start3A_35 = tpu.memref_slice %arg9[%add3A_8, %dma_start3A] : memref<10112x128xf32, #tpu.memory_space<vmem_shared>> -> memref<128x128xf32, #tpu.memory_space<vmem_shared>>
      %dma_start3A_36 = arith.constant 0 : i32
      %dma_start3A_37 = tpu.memref_slice %arg9[%add3A_8, %dma_start3A_36] : memref<10112x128xf32, #tpu.memory_space<vmem_shared>> -> memref<128x128xf32, #tpu.memory_space<vmem_shared>>
      tpu.enqueue_dma source(%arg10 : memref<128x128xf32, #tpu.memory_space<vmem>>) target(%dma_start3A_37 : memref<128x128xf32, #tpu.memory_space<vmem_shared>>) target_semaphore(%run_scoped3A : memref<!tpu.dma_semaphore, #tpu.memory_space<semaphore_mem>>)
      %dma_wait3A = arith.constant 0 : i32
      %dma_wait3A_38 = tpu.memref_slice %arg9[%add3A_8, %dma_wait3A] : memref<10112x128xf32, #tpu.memory_space<vmem_shared>> -> memref<128x128xf32, #tpu.memory_space<vmem_shared>>
      %dma_wait3A_39 = arith.constant 0 : i32
      %dma_wait3A_40 = tpu.memref_slice %arg9[%add3A_8, %dma_wait3A_39] : memref<10112x128xf32, #tpu.memory_space<vmem_shared>> -> memref<128x128xf32, #tpu.memory_space<vmem_shared>>
      tpu.wait_dma2 semaphore(%run_scoped3A : memref<!tpu.dma_semaphore, #tpu.memory_space<semaphore_mem>>) src(%arg10 : memref<128x128xf32, #tpu.memory_space<vmem>>) dst(%dma_wait3A_40 : memref<128x128xf32, #tpu.memory_space<vmem_shared>>)
      tpu.yield
    }) : () -> ()
    %add3A_9 = arith.constant 128 : i32
    %add3A_10 = arith.addi %mul3A_1, %add3A_9 : i32
    "tpu.region"() ({
      %run_scoped3A = tpu.sem_alloc : memref<!tpu.dma_semaphore, #tpu.memory_space<semaphore_mem>>
      %dma_start3A = arith.constant 0 : i32
      %dma_start3A_35 = tpu.memref_slice %arg9[%add3A_10, %dma_start3A] : memref<10112x128xf32, #tpu.memory_space<vmem_shared>> -> memref<128x128xf32, #tpu.memory_space<vmem_shared>>
      %dma_start3A_36 = arith.constant 0 : i32
      %dma_start3A_37 = tpu.memref_slice %arg9[%add3A_10, %dma_start3A_36] : memref<10112x128xf32, #tpu.memory_space<vmem_shared>> -> memref<128x128xf32, #tpu.memory_space<vmem_shared>>
      tpu.enqueue_dma source(%arg10 : memref<128x128xf32, #tpu.memory_space<vmem>>) target(%dma_start3A_37 : memref<128x128xf32, #tpu.memory_space<vmem_shared>>) target_semaphore(%run_scoped3A : memref<!tpu.dma_semaphore, #tpu.memory_space<semaphore_mem>>)
      %dma_wait3A = arith.constant 0 : i32
      %dma_wait3A_38 = tpu.memref_slice %arg9[%add3A_10, %dma_wait3A] : memref<10112x128xf32, #tpu.memory_space<vmem_shared>> -> memref<128x128xf32, #tpu.memory_space<vmem_shared>>
      %dma_wait3A_39 = arith.constant 0 : i32
      %dma_wait3A_40 = tpu.memref_slice %arg9[%add3A_10, %dma_wait3A_39] : memref<10112x128xf32, #tpu.memory_space<vmem_shared>> -> memref<128x128xf32, #tpu.memory_space<vmem_shared>>
      tpu.wait_dma2 semaphore(%run_scoped3A : memref<!tpu.dma_semaphore, #tpu.memory_space<semaphore_mem>>) src(%arg10 : memref<128x128xf32, #tpu.memory_space<vmem>>) dst(%dma_wait3A_40 : memref<128x128xf32, #tpu.memory_space<vmem_shared>>)
      tpu.yield
    }) : () -> ()
    %add3A_11 = arith.constant 256 : i32
    %add3A_12 = arith.addi %mul3A_1, %add3A_11 : i32
    "tpu.region"() ({
      %run_scoped3A = tpu.sem_alloc : memref<!tpu.dma_semaphore, #tpu.memory_space<semaphore_mem>>
      %dma_start3A = arith.constant 0 : i32
      %dma_start3A_35 = tpu.memref_slice %arg9[%add3A_12, %dma_start3A] : memref<10112x128xf32, #tpu.memory_space<vmem_shared>> -> memref<128x128xf32, #tpu.memory_space<vmem_shared>>
      %dma_start3A_36 = arith.constant 0 : i32
      %dma_start3A_37 = tpu.memref_slice %arg9[%add3A_12, %dma_start3A_36] : memref<10112x128xf32, #tpu.memory_space<vmem_shared>> -> memref<128x128xf32, #tpu.memory_space<vmem_shared>>
      tpu.enqueue_dma source(%arg10 : memref<128x128xf32, #tpu.memory_space<vmem>>) target(%dma_start3A_37 : memref<128x128xf32, #tpu.memory_space<vmem_shared>>) target_semaphore(%run_scoped3A : memref<!tpu.dma_semaphore, #tpu.memory_space<semaphore_mem>>)
      %dma_wait3A = arith.constant 0 : i32
      %dma_wait3A_38 = tpu.memref_slice %arg9[%add3A_12, %dma_wait3A] : memref<10112x128xf32, #tpu.memory_space<vmem_shared>> -> memref<128x128xf32, #tpu.memory_space<vmem_shared>>
      %dma_wait3A_39 = arith.constant 0 : i32
      %dma_wait3A_40 = tpu.memref_slice %arg9[%add3A_12, %dma_wait3A_39] : memref<10112x128xf32, #tpu.memory_space<vmem_shared>> -> memref<128x128xf32, #tpu.memory_space<vmem_shared>>
      tpu.wait_dma2 semaphore(%run_scoped3A : memref<!tpu.dma_semaphore, #tpu.memory_space<semaphore_mem>>) src(%arg10 : memref<128x128xf32, #tpu.memory_space<vmem>>) dst(%dma_wait3A_40 : memref<128x128xf32, #tpu.memory_space<vmem_shared>>)
      tpu.yield
    }) : () -> ()
    %add3A_13 = arith.constant 384 : i32
    %add3A_14 = arith.addi %mul3A_1, %add3A_13 : i32
    "tpu.region"() ({
      %run_scoped3A = tpu.sem_alloc : memref<!tpu.dma_semaphore, #tpu.memory_space<semaphore_mem>>
      %dma_start3A = arith.constant 0 : i32
      %dma_start3A_35 = tpu.memref_slice %arg9[%add3A_14, %dma_start3A] : memref<10112x128xf32, #tpu.memory_space<vmem_shared>> -> memref<128x128xf32, #tpu.memory_space<vmem_shared>>
      %dma_start3A_36 = arith.constant 0 : i32
      %dma_start3A_37 = tpu.memref_slice %arg9[%add3A_14, %dma_start3A_36] : memref<10112x128xf32, #tpu.memory_space<vmem_shared>> -> memref<128x128xf32, #tpu.memory_space<vmem_shared>>
      tpu.enqueue_dma source(%arg10 : memref<128x128xf32, #tpu.memory_space<vmem>>) target(%dma_start3A_37 : memref<128x128xf32, #tpu.memory_space<vmem_shared>>) target_semaphore(%run_scoped3A : memref<!tpu.dma_semaphore, #tpu.memory_space<semaphore_mem>>)
      %dma_wait3A = arith.constant 0 : i32
      %dma_wait3A_38 = tpu.memref_slice %arg9[%add3A_14, %dma_wait3A] : memref<10112x128xf32, #tpu.memory_space<vmem_shared>> -> memref<128x128xf32, #tpu.memory_space<vmem_shared>>
      %dma_wait3A_39 = arith.constant 0 : i32
      %dma_wait3A_40 = tpu.memref_slice %arg9[%add3A_14, %dma_wait3A_39] : memref<10112x128xf32, #tpu.memory_space<vmem_shared>> -> memref<128x128xf32, #tpu.memory_space<vmem_shared>>
      tpu.wait_dma2 semaphore(%run_scoped3A : memref<!tpu.dma_semaphore, #tpu.memory_space<semaphore_mem>>) src(%arg10 : memref<128x128xf32, #tpu.memory_space<vmem>>) dst(%dma_wait3A_40 : memref<128x128xf32, #tpu.memory_space<vmem_shared>>)
      tpu.yield
    }) : () -> ()
    %add3A_15 = arith.constant 512 : i32
    %add3A_16 = arith.addi %mul3A_1, %add3A_15 : i32
    "tpu.region"() ({
      %run_scoped3A = tpu.sem_alloc : memref<!tpu.dma_semaphore, #tpu.memory_space<semaphore_mem>>
      %dma_start3A = arith.constant 0 : i32
      %dma_start3A_35 = arith.constant 0 : i32
      %dma_start3A_36 = tpu.memref_slice %arg10[%dma_start3A, %dma_start3A_35] : memref<128x128xf32, #tpu.memory_space<vmem>> -> memref<120x128xf32, #tpu.memory_space<vmem>>
      %dma_start3A_37 = arith.constant 0 : i32
      %dma_start3A_38 = tpu.memref_slice %arg9[%add3A_16, %dma_start3A_37] : memref<10112x128xf32, #tpu.memory_space<vmem_shared>> -> memref<120x128xf32, #tpu.memory_space<vmem_shared>>
      %dma_start3A_39 = arith.constant 0 : i32
      %dma_start3A_40 = tpu.memref_slice %arg9[%add3A_16, %dma_start3A_39] : memref<10112x128xf32, #tpu.memory_space<vmem_shared>> -> memref<120x128xf32, #tpu.memory_space<vmem_shared>>
      %dma_start3A_41 = arith.constant 0 : i32
      %dma_start3A_42 = arith.constant 0 : i32
      %dma_start3A_43 = tpu.memref_slice %arg10[%dma_start3A_41, %dma_start3A_42] : memref<128x128xf32, #tpu.memory_space<vmem>> -> memref<120x128xf32, #tpu.memory_space<vmem>>
      tpu.enqueue_dma source(%dma_start3A_43 : memref<120x128xf32, #tpu.memory_space<vmem>>) target(%dma_start3A_40 : memref<120x128xf32, #tpu.memory_space<vmem_shared>>) target_semaphore(%run_scoped3A : memref<!tpu.dma_semaphore, #tpu.memory_space<semaphore_mem>>)
      %dma_wait3A = arith.constant 0 : i32
      %dma_wait3A_44 = arith.constant 0 : i32
      %dma_wait3A_45 = tpu.memref_slice %arg10[%dma_wait3A, %dma_wait3A_44] : memref<128x128xf32, #tpu.memory_space<vmem>> -> memref<120x128xf32, #tpu.memory_space<vmem>>
      %dma_wait3A_46 = arith.constant 0 : i32
      %dma_wait3A_47 = tpu.memref_slice %arg9[%add3A_16, %dma_wait3A_46] : memref<10112x128xf32, #tpu.memory_space<vmem_shared>> -> memref<120x128xf32, #tpu.memory_space<vmem_shared>>
      %dma_wait3A_48 = arith.constant 0 : i32
      %dma_wait3A_49 = tpu.memref_slice %arg9[%add3A_16, %dma_wait3A_48] : memref<10112x128xf32, #tpu.memory_space<vmem_shared>> -> memref<120x128xf32, #tpu.memory_space<vmem_shared>>
      %dma_wait3A_50 = arith.constant 0 : i32
      %dma_wait3A_51 = arith.constant 0 : i32
      %dma_wait3A_52 = tpu.memref_slice %arg10[%dma_wait3A_50, %dma_wait3A_51] : memref<128x128xf32, #tpu.memory_space<vmem>> -> memref<120x128xf32, #tpu.memory_space<vmem>>
      tpu.wait_dma2 semaphore(%run_scoped3A : memref<!tpu.dma_semaphore, #tpu.memory_space<semaphore_mem>>) src(%dma_wait3A_52 : memref<120x128xf32, #tpu.memory_space<vmem>>) dst(%dma_wait3A_49 : memref<120x128xf32, #tpu.memory_space<vmem_shared>>)
      tpu.yield
    }) : () -> ()
    "tpu.region"() ({
      %run_scoped3A = tpu.sem_alloc : memref<!tpu.dma_semaphore, #tpu.memory_space<semaphore_mem>>
      %dma_start3A = tpu.memref_slice %arg4[%mul3A_3] : memref<1536xi32, #tpu.memory_space<hbm>> -> memref<96xi32, #tpu.memory_space<hbm>>
      %dma_start3A_35 = tpu.memref_slice %arg4[%mul3A_3] : memref<1536xi32, #tpu.memory_space<hbm>> -> memref<96xi32, #tpu.memory_space<hbm>>
      tpu.enqueue_dma source(%dma_start3A_35 : memref<96xi32, #tpu.memory_space<hbm>>) target(%arg18 : memref<96xi32, #tpu.memory_space<vmem>>) target_semaphore(%run_scoped3A : memref<!tpu.dma_semaphore, #tpu.memory_space<semaphore_mem>>)
      %dma_wait3A = tpu.memref_slice %arg4[%mul3A_3] : memref<1536xi32, #tpu.memory_space<hbm>> -> memref<96xi32, #tpu.memory_space<hbm>>
      %dma_wait3A_36 = tpu.memref_slice %arg4[%mul3A_3] : memref<1536xi32, #tpu.memory_space<hbm>> -> memref<96xi32, #tpu.memory_space<hbm>>
      tpu.wait_dma2 semaphore(%run_scoped3A : memref<!tpu.dma_semaphore, #tpu.memory_space<semaphore_mem>>) src(%dma_wait3A_36 : memref<96xi32, #tpu.memory_space<hbm>>) dst(%arg18 : memref<96xi32, #tpu.memory_space<vmem>>)
      tpu.yield
    }) : () -> ()
    %barrier3A = arith.constant 0 : index
    tpu.barrier barrier_id(%barrier3A)
    %eq3A = arith.constant 0 : i32
    %eq3A_17 = arith.cmpi eq, %arg0, %eq3A : i32
    %convert_element_type3A = arith.extui %eq3A_17 : i1 to i32
    %cond3A = arith.constant 0 : i32
    %cond3A_18 = arith.cmpi ne, %convert_element_type3A, %cond3A : i32
    scf.if %cond3A_18 {
      %mul3A_35 = arith.constant 20000 : i32
      %mul3A_36 = arith.muli %arg1, %mul3A_35 : i32
      %scan3A_37 = arith.constant 0 : i32
      %scan3A_38 = arith.constant 156 : i32
      %scan3A_39 = arith.addi %scan3A_37, %scan3A_38 : i32
      %scan3A_40 = arith.constant 1 : i32
      scf.for %scan3A_48 = %scan3A_37 to %scan3A_39 step %scan3A_40  : i32 {
        %mul3A_49 = arith.constant 1 : i32
        %mul3A_50 = arith.muli %scan3A_48, %mul3A_49 : i32
        %add3A_51 = arith.constant 0 : i32
        %add3A_52 = arith.addi %add3A_51, %mul3A_50 : i32
        %mul3A_53 = arith.constant 128 : i32
        %mul3A_54 = arith.muli %add3A_52, %mul3A_53 : i32
        %add3A_55 = arith.addi %mul3A_36, %mul3A_54 : i32
        "tpu.region"() ({
          %run_scoped3A = tpu.sem_alloc : memref<!tpu.dma_semaphore, #tpu.memory_space<semaphore_mem>>
          %dma_start3A_62 = tpu.memref_slice %arg5[%add3A_55] : memref<320000xi32, #tpu.memory_space<hbm>> -> memref<128xi32, #tpu.memory_space<hbm>>
          %dma_start3A_63 = tpu.memref_slice %arg5[%add3A_55] : memref<320000xi32, #tpu.memory_space<hbm>> -> memref<128xi32, #tpu.memory_space<hbm>>
          tpu.enqueue_dma source(%dma_start3A_63 : memref<128xi32, #tpu.memory_space<hbm>>) target(%arg11 : memref<128xi32, #tpu.memory_space<vmem>>) target_semaphore(%run_scoped3A : memref<!tpu.dma_semaphore, #tpu.memory_space<semaphore_mem>>)
          %dma_wait3A_64 = tpu.memref_slice %arg5[%add3A_55] : memref<320000xi32, #tpu.memory_space<hbm>> -> memref<128xi32, #tpu.memory_space<hbm>>
          %dma_wait3A_65 = tpu.memref_slice %arg5[%add3A_55] : memref<320000xi32, #tpu.memory_space<hbm>> -> memref<128xi32, #tpu.memory_space<hbm>>
          tpu.wait_dma2 semaphore(%run_scoped3A : memref<!tpu.dma_semaphore, #tpu.memory_space<semaphore_mem>>) src(%dma_wait3A_65 : memref<128xi32, #tpu.memory_space<hbm>>) dst(%arg11 : memref<128xi32, #tpu.memory_space<vmem>>)
          tpu.yield
        }) : () -> ()
        "tpu.region"() ({
          %run_scoped3A = tpu.sem_alloc : memref<!tpu.dma_semaphore, #tpu.memory_space<semaphore_mem>>
          %dma_start3A_62 = tpu.memref_slice %arg6[%add3A_55] : memref<320000xi32, #tpu.memory_space<hbm>> -> memref<128xi32, #tpu.memory_space<hbm>>
          %dma_start3A_63 = tpu.memref_slice %arg6[%add3A_55] : memref<320000xi32, #tpu.memory_space<hbm>> -> memref<128xi32, #tpu.memory_space<hbm>>
          tpu.enqueue_dma source(%dma_start3A_63 : memref<128xi32, #tpu.memory_space<hbm>>) target(%arg12 : memref<128xi32, #tpu.memory_space<vmem>>) target_semaphore(%run_scoped3A : memref<!tpu.dma_semaphore, #tpu.memory_space<semaphore_mem>>)
          %dma_wait3A_64 = tpu.memref_slice %arg6[%add3A_55] : memref<320000xi32, #tpu.memory_space<hbm>> -> memref<128xi32, #tpu.memory_space<hbm>>
          %dma_wait3A_65 = tpu.memref_slice %arg6[%add3A_55] : memref<320000xi32, #tpu.memory_space<hbm>> -> memref<128xi32, #tpu.memory_space<hbm>>
          tpu.wait_dma2 semaphore(%run_scoped3A : memref<!tpu.dma_semaphore, #tpu.memory_space<semaphore_mem>>) src(%dma_wait3A_65 : memref<128xi32, #tpu.memory_space<hbm>>) dst(%arg12 : memref<128xi32, #tpu.memory_space<vmem>>)
          tpu.yield
        }) : () -> ()
        %dma_start3A_56 = arith.constant 0 : i32
        %dma_start3A_57 = arith.constant 0 : i32
        %dma_start3A_58 = tpu.memref_slice %arg2[%dma_start3A_56, %dma_start3A_57] : memref<10112x128xf32, #tpu.memory_space<hbm>> -> memref<10112x128xf32, #tpu.memory_space<hbm>>
        tpu.enqueue_indirect_dma source(%dma_start3A_58 : memref<10112x128xf32, #tpu.memory_space<hbm>>) target(%arg13 : memref<128x128xf32, #tpu.memory_space<vmem>>) offsets(%arg11 : memref<128xi32, #tpu.memory_space<vmem>>) semaphore(%arg19 : memref<!tpu.dma_semaphore, #tpu.memory_space<semaphore_mem>>)
        %dma_wait3A_59 = arith.constant 0 : i32
        %dma_wait3A_60 = arith.constant 0 : i32
        %dma_wait3A_61 = tpu.memref_slice %arg2[%dma_wait3A_59, %dma_wait3A_60] : memref<10112x128xf32, #tpu.memory_space<hbm>> -> memref<10112x128xf32, #tpu.memory_space<hbm>>
        tpu.wait_indirect_dma semaphore(%arg19 : memref<!tpu.dma_semaphore, #tpu.memory_space<semaphore_mem>>) src(%dma_wait3A_61 : memref<10112x128xf32, #tpu.memory_space<hbm>>) dst(%arg13 : memref<128x128xf32, #tpu.memory_space<vmem>>)
        "tpu.region"() ({
          %run_scoped3A = tpu.sem_alloc : memref<!tpu.dma_semaphore, #tpu.memory_space<semaphore_mem>>
          %dma_start3A_62 = arith.constant 0 : i32
          %dma_start3A_63 = arith.constant 0 : i32
          %dma_start3A_64 = tpu.memref_slice %arg9[%dma_start3A_62, %dma_start3A_63] : memref<10112x128xf32, #tpu.memory_space<vmem_shared>> -> memref<10112x128xf32, #tpu.memory_space<vmem_shared>>
          tpu.enqueue_indirect_dma source(%arg13 : memref<128x128xf32, #tpu.memory_space<vmem>>) target(%dma_start3A_64 : memref<10112x128xf32, #tpu.memory_space<vmem_shared>>) offsets(%arg12 : memref<128xi32, #tpu.memory_space<vmem>>) semaphore(%run_scoped3A : memref<!tpu.dma_semaphore, #tpu.memory_space<semaphore_mem>>) {add = true}
          %dma_wait3A_65 = arith.constant 0 : i32
          %dma_wait3A_66 = arith.constant 0 : i32
          %dma_wait3A_67 = tpu.memref_slice %arg9[%dma_wait3A_65, %dma_wait3A_66] : memref<10112x128xf32, #tpu.memory_space<vmem_shared>> -> memref<10112x128xf32, #tpu.memory_space<vmem_shared>>
          tpu.wait_indirect_dma semaphore(%run_scoped3A : memref<!tpu.dma_semaphore, #tpu.memory_space<semaphore_mem>>) src(%arg13 : memref<128x128xf32, #tpu.memory_space<vmem>>) dst(%dma_wait3A_67 : memref<10112x128xf32, #tpu.memory_space<vmem_shared>>)
          tpu.yield
        }) : () -> ()
      }
      %scan3A_41 = arith.constant 156 : i32
      %add3A_42 = arith.constant 19968 : i32
      %add3A_43 = arith.addi %mul3A_36, %add3A_42 : i32
      "tpu.region"() ({
        %run_scoped3A = tpu.sem_alloc : memref<!tpu.dma_semaphore, #tpu.memory_space<semaphore_mem>>
        %dma_start3A_48 = tpu.memref_slice %arg5[%add3A_43] : memref<320000xi32, #tpu.memory_space<hbm>> -> memref<32xi32, #tpu.memory_space<hbm>>
        %dma_start3A_49 = tpu.memref_slice %arg5[%add3A_43] : memref<320000xi32, #tpu.memory_space<hbm>> -> memref<32xi32, #tpu.memory_space<hbm>>
        tpu.enqueue_dma source(%dma_start3A_49 : memref<32xi32, #tpu.memory_space<hbm>>) target(%arg14 : memref<32xi32, #tpu.memory_space<vmem>>) target_semaphore(%run_scoped3A : memref<!tpu.dma_semaphore, #tpu.memory_space<semaphore_mem>>)
        %dma_wait3A_50 = tpu.memref_slice %arg5[%add3A_43] : memref<320000xi32, #tpu.memory_space<hbm>> -> memref<32xi32, #tpu.memory_space<hbm>>
        %dma_wait3A_51 = tpu.memref_slice %arg5[%add3A_43] : memref<320000xi32, #tpu.memory_space<hbm>> -> memref<32xi32, #tpu.memory_space<hbm>>
        tpu.wait_dma2 semaphore(%run_scoped3A : memref<!tpu.dma_semaphore, #tpu.memory_space<semaphore_mem>>) src(%dma_wait3A_51 : memref<32xi32, #tpu.memory_space<hbm>>) dst(%arg14 : memref<32xi32, #tpu.memory_space<vmem>>)
        tpu.yield
      }) : () -> ()
      "tpu.region"() ({
        %run_scoped3A = tpu.sem_alloc : memref<!tpu.dma_semaphore, #tpu.memory_space<semaphore_mem>>
        %dma_start3A_48 = tpu.memref_slice %arg6[%add3A_43] : memref<320000xi32, #tpu.memory_space<hbm>> -> memref<32xi32, #tpu.memory_space<hbm>>
        %dma_start3A_49 = tpu.memref_slice %arg6[%add3A_43] : memref<320000xi32, #tpu.memory_space<hbm>> -> memref<32xi32, #tpu.memory_space<hbm>>
        tpu.enqueue_dma source(%dma_start3A_49 : memref<32xi32, #tpu.memory_space<hbm>>) target(%arg15 : memref<32xi32, #tpu.memory_space<vmem>>) target_semaphore(%run_scoped3A : memref<!tpu.dma_semaphore, #tpu.memory_space<semaphore_mem>>)
        %dma_wait3A_50 = tpu.memref_slice %arg6[%add3A_43] : memref<320000xi32, #tpu.memory_space<hbm>> -> memref<32xi32, #tpu.memory_space<hbm>>
        %dma_wait3A_51 = tpu.memref_slice %arg6[%add3A_43] : memref<320000xi32, #tpu.memory_space<hbm>> -> memref<32xi32, #tpu.memory_space<hbm>>
        tpu.wait_dma2 semaphore(%run_scoped3A : memref<!tpu.dma_semaphore, #tpu.memory_space<semaphore_mem>>) src(%dma_wait3A_51 : memref<32xi32, #tpu.memory_space<hbm>>) dst(%arg15 : memref<32xi32, #tpu.memory_space<vmem>>)
        tpu.yield
      }) : () -> ()
      %dma_start3A = arith.constant 0 : i32
      %dma_start3A_44 = arith.constant 0 : i32
      %dma_start3A_45 = tpu.memref_slice %arg2[%dma_start3A, %dma_start3A_44] : memref<10112x128xf32, #tpu.memory_space<hbm>> -> memref<10112x128xf32, #tpu.memory_space<hbm>>
      tpu.enqueue_indirect_dma source(%dma_start3A_45 : memref<10112x128xf32, #tpu.memory_space<hbm>>) target(%arg16 : memref<32x128xf32, #tpu.memory_space<vmem>>) offsets(%arg14 : memref<32xi32, #tpu.memory_space<vmem>>) semaphore(%arg19 : memref<!tpu.dma_semaphore, #tpu.memory_space<semaphore_mem>>)
      %dma_wait3A = arith.constant 0 : i32
      %dma_wait3A_46 = arith.constant 0 : i32
      %dma_wait3A_47 = tpu.memref_slice %arg2[%dma_wait3A, %dma_wait3A_46] : memref<10112x128xf32, #tpu.memory_space<hbm>> -> memref<10112x128xf32, #tpu.memory_space<hbm>>
      tpu.wait_indirect_dma semaphore(%arg19 : memref<!tpu.dma_semaphore, #tpu.memory_space<semaphore_mem>>) src(%dma_wait3A_47 : memref<10112x128xf32, #tpu.memory_space<hbm>>) dst(%arg16 : memref<32x128xf32, #tpu.memory_space<vmem>>)
      "tpu.region"() ({
        %run_scoped3A = tpu.sem_alloc : memref<!tpu.dma_semaphore, #tpu.memory_space<semaphore_mem>>
        %dma_start3A_48 = arith.constant 0 : i32
        %dma_start3A_49 = arith.constant 0 : i32
        %dma_start3A_50 = tpu.memref_slice %arg9[%dma_start3A_48, %dma_start3A_49] : memref<10112x128xf32, #tpu.memory_space<vmem_shared>> -> memref<10112x128xf32, #tpu.memory_space<vmem_shared>>
        tpu.enqueue_indirect_dma source(%arg16 : memref<32x128xf32, #tpu.memory_space<vmem>>) target(%dma_start3A_50 : memref<10112x128xf32, #tpu.memory_space<vmem_shared>>) offsets(%arg15 : memref<32xi32, #tpu.memory_space<vmem>>) semaphore(%run_scoped3A : memref<!tpu.dma_semaphore, #tpu.memory_space<semaphore_mem>>) {add = true}
        %dma_wait3A_51 = arith.constant 0 : i32
        %dma_wait3A_52 = arith.constant 0 : i32
        %dma_wait3A_53 = tpu.memref_slice %arg9[%dma_wait3A_51, %dma_wait3A_52] : memref<10112x128xf32, #tpu.memory_space<vmem_shared>> -> memref<10112x128xf32, #tpu.memory_space<vmem_shared>>
        tpu.wait_indirect_dma semaphore(%run_scoped3A : memref<!tpu.dma_semaphore, #tpu.memory_space<semaphore_mem>>) src(%arg16 : memref<32x128xf32, #tpu.memory_space<vmem>>) dst(%dma_wait3A_53 : memref<10112x128xf32, #tpu.memory_space<vmem_shared>>)
        tpu.yield
      }) : () -> ()
    } else {
    }
    %eq3A_19 = arith.constant 1 : i32
    %eq3A_20 = arith.cmpi eq, %arg0, %eq3A_19 : i32
    %convert_element_type3A_21 = arith.extui %eq3A_20 : i1 to i32
    %cond3A_22 = arith.constant 0 : i32
    %cond3A_23 = arith.cmpi ne, %convert_element_type3A_21, %cond3A_22 : i32
    scf.if %cond3A_23 {
      %mul3A_35 = arith.constant 20000 : i32
      %mul3A_36 = arith.muli %arg1, %mul3A_35 : i32
      %scan3A_37 = arith.constant 0 : i32
      %scan3A_38 = arith.constant 156 : i32
      %scan3A_39 = arith.addi %scan3A_37, %scan3A_38 : i32
      %scan3A_40 = arith.constant 1 : i32
      scf.for %scan3A_48 = %scan3A_37 to %scan3A_39 step %scan3A_40  : i32 {
        %mul3A_49 = arith.constant 1 : i32
        %mul3A_50 = arith.muli %scan3A_48, %mul3A_49 : i32
        %add3A_51 = arith.constant 0 : i32
        %add3A_52 = arith.addi %add3A_51, %mul3A_50 : i32
        %mul3A_53 = arith.constant 128 : i32
        %mul3A_54 = arith.muli %add3A_52, %mul3A_53 : i32
        %add3A_55 = arith.addi %mul3A_36, %mul3A_54 : i32
        "tpu.region"() ({
          %run_scoped3A = tpu.sem_alloc : memref<!tpu.dma_semaphore, #tpu.memory_space<semaphore_mem>>
          %dma_start3A_62 = tpu.memref_slice %arg5[%add3A_55] : memref<320000xi32, #tpu.memory_space<hbm>> -> memref<128xi32, #tpu.memory_space<hbm>>
          %dma_start3A_63 = tpu.memref_slice %arg5[%add3A_55] : memref<320000xi32, #tpu.memory_space<hbm>> -> memref<128xi32, #tpu.memory_space<hbm>>
          tpu.enqueue_dma source(%dma_start3A_63 : memref<128xi32, #tpu.memory_space<hbm>>) target(%arg11 : memref<128xi32, #tpu.memory_space<vmem>>) target_semaphore(%run_scoped3A : memref<!tpu.dma_semaphore, #tpu.memory_space<semaphore_mem>>)
          %dma_wait3A_64 = tpu.memref_slice %arg5[%add3A_55] : memref<320000xi32, #tpu.memory_space<hbm>> -> memref<128xi32, #tpu.memory_space<hbm>>
          %dma_wait3A_65 = tpu.memref_slice %arg5[%add3A_55] : memref<320000xi32, #tpu.memory_space<hbm>> -> memref<128xi32, #tpu.memory_space<hbm>>
          tpu.wait_dma2 semaphore(%run_scoped3A : memref<!tpu.dma_semaphore, #tpu.memory_space<semaphore_mem>>) src(%dma_wait3A_65 : memref<128xi32, #tpu.memory_space<hbm>>) dst(%arg11 : memref<128xi32, #tpu.memory_space<vmem>>)
          tpu.yield
        }) : () -> ()
        "tpu.region"() ({
          %run_scoped3A = tpu.sem_alloc : memref<!tpu.dma_semaphore, #tpu.memory_space<semaphore_mem>>
          %dma_start3A_62 = tpu.memref_slice %arg6[%add3A_55] : memref<320000xi32, #tpu.memory_space<hbm>> -> memref<128xi32, #tpu.memory_space<hbm>>
          %dma_start3A_63 = tpu.memref_slice %arg6[%add3A_55] : memref<320000xi32, #tpu.memory_space<hbm>> -> memref<128xi32, #tpu.memory_space<hbm>>
          tpu.enqueue_dma source(%dma_start3A_63 : memref<128xi32, #tpu.memory_space<hbm>>) target(%arg12 : memref<128xi32, #tpu.memory_space<vmem>>) target_semaphore(%run_scoped3A : memref<!tpu.dma_semaphore, #tpu.memory_space<semaphore_mem>>)
          %dma_wait3A_64 = tpu.memref_slice %arg6[%add3A_55] : memref<320000xi32, #tpu.memory_space<hbm>> -> memref<128xi32, #tpu.memory_space<hbm>>
          %dma_wait3A_65 = tpu.memref_slice %arg6[%add3A_55] : memref<320000xi32, #tpu.memory_space<hbm>> -> memref<128xi32, #tpu.memory_space<hbm>>
          tpu.wait_dma2 semaphore(%run_scoped3A : memref<!tpu.dma_semaphore, #tpu.memory_space<semaphore_mem>>) src(%dma_wait3A_65 : memref<128xi32, #tpu.memory_space<hbm>>) dst(%arg12 : memref<128xi32, #tpu.memory_space<vmem>>)
          tpu.yield
        }) : () -> ()
        %dma_start3A_56 = arith.constant 0 : i32
        %dma_start3A_57 = arith.constant 0 : i32
        %dma_start3A_58 = tpu.memref_slice %arg3[%dma_start3A_56, %dma_start3A_57] : memref<10112x128xf32, #tpu.memory_space<hbm>> -> memref<10112x128xf32, #tpu.memory_space<hbm>>
        tpu.enqueue_indirect_dma source(%dma_start3A_58 : memref<10112x128xf32, #tpu.memory_space<hbm>>) target(%arg13 : memref<128x128xf32, #tpu.memory_space<vmem>>) offsets(%arg11 : memref<128xi32, #tpu.memory_space<vmem>>) semaphore(%arg19 : memref<!tpu.dma_semaphore, #tpu.memory_space<semaphore_mem>>)
        %dma_wait3A_59 = arith.constant 0 : i32
        %dma_wait3A_60 = arith.constant 0 : i32
        %dma_wait3A_61 = tpu.memref_slice %arg3[%dma_wait3A_59, %dma_wait3A_60] : memref<10112x128xf32, #tpu.memory_space<hbm>> -> memref<10112x128xf32, #tpu.memory_space<hbm>>
        tpu.wait_indirect_dma semaphore(%arg19 : memref<!tpu.dma_semaphore, #tpu.memory_space<semaphore_mem>>) src(%dma_wait3A_61 : memref<10112x128xf32, #tpu.memory_space<hbm>>) dst(%arg13 : memref<128x128xf32, #tpu.memory_space<vmem>>)
        "tpu.region"() ({
          %run_scoped3A = tpu.sem_alloc : memref<!tpu.dma_semaphore, #tpu.memory_space<semaphore_mem>>
          %dma_start3A_62 = arith.constant 0 : i32
          %dma_start3A_63 = arith.constant 0 : i32
          %dma_start3A_64 = tpu.memref_slice %arg9[%dma_start3A_62, %dma_start3A_63] : memref<10112x128xf32, #tpu.memory_space<vmem_shared>> -> memref<10112x128xf32, #tpu.memory_space<vmem_shared>>
          tpu.enqueue_indirect_dma source(%arg13 : memref<128x128xf32, #tpu.memory_space<vmem>>) target(%dma_start3A_64 : memref<10112x128xf32, #tpu.memory_space<vmem_shared>>) offsets(%arg12 : memref<128xi32, #tpu.memory_space<vmem>>) semaphore(%run_scoped3A : memref<!tpu.dma_semaphore, #tpu.memory_space<semaphore_mem>>) {add = true}
          %dma_wait3A_65 = arith.constant 0 : i32
          %dma_wait3A_66 = arith.constant 0 : i32
          %dma_wait3A_67 = tpu.memref_slice %arg9[%dma_wait3A_65, %dma_wait3A_66] : memref<10112x128xf32, #tpu.memory_space<vmem_shared>> -> memref<10112x128xf32, #tpu.memory_space<vmem_shared>>
          tpu.wait_indirect_dma semaphore(%run_scoped3A : memref<!tpu.dma_semaphore, #tpu.memory_space<semaphore_mem>>) src(%arg13 : memref<128x128xf32, #tpu.memory_space<vmem>>) dst(%dma_wait3A_67 : memref<10112x128xf32, #tpu.memory_space<vmem_shared>>)
          tpu.yield
        }) : () -> ()
      }
      %scan3A_41 = arith.constant 156 : i32
      %add3A_42 = arith.constant 19968 : i32
      %add3A_43 = arith.addi %mul3A_36, %add3A_42 : i32
      "tpu.region"() ({
        %run_scoped3A = tpu.sem_alloc : memref<!tpu.dma_semaphore, #tpu.memory_space<semaphore_mem>>
        %dma_start3A_48 = tpu.memref_slice %arg5[%add3A_43] : memref<320000xi32, #tpu.memory_space<hbm>> -> memref<32xi32, #tpu.memory_space<hbm>>
        %dma_start3A_49 = tpu.memref_slice %arg5[%add3A_43] : memref<320000xi32, #tpu.memory_space<hbm>> -> memref<32xi32, #tpu.memory_space<hbm>>
        tpu.enqueue_dma source(%dma_start3A_49 : memref<32xi32, #tpu.memory_space<hbm>>) target(%arg14 : memref<32xi32, #tpu.memory_space<vmem>>) target_semaphore(%run_scoped3A : memref<!tpu.dma_semaphore, #tpu.memory_space<semaphore_mem>>)
        %dma_wait3A_50 = tpu.memref_slice %arg5[%add3A_43] : memref<320000xi32, #tpu.memory_space<hbm>> -> memref<32xi32, #tpu.memory_space<hbm>>
        %dma_wait3A_51 = tpu.memref_slice %arg5[%add3A_43] : memref<320000xi32, #tpu.memory_space<hbm>> -> memref<32xi32, #tpu.memory_space<hbm>>
        tpu.wait_dma2 semaphore(%run_scoped3A : memref<!tpu.dma_semaphore, #tpu.memory_space<semaphore_mem>>) src(%dma_wait3A_51 : memref<32xi32, #tpu.memory_space<hbm>>) dst(%arg14 : memref<32xi32, #tpu.memory_space<vmem>>)
        tpu.yield
      }) : () -> ()
      "tpu.region"() ({
        %run_scoped3A = tpu.sem_alloc : memref<!tpu.dma_semaphore, #tpu.memory_space<semaphore_mem>>
        %dma_start3A_48 = tpu.memref_slice %arg6[%add3A_43] : memref<320000xi32, #tpu.memory_space<hbm>> -> memref<32xi32, #tpu.memory_space<hbm>>
        %dma_start3A_49 = tpu.memref_slice %arg6[%add3A_43] : memref<320000xi32, #tpu.memory_space<hbm>> -> memref<32xi32, #tpu.memory_space<hbm>>
        tpu.enqueue_dma source(%dma_start3A_49 : memref<32xi32, #tpu.memory_space<hbm>>) target(%arg15 : memref<32xi32, #tpu.memory_space<vmem>>) target_semaphore(%run_scoped3A : memref<!tpu.dma_semaphore, #tpu.memory_space<semaphore_mem>>)
        %dma_wait3A_50 = tpu.memref_slice %arg6[%add3A_43] : memref<320000xi32, #tpu.memory_space<hbm>> -> memref<32xi32, #tpu.memory_space<hbm>>
        %dma_wait3A_51 = tpu.memref_slice %arg6[%add3A_43] : memref<320000xi32, #tpu.memory_space<hbm>> -> memref<32xi32, #tpu.memory_space<hbm>>
        tpu.wait_dma2 semaphore(%run_scoped3A : memref<!tpu.dma_semaphore, #tpu.memory_space<semaphore_mem>>) src(%dma_wait3A_51 : memref<32xi32, #tpu.memory_space<hbm>>) dst(%arg15 : memref<32xi32, #tpu.memory_space<vmem>>)
        tpu.yield
      }) : () -> ()
      %dma_start3A = arith.constant 0 : i32
      %dma_start3A_44 = arith.constant 0 : i32
      %dma_start3A_45 = tpu.memref_slice %arg3[%dma_start3A, %dma_start3A_44] : memref<10112x128xf32, #tpu.memory_space<hbm>> -> memref<10112x128xf32, #tpu.memory_space<hbm>>
      tpu.enqueue_indirect_dma source(%dma_start3A_45 : memref<10112x128xf32, #tpu.memory_space<hbm>>) target(%arg16 : memref<32x128xf32, #tpu.memory_space<vmem>>) offsets(%arg14 : memref<32xi32, #tpu.memory_space<vmem>>) semaphore(%arg19 : memref<!tpu.dma_semaphore, #tpu.memory_space<semaphore_mem>>)
      %dma_wait3A = arith.constant 0 : i32
      %dma_wait3A_46 = arith.constant 0 : i32
      %dma_wait3A_47 = tpu.memref_slice %arg3[%dma_wait3A, %dma_wait3A_46] : memref<10112x128xf32, #tpu.memory_space<hbm>> -> memref<10112x128xf32, #tpu.memory_space<hbm>>
      tpu.wait_indirect_dma semaphore(%arg19 : memref<!tpu.dma_semaphore, #tpu.memory_space<semaphore_mem>>) src(%dma_wait3A_47 : memref<10112x128xf32, #tpu.memory_space<hbm>>) dst(%arg16 : memref<32x128xf32, #tpu.memory_space<vmem>>)
      "tpu.region"() ({
        %run_scoped3A = tpu.sem_alloc : memref<!tpu.dma_semaphore, #tpu.memory_space<semaphore_mem>>
        %dma_start3A_48 = arith.constant 0 : i32
        %dma_start3A_49 = arith.constant 0 : i32
        %dma_start3A_50 = tpu.memref_slice %arg9[%dma_start3A_48, %dma_start3A_49] : memref<10112x128xf32, #tpu.memory_space<vmem_shared>> -> memref<10112x128xf32, #tpu.memory_space<vmem_shared>>
        tpu.enqueue_indirect_dma source(%arg16 : memref<32x128xf32, #tpu.memory_space<vmem>>) target(%dma_start3A_50 : memref<10112x128xf32, #tpu.memory_space<vmem_shared>>) offsets(%arg15 : memref<32xi32, #tpu.memory_space<vmem>>) semaphore(%run_scoped3A : memref<!tpu.dma_semaphore, #tpu.memory_space<semaphore_mem>>) {add = true}
        %dma_wait3A_51 = arith.constant 0 : i32
        %dma_wait3A_52 = arith.constant 0 : i32
        %dma_wait3A_53 = tpu.memref_slice %arg9[%dma_wait3A_51, %dma_wait3A_52] : memref<10112x128xf32, #tpu.memory_space<vmem_shared>> -> memref<10112x128xf32, #tpu.memory_space<vmem_shared>>
        tpu.wait_indirect_dma semaphore(%run_scoped3A : memref<!tpu.dma_semaphore, #tpu.memory_space<semaphore_mem>>) src(%arg16 : memref<32x128xf32, #tpu.memory_space<vmem>>) dst(%dma_wait3A_53 : memref<10112x128xf32, #tpu.memory_space<vmem_shared>>)
        tpu.yield
      }) : () -> ()
    } else {
    }
    %barrier3A_24 = arith.constant 0 : index
    tpu.barrier barrier_id(%barrier3A_24)
    %eq3A_25 = arith.constant 0 : i32
    %eq3A_26 = arith.cmpi eq, %arg0, %eq3A_25 : i32
    %convert_element_type3A_27 = arith.extui %eq3A_26 : i1 to i32
    %cond3A_28 = arith.constant 0 : i32
    %cond3A_29 = arith.cmpi ne, %convert_element_type3A_27, %cond3A_28 : i32
    scf.if %cond3A_29 {
      "tpu.region"() ({
        %run_scoped3A = tpu.sem_alloc : memref<!tpu.dma_semaphore, #tpu.memory_space<semaphore_mem>>
        %dma_start3A = arith.constant 0 : i32
        %dma_start3A_35 = tpu.memref_slice %arg7[%mul3A_1, %dma_start3A] : memref<10112x128xf32, #tpu.memory_space<hbm>> -> memref<632x128xf32, #tpu.memory_space<hbm>>
        %dma_start3A_36 = arith.constant 0 : i32
        %dma_start3A_37 = tpu.memref_slice %arg9[%mul3A_1, %dma_start3A_36] : memref<10112x128xf32, #tpu.memory_space<vmem_shared>> -> memref<632x128xf32, #tpu.memory_space<vmem_shared>>
        tpu.enqueue_dma source(%dma_start3A_37 : memref<632x128xf32, #tpu.memory_space<vmem_shared>>) target(%dma_start3A_35 : memref<632x128xf32, #tpu.memory_space<hbm>>) target_semaphore(%run_scoped3A : memref<!tpu.dma_semaphore, #tpu.memory_space<semaphore_mem>>)
        %dma_wait3A = arith.constant 0 : i32
        %dma_wait3A_38 = tpu.memref_slice %arg7[%mul3A_1, %dma_wait3A] : memref<10112x128xf32, #tpu.memory_space<hbm>> -> memref<632x128xf32, #tpu.memory_space<hbm>>
        %dma_wait3A_39 = arith.constant 0 : i32
        %dma_wait3A_40 = tpu.memref_slice %arg9[%mul3A_1, %dma_wait3A_39] : memref<10112x128xf32, #tpu.memory_space<vmem_shared>> -> memref<632x128xf32, #tpu.memory_space<vmem_shared>>
        tpu.wait_dma2 semaphore(%run_scoped3A : memref<!tpu.dma_semaphore, #tpu.memory_space<semaphore_mem>>) src(%dma_wait3A_40 : memref<632x128xf32, #tpu.memory_space<vmem_shared>>) dst(%dma_wait3A_38 : memref<632x128xf32, #tpu.memory_space<hbm>>)
        tpu.yield
      }) : () -> ()
    } else {
    }
    %eq3A_30 = arith.constant 1 : i32
    %eq3A_31 = arith.cmpi eq, %arg0, %eq3A_30 : i32
    %convert_element_type3A_32 = arith.extui %eq3A_31 : i1 to i32
    %cond3A_33 = arith.constant 0 : i32
    %cond3A_34 = arith.cmpi ne, %convert_element_type3A_32, %cond3A_33 : i32
    scf.if %cond3A_34 {
      "tpu.region"() ({
        %run_scoped3A = tpu.sem_alloc : memref<!tpu.dma_semaphore, #tpu.memory_space<semaphore_mem>>
        %dma_start3A = arith.constant 0 : i32
        %dma_start3A_35 = arith.constant 0 : i32
        %dma_start3A_36 = tpu.memref_slice %arg9[%dma_start3A, %dma_start3A_35] : memref<10112x128xf32, #tpu.memory_space<vmem_shared>> -> memref<10112x128xf32, #tpu.memory_space<vmem_shared>>
        tpu.enqueue_indirect_dma source(%dma_start3A_36 : memref<10112x128xf32, #tpu.memory_space<vmem_shared>>) target(%arg17 : memref<96x128xf32, #tpu.memory_space<vmem>>) offsets(%arg18 : memref<96xi32, #tpu.memory_space<vmem>>) semaphore(%run_scoped3A : memref<!tpu.dma_semaphore, #tpu.memory_space<semaphore_mem>>)
        %dma_wait3A = arith.constant 0 : i32
        %dma_wait3A_37 = arith.constant 0 : i32
        %dma_wait3A_38 = tpu.memref_slice %arg9[%dma_wait3A, %dma_wait3A_37] : memref<10112x128xf32, #tpu.memory_space<vmem_shared>> -> memref<10112x128xf32, #tpu.memory_space<vmem_shared>>
        tpu.wait_indirect_dma semaphore(%run_scoped3A : memref<!tpu.dma_semaphore, #tpu.memory_space<semaphore_mem>>) src(%dma_wait3A_38 : memref<10112x128xf32, #tpu.memory_space<vmem_shared>>) dst(%arg17 : memref<96x128xf32, #tpu.memory_space<vmem>>)
        tpu.yield
      }) : () -> ()
      "tpu.region"() ({
        %run_scoped3A = tpu.sem_alloc : memref<!tpu.dma_semaphore, #tpu.memory_space<semaphore_mem>>
        %dma_start3A = arith.constant 0 : i32
        %dma_start3A_35 = tpu.memref_slice %arg8[%mul3A_3, %dma_start3A] : memref<1536x128xf32, #tpu.memory_space<hbm>> -> memref<96x128xf32, #tpu.memory_space<hbm>>
        %dma_start3A_36 = arith.constant 0 : i32
        %dma_start3A_37 = tpu.memref_slice %arg8[%mul3A_3, %dma_start3A_36] : memref<1536x128xf32, #tpu.memory_space<hbm>> -> memref<96x128xf32, #tpu.memory_space<hbm>>
        tpu.enqueue_dma source(%arg17 : memref<96x128xf32, #tpu.memory_space<vmem>>) target(%dma_start3A_37 : memref<96x128xf32, #tpu.memory_space<hbm>>) target_semaphore(%run_scoped3A : memref<!tpu.dma_semaphore, #tpu.memory_space<semaphore_mem>>)
        %dma_wait3A = arith.constant 0 : i32
        %dma_wait3A_38 = tpu.memref_slice %arg8[%mul3A_3, %dma_wait3A] : memref<1536x128xf32, #tpu.memory_space<hbm>> -> memref<96x128xf32, #tpu.memory_space<hbm>>
        %dma_wait3A_39 = arith.constant 0 : i32
        %dma_wait3A_40 = tpu.memref_slice %arg8[%mul3A_3, %dma_wait3A_39] : memref<1536x128xf32, #tpu.memory_space<hbm>> -> memref<96x128xf32, #tpu.memory_space<hbm>>
        tpu.wait_dma2 semaphore(%run_scoped3A : memref<!tpu.dma_semaphore, #tpu.memory_space<semaphore_mem>>) src(%arg17 : memref<96x128xf32, #tpu.memory_space<vmem>>) dst(%dma_wait3A_40 : memref<96x128xf32, #tpu.memory_space<hbm>>)
        tpu.yield
      }) : () -> ()
    } else {
    }
    return
  }
}

#map = affine_map<(d0, d1) -> (0)>
#map1 = affine_map<(d0, d1) -> (0, 0)>
module attributes {stable_mosaic.version = 14 : i64} {
  func.func @_k4b_body(%arg0: i32, %arg1: i32, %arg2: memref<320000xi32, #tpu.memory_space<hbm>>, %arg3: memref<40000x128xf32, #tpu.memory_space<hbm>>, %arg4: memref<40000x128xf32, #tpu.memory_space<hbm>>, %arg5: memref<10112x128xf32, #tpu.memory_space<hbm>>, %arg6: memref<10112x128xf32, #tpu.memory_space<hbm>>, %arg7: memref<10112x128xf32, #tpu.memory_space<vmem_shared>>, %arg8: memref<128x128xf32, #tpu.memory_space<vmem>>, %arg9: memref<128x128xf32, #tpu.memory_space<vmem>>, %arg10: memref<128xi32, #tpu.memory_space<vmem>>, %arg11: memref<16x128xf32, #tpu.memory_space<vmem>>) attributes {dimension_semantics = [#tpu.dimension_semantics<core_parallel>, #tpu.dimension_semantics<subcore_parallel>], iteration_bounds = array<i64: 2, 16>, scalar_prefetch = 0 : i64, scratch_operands = 5 : i64, tpu.core_type = #tpu.core_type<sc_vector_subcore>, window_params = [{transform_indices = #map}, {transform_indices = #map1}, {transform_indices = #map1}, {transform_indices = #map1}, {transform_indices = #map1}]} {
    %broadcast_in_dim3A = arith.constant 0.000000e+00 : f32
    %broadcast_in_dim3A_0 = vector.broadcast %broadcast_in_dim3A : f32 to vector<16xf32>
    %mul3A = arith.constant 632 : i32
    %mul3A_1 = arith.muli %arg1, %mul3A : i32
    %mul3A_2 = arith.constant 96 : i32
    %mul3A_3 = arith.muli %arg1, %mul3A_2 : i32
    %scan3A = arith.constant 0 : i32
    %scan3A_4 = arith.constant 128 : i32
    %scan3A_5 = arith.addi %scan3A, %scan3A_4 : i32
    %scan3A_6 = arith.constant 1 : i32
    scf.for %scan3A_35 = %scan3A to %scan3A_5 step %scan3A_6  : i32 {
      %mul3A_36 = arith.constant 1 : i32
      %mul3A_37 = arith.muli %scan3A_35, %mul3A_36 : i32
      %add3A_38 = arith.constant 0 : i32
      %add3A_39 = arith.addi %add3A_38, %mul3A_37 : i32
      %swap3A = arith.index_cast %add3A_39 : i32 to index
      %swap3A_40 = arith.constant 0 : index
      %swap3A_41 = tpu.vector_load %arg8[%swap3A, %swap3A_40] {strides = array<i32>} : memref<128x128xf32, #tpu.memory_space<vmem>>, vector<1x16xf32>,
      %swap3A_42 = vector.shape_cast %swap3A_41 : vector<1x16xf32> to vector<16xf32>
      %swap3A_43 = vector.shape_cast %broadcast_in_dim3A_0 : vector<16xf32> to vector<1x16xf32>
      tpu.vector_store %arg8[%swap3A, %swap3A_40], %swap3A_43 {strides = array<i32>} : memref<128x128xf32, #tpu.memory_space<vmem>>, vector<1x16xf32>,
      %swap3A_44 = arith.index_cast %add3A_39 : i32 to index
      %swap3A_45 = arith.constant 0 : index
      %swap3A_46 = tpu.vector_load %arg9[%swap3A_44, %swap3A_45] {strides = array<i32>} : memref<128x128xf32, #tpu.memory_space<vmem>>, vector<1x16xf32>,
      %swap3A_47 = vector.shape_cast %swap3A_46 : vector<1x16xf32> to vector<16xf32>
      %swap3A_48 = vector.shape_cast %broadcast_in_dim3A_0 : vector<16xf32> to vector<1x16xf32>
      tpu.vector_store %arg9[%swap3A_44, %swap3A_45], %swap3A_48 {strides = array<i32>} : memref<128x128xf32, #tpu.memory_space<vmem>>, vector<1x16xf32>,
      %swap3A_49 = arith.index_cast %add3A_39 : i32 to index
      %swap3A_50 = arith.constant 16 : index
      %swap3A_51 = tpu.vector_load %arg8[%swap3A_49, %swap3A_50] {strides = array<i32>} : memref<128x128xf32, #tpu.memory_space<vmem>>, vector<1x16xf32>,
      %swap3A_52 = vector.shape_cast %swap3A_51 : vector<1x16xf32> to vector<16xf32>
      %swap3A_53 = vector.shape_cast %broadcast_in_dim3A_0 : vector<16xf32> to vector<1x16xf32>
      tpu.vector_store %arg8[%swap3A_49, %swap3A_50], %swap3A_53 {strides = array<i32>} : memref<128x128xf32, #tpu.memory_space<vmem>>, vector<1x16xf32>,
      %swap3A_54 = arith.index_cast %add3A_39 : i32 to index
      %swap3A_55 = arith.constant 16 : index
      %swap3A_56 = tpu.vector_load %arg9[%swap3A_54, %swap3A_55] {strides = array<i32>} : memref<128x128xf32, #tpu.memory_space<vmem>>, vector<1x16xf32>,
      %swap3A_57 = vector.shape_cast %swap3A_56 : vector<1x16xf32> to vector<16xf32>
      %swap3A_58 = vector.shape_cast %broadcast_in_dim3A_0 : vector<16xf32> to vector<1x16xf32>
      tpu.vector_store %arg9[%swap3A_54, %swap3A_55], %swap3A_58 {strides = array<i32>} : memref<128x128xf32, #tpu.memory_space<vmem>>, vector<1x16xf32>,
      %swap3A_59 = arith.index_cast %add3A_39 : i32 to index
      %swap3A_60 = arith.constant 32 : index
      %swap3A_61 = tpu.vector_load %arg8[%swap3A_59, %swap3A_60] {strides = array<i32>} : memref<128x128xf32, #tpu.memory_space<vmem>>, vector<1x16xf32>,
      %swap3A_62 = vector.shape_cast %swap3A_61 : vector<1x16xf32> to vector<16xf32>
      %swap3A_63 = vector.shape_cast %broadcast_in_dim3A_0 : vector<16xf32> to vector<1x16xf32>
      tpu.vector_store %arg8[%swap3A_59, %swap3A_60], %swap3A_63 {strides = array<i32>} : memref<128x128xf32, #tpu.memory_space<vmem>>, vector<1x16xf32>,
      %swap3A_64 = arith.index_cast %add3A_39 : i32 to index
      %swap3A_65 = arith.constant 32 : index
      %swap3A_66 = tpu.vector_load %arg9[%swap3A_64, %swap3A_65] {strides = array<i32>} : memref<128x128xf32, #tpu.memory_space<vmem>>, vector<1x16xf32>,
      %swap3A_67 = vector.shape_cast %swap3A_66 : vector<1x16xf32> to vector<16xf32>
      %swap3A_68 = vector.shape_cast %broadcast_in_dim3A_0 : vector<16xf32> to vector<1x16xf32>
      tpu.vector_store %arg9[%swap3A_64, %swap3A_65], %swap3A_68 {strides = array<i32>} : memref<128x128xf32, #tpu.memory_space<vmem>>, vector<1x16xf32>,
      %swap3A_69 = arith.index_cast %add3A_39 : i32 to index
      %swap3A_70 = arith.constant 48 : index
      %swap3A_71 = tpu.vector_load %arg8[%swap3A_69, %swap3A_70] {strides = array<i32>} : memref<128x128xf32, #tpu.memory_space<vmem>>, vector<1x16xf32>,
      %swap3A_72 = vector.shape_cast %swap3A_71 : vector<1x16xf32> to vector<16xf32>
      %swap3A_73 = vector.shape_cast %broadcast_in_dim3A_0 : vector<16xf32> to vector<1x16xf32>
      tpu.vector_store %arg8[%swap3A_69, %swap3A_70], %swap3A_73 {strides = array<i32>} : memref<128x128xf32, #tpu.memory_space<vmem>>, vector<1x16xf32>,
      %swap3A_74 = arith.index_cast %add3A_39 : i32 to index
      %swap3A_75 = arith.constant 48 : index
      %swap3A_76 = tpu.vector_load %arg9[%swap3A_74, %swap3A_75] {strides = array<i32>} : memref<128x128xf32, #tpu.memory_space<vmem>>, vector<1x16xf32>,
      %swap3A_77 = vector.shape_cast %swap3A_76 : vector<1x16xf32> to vector<16xf32>
      %swap3A_78 = vector.shape_cast %broadcast_in_dim3A_0 : vector<16xf32> to vector<1x16xf32>
      tpu.vector_store %arg9[%swap3A_74, %swap3A_75], %swap3A_78 {strides = array<i32>} : memref<128x128xf32, #tpu.memory_space<vmem>>, vector<1x16xf32>,
      %swap3A_79 = arith.index_cast %add3A_39 : i32 to index
      %swap3A_80 = arith.constant 64 : index
      %swap3A_81 = tpu.vector_load %arg8[%swap3A_79, %swap3A_80] {strides = array<i32>} : memref<128x128xf32, #tpu.memory_space<vmem>>, vector<1x16xf32>,
      %swap3A_82 = vector.shape_cast %swap3A_81 : vector<1x16xf32> to vector<16xf32>
      %swap3A_83 = vector.shape_cast %broadcast_in_dim3A_0 : vector<16xf32> to vector<1x16xf32>
      tpu.vector_store %arg8[%swap3A_79, %swap3A_80], %swap3A_83 {strides = array<i32>} : memref<128x128xf32, #tpu.memory_space<vmem>>, vector<1x16xf32>,
      %swap3A_84 = arith.index_cast %add3A_39 : i32 to index
      %swap3A_85 = arith.constant 64 : index
      %swap3A_86 = tpu.vector_load %arg9[%swap3A_84, %swap3A_85] {strides = array<i32>} : memref<128x128xf32, #tpu.memory_space<vmem>>, vector<1x16xf32>,
      %swap3A_87 = vector.shape_cast %swap3A_86 : vector<1x16xf32> to vector<16xf32>
      %swap3A_88 = vector.shape_cast %broadcast_in_dim3A_0 : vector<16xf32> to vector<1x16xf32>
      tpu.vector_store %arg9[%swap3A_84, %swap3A_85], %swap3A_88 {strides = array<i32>} : memref<128x128xf32, #tpu.memory_space<vmem>>, vector<1x16xf32>,
      %swap3A_89 = arith.index_cast %add3A_39 : i32 to index
      %swap3A_90 = arith.constant 80 : index
      %swap3A_91 = tpu.vector_load %arg8[%swap3A_89, %swap3A_90] {strides = array<i32>} : memref<128x128xf32, #tpu.memory_space<vmem>>, vector<1x16xf32>,
      %swap3A_92 = vector.shape_cast %swap3A_91 : vector<1x16xf32> to vector<16xf32>
      %swap3A_93 = vector.shape_cast %broadcast_in_dim3A_0 : vector<16xf32> to vector<1x16xf32>
      tpu.vector_store %arg8[%swap3A_89, %swap3A_90], %swap3A_93 {strides = array<i32>} : memref<128x128xf32, #tpu.memory_space<vmem>>, vector<1x16xf32>,
      %swap3A_94 = arith.index_cast %add3A_39 : i32 to index
      %swap3A_95 = arith.constant 80 : index
      %swap3A_96 = tpu.vector_load %arg9[%swap3A_94, %swap3A_95] {strides = array<i32>} : memref<128x128xf32, #tpu.memory_space<vmem>>, vector<1x16xf32>,
      %swap3A_97 = vector.shape_cast %swap3A_96 : vector<1x16xf32> to vector<16xf32>
      %swap3A_98 = vector.shape_cast %broadcast_in_dim3A_0 : vector<16xf32> to vector<1x16xf32>
      tpu.vector_store %arg9[%swap3A_94, %swap3A_95], %swap3A_98 {strides = array<i32>} : memref<128x128xf32, #tpu.memory_space<vmem>>, vector<1x16xf32>,
      %swap3A_99 = arith.index_cast %add3A_39 : i32 to index
      %swap3A_100 = arith.constant 96 : index
      %swap3A_101 = tpu.vector_load %arg8[%swap3A_99, %swap3A_100] {strides = array<i32>} : memref<128x128xf32, #tpu.memory_space<vmem>>, vector<1x16xf32>,
      %swap3A_102 = vector.shape_cast %swap3A_101 : vector<1x16xf32> to vector<16xf32>
      %swap3A_103 = vector.shape_cast %broadcast_in_dim3A_0 : vector<16xf32> to vector<1x16xf32>
      tpu.vector_store %arg8[%swap3A_99, %swap3A_100], %swap3A_103 {strides = array<i32>} : memref<128x128xf32, #tpu.memory_space<vmem>>, vector<1x16xf32>,
      %swap3A_104 = arith.index_cast %add3A_39 : i32 to index
      %swap3A_105 = arith.constant 96 : index
      %swap3A_106 = tpu.vector_load %arg9[%swap3A_104, %swap3A_105] {strides = array<i32>} : memref<128x128xf32, #tpu.memory_space<vmem>>, vector<1x16xf32>,
      %swap3A_107 = vector.shape_cast %swap3A_106 : vector<1x16xf32> to vector<16xf32>
      %swap3A_108 = vector.shape_cast %broadcast_in_dim3A_0 : vector<16xf32> to vector<1x16xf32>
      tpu.vector_store %arg9[%swap3A_104, %swap3A_105], %swap3A_108 {strides = array<i32>} : memref<128x128xf32, #tpu.memory_space<vmem>>, vector<1x16xf32>,
      %swap3A_109 = arith.index_cast %add3A_39 : i32 to index
      %swap3A_110 = arith.constant 112 : index
      %swap3A_111 = tpu.vector_load %arg8[%swap3A_109, %swap3A_110] {strides = array<i32>} : memref<128x128xf32, #tpu.memory_space<vmem>>, vector<1x16xf32>,
      %swap3A_112 = vector.shape_cast %swap3A_111 : vector<1x16xf32> to vector<16xf32>
      %swap3A_113 = vector.shape_cast %broadcast_in_dim3A_0 : vector<16xf32> to vector<1x16xf32>
      tpu.vector_store %arg8[%swap3A_109, %swap3A_110], %swap3A_113 {strides = array<i32>} : memref<128x128xf32, #tpu.memory_space<vmem>>, vector<1x16xf32>,
      %swap3A_114 = arith.index_cast %add3A_39 : i32 to index
      %swap3A_115 = arith.constant 112 : index
      %swap3A_116 = tpu.vector_load %arg9[%swap3A_114, %swap3A_115] {strides = array<i32>} : memref<128x128xf32, #tpu.memory_space<vmem>>, vector<1x16xf32>,
      %swap3A_117 = vector.shape_cast %swap3A_116 : vector<1x16xf32> to vector<16xf32>
      %swap3A_118 = vector.shape_cast %broadcast_in_dim3A_0 : vector<16xf32> to vector<1x16xf32>
      tpu.vector_store %arg9[%swap3A_114, %swap3A_115], %swap3A_118 {strides = array<i32>} : memref<128x128xf32, #tpu.memory_space<vmem>>, vector<1x16xf32>,
    }
    %scan3A_7 = arith.constant 128 : i32
    %add3A = arith.constant 0 : i32
    %add3A_8 = arith.addi %mul3A_1, %add3A : i32
    "tpu.region"() ({
      %run_scoped3A = tpu.sem_alloc : memref<!tpu.dma_semaphore, #tpu.memory_space<semaphore_mem>>
      %dma_start3A = arith.constant 0 : i32
      %dma_start3A_35 = tpu.memref_slice %arg7[%add3A_8, %dma_start3A] : memref<10112x128xf32, #tpu.memory_space<vmem_shared>> -> memref<128x128xf32, #tpu.memory_space<vmem_shared>>
      %dma_start3A_36 = arith.constant 0 : i32
      %dma_start3A_37 = tpu.memref_slice %arg7[%add3A_8, %dma_start3A_36] : memref<10112x128xf32, #tpu.memory_space<vmem_shared>> -> memref<128x128xf32, #tpu.memory_space<vmem_shared>>
      tpu.enqueue_dma source(%arg8 : memref<128x128xf32, #tpu.memory_space<vmem>>) target(%dma_start3A_37 : memref<128x128xf32, #tpu.memory_space<vmem_shared>>) target_semaphore(%run_scoped3A : memref<!tpu.dma_semaphore, #tpu.memory_space<semaphore_mem>>)
      %dma_wait3A = arith.constant 0 : i32
      %dma_wait3A_38 = tpu.memref_slice %arg7[%add3A_8, %dma_wait3A] : memref<10112x128xf32, #tpu.memory_space<vmem_shared>> -> memref<128x128xf32, #tpu.memory_space<vmem_shared>>
      %dma_wait3A_39 = arith.constant 0 : i32
      %dma_wait3A_40 = tpu.memref_slice %arg7[%add3A_8, %dma_wait3A_39] : memref<10112x128xf32, #tpu.memory_space<vmem_shared>> -> memref<128x128xf32, #tpu.memory_space<vmem_shared>>
      tpu.wait_dma2 semaphore(%run_scoped3A : memref<!tpu.dma_semaphore, #tpu.memory_space<semaphore_mem>>) src(%arg8 : memref<128x128xf32, #tpu.memory_space<vmem>>) dst(%dma_wait3A_40 : memref<128x128xf32, #tpu.memory_space<vmem_shared>>)
      tpu.yield
    }) : () -> ()
    %add3A_9 = arith.constant 128 : i32
    %add3A_10 = arith.addi %mul3A_1, %add3A_9 : i32
    "tpu.region"() ({
      %run_scoped3A = tpu.sem_alloc : memref<!tpu.dma_semaphore, #tpu.memory_space<semaphore_mem>>
      %dma_start3A = arith.constant 0 : i32
      %dma_start3A_35 = tpu.memref_slice %arg7[%add3A_10, %dma_start3A] : memref<10112x128xf32, #tpu.memory_space<vmem_shared>> -> memref<128x128xf32, #tpu.memory_space<vmem_shared>>
      %dma_start3A_36 = arith.constant 0 : i32
      %dma_start3A_37 = tpu.memref_slice %arg7[%add3A_10, %dma_start3A_36] : memref<10112x128xf32, #tpu.memory_space<vmem_shared>> -> memref<128x128xf32, #tpu.memory_space<vmem_shared>>
      tpu.enqueue_dma source(%arg8 : memref<128x128xf32, #tpu.memory_space<vmem>>) target(%dma_start3A_37 : memref<128x128xf32, #tpu.memory_space<vmem_shared>>) target_semaphore(%run_scoped3A : memref<!tpu.dma_semaphore, #tpu.memory_space<semaphore_mem>>)
      %dma_wait3A = arith.constant 0 : i32
      %dma_wait3A_38 = tpu.memref_slice %arg7[%add3A_10, %dma_wait3A] : memref<10112x128xf32, #tpu.memory_space<vmem_shared>> -> memref<128x128xf32, #tpu.memory_space<vmem_shared>>
      %dma_wait3A_39 = arith.constant 0 : i32
      %dma_wait3A_40 = tpu.memref_slice %arg7[%add3A_10, %dma_wait3A_39] : memref<10112x128xf32, #tpu.memory_space<vmem_shared>> -> memref<128x128xf32, #tpu.memory_space<vmem_shared>>
      tpu.wait_dma2 semaphore(%run_scoped3A : memref<!tpu.dma_semaphore, #tpu.memory_space<semaphore_mem>>) src(%arg8 : memref<128x128xf32, #tpu.memory_space<vmem>>) dst(%dma_wait3A_40 : memref<128x128xf32, #tpu.memory_space<vmem_shared>>)
      tpu.yield
    }) : () -> ()
    %add3A_11 = arith.constant 256 : i32
    %add3A_12 = arith.addi %mul3A_1, %add3A_11 : i32
    "tpu.region"() ({
      %run_scoped3A = tpu.sem_alloc : memref<!tpu.dma_semaphore, #tpu.memory_space<semaphore_mem>>
      %dma_start3A = arith.constant 0 : i32
      %dma_start3A_35 = tpu.memref_slice %arg7[%add3A_12, %dma_start3A] : memref<10112x128xf32, #tpu.memory_space<vmem_shared>> -> memref<128x128xf32, #tpu.memory_space<vmem_shared>>
      %dma_start3A_36 = arith.constant 0 : i32
      %dma_start3A_37 = tpu.memref_slice %arg7[%add3A_12, %dma_start3A_36] : memref<10112x128xf32, #tpu.memory_space<vmem_shared>> -> memref<128x128xf32, #tpu.memory_space<vmem_shared>>
      tpu.enqueue_dma source(%arg8 : memref<128x128xf32, #tpu.memory_space<vmem>>) target(%dma_start3A_37 : memref<128x128xf32, #tpu.memory_space<vmem_shared>>) target_semaphore(%run_scoped3A : memref<!tpu.dma_semaphore, #tpu.memory_space<semaphore_mem>>)
      %dma_wait3A = arith.constant 0 : i32
      %dma_wait3A_38 = tpu.memref_slice %arg7[%add3A_12, %dma_wait3A] : memref<10112x128xf32, #tpu.memory_space<vmem_shared>> -> memref<128x128xf32, #tpu.memory_space<vmem_shared>>
      %dma_wait3A_39 = arith.constant 0 : i32
      %dma_wait3A_40 = tpu.memref_slice %arg7[%add3A_12, %dma_wait3A_39] : memref<10112x128xf32, #tpu.memory_space<vmem_shared>> -> memref<128x128xf32, #tpu.memory_space<vmem_shared>>
      tpu.wait_dma2 semaphore(%run_scoped3A : memref<!tpu.dma_semaphore, #tpu.memory_space<semaphore_mem>>) src(%arg8 : memref<128x128xf32, #tpu.memory_space<vmem>>) dst(%dma_wait3A_40 : memref<128x128xf32, #tpu.memory_space<vmem_shared>>)
      tpu.yield
    }) : () -> ()
    %add3A_13 = arith.constant 384 : i32
    %add3A_14 = arith.addi %mul3A_1, %add3A_13 : i32
    "tpu.region"() ({
      %run_scoped3A = tpu.sem_alloc : memref<!tpu.dma_semaphore, #tpu.memory_space<semaphore_mem>>
      %dma_start3A = arith.constant 0 : i32
      %dma_start3A_35 = tpu.memref_slice %arg7[%add3A_14, %dma_start3A] : memref<10112x128xf32, #tpu.memory_space<vmem_shared>> -> memref<128x128xf32, #tpu.memory_space<vmem_shared>>
      %dma_start3A_36 = arith.constant 0 : i32
      %dma_start3A_37 = tpu.memref_slice %arg7[%add3A_14, %dma_start3A_36] : memref<10112x128xf32, #tpu.memory_space<vmem_shared>> -> memref<128x128xf32, #tpu.memory_space<vmem_shared>>
      tpu.enqueue_dma source(%arg8 : memref<128x128xf32, #tpu.memory_space<vmem>>) target(%dma_start3A_37 : memref<128x128xf32, #tpu.memory_space<vmem_shared>>) target_semaphore(%run_scoped3A : memref<!tpu.dma_semaphore, #tpu.memory_space<semaphore_mem>>)
      %dma_wait3A = arith.constant 0 : i32
      %dma_wait3A_38 = tpu.memref_slice %arg7[%add3A_14, %dma_wait3A] : memref<10112x128xf32, #tpu.memory_space<vmem_shared>> -> memref<128x128xf32, #tpu.memory_space<vmem_shared>>
      %dma_wait3A_39 = arith.constant 0 : i32
      %dma_wait3A_40 = tpu.memref_slice %arg7[%add3A_14, %dma_wait3A_39] : memref<10112x128xf32, #tpu.memory_space<vmem_shared>> -> memref<128x128xf32, #tpu.memory_space<vmem_shared>>
      tpu.wait_dma2 semaphore(%run_scoped3A : memref<!tpu.dma_semaphore, #tpu.memory_space<semaphore_mem>>) src(%arg8 : memref<128x128xf32, #tpu.memory_space<vmem>>) dst(%dma_wait3A_40 : memref<128x128xf32, #tpu.memory_space<vmem_shared>>)
      tpu.yield
    }) : () -> ()
    %add3A_15 = arith.constant 512 : i32
    %add3A_16 = arith.addi %mul3A_1, %add3A_15 : i32
    "tpu.region"() ({
      %run_scoped3A = tpu.sem_alloc : memref<!tpu.dma_semaphore, #tpu.memory_space<semaphore_mem>>
      %dma_start3A = arith.constant 0 : i32
      %dma_start3A_35 = arith.constant 0 : i32
      %dma_start3A_36 = tpu.memref_slice %arg8[%dma_start3A, %dma_start3A_35] : memref<128x128xf32, #tpu.memory_space<vmem>> -> memref<120x128xf32, #tpu.memory_space<vmem>>
      %dma_start3A_37 = arith.constant 0 : i32
      %dma_start3A_38 = tpu.memref_slice %arg7[%add3A_16, %dma_start3A_37] : memref<10112x128xf32, #tpu.memory_space<vmem_shared>> -> memref<120x128xf32, #tpu.memory_space<vmem_shared>>
      %dma_start3A_39 = arith.constant 0 : i32
      %dma_start3A_40 = tpu.memref_slice %arg7[%add3A_16, %dma_start3A_39] : memref<10112x128xf32, #tpu.memory_space<vmem_shared>> -> memref<120x128xf32, #tpu.memory_space<vmem_shared>>
      %dma_start3A_41 = arith.constant 0 : i32
      %dma_start3A_42 = arith.constant 0 : i32
      %dma_start3A_43 = tpu.memref_slice %arg8[%dma_start3A_41, %dma_start3A_42] : memref<128x128xf32, #tpu.memory_space<vmem>> -> memref<120x128xf32, #tpu.memory_space<vmem>>
      tpu.enqueue_dma source(%dma_start3A_43 : memref<120x128xf32, #tpu.memory_space<vmem>>) target(%dma_start3A_40 : memref<120x128xf32, #tpu.memory_space<vmem_shared>>) target_semaphore(%run_scoped3A : memref<!tpu.dma_semaphore, #tpu.memory_space<semaphore_mem>>)
      %dma_wait3A = arith.constant 0 : i32
      %dma_wait3A_44 = arith.constant 0 : i32
      %dma_wait3A_45 = tpu.memref_slice %arg8[%dma_wait3A, %dma_wait3A_44] : memref<128x128xf32, #tpu.memory_space<vmem>> -> memref<120x128xf32, #tpu.memory_space<vmem>>
      %dma_wait3A_46 = arith.constant 0 : i32
      %dma_wait3A_47 = tpu.memref_slice %arg7[%add3A_16, %dma_wait3A_46] : memref<10112x128xf32, #tpu.memory_space<vmem_shared>> -> memref<120x128xf32, #tpu.memory_space<vmem_shared>>
      %dma_wait3A_48 = arith.constant 0 : i32
      %dma_wait3A_49 = tpu.memref_slice %arg7[%add3A_16, %dma_wait3A_48] : memref<10112x128xf32, #tpu.memory_space<vmem_shared>> -> memref<120x128xf32, #tpu.memory_space<vmem_shared>>
      %dma_wait3A_50 = arith.constant 0 : i32
      %dma_wait3A_51 = arith.constant 0 : i32
      %dma_wait3A_52 = tpu.memref_slice %arg8[%dma_wait3A_50, %dma_wait3A_51] : memref<128x128xf32, #tpu.memory_space<vmem>> -> memref<120x128xf32, #tpu.memory_space<vmem>>
      tpu.wait_dma2 semaphore(%run_scoped3A : memref<!tpu.dma_semaphore, #tpu.memory_space<semaphore_mem>>) src(%dma_wait3A_52 : memref<120x128xf32, #tpu.memory_space<vmem>>) dst(%dma_wait3A_49 : memref<120x128xf32, #tpu.memory_space<vmem_shared>>)
      tpu.yield
    }) : () -> ()
    %barrier3A = arith.constant 0 : index
    tpu.barrier barrier_id(%barrier3A)
    %eq3A = arith.constant 0 : i32
    %eq3A_17 = arith.cmpi eq, %arg0, %eq3A : i32
    %convert_element_type3A = arith.extui %eq3A_17 : i1 to i32
    %cond3A = arith.constant 0 : i32
    %cond3A_18 = arith.cmpi ne, %convert_element_type3A, %cond3A : i32
    scf.if %cond3A_18 {
      %scan3A_35 = arith.constant 0 : i32
      %scan3A_36 = arith.constant 156 : i32
      %scan3A_37 = arith.addi %scan3A_35, %scan3A_36 : i32
      %scan3A_38 = arith.constant 1 : i32
      scf.for %scan3A_44 = %scan3A_35 to %scan3A_37 step %scan3A_38  : i32 {
        %mul3A_45 = arith.constant 1 : i32
        %mul3A_46 = arith.muli %scan3A_44, %mul3A_45 : i32
        %add3A_47 = arith.constant 0 : i32
        %add3A_48 = arith.addi %add3A_47, %mul3A_46 : i32
        %mul3A_49 = arith.constant 16 : i32
        %mul3A_50 = arith.muli %add3A_48, %mul3A_49 : i32
        %add3A_51 = arith.addi %mul3A_50, %arg1 : i32
        %mul3A_52 = arith.constant 128 : i32
        %mul3A_53 = arith.muli %add3A_51, %mul3A_52 : i32
        "tpu.region"() ({
          %run_scoped3A = tpu.sem_alloc : memref<!tpu.dma_semaphore, #tpu.memory_space<semaphore_mem>>
          %dma_start3A = tpu.memref_slice %arg2[%mul3A_53] : memref<320000xi32, #tpu.memory_space<hbm>> -> memref<128xi32, #tpu.memory_space<hbm>>
          %dma_start3A_61 = tpu.memref_slice %arg2[%mul3A_53] : memref<320000xi32, #tpu.memory_space<hbm>> -> memref<128xi32, #tpu.memory_space<hbm>>
          tpu.enqueue_dma source(%dma_start3A_61 : memref<128xi32, #tpu.memory_space<hbm>>) target(%arg10 : memref<128xi32, #tpu.memory_space<vmem>>) target_semaphore(%run_scoped3A : memref<!tpu.dma_semaphore, #tpu.memory_space<semaphore_mem>>)
          %dma_wait3A = tpu.memref_slice %arg2[%mul3A_53] : memref<320000xi32, #tpu.memory_space<hbm>> -> memref<128xi32, #tpu.memory_space<hbm>>
          %dma_wait3A_62 = tpu.memref_slice %arg2[%mul3A_53] : memref<320000xi32, #tpu.memory_space<hbm>> -> memref<128xi32, #tpu.memory_space<hbm>>
          tpu.wait_dma2 semaphore(%run_scoped3A : memref<!tpu.dma_semaphore, #tpu.memory_space<semaphore_mem>>) src(%dma_wait3A_62 : memref<128xi32, #tpu.memory_space<hbm>>) dst(%arg10 : memref<128xi32, #tpu.memory_space<vmem>>)
          tpu.yield
        }) : () -> ()
        %mul3A_54 = arith.constant 16 : i32
        %mul3A_55 = arith.muli %add3A_51, %mul3A_54 : i32
        "tpu.region"() ({
          %run_scoped3A = tpu.sem_alloc : memref<!tpu.dma_semaphore, #tpu.memory_space<semaphore_mem>>
          %dma_start3A = arith.constant 0 : i32
          %dma_start3A_61 = tpu.memref_slice %arg3[%mul3A_55, %dma_start3A] : memref<40000x128xf32, #tpu.memory_space<hbm>> -> memref<16x128xf32, #tpu.memory_space<hbm>>
          %dma_start3A_62 = arith.constant 0 : i32
          %dma_start3A_63 = tpu.memref_slice %arg3[%mul3A_55, %dma_start3A_62] : memref<40000x128xf32, #tpu.memory_space<hbm>> -> memref<16x128xf32, #tpu.memory_space<hbm>>
          tpu.enqueue_dma source(%dma_start3A_63 : memref<16x128xf32, #tpu.memory_space<hbm>>) target(%arg11 : memref<16x128xf32, #tpu.memory_space<vmem>>) target_semaphore(%run_scoped3A : memref<!tpu.dma_semaphore, #tpu.memory_space<semaphore_mem>>)
          %dma_wait3A = arith.constant 0 : i32
          %dma_wait3A_64 = tpu.memref_slice %arg3[%mul3A_55, %dma_wait3A] : memref<40000x128xf32, #tpu.memory_space<hbm>> -> memref<16x128xf32, #tpu.memory_space<hbm>>
          %dma_wait3A_65 = arith.constant 0 : i32
          %dma_wait3A_66 = tpu.memref_slice %arg3[%mul3A_55, %dma_wait3A_65] : memref<40000x128xf32, #tpu.memory_space<hbm>> -> memref<16x128xf32, #tpu.memory_space<hbm>>
          tpu.wait_dma2 semaphore(%run_scoped3A : memref<!tpu.dma_semaphore, #tpu.memory_space<semaphore_mem>>) src(%dma_wait3A_66 : memref<16x128xf32, #tpu.memory_space<hbm>>) dst(%arg11 : memref<16x128xf32, #tpu.memory_space<vmem>>)
          tpu.yield
        }) : () -> ()
        %scan3A_56 = arith.constant 0 : i32
        %scan3A_57 = arith.constant 128 : i32
        %scan3A_58 = arith.addi %scan3A_56, %scan3A_57 : i32
        %scan3A_59 = arith.constant 1 : i32
        scf.for %scan3A_61 = %scan3A_56 to %scan3A_58 step %scan3A_59  : i32 {
          %mul3A_62 = arith.constant 1 : i32
          %mul3A_63 = arith.muli %scan3A_61, %mul3A_62 : i32
          %add3A_64 = arith.constant 0 : i32
          %add3A_65 = arith.addi %add3A_64, %mul3A_63 : i32
          %jit3A = arith.constant 8 : i32
          %div3A = arith.divsi %add3A_65, %jit3A : i32
          %sign3A = arith.constant 0 : i32
          %sign3A_66 = arith.cmpi sgt, %add3A_65, %sign3A : i32
          %sign3A_67 = arith.extui %sign3A_66 : i1 to i32
          %sign3A_68 = arith.constant 0 : i32
          %sign3A_69 = arith.cmpi slt, %add3A_65, %sign3A_68 : i32
          %sign3A_70 = arith.extui %sign3A_69 : i1 to i32
          %sign3A_71 = arith.subi %sign3A_67, %sign3A_70 : i32
          %sign3A_72 = arith.constant 0 : i32
          %sign3A_73 = arith.cmpi sgt, %jit3A, %sign3A_72 : i32
          %sign3A_74 = arith.extui %sign3A_73 : i1 to i32
          %sign3A_75 = arith.constant 0 : i32
          %sign3A_76 = arith.cmpi slt, %jit3A, %sign3A_75 : i32
          %sign3A_77 = arith.extui %sign3A_76 : i1 to i32
          %sign3A_78 = arith.subi %sign3A_74, %sign3A_77 : i32
          %ne3A = arith.cmpi ne, %sign3A_71, %sign3A_78 : i32
          %rem3A = arith.remsi %add3A_65, %jit3A : i32
          %ne3A_79 = arith.constant 0 : i32
          %ne3A_80 = arith.cmpi ne, %rem3A, %ne3A_79 : i32
          %and3A = arith.andi %ne3A, %ne3A_80 : i1
          %sub3A = arith.constant 1 : i32
          %sub3A_81 = arith.subi %div3A, %sub3A : i32
          %select_n3A = arith.select %and3A, %sub3A_81, %div3A : i32
          %jit3A_82 = arith.constant 8 : i32
          %eq3A_83 = arith.constant 0 : i32
          %eq3A_84 = arith.cmpi eq, %jit3A_82, %eq3A_83 : i32
          %jit3A_85 = arith.constant 1 : i32
          %select_n3A_86 = arith.select %eq3A_84, %jit3A_85, %jit3A_82 : i32
          %rem3A_87 = arith.remsi %add3A_65, %select_n3A_86 : i32
          %ne3A_88 = arith.constant 0 : i32
          %ne3A_89 = arith.cmpi ne, %rem3A_87, %ne3A_88 : i32
          %lt3A_90 = arith.constant 0 : i32
          %lt3A_91 = arith.cmpi slt, %rem3A_87, %lt3A_90 : i32
          %lt3A_92 = arith.constant 0 : i32
          %lt3A_93 = arith.cmpi slt, %select_n3A_86, %lt3A_92 : i32
          %ne3A_94 = arith.xori %lt3A_91, %lt3A_93 : i1
          %and3A_95 = arith.andi %ne3A_94, %ne3A_89 : i1
          %add3A_96 = arith.addi %rem3A_87, %select_n3A_86 : i32
          %select_n3A_97 = arith.select %and3A_95, %add3A_96, %rem3A_87 : i32
          %mul3A_98 = arith.constant 16 : i32
          %mul3A_99 = arith.muli %select_n3A_97, %mul3A_98 : i32
          %get3A = arith.index_cast %select_n3A : i32 to index
          %get3A_100 = arith.index_cast %mul3A_99 : i32 to index
          %get3A_101 = tpu.vector_load %arg11[%get3A, %get3A_100] {strides = array<i32>} : memref<16x128xf32, #tpu.memory_space<vmem>>, vector<1x16xf32>,
          %get3A_102 = vector.shape_cast %get3A_101 : vector<1x16xf32> to vector<16xf32>
          %swap3A = arith.index_cast %add3A_65 : i32 to index
          %swap3A_103 = arith.constant 0 : index
          %swap3A_104 = tpu.vector_load %arg9[%swap3A, %swap3A_103] {strides = array<i32>} : memref<128x128xf32, #tpu.memory_space<vmem>>, vector<1x16xf32>,
          %swap3A_105 = vector.shape_cast %swap3A_104 : vector<1x16xf32> to vector<16xf32>
          %swap3A_106 = vector.shape_cast %get3A_102 : vector<16xf32> to vector<1x16xf32>
          tpu.vector_store %arg9[%swap3A, %swap3A_103], %swap3A_106 {strides = array<i32>} : memref<128x128xf32, #tpu.memory_space<vmem>>, vector<1x16xf32>,
        }
        %scan3A_60 = arith.constant 128 : i32
        "tpu.region"() ({
          %run_scoped3A = tpu.sem_alloc : memref<!tpu.dma_semaphore, #tpu.memory_space<semaphore_mem>>
          %dma_start3A = arith.constant 0 : i32
          %dma_start3A_61 = arith.constant 0 : i32
          %dma_start3A_62 = tpu.memref_slice %arg7[%dma_start3A, %dma_start3A_61] : memref<10112x128xf32, #tpu.memory_space<vmem_shared>> -> memref<10112x128xf32, #tpu.memory_space<vmem_shared>>
          tpu.enqueue_indirect_dma source(%arg9 : memref<128x128xf32, #tpu.memory_space<vmem>>) target(%dma_start3A_62 : memref<10112x128xf32, #tpu.memory_space<vmem_shared>>) offsets(%arg10 : memref<128xi32, #tpu.memory_space<vmem>>) semaphore(%run_scoped3A : memref<!tpu.dma_semaphore, #tpu.memory_space<semaphore_mem>>) {add = true}
          %dma_wait3A = arith.constant 0 : i32
          %dma_wait3A_63 = arith.constant 0 : i32
          %dma_wait3A_64 = tpu.memref_slice %arg7[%dma_wait3A, %dma_wait3A_63] : memref<10112x128xf32, #tpu.memory_space<vmem_shared>> -> memref<10112x128xf32, #tpu.memory_space<vmem_shared>>
          tpu.wait_indirect_dma semaphore(%run_scoped3A : memref<!tpu.dma_semaphore, #tpu.memory_space<semaphore_mem>>) src(%arg9 : memref<128x128xf32, #tpu.memory_space<vmem>>) dst(%dma_wait3A_64 : memref<10112x128xf32, #tpu.memory_space<vmem_shared>>)
          tpu.yield
        }) : () -> ()
      }
      %scan3A_39 = arith.constant 156 : i32
      %lt3A = arith.constant 4 : i32
      %lt3A_40 = arith.cmpi slt, %arg1, %lt3A : i32
      %convert_element_type3A_41 = arith.extui %lt3A_40 : i1 to i32
      %cond3A_42 = arith.constant 0 : i32
      %cond3A_43 = arith.cmpi ne, %convert_element_type3A_41, %cond3A_42 : i32
      scf.if %cond3A_43 {
        %add3A_44 = arith.constant 2496 : i32
        %add3A_45 = arith.addi %add3A_44, %arg1 : i32
        %mul3A_46 = arith.constant 128 : i32
        %mul3A_47 = arith.muli %add3A_45, %mul3A_46 : i32
        "tpu.region"() ({
          %run_scoped3A = tpu.sem_alloc : memref<!tpu.dma_semaphore, #tpu.memory_space<semaphore_mem>>
          %dma_start3A = tpu.memref_slice %arg2[%mul3A_47] : memref<320000xi32, #tpu.memory_space<hbm>> -> memref<128xi32, #tpu.memory_space<hbm>>
          %dma_start3A_55 = tpu.memref_slice %arg2[%mul3A_47] : memref<320000xi32, #tpu.memory_space<hbm>> -> memref<128xi32, #tpu.memory_space<hbm>>
          tpu.enqueue_dma source(%dma_start3A_55 : memref<128xi32, #tpu.memory_space<hbm>>) target(%arg10 : memref<128xi32, #tpu.memory_space<vmem>>) target_semaphore(%run_scoped3A : memref<!tpu.dma_semaphore, #tpu.memory_space<semaphore_mem>>)
          %dma_wait3A = tpu.memref_slice %arg2[%mul3A_47] : memref<320000xi32, #tpu.memory_space<hbm>> -> memref<128xi32, #tpu.memory_space<hbm>>
          %dma_wait3A_56 = tpu.memref_slice %arg2[%mul3A_47] : memref<320000xi32, #tpu.memory_space<hbm>> -> memref<128xi32, #tpu.memory_space<hbm>>
          tpu.wait_dma2 semaphore(%run_scoped3A : memref<!tpu.dma_semaphore, #tpu.memory_space<semaphore_mem>>) src(%dma_wait3A_56 : memref<128xi32, #tpu.memory_space<hbm>>) dst(%arg10 : memref<128xi32, #tpu.memory_space<vmem>>)
          tpu.yield
        }) : () -> ()
        %mul3A_48 = arith.constant 16 : i32
        %mul3A_49 = arith.muli %add3A_45, %mul3A_48 : i32
        "tpu.region"() ({
          %run_scoped3A = tpu.sem_alloc : memref<!tpu.dma_semaphore, #tpu.memory_space<semaphore_mem>>
          %dma_start3A = arith.constant 0 : i32
          %dma_start3A_55 = tpu.memref_slice %arg3[%mul3A_49, %dma_start3A] : memref<40000x128xf32, #tpu.memory_space<hbm>> -> memref<16x128xf32, #tpu.memory_space<hbm>>
          %dma_start3A_56 = arith.constant 0 : i32
          %dma_start3A_57 = tpu.memref_slice %arg3[%mul3A_49, %dma_start3A_56] : memref<40000x128xf32, #tpu.memory_space<hbm>> -> memref<16x128xf32, #tpu.memory_space<hbm>>
          tpu.enqueue_dma source(%dma_start3A_57 : memref<16x128xf32, #tpu.memory_space<hbm>>) target(%arg11 : memref<16x128xf32, #tpu.memory_space<vmem>>) target_semaphore(%run_scoped3A : memref<!tpu.dma_semaphore, #tpu.memory_space<semaphore_mem>>)
          %dma_wait3A = arith.constant 0 : i32
          %dma_wait3A_58 = tpu.memref_slice %arg3[%mul3A_49, %dma_wait3A] : memref<40000x128xf32, #tpu.memory_space<hbm>> -> memref<16x128xf32, #tpu.memory_space<hbm>>
          %dma_wait3A_59 = arith.constant 0 : i32
          %dma_wait3A_60 = tpu.memref_slice %arg3[%mul3A_49, %dma_wait3A_59] : memref<40000x128xf32, #tpu.memory_space<hbm>> -> memref<16x128xf32, #tpu.memory_space<hbm>>
          tpu.wait_dma2 semaphore(%run_scoped3A : memref<!tpu.dma_semaphore, #tpu.memory_space<semaphore_mem>>) src(%dma_wait3A_60 : memref<16x128xf32, #tpu.memory_space<hbm>>) dst(%arg11 : memref<16x128xf32, #tpu.memory_space<vmem>>)
          tpu.yield
        }) : () -> ()
        %scan3A_50 = arith.constant 0 : i32
        %scan3A_51 = arith.constant 128 : i32
        %scan3A_52 = arith.addi %scan3A_50, %scan3A_51 : i32
        %scan3A_53 = arith.constant 1 : i32
        scf.for %scan3A_55 = %scan3A_50 to %scan3A_52 step %scan3A_53  : i32 {
          %mul3A_56 = arith.constant 1 : i32
          %mul3A_57 = arith.muli %scan3A_55, %mul3A_56 : i32
          %add3A_58 = arith.constant 0 : i32
          %add3A_59 = arith.addi %add3A_58, %mul3A_57 : i32
          %jit3A = arith.constant 8 : i32
          %div3A = arith.divsi %add3A_59, %jit3A : i32
          %sign3A = arith.constant 0 : i32
          %sign3A_60 = arith.cmpi sgt, %add3A_59, %sign3A : i32
          %sign3A_61 = arith.extui %sign3A_60 : i1 to i32
          %sign3A_62 = arith.constant 0 : i32
          %sign3A_63 = arith.cmpi slt, %add3A_59, %sign3A_62 : i32
          %sign3A_64 = arith.extui %sign3A_63 : i1 to i32
          %sign3A_65 = arith.subi %sign3A_61, %sign3A_64 : i32
          %sign3A_66 = arith.constant 0 : i32
          %sign3A_67 = arith.cmpi sgt, %jit3A, %sign3A_66 : i32
          %sign3A_68 = arith.extui %sign3A_67 : i1 to i32
          %sign3A_69 = arith.constant 0 : i32
          %sign3A_70 = arith.cmpi slt, %jit3A, %sign3A_69 : i32
          %sign3A_71 = arith.extui %sign3A_70 : i1 to i32
          %sign3A_72 = arith.subi %sign3A_68, %sign3A_71 : i32
          %ne3A = arith.cmpi ne, %sign3A_65, %sign3A_72 : i32
          %rem3A = arith.remsi %add3A_59, %jit3A : i32
          %ne3A_73 = arith.constant 0 : i32
          %ne3A_74 = arith.cmpi ne, %rem3A, %ne3A_73 : i32
          %and3A = arith.andi %ne3A, %ne3A_74 : i1
          %sub3A = arith.constant 1 : i32
          %sub3A_75 = arith.subi %div3A, %sub3A : i32
          %select_n3A = arith.select %and3A, %sub3A_75, %div3A : i32
          %jit3A_76 = arith.constant 8 : i32
          %eq3A_77 = arith.constant 0 : i32
          %eq3A_78 = arith.cmpi eq, %jit3A_76, %eq3A_77 : i32
          %jit3A_79 = arith.constant 1 : i32
          %select_n3A_80 = arith.select %eq3A_78, %jit3A_79, %jit3A_76 : i32
          %rem3A_81 = arith.remsi %add3A_59, %select_n3A_80 : i32
          %ne3A_82 = arith.constant 0 : i32
          %ne3A_83 = arith.cmpi ne, %rem3A_81, %ne3A_82 : i32
          %lt3A_84 = arith.constant 0 : i32
          %lt3A_85 = arith.cmpi slt, %rem3A_81, %lt3A_84 : i32
          %lt3A_86 = arith.constant 0 : i32
          %lt3A_87 = arith.cmpi slt, %select_n3A_80, %lt3A_86 : i32
          %ne3A_88 = arith.xori %lt3A_85, %lt3A_87 : i1
          %and3A_89 = arith.andi %ne3A_88, %ne3A_83 : i1
          %add3A_90 = arith.addi %rem3A_81, %select_n3A_80 : i32
          %select_n3A_91 = arith.select %and3A_89, %add3A_90, %rem3A_81 : i32
          %mul3A_92 = arith.constant 16 : i32
          %mul3A_93 = arith.muli %select_n3A_91, %mul3A_92 : i32
          %get3A = arith.index_cast %select_n3A : i32 to index
          %get3A_94 = arith.index_cast %mul3A_93 : i32 to index
          %get3A_95 = tpu.vector_load %arg11[%get3A, %get3A_94] {strides = array<i32>} : memref<16x128xf32, #tpu.memory_space<vmem>>, vector<1x16xf32>,
          %get3A_96 = vector.shape_cast %get3A_95 : vector<1x16xf32> to vector<16xf32>
          %swap3A = arith.index_cast %add3A_59 : i32 to index
          %swap3A_97 = arith.constant 0 : index
          %swap3A_98 = tpu.vector_load %arg9[%swap3A, %swap3A_97] {strides = array<i32>} : memref<128x128xf32, #tpu.memory_space<vmem>>, vector<1x16xf32>,
          %swap3A_99 = vector.shape_cast %swap3A_98 : vector<1x16xf32> to vector<16xf32>
          %swap3A_100 = vector.shape_cast %get3A_96 : vector<16xf32> to vector<1x16xf32>
          tpu.vector_store %arg9[%swap3A, %swap3A_97], %swap3A_100 {strides = array<i32>} : memref<128x128xf32, #tpu.memory_space<vmem>>, vector<1x16xf32>,
        }
        %scan3A_54 = arith.constant 128 : i32
        "tpu.region"() ({
          %run_scoped3A = tpu.sem_alloc : memref<!tpu.dma_semaphore, #tpu.memory_space<semaphore_mem>>
          %dma_start3A = arith.constant 0 : i32
          %dma_start3A_55 = arith.constant 0 : i32
          %dma_start3A_56 = tpu.memref_slice %arg7[%dma_start3A, %dma_start3A_55] : memref<10112x128xf32, #tpu.memory_space<vmem_shared>> -> memref<10112x128xf32, #tpu.memory_space<vmem_shared>>
          tpu.enqueue_indirect_dma source(%arg9 : memref<128x128xf32, #tpu.memory_space<vmem>>) target(%dma_start3A_56 : memref<10112x128xf32, #tpu.memory_space<vmem_shared>>) offsets(%arg10 : memref<128xi32, #tpu.memory_space<vmem>>) semaphore(%run_scoped3A : memref<!tpu.dma_semaphore, #tpu.memory_space<semaphore_mem>>) {add = true}
          %dma_wait3A = arith.constant 0 : i32
          %dma_wait3A_57 = arith.constant 0 : i32
          %dma_wait3A_58 = tpu.memref_slice %arg7[%dma_wait3A, %dma_wait3A_57] : memref<10112x128xf32, #tpu.memory_space<vmem_shared>> -> memref<10112x128xf32, #tpu.memory_space<vmem_shared>>
          tpu.wait_indirect_dma semaphore(%run_scoped3A : memref<!tpu.dma_semaphore, #tpu.memory_space<semaphore_mem>>) src(%arg9 : memref<128x128xf32, #tpu.memory_space<vmem>>) dst(%dma_wait3A_58 : memref<10112x128xf32, #tpu.memory_space<vmem_shared>>)
          tpu.yield
        }) : () -> ()
      } else {
      }
    } else {
    }
    %eq3A_19 = arith.constant 1 : i32
    %eq3A_20 = arith.cmpi eq, %arg0, %eq3A_19 : i32
    %convert_element_type3A_21 = arith.extui %eq3A_20 : i1 to i32
    %cond3A_22 = arith.constant 0 : i32
    %cond3A_23 = arith.cmpi ne, %convert_element_type3A_21, %cond3A_22 : i32
    scf.if %cond3A_23 {
      %scan3A_35 = arith.constant 0 : i32
      %scan3A_36 = arith.constant 156 : i32
      %scan3A_37 = arith.addi %scan3A_35, %scan3A_36 : i32
      %scan3A_38 = arith.constant 1 : i32
      scf.for %scan3A_44 = %scan3A_35 to %scan3A_37 step %scan3A_38  : i32 {
        %mul3A_45 = arith.constant 1 : i32
        %mul3A_46 = arith.muli %scan3A_44, %mul3A_45 : i32
        %add3A_47 = arith.constant 0 : i32
        %add3A_48 = arith.addi %add3A_47, %mul3A_46 : i32
        %mul3A_49 = arith.constant 16 : i32
        %mul3A_50 = arith.muli %add3A_48, %mul3A_49 : i32
        %add3A_51 = arith.addi %mul3A_50, %arg1 : i32
        %mul3A_52 = arith.constant 128 : i32
        %mul3A_53 = arith.muli %add3A_51, %mul3A_52 : i32
        "tpu.region"() ({
          %run_scoped3A = tpu.sem_alloc : memref<!tpu.dma_semaphore, #tpu.memory_space<semaphore_mem>>
          %dma_start3A = tpu.memref_slice %arg2[%mul3A_53] : memref<320000xi32, #tpu.memory_space<hbm>> -> memref<128xi32, #tpu.memory_space<hbm>>
          %dma_start3A_61 = tpu.memref_slice %arg2[%mul3A_53] : memref<320000xi32, #tpu.memory_space<hbm>> -> memref<128xi32, #tpu.memory_space<hbm>>
          tpu.enqueue_dma source(%dma_start3A_61 : memref<128xi32, #tpu.memory_space<hbm>>) target(%arg10 : memref<128xi32, #tpu.memory_space<vmem>>) target_semaphore(%run_scoped3A : memref<!tpu.dma_semaphore, #tpu.memory_space<semaphore_mem>>)
          %dma_wait3A = tpu.memref_slice %arg2[%mul3A_53] : memref<320000xi32, #tpu.memory_space<hbm>> -> memref<128xi32, #tpu.memory_space<hbm>>
          %dma_wait3A_62 = tpu.memref_slice %arg2[%mul3A_53] : memref<320000xi32, #tpu.memory_space<hbm>> -> memref<128xi32, #tpu.memory_space<hbm>>
          tpu.wait_dma2 semaphore(%run_scoped3A : memref<!tpu.dma_semaphore, #tpu.memory_space<semaphore_mem>>) src(%dma_wait3A_62 : memref<128xi32, #tpu.memory_space<hbm>>) dst(%arg10 : memref<128xi32, #tpu.memory_space<vmem>>)
          tpu.yield
        }) : () -> ()
        %mul3A_54 = arith.constant 16 : i32
        %mul3A_55 = arith.muli %add3A_51, %mul3A_54 : i32
        "tpu.region"() ({
          %run_scoped3A = tpu.sem_alloc : memref<!tpu.dma_semaphore, #tpu.memory_space<semaphore_mem>>
          %dma_start3A = arith.constant 0 : i32
          %dma_start3A_61 = tpu.memref_slice %arg4[%mul3A_55, %dma_start3A] : memref<40000x128xf32, #tpu.memory_space<hbm>> -> memref<16x128xf32, #tpu.memory_space<hbm>>
          %dma_start3A_62 = arith.constant 0 : i32
          %dma_start3A_63 = tpu.memref_slice %arg4[%mul3A_55, %dma_start3A_62] : memref<40000x128xf32, #tpu.memory_space<hbm>> -> memref<16x128xf32, #tpu.memory_space<hbm>>
          tpu.enqueue_dma source(%dma_start3A_63 : memref<16x128xf32, #tpu.memory_space<hbm>>) target(%arg11 : memref<16x128xf32, #tpu.memory_space<vmem>>) target_semaphore(%run_scoped3A : memref<!tpu.dma_semaphore, #tpu.memory_space<semaphore_mem>>)
          %dma_wait3A = arith.constant 0 : i32
          %dma_wait3A_64 = tpu.memref_slice %arg4[%mul3A_55, %dma_wait3A] : memref<40000x128xf32, #tpu.memory_space<hbm>> -> memref<16x128xf32, #tpu.memory_space<hbm>>
          %dma_wait3A_65 = arith.constant 0 : i32
          %dma_wait3A_66 = tpu.memref_slice %arg4[%mul3A_55, %dma_wait3A_65] : memref<40000x128xf32, #tpu.memory_space<hbm>> -> memref<16x128xf32, #tpu.memory_space<hbm>>
          tpu.wait_dma2 semaphore(%run_scoped3A : memref<!tpu.dma_semaphore, #tpu.memory_space<semaphore_mem>>) src(%dma_wait3A_66 : memref<16x128xf32, #tpu.memory_space<hbm>>) dst(%arg11 : memref<16x128xf32, #tpu.memory_space<vmem>>)
          tpu.yield
        }) : () -> ()
        %scan3A_56 = arith.constant 0 : i32
        %scan3A_57 = arith.constant 128 : i32
        %scan3A_58 = arith.addi %scan3A_56, %scan3A_57 : i32
        %scan3A_59 = arith.constant 1 : i32
        scf.for %scan3A_61 = %scan3A_56 to %scan3A_58 step %scan3A_59  : i32 {
          %mul3A_62 = arith.constant 1 : i32
          %mul3A_63 = arith.muli %scan3A_61, %mul3A_62 : i32
          %add3A_64 = arith.constant 0 : i32
          %add3A_65 = arith.addi %add3A_64, %mul3A_63 : i32
          %jit3A = arith.constant 8 : i32
          %div3A = arith.divsi %add3A_65, %jit3A : i32
          %sign3A = arith.constant 0 : i32
          %sign3A_66 = arith.cmpi sgt, %add3A_65, %sign3A : i32
          %sign3A_67 = arith.extui %sign3A_66 : i1 to i32
          %sign3A_68 = arith.constant 0 : i32
          %sign3A_69 = arith.cmpi slt, %add3A_65, %sign3A_68 : i32
          %sign3A_70 = arith.extui %sign3A_69 : i1 to i32
          %sign3A_71 = arith.subi %sign3A_67, %sign3A_70 : i32
          %sign3A_72 = arith.constant 0 : i32
          %sign3A_73 = arith.cmpi sgt, %jit3A, %sign3A_72 : i32
          %sign3A_74 = arith.extui %sign3A_73 : i1 to i32
          %sign3A_75 = arith.constant 0 : i32
          %sign3A_76 = arith.cmpi slt, %jit3A, %sign3A_75 : i32
          %sign3A_77 = arith.extui %sign3A_76 : i1 to i32
          %sign3A_78 = arith.subi %sign3A_74, %sign3A_77 : i32
          %ne3A = arith.cmpi ne, %sign3A_71, %sign3A_78 : i32
          %rem3A = arith.remsi %add3A_65, %jit3A : i32
          %ne3A_79 = arith.constant 0 : i32
          %ne3A_80 = arith.cmpi ne, %rem3A, %ne3A_79 : i32
          %and3A = arith.andi %ne3A, %ne3A_80 : i1
          %sub3A = arith.constant 1 : i32
          %sub3A_81 = arith.subi %div3A, %sub3A : i32
          %select_n3A = arith.select %and3A, %sub3A_81, %div3A : i32
          %jit3A_82 = arith.constant 8 : i32
          %eq3A_83 = arith.constant 0 : i32
          %eq3A_84 = arith.cmpi eq, %jit3A_82, %eq3A_83 : i32
          %jit3A_85 = arith.constant 1 : i32
          %select_n3A_86 = arith.select %eq3A_84, %jit3A_85, %jit3A_82 : i32
          %rem3A_87 = arith.remsi %add3A_65, %select_n3A_86 : i32
          %ne3A_88 = arith.constant 0 : i32
          %ne3A_89 = arith.cmpi ne, %rem3A_87, %ne3A_88 : i32
          %lt3A_90 = arith.constant 0 : i32
          %lt3A_91 = arith.cmpi slt, %rem3A_87, %lt3A_90 : i32
          %lt3A_92 = arith.constant 0 : i32
          %lt3A_93 = arith.cmpi slt, %select_n3A_86, %lt3A_92 : i32
          %ne3A_94 = arith.xori %lt3A_91, %lt3A_93 : i1
          %and3A_95 = arith.andi %ne3A_94, %ne3A_89 : i1
          %add3A_96 = arith.addi %rem3A_87, %select_n3A_86 : i32
          %select_n3A_97 = arith.select %and3A_95, %add3A_96, %rem3A_87 : i32
          %mul3A_98 = arith.constant 16 : i32
          %mul3A_99 = arith.muli %select_n3A_97, %mul3A_98 : i32
          %get3A = arith.index_cast %select_n3A : i32 to index
          %get3A_100 = arith.index_cast %mul3A_99 : i32 to index
          %get3A_101 = tpu.vector_load %arg11[%get3A, %get3A_100] {strides = array<i32>} : memref<16x128xf32, #tpu.memory_space<vmem>>, vector<1x16xf32>,
          %get3A_102 = vector.shape_cast %get3A_101 : vector<1x16xf32> to vector<16xf32>
          %swap3A = arith.index_cast %add3A_65 : i32 to index
          %swap3A_103 = arith.constant 0 : index
          %swap3A_104 = tpu.vector_load %arg9[%swap3A, %swap3A_103] {strides = array<i32>} : memref<128x128xf32, #tpu.memory_space<vmem>>, vector<1x16xf32>,
          %swap3A_105 = vector.shape_cast %swap3A_104 : vector<1x16xf32> to vector<16xf32>
          %swap3A_106 = vector.shape_cast %get3A_102 : vector<16xf32> to vector<1x16xf32>
          tpu.vector_store %arg9[%swap3A, %swap3A_103], %swap3A_106 {strides = array<i32>} : memref<128x128xf32, #tpu.memory_space<vmem>>, vector<1x16xf32>,
        }
        %scan3A_60 = arith.constant 128 : i32
        "tpu.region"() ({
          %run_scoped3A = tpu.sem_alloc : memref<!tpu.dma_semaphore, #tpu.memory_space<semaphore_mem>>
          %dma_start3A = arith.constant 0 : i32
          %dma_start3A_61 = arith.constant 0 : i32
          %dma_start3A_62 = tpu.memref_slice %arg7[%dma_start3A, %dma_start3A_61] : memref<10112x128xf32, #tpu.memory_space<vmem_shared>> -> memref<10112x128xf32, #tpu.memory_space<vmem_shared>>
          tpu.enqueue_indirect_dma source(%arg9 : memref<128x128xf32, #tpu.memory_space<vmem>>) target(%dma_start3A_62 : memref<10112x128xf32, #tpu.memory_space<vmem_shared>>) offsets(%arg10 : memref<128xi32, #tpu.memory_space<vmem>>) semaphore(%run_scoped3A : memref<!tpu.dma_semaphore, #tpu.memory_space<semaphore_mem>>) {add = true}
          %dma_wait3A = arith.constant 0 : i32
          %dma_wait3A_63 = arith.constant 0 : i32
          %dma_wait3A_64 = tpu.memref_slice %arg7[%dma_wait3A, %dma_wait3A_63] : memref<10112x128xf32, #tpu.memory_space<vmem_shared>> -> memref<10112x128xf32, #tpu.memory_space<vmem_shared>>
          tpu.wait_indirect_dma semaphore(%run_scoped3A : memref<!tpu.dma_semaphore, #tpu.memory_space<semaphore_mem>>) src(%arg9 : memref<128x128xf32, #tpu.memory_space<vmem>>) dst(%dma_wait3A_64 : memref<10112x128xf32, #tpu.memory_space<vmem_shared>>)
          tpu.yield
        }) : () -> ()
      }
      %scan3A_39 = arith.constant 156 : i32
      %lt3A = arith.constant 4 : i32
      %lt3A_40 = arith.cmpi slt, %arg1, %lt3A : i32
      %convert_element_type3A_41 = arith.extui %lt3A_40 : i1 to i32
      %cond3A_42 = arith.constant 0 : i32
      %cond3A_43 = arith.cmpi ne, %convert_element_type3A_41, %cond3A_42 : i32
      scf.if %cond3A_43 {
        %add3A_44 = arith.constant 2496 : i32
        %add3A_45 = arith.addi %add3A_44, %arg1 : i32
        %mul3A_46 = arith.constant 128 : i32
        %mul3A_47 = arith.muli %add3A_45, %mul3A_46 : i32
        "tpu.region"() ({
          %run_scoped3A = tpu.sem_alloc : memref<!tpu.dma_semaphore, #tpu.memory_space<semaphore_mem>>
          %dma_start3A = tpu.memref_slice %arg2[%mul3A_47] : memref<320000xi32, #tpu.memory_space<hbm>> -> memref<128xi32, #tpu.memory_space<hbm>>
          %dma_start3A_55 = tpu.memref_slice %arg2[%mul3A_47] : memref<320000xi32, #tpu.memory_space<hbm>> -> memref<128xi32, #tpu.memory_space<hbm>>
          tpu.enqueue_dma source(%dma_start3A_55 : memref<128xi32, #tpu.memory_space<hbm>>) target(%arg10 : memref<128xi32, #tpu.memory_space<vmem>>) target_semaphore(%run_scoped3A : memref<!tpu.dma_semaphore, #tpu.memory_space<semaphore_mem>>)
          %dma_wait3A = tpu.memref_slice %arg2[%mul3A_47] : memref<320000xi32, #tpu.memory_space<hbm>> -> memref<128xi32, #tpu.memory_space<hbm>>
          %dma_wait3A_56 = tpu.memref_slice %arg2[%mul3A_47] : memref<320000xi32, #tpu.memory_space<hbm>> -> memref<128xi32, #tpu.memory_space<hbm>>
          tpu.wait_dma2 semaphore(%run_scoped3A : memref<!tpu.dma_semaphore, #tpu.memory_space<semaphore_mem>>) src(%dma_wait3A_56 : memref<128xi32, #tpu.memory_space<hbm>>) dst(%arg10 : memref<128xi32, #tpu.memory_space<vmem>>)
          tpu.yield
        }) : () -> ()
        %mul3A_48 = arith.constant 16 : i32
        %mul3A_49 = arith.muli %add3A_45, %mul3A_48 : i32
        "tpu.region"() ({
          %run_scoped3A = tpu.sem_alloc : memref<!tpu.dma_semaphore, #tpu.memory_space<semaphore_mem>>
          %dma_start3A = arith.constant 0 : i32
          %dma_start3A_55 = tpu.memref_slice %arg4[%mul3A_49, %dma_start3A] : memref<40000x128xf32, #tpu.memory_space<hbm>> -> memref<16x128xf32, #tpu.memory_space<hbm>>
          %dma_start3A_56 = arith.constant 0 : i32
          %dma_start3A_57 = tpu.memref_slice %arg4[%mul3A_49, %dma_start3A_56] : memref<40000x128xf32, #tpu.memory_space<hbm>> -> memref<16x128xf32, #tpu.memory_space<hbm>>
          tpu.enqueue_dma source(%dma_start3A_57 : memref<16x128xf32, #tpu.memory_space<hbm>>) target(%arg11 : memref<16x128xf32, #tpu.memory_space<vmem>>) target_semaphore(%run_scoped3A : memref<!tpu.dma_semaphore, #tpu.memory_space<semaphore_mem>>)
          %dma_wait3A = arith.constant 0 : i32
          %dma_wait3A_58 = tpu.memref_slice %arg4[%mul3A_49, %dma_wait3A] : memref<40000x128xf32, #tpu.memory_space<hbm>> -> memref<16x128xf32, #tpu.memory_space<hbm>>
          %dma_wait3A_59 = arith.constant 0 : i32
          %dma_wait3A_60 = tpu.memref_slice %arg4[%mul3A_49, %dma_wait3A_59] : memref<40000x128xf32, #tpu.memory_space<hbm>> -> memref<16x128xf32, #tpu.memory_space<hbm>>
          tpu.wait_dma2 semaphore(%run_scoped3A : memref<!tpu.dma_semaphore, #tpu.memory_space<semaphore_mem>>) src(%dma_wait3A_60 : memref<16x128xf32, #tpu.memory_space<hbm>>) dst(%arg11 : memref<16x128xf32, #tpu.memory_space<vmem>>)
          tpu.yield
        }) : () -> ()
        %scan3A_50 = arith.constant 0 : i32
        %scan3A_51 = arith.constant 128 : i32
        %scan3A_52 = arith.addi %scan3A_50, %scan3A_51 : i32
        %scan3A_53 = arith.constant 1 : i32
        scf.for %scan3A_55 = %scan3A_50 to %scan3A_52 step %scan3A_53  : i32 {
          %mul3A_56 = arith.constant 1 : i32
          %mul3A_57 = arith.muli %scan3A_55, %mul3A_56 : i32
          %add3A_58 = arith.constant 0 : i32
          %add3A_59 = arith.addi %add3A_58, %mul3A_57 : i32
          %jit3A = arith.constant 8 : i32
          %div3A = arith.divsi %add3A_59, %jit3A : i32
          %sign3A = arith.constant 0 : i32
          %sign3A_60 = arith.cmpi sgt, %add3A_59, %sign3A : i32
          %sign3A_61 = arith.extui %sign3A_60 : i1 to i32
          %sign3A_62 = arith.constant 0 : i32
          %sign3A_63 = arith.cmpi slt, %add3A_59, %sign3A_62 : i32
          %sign3A_64 = arith.extui %sign3A_63 : i1 to i32
          %sign3A_65 = arith.subi %sign3A_61, %sign3A_64 : i32
          %sign3A_66 = arith.constant 0 : i32
          %sign3A_67 = arith.cmpi sgt, %jit3A, %sign3A_66 : i32
          %sign3A_68 = arith.extui %sign3A_67 : i1 to i32
          %sign3A_69 = arith.constant 0 : i32
          %sign3A_70 = arith.cmpi slt, %jit3A, %sign3A_69 : i32
          %sign3A_71 = arith.extui %sign3A_70 : i1 to i32
          %sign3A_72 = arith.subi %sign3A_68, %sign3A_71 : i32
          %ne3A = arith.cmpi ne, %sign3A_65, %sign3A_72 : i32
          %rem3A = arith.remsi %add3A_59, %jit3A : i32
          %ne3A_73 = arith.constant 0 : i32
          %ne3A_74 = arith.cmpi ne, %rem3A, %ne3A_73 : i32
          %and3A = arith.andi %ne3A, %ne3A_74 : i1
          %sub3A = arith.constant 1 : i32
          %sub3A_75 = arith.subi %div3A, %sub3A : i32
          %select_n3A = arith.select %and3A, %sub3A_75, %div3A : i32
          %jit3A_76 = arith.constant 8 : i32
          %eq3A_77 = arith.constant 0 : i32
          %eq3A_78 = arith.cmpi eq, %jit3A_76, %eq3A_77 : i32
          %jit3A_79 = arith.constant 1 : i32
          %select_n3A_80 = arith.select %eq3A_78, %jit3A_79, %jit3A_76 : i32
          %rem3A_81 = arith.remsi %add3A_59, %select_n3A_80 : i32
          %ne3A_82 = arith.constant 0 : i32
          %ne3A_83 = arith.cmpi ne, %rem3A_81, %ne3A_82 : i32
          %lt3A_84 = arith.constant 0 : i32
          %lt3A_85 = arith.cmpi slt, %rem3A_81, %lt3A_84 : i32
          %lt3A_86 = arith.constant 0 : i32
          %lt3A_87 = arith.cmpi slt, %select_n3A_80, %lt3A_86 : i32
          %ne3A_88 = arith.xori %lt3A_85, %lt3A_87 : i1
          %and3A_89 = arith.andi %ne3A_88, %ne3A_83 : i1
          %add3A_90 = arith.addi %rem3A_81, %select_n3A_80 : i32
          %select_n3A_91 = arith.select %and3A_89, %add3A_90, %rem3A_81 : i32
          %mul3A_92 = arith.constant 16 : i32
          %mul3A_93 = arith.muli %select_n3A_91, %mul3A_92 : i32
          %get3A = arith.index_cast %select_n3A : i32 to index
          %get3A_94 = arith.index_cast %mul3A_93 : i32 to index
          %get3A_95 = tpu.vector_load %arg11[%get3A, %get3A_94] {strides = array<i32>} : memref<16x128xf32, #tpu.memory_space<vmem>>, vector<1x16xf32>,
          %get3A_96 = vector.shape_cast %get3A_95 : vector<1x16xf32> to vector<16xf32>
          %swap3A = arith.index_cast %add3A_59 : i32 to index
          %swap3A_97 = arith.constant 0 : index
          %swap3A_98 = tpu.vector_load %arg9[%swap3A, %swap3A_97] {strides = array<i32>} : memref<128x128xf32, #tpu.memory_space<vmem>>, vector<1x16xf32>,
          %swap3A_99 = vector.shape_cast %swap3A_98 : vector<1x16xf32> to vector<16xf32>
          %swap3A_100 = vector.shape_cast %get3A_96 : vector<16xf32> to vector<1x16xf32>
          tpu.vector_store %arg9[%swap3A, %swap3A_97], %swap3A_100 {strides = array<i32>} : memref<128x128xf32, #tpu.memory_space<vmem>>, vector<1x16xf32>,
        }
        %scan3A_54 = arith.constant 128 : i32
        "tpu.region"() ({
          %run_scoped3A = tpu.sem_alloc : memref<!tpu.dma_semaphore, #tpu.memory_space<semaphore_mem>>
          %dma_start3A = arith.constant 0 : i32
          %dma_start3A_55 = arith.constant 0 : i32
          %dma_start3A_56 = tpu.memref_slice %arg7[%dma_start3A, %dma_start3A_55] : memref<10112x128xf32, #tpu.memory_space<vmem_shared>> -> memref<10112x128xf32, #tpu.memory_space<vmem_shared>>
          tpu.enqueue_indirect_dma source(%arg9 : memref<128x128xf32, #tpu.memory_space<vmem>>) target(%dma_start3A_56 : memref<10112x128xf32, #tpu.memory_space<vmem_shared>>) offsets(%arg10 : memref<128xi32, #tpu.memory_space<vmem>>) semaphore(%run_scoped3A : memref<!tpu.dma_semaphore, #tpu.memory_space<semaphore_mem>>) {add = true}
          %dma_wait3A = arith.constant 0 : i32
          %dma_wait3A_57 = arith.constant 0 : i32
          %dma_wait3A_58 = tpu.memref_slice %arg7[%dma_wait3A, %dma_wait3A_57] : memref<10112x128xf32, #tpu.memory_space<vmem_shared>> -> memref<10112x128xf32, #tpu.memory_space<vmem_shared>>
          tpu.wait_indirect_dma semaphore(%run_scoped3A : memref<!tpu.dma_semaphore, #tpu.memory_space<semaphore_mem>>) src(%arg9 : memref<128x128xf32, #tpu.memory_space<vmem>>) dst(%dma_wait3A_58 : memref<10112x128xf32, #tpu.memory_space<vmem_shared>>)
          tpu.yield
        }) : () -> ()
      } else {
      }
    } else {
    }
    %barrier3A_24 = arith.constant 0 : index
    tpu.barrier barrier_id(%barrier3A_24)
    %eq3A_25 = arith.constant 0 : i32
    %eq3A_26 = arith.cmpi eq, %arg0, %eq3A_25 : i32
    %convert_element_type3A_27 = arith.extui %eq3A_26 : i1 to i32
    %cond3A_28 = arith.constant 0 : i32
    %cond3A_29 = arith.cmpi ne, %convert_element_type3A_27, %cond3A_28 : i32
    scf.if %cond3A_29 {
      "tpu.region"() ({
        %run_scoped3A = tpu.sem_alloc : memref<!tpu.dma_semaphore, #tpu.memory_space<semaphore_mem>>
        %dma_start3A = arith.constant 0 : i32
        %dma_start3A_35 = tpu.memref_slice %arg6[%mul3A_1, %dma_start3A] : memref<10112x128xf32, #tpu.memory_space<hbm>> -> memref<632x128xf32, #tpu.memory_space<hbm>>
        %dma_start3A_36 = arith.constant 0 : i32
        %dma_start3A_37 = tpu.memref_slice %arg7[%mul3A_1, %dma_start3A_36] : memref<10112x128xf32, #tpu.memory_space<vmem_shared>> -> memref<632x128xf32, #tpu.memory_space<vmem_shared>>
        tpu.enqueue_dma source(%dma_start3A_37 : memref<632x128xf32, #tpu.memory_space<vmem_shared>>) target(%dma_start3A_35 : memref<632x128xf32, #tpu.memory_space<hbm>>) target_semaphore(%run_scoped3A : memref<!tpu.dma_semaphore, #tpu.memory_space<semaphore_mem>>)
        %dma_wait3A = arith.constant 0 : i32
        %dma_wait3A_38 = tpu.memref_slice %arg6[%mul3A_1, %dma_wait3A] : memref<10112x128xf32, #tpu.memory_space<hbm>> -> memref<632x128xf32, #tpu.memory_space<hbm>>
        %dma_wait3A_39 = arith.constant 0 : i32
        %dma_wait3A_40 = tpu.memref_slice %arg7[%mul3A_1, %dma_wait3A_39] : memref<10112x128xf32, #tpu.memory_space<vmem_shared>> -> memref<632x128xf32, #tpu.memory_space<vmem_shared>>
        tpu.wait_dma2 semaphore(%run_scoped3A : memref<!tpu.dma_semaphore, #tpu.memory_space<semaphore_mem>>) src(%dma_wait3A_40 : memref<632x128xf32, #tpu.memory_space<vmem_shared>>) dst(%dma_wait3A_38 : memref<632x128xf32, #tpu.memory_space<hbm>>)
        tpu.yield
      }) : () -> ()
    } else {
    }
    %eq3A_30 = arith.constant 1 : i32
    %eq3A_31 = arith.cmpi eq, %arg0, %eq3A_30 : i32
    %convert_element_type3A_32 = arith.extui %eq3A_31 : i1 to i32
    %cond3A_33 = arith.constant 0 : i32
    %cond3A_34 = arith.cmpi ne, %convert_element_type3A_32, %cond3A_33 : i32
    scf.if %cond3A_34 {
      "tpu.region"() ({
        %run_scoped3A = tpu.sem_alloc : memref<!tpu.dma_semaphore, #tpu.memory_space<semaphore_mem>>
        %dma_start3A = arith.constant 0 : i32
        %dma_start3A_35 = tpu.memref_slice %arg5[%mul3A_1, %dma_start3A] : memref<10112x128xf32, #tpu.memory_space<hbm>> -> memref<632x128xf32, #tpu.memory_space<hbm>>
        %dma_start3A_36 = arith.constant 0 : i32
        %dma_start3A_37 = tpu.memref_slice %arg7[%mul3A_1, %dma_start3A_36] : memref<10112x128xf32, #tpu.memory_space<vmem_shared>> -> memref<632x128xf32, #tpu.memory_space<vmem_shared>>
        tpu.enqueue_dma source(%dma_start3A_37 : memref<632x128xf32, #tpu.memory_space<vmem_shared>>) target(%dma_start3A_35 : memref<632x128xf32, #tpu.memory_space<hbm>>) target_semaphore(%run_scoped3A : memref<!tpu.dma_semaphore, #tpu.memory_space<semaphore_mem>>)
        %dma_wait3A = arith.constant 0 : i32
        %dma_wait3A_38 = tpu.memref_slice %arg5[%mul3A_1, %dma_wait3A] : memref<10112x128xf32, #tpu.memory_space<hbm>> -> memref<632x128xf32, #tpu.memory_space<hbm>>
        %dma_wait3A_39 = arith.constant 0 : i32
        %dma_wait3A_40 = tpu.memref_slice %arg7[%mul3A_1, %dma_wait3A_39] : memref<10112x128xf32, #tpu.memory_space<vmem_shared>> -> memref<632x128xf32, #tpu.memory_space<vmem_shared>>
        tpu.wait_dma2 semaphore(%run_scoped3A : memref<!tpu.dma_semaphore, #tpu.memory_space<semaphore_mem>>) src(%dma_wait3A_40 : memref<632x128xf32, #tpu.memory_space<vmem_shared>>) dst(%dma_wait3A_38 : memref<632x128xf32, #tpu.memory_space<hbm>>)
        tpu.yield
      }) : () -> ()
    } else {
    }
    return
  }
}

module attributes {stable_mosaic.version = 14 : i64} {
  func.func @_k2a_body(%arg0: i32, %arg1: memref<632x128xf32, #tpu.memory_space<vmem>>, %arg2: memref<128x128xf32, #tpu.memory_space<vmem>>, %arg3: memref<1x128xf32, #tpu.memory_space<vmem>>, %arg4: memref<632x128xf32, #tpu.memory_space<vmem>>) attributes {dimension_semantics = [#tpu.dimension_semantics<arbitrary>], iteration_bounds = array<i64: 16>, scalar_prefetch = 0 : i64, scratch_operands = 0 : i64, tpu.core_type = #tpu.core_type<tc>, window_params = [{transform_indices = @transform_0, window_bounds = array<i64: 632, 128>}, {pipeline_mode = #tpu.pipeline_mode<synchronous>, transform_indices = @transform_1, window_bounds = array<i64: 128, 128>}, {pipeline_mode = #tpu.pipeline_mode<synchronous>, transform_indices = @transform_2, window_bounds = array<i64: 1, 128>}, {transform_indices = @transform_3, window_bounds = array<i64: 632, 128>}]} {
    %get3A = arith.constant 0 : index
    %get3A_0 = arith.constant 0 : index
    %get3A_1 = vector.load %arg1[%get3A, %get3A_0] : memref<632x128xf32, #tpu.memory_space<vmem>>, vector<632x128xf32>
    %get3A_2 = arith.constant 0 : index
    %get3A_3 = arith.constant 0 : index
    %get3A_4 = vector.load %arg2[%get3A_2, %get3A_3] : memref<128x128xf32, #tpu.memory_space<vmem>>, vector<128x128xf32>
    %dot_general3A = arith.constant dense<0.000000e+00> : vector<632x128xf32>
    %dot_general3A_5 = tpu.matmul %get3A_1, %get3A_4, %dot_general3A {dimension_numbers = #tpu.dot_dimension_numbers<[1], [0], [0], [1], [0, 0, 1, 1], [], []>, transpose_lhs_hint = false} : vector<632x128xf32>, vector<128x128xf32>, vector<632x128xf32> -> vector<632x128xf32>
    %get3A_6 = arith.constant 0 : index
    %get3A_7 = arith.constant 0 : index
    %get3A_8 = vector.load %arg3[%get3A_6, %get3A_7] : memref<1x128xf32, #tpu.memory_space<vmem>>, vector<1x128xf32>
    %add3A = vector.broadcast %get3A_8 : vector<1x128xf32> to vector<632x128xf32>
    %add3A_9 = arith.addf %dot_general3A_5, %add3A : vector<632x128xf32>
    %max3A = arith.constant 0.000000e+00 : f32
    %max3A_10 = vector.broadcast %max3A : f32 to vector<632x128xf32>
    %max3A_11 = arith.maximumf %add3A_9, %max3A_10 : vector<632x128xf32>
    %swap3A = arith.constant 0 : index
    %swap3A_12 = arith.constant 0 : index
    %swap3A_13 = vector.load %arg4[%swap3A, %swap3A_12] : memref<632x128xf32, #tpu.memory_space<vmem>>, vector<632x128xf32>
    tpu.vector_store %arg4[%swap3A, %swap3A_12], %max3A_11 {strides = array<i32>} : memref<632x128xf32, #tpu.memory_space<vmem>>, vector<632x128xf32>,
    return
  }
  func.func @transform_0(%arg0: i32) -> (i32, i32) {
    %c0_i32 = arith.constant 0 : i32
    %c0_i32_0 = arith.constant 0 : i32
    return %arg0, %c0_i32 : i32, i32
  }
  func.func @transform_1(%arg0: i32) -> (i32, i32) {
    %c0_i32 = arith.constant 0 : i32
    %c0_i32_0 = arith.constant 0 : i32
    %c0_i32_1 = arith.constant 0 : i32
    return %c0_i32, %c0_i32_0 : i32, i32
  }
  func.func @transform_2(%arg0: i32) -> (i32, i32) {
    %c0_i32 = arith.constant 0 : i32
    %c0_i32_0 = arith.constant 0 : i32
    %c0_i32_1 = arith.constant 0 : i32
    return %c0_i32, %c0_i32_0 : i32, i32
  }
  func.func @transform_3(%arg0: i32) -> (i32, i32) {
    %c0_i32 = arith.constant 0 : i32
    %c0_i32_0 = arith.constant 0 : i32
    return %arg0, %c0_i32 : i32, i32
  }
}

module attributes {stable_mosaic.version = 14 : i64} {
  func.func @_kx_body(%arg0: i32, %arg1: memref<512x128xi32, #tpu.memory_space<vmem>>, %arg2: memref<512x8xi32, #tpu.memory_space<vmem>>, %arg3: memref<512x128xi32, #tpu.memory_space<vmem>>) attributes {dimension_semantics = [#tpu.dimension_semantics<arbitrary>], iteration_bounds = array<i64: 94>, scalar_prefetch = 0 : i64, scratch_operands = 0 : i64, tpu.core_type = #tpu.core_type<tc>, window_params = [{transform_indices = @transform_0, window_bounds = array<i64: 512, 128>}, {transform_indices = @transform_1, window_bounds = array<i64: 512, 8>}, {transform_indices = @transform_2, window_bounds = array<i64: 512, 128>}]} {
    %get3A = arith.constant 0 : index
    %get3A_0 = arith.constant 0 : index
    %get3A_1 = vector.load %arg1[%get3A, %get3A_0] : memref<512x128xi32, #tpu.memory_space<vmem>>, vector<512x128xi32>
    %get3A_2 = arith.constant 0 : index
    %get3A_3 = arith.constant 0 : index
    %get3A_4 = vector.load %arg2[%get3A_2, %get3A_3] : memref<512x8xi32, #tpu.memory_space<vmem>>, vector<512x1xi32>
    %iota3A = tpu.iota {dimensions = array<i32: 1>} : vector<512x128xi32>
    %broadcast_in_dim3A = arith.constant 0 : i32
    %broadcast_in_dim3A_5 = vector.broadcast %broadcast_in_dim3A : i32 to vector<512x128xi32>
    %add3A = arith.constant 0 : i32
    %add3A_6 = vector.broadcast %add3A : i32 to vector<512x1xi32>
    %add3A_7 = arith.addi %get3A_4, %add3A_6 : vector<512x1xi32>
    %eq3A = vector.broadcast %add3A_7 : vector<512x1xi32> to vector<512x128xi32>
    %eq3A_8 = arith.cmpi eq, %iota3A, %eq3A : vector<512x128xi32>
    %jit3A = arith.constant 0 : i32
    %broadcast_in_dim3A_9 = vector.broadcast %jit3A : i32 to vector<512x128xi32>
    %select_n3A = arith.select %eq3A_8, %get3A_1, %broadcast_in_dim3A_9 : vector<512x128xi1>, vector<512x128xi32>
    %reduce_sum3A = arith.constant dense<0> : vector<512xi32>
    %reduce_sum3A_10 = vector.multi_reduction <add>, %select_n3A, %reduce_sum3A [1] : vector<512x128xi32> to vector<512xi32>
    %broadcast_in_dim3A_11 = vector.shape_cast %reduce_sum3A_10 : vector<512xi32> to vector<512x1xi32>
    %eq3A_12 = arith.constant 0 : i32
    %eq3A_13 = vector.broadcast %eq3A_12 : i32 to vector<512x128xi32>
    %eq3A_14 = arith.cmpi eq, %iota3A, %eq3A_13 : vector<512x128xi32>
    %jit3A_15 = arith.constant 0 : i32
    %broadcast_in_dim3A_16 = vector.shape_cast %broadcast_in_dim3A_11 : vector<512x1xi32> to vector<512x1xi32>
    %broadcast_in_dim3A_17 = vector.broadcast %broadcast_in_dim3A_16 : vector<512x1xi32> to vector<512x128xi32>
    %broadcast_in_dim3A_18 = vector.broadcast %jit3A_15 : i32 to vector<512x128xi32>
    %select_n3A_19 = arith.select %eq3A_14, %broadcast_in_dim3A_17, %broadcast_in_dim3A_18 : vector<512x128xi1>, vector<512x128xi32>
    %add3A_20 = arith.addi %broadcast_in_dim3A_5, %select_n3A_19 : vector<512x128xi32>
    %add3A_21 = arith.constant 1 : i32
    %add3A_22 = vector.broadcast %add3A_21 : i32 to vector<512x1xi32>
    %add3A_23 = arith.addi %get3A_4, %add3A_22 : vector<512x1xi32>
    %eq3A_24 = vector.broadcast %add3A_23 : vector<512x1xi32> to vector<512x128xi32>
    %eq3A_25 = arith.cmpi eq, %iota3A, %eq3A_24 : vector<512x128xi32>
    %jit3A_26 = arith.constant 0 : i32
    %broadcast_in_dim3A_27 = vector.broadcast %jit3A_26 : i32 to vector<512x128xi32>
    %select_n3A_28 = arith.select %eq3A_25, %get3A_1, %broadcast_in_dim3A_27 : vector<512x128xi1>, vector<512x128xi32>
    %reduce_sum3A_29 = arith.constant dense<0> : vector<512xi32>
    %reduce_sum3A_30 = vector.multi_reduction <add>, %select_n3A_28, %reduce_sum3A_29 [1] : vector<512x128xi32> to vector<512xi32>
    %broadcast_in_dim3A_31 = vector.shape_cast %reduce_sum3A_30 : vector<512xi32> to vector<512x1xi32>
    %eq3A_32 = arith.constant 1 : i32
    %eq3A_33 = vector.broadcast %eq3A_32 : i32 to vector<512x128xi32>
    %eq3A_34 = arith.cmpi eq, %iota3A, %eq3A_33 : vector<512x128xi32>
    %jit3A_35 = arith.constant 0 : i32
    %broadcast_in_dim3A_36 = vector.shape_cast %broadcast_in_dim3A_31 : vector<512x1xi32> to vector<512x1xi32>
    %broadcast_in_dim3A_37 = vector.broadcast %broadcast_in_dim3A_36 : vector<512x1xi32> to vector<512x128xi32>
    %broadcast_in_dim3A_38 = vector.broadcast %jit3A_35 : i32 to vector<512x128xi32>
    %select_n3A_39 = arith.select %eq3A_34, %broadcast_in_dim3A_37, %broadcast_in_dim3A_38 : vector<512x128xi1>, vector<512x128xi32>
    %add3A_40 = arith.addi %add3A_20, %select_n3A_39 : vector<512x128xi32>
    %add3A_41 = arith.constant 2 : i32
    %add3A_42 = vector.broadcast %add3A_41 : i32 to vector<512x1xi32>
    %add3A_43 = arith.addi %get3A_4, %add3A_42 : vector<512x1xi32>
    %eq3A_44 = vector.broadcast %add3A_43 : vector<512x1xi32> to vector<512x128xi32>
    %eq3A_45 = arith.cmpi eq, %iota3A, %eq3A_44 : vector<512x128xi32>
    %jit3A_46 = arith.constant 0 : i32
    %broadcast_in_dim3A_47 = vector.broadcast %jit3A_46 : i32 to vector<512x128xi32>
    %select_n3A_48 = arith.select %eq3A_45, %get3A_1, %broadcast_in_dim3A_47 : vector<512x128xi1>, vector<512x128xi32>
    %reduce_sum3A_49 = arith.constant dense<0> : vector<512xi32>
    %reduce_sum3A_50 = vector.multi_reduction <add>, %select_n3A_48, %reduce_sum3A_49 [1] : vector<512x128xi32> to vector<512xi32>
    %broadcast_in_dim3A_51 = vector.shape_cast %reduce_sum3A_50 : vector<512xi32> to vector<512x1xi32>
    %eq3A_52 = arith.constant 2 : i32
    %eq3A_53 = vector.broadcast %eq3A_52 : i32 to vector<512x128xi32>
    %eq3A_54 = arith.cmpi eq, %iota3A, %eq3A_53 : vector<512x128xi32>
    %jit3A_55 = arith.constant 0 : i32
    %broadcast_in_dim3A_56 = vector.shape_cast %broadcast_in_dim3A_51 : vector<512x1xi32> to vector<512x1xi32>
    %broadcast_in_dim3A_57 = vector.broadcast %broadcast_in_dim3A_56 : vector<512x1xi32> to vector<512x128xi32>
    %broadcast_in_dim3A_58 = vector.broadcast %jit3A_55 : i32 to vector<512x128xi32>
    %select_n3A_59 = arith.select %eq3A_54, %broadcast_in_dim3A_57, %broadcast_in_dim3A_58 : vector<512x128xi1>, vector<512x128xi32>
    %add3A_60 = arith.addi %add3A_40, %select_n3A_59 : vector<512x128xi32>
    %add3A_61 = arith.constant 3 : i32
    %add3A_62 = vector.broadcast %add3A_61 : i32 to vector<512x1xi32>
    %add3A_63 = arith.addi %get3A_4, %add3A_62 : vector<512x1xi32>
    %eq3A_64 = vector.broadcast %add3A_63 : vector<512x1xi32> to vector<512x128xi32>
    %eq3A_65 = arith.cmpi eq, %iota3A, %eq3A_64 : vector<512x128xi32>
    %jit3A_66 = arith.constant 0 : i32
    %broadcast_in_dim3A_67 = vector.broadcast %jit3A_66 : i32 to vector<512x128xi32>
    %select_n3A_68 = arith.select %eq3A_65, %get3A_1, %broadcast_in_dim3A_67 : vector<512x128xi1>, vector<512x128xi32>
    %reduce_sum3A_69 = arith.constant dense<0> : vector<512xi32>
    %reduce_sum3A_70 = vector.multi_reduction <add>, %select_n3A_68, %reduce_sum3A_69 [1] : vector<512x128xi32> to vector<512xi32>
    %broadcast_in_dim3A_71 = vector.shape_cast %reduce_sum3A_70 : vector<512xi32> to vector<512x1xi32>
    %eq3A_72 = arith.constant 3 : i32
    %eq3A_73 = vector.broadcast %eq3A_72 : i32 to vector<512x128xi32>
    %eq3A_74 = arith.cmpi eq, %iota3A, %eq3A_73 : vector<512x128xi32>
    %jit3A_75 = arith.constant 0 : i32
    %broadcast_in_dim3A_76 = vector.shape_cast %broadcast_in_dim3A_71 : vector<512x1xi32> to vector<512x1xi32>
    %broadcast_in_dim3A_77 = vector.broadcast %broadcast_in_dim3A_76 : vector<512x1xi32> to vector<512x128xi32>
    %broadcast_in_dim3A_78 = vector.broadcast %jit3A_75 : i32 to vector<512x128xi32>
    %select_n3A_79 = arith.select %eq3A_74, %broadcast_in_dim3A_77, %broadcast_in_dim3A_78 : vector<512x128xi1>, vector<512x128xi32>
    %add3A_80 = arith.addi %add3A_60, %select_n3A_79 : vector<512x128xi32>
    %swap3A = arith.constant 0 : index
    %swap3A_81 = arith.constant 0 : index
    %swap3A_82 = vector.load %arg3[%swap3A, %swap3A_81] : memref<512x128xi32, #tpu.memory_space<vmem>>, vector<512x128xi32>
    tpu.vector_store %arg3[%swap3A, %swap3A_81], %add3A_80 {strides = array<i32>} : memref<512x128xi32, #tpu.memory_space<vmem>>, vector<512x128xi32>,
    return
  }
  func.func @transform_0(%arg0: i32) -> (i32, i32) {
    %c0_i32 = arith.constant 0 : i32
    %c0_i32_0 = arith.constant 0 : i32
    return %arg0, %c0_i32 : i32, i32
  }
  func.func @transform_1(%arg0: i32) -> (i32, i32) {
    %c0_i32 = arith.constant 0 : i32
    %c0_i32_0 = arith.constant 0 : i32
    return %arg0, %c0_i32 : i32, i32
  }
  func.func @transform_2(%arg0: i32) -> (i32, i32) {
    %c0_i32 = arith.constant 0 : i32
    %c0_i32_0 = arith.constant 0 : i32
    return %arg0, %c0_i32 : i32, i32
  }
}

module attributes {stable_mosaic.version = 14 : i64} {
  func.func @_k5_body(%arg0: i32, %arg1: memref<632x128xf32, #tpu.memory_space<vmem>>, %arg2: memref<632x16xf32, #tpu.memory_space<vmem>>, %arg3: memref<632x128xf32, #tpu.memory_space<vmem>>, %arg4: memref<128x128xf32, #tpu.memory_space<vmem>>, %arg5: memref<16x128xf32, #tpu.memory_space<vmem>>, %arg6: memref<128x128xf32, #tpu.memory_space<vmem>>, %arg7: memref<128x128xf32, #tpu.memory_space<vmem>>, %arg8: memref<128x128xf32, #tpu.memory_space<vmem>>, %arg9: memref<632x128xf32, #tpu.memory_space<vmem>>, %arg10: memref<632x128xf32, #tpu.memory_space<vmem>>) attributes {dimension_semantics = [#tpu.dimension_semantics<arbitrary>], iteration_bounds = array<i64: 16>, scalar_prefetch = 0 : i64, scratch_operands = 0 : i64, tpu.core_type = #tpu.core_type<tc>, window_params = [{transform_indices = @transform_0, window_bounds = array<i64: 632, 128>}, {transform_indices = @transform_1, window_bounds = array<i64: 632, 16>}, {transform_indices = @transform_2, window_bounds = array<i64: 632, 128>}, {pipeline_mode = #tpu.pipeline_mode<synchronous>, transform_indices = @transform_3, window_bounds = array<i64: 128, 128>}, {pipeline_mode = #tpu.pipeline_mode<synchronous>, transform_indices = @transform_4, window_bounds = array<i64: 16, 128>}, {pipeline_mode = #tpu.pipeline_mode<synchronous>, transform_indices = @transform_5, window_bounds = array<i64: 128, 128>}, {pipeline_mode = #tpu.pipeline_mode<synchronous>, transform_indices = @transform_6, window_bounds = array<i64: 128, 128>}, {pipeline_mode = #tpu.pipeline_mode<synchronous>, transform_indices = @transform_7, window_bounds = array<i64: 128, 128>}, {transform_indices = @transform_8, window_bounds = array<i64: 632, 128>}, {transform_indices = @transform_9, window_bounds = array<i64: 632, 128>}]} {
    %get3A = arith.constant 0 : index
    %get3A_0 = arith.constant 0 : index
    %get3A_1 = vector.load %arg1[%get3A, %get3A_0] : memref<632x128xf32, #tpu.memory_space<vmem>>, vector<632x128xf32>
    %get3A_2 = arith.constant 0 : index
    %get3A_3 = arith.constant 0 : index
    %get3A_4 = vector.load %arg4[%get3A_2, %get3A_3] : memref<128x128xf32, #tpu.memory_space<vmem>>, vector<128x128xf32>
    %dot_general3A = arith.constant dense<0.000000e+00> : vector<632x128xf32>
    %dot_general3A_5 = tpu.matmul %get3A_1, %get3A_4, %dot_general3A {dimension_numbers = #tpu.dot_dimension_numbers<[1], [0], [0], [1], [0, 0, 1, 1], [], []>, transpose_lhs_hint = false} : vector<632x128xf32>, vector<128x128xf32>, vector<632x128xf32> -> vector<632x128xf32>
    %get3A_6 = arith.constant 0 : index
    %get3A_7 = arith.constant 0 : index
    %get3A_8 = vector.load %arg2[%get3A_6, %get3A_7] : memref<632x16xf32, #tpu.memory_space<vmem>>, vector<632x16xf32>
    %get3A_9 = arith.constant 0 : index
    %get3A_10 = arith.constant 0 : index
    %get3A_11 = vector.load %arg5[%get3A_9, %get3A_10] : memref<16x128xf32, #tpu.memory_space<vmem>>, vector<16x128xf32>
    %dot_general3A_12 = arith.constant dense<0.000000e+00> : vector<632x128xf32>
    %dot_general3A_13 = tpu.matmul %get3A_8, %get3A_11, %dot_general3A_12 {dimension_numbers = #tpu.dot_dimension_numbers<[1], [0], [0], [1], [0, 0, 1, 1], [], []>, transpose_lhs_hint = false} : vector<632x16xf32>, vector<16x128xf32>, vector<632x128xf32> -> vector<632x128xf32>
    %add3A = arith.addf %dot_general3A_5, %dot_general3A_13 : vector<632x128xf32>
    %get3A_14 = arith.constant 0 : index
    %get3A_15 = arith.constant 0 : index
    %get3A_16 = vector.load %arg3[%get3A_14, %get3A_15] : memref<632x128xf32, #tpu.memory_space<vmem>>, vector<632x128xf32>
    %get3A_17 = arith.constant 0 : index
    %get3A_18 = arith.constant 0 : index
    %get3A_19 = vector.load %arg6[%get3A_17, %get3A_18] : memref<128x128xf32, #tpu.memory_space<vmem>>, vector<128x128xf32>
    %dot_general3A_20 = arith.constant dense<0.000000e+00> : vector<632x128xf32>
    %dot_general3A_21 = tpu.matmul %get3A_16, %get3A_19, %dot_general3A_20 {dimension_numbers = #tpu.dot_dimension_numbers<[1], [0], [0], [1], [0, 0, 1, 1], [], []>, transpose_lhs_hint = false} : vector<632x128xf32>, vector<128x128xf32>, vector<632x128xf32> -> vector<632x128xf32>
    %add3A_22 = arith.addf %add3A, %dot_general3A_21 : vector<632x128xf32>
    %max3A = arith.constant 0.000000e+00 : f32
    %max3A_23 = vector.broadcast %max3A : f32 to vector<632x128xf32>
    %max3A_24 = arith.maximumf %add3A_22, %max3A_23 : vector<632x128xf32>
    %get3A_25 = arith.constant 0 : index
    %get3A_26 = arith.constant 0 : index
    %get3A_27 = vector.load %arg7[%get3A_25, %get3A_26] : memref<128x128xf32, #tpu.memory_space<vmem>>, vector<128x128xf32>
    %dot_general3A_28 = arith.constant dense<0.000000e+00> : vector<632x128xf32>
    %dot_general3A_29 = tpu.matmul %max3A_24, %get3A_27, %dot_general3A_28 {dimension_numbers = #tpu.dot_dimension_numbers<[1], [0], [0], [1], [0, 0, 1, 1], [], []>, transpose_lhs_hint = false} : vector<632x128xf32>, vector<128x128xf32>, vector<632x128xf32> -> vector<632x128xf32>
    %swap3A = arith.constant 0 : index
    %swap3A_30 = arith.constant 0 : index
    %swap3A_31 = vector.load %arg9[%swap3A, %swap3A_30] : memref<632x128xf32, #tpu.memory_space<vmem>>, vector<632x128xf32>
    tpu.vector_store %arg9[%swap3A, %swap3A_30], %dot_general3A_29 {strides = array<i32>} : memref<632x128xf32, #tpu.memory_space<vmem>>, vector<632x128xf32>,
    %get3A_32 = arith.constant 0 : index
    %get3A_33 = arith.constant 0 : index
    %get3A_34 = vector.load %arg8[%get3A_32, %get3A_33] : memref<128x128xf32, #tpu.memory_space<vmem>>, vector<128x128xf32>
    %dot_general3A_35 = arith.constant dense<0.000000e+00> : vector<632x128xf32>
    %dot_general3A_36 = tpu.matmul %max3A_24, %get3A_34, %dot_general3A_35 {dimension_numbers = #tpu.dot_dimension_numbers<[1], [0], [0], [1], [0, 0, 1, 1], [], []>, transpose_lhs_hint = false} : vector<632x128xf32>, vector<128x128xf32>, vector<632x128xf32> -> vector<632x128xf32>
    %swap3A_37 = arith.constant 0 : index
    %swap3A_38 = arith.constant 0 : index
    %swap3A_39 = vector.load %arg10[%swap3A_37, %swap3A_38] : memref<632x128xf32, #tpu.memory_space<vmem>>, vector<632x128xf32>
    tpu.vector_store %arg10[%swap3A_37, %swap3A_38], %dot_general3A_36 {strides = array<i32>} : memref<632x128xf32, #tpu.memory_space<vmem>>, vector<632x128xf32>,
    return
  }
  func.func @transform_0(%arg0: i32) -> (i32, i32) {
    %c0_i32 = arith.constant 0 : i32
    %c0_i32_0 = arith.constant 0 : i32
    return %arg0, %c0_i32 : i32, i32
  }
  func.func @transform_1(%arg0: i32) -> (i32, i32) {
    %c0_i32 = arith.constant 0 : i32
    %c0_i32_0 = arith.constant 0 : i32
    return %arg0, %c0_i32 : i32, i32
  }
  func.func @transform_2(%arg0: i32) -> (i32, i32) {
    %c0_i32 = arith.constant 0 : i32
    %c0_i32_0 = arith.constant 0 : i32
    return %arg0, %c0_i32 : i32, i32
  }
  func.func @transform_3(%arg0: i32) -> (i32, i32) {
    %c0_i32 = arith.constant 0 : i32
    %c0_i32_0 = arith.constant 0 : i32
    %c0_i32_1 = arith.constant 0 : i32
    return %c0_i32, %c0_i32_0 : i32, i32
  }
  func.func @transform_4(%arg0: i32) -> (i32, i32) {
    %c0_i32 = arith.constant 0 : i32
    %c0_i32_0 = arith.constant 0 : i32
    %c0_i32_1 = arith.constant 0 : i32
    return %c0_i32, %c0_i32_0 : i32, i32
  }
  func.func @transform_5(%arg0: i32) -> (i32, i32) {
    %c0_i32 = arith.constant 0 : i32
    %c0_i32_0 = arith.constant 0 : i32
    %c0_i32_1 = arith.constant 0 : i32
    return %c0_i32, %c0_i32_0 : i32, i32
  }
  func.func @transform_6(%arg0: i32) -> (i32, i32) {
    %c0_i32 = arith.constant 0 : i32
    %c0_i32_0 = arith.constant 0 : i32
    %c0_i32_1 = arith.constant 0 : i32
    return %c0_i32, %c0_i32_0 : i32, i32
  }
  func.func @transform_7(%arg0: i32) -> (i32, i32) {
    %c0_i32 = arith.constant 0 : i32
    %c0_i32_0 = arith.constant 0 : i32
    %c0_i32_1 = arith.constant 0 : i32
    return %c0_i32, %c0_i32_0 : i32, i32
  }
  func.func @transform_8(%arg0: i32) -> (i32, i32) {
    %c0_i32 = arith.constant 0 : i32
    %c0_i32_0 = arith.constant 0 : i32
    return %arg0, %c0_i32 : i32, i32
  }
  func.func @transform_9(%arg0: i32) -> (i32, i32) {
    %c0_i32 = arith.constant 0 : i32
    %c0_i32_0 = arith.constant 0 : i32
    return %arg0, %c0_i32 : i32, i32
  }
}

module attributes {stable_mosaic.version = 14 : i64} {
  func.func @_k7_body(%arg0: i32, %arg1: memref<1536x128xf32, #tpu.memory_space<vmem>>, %arg2: memref<1536x16xf32, #tpu.memory_space<vmem>>, %arg3: memref<1536x128xf32, #tpu.memory_space<vmem>>, %arg4: memref<1536x128xf32, #tpu.memory_space<vmem>>, %arg5: memref<128x128xf32, #tpu.memory_space<vmem>>, %arg6: memref<16x128xf32, #tpu.memory_space<vmem>>, %arg7: memref<128x128xf32, #tpu.memory_space<vmem>>, %arg8: memref<128x128xf32, #tpu.memory_space<vmem>>, %arg9: memref<1x128xf32, #tpu.memory_space<vmem>>, %arg10: memref<128x128xf32, #tpu.memory_space<vmem>>, %arg11: memref<1x128xf32, #tpu.memory_space<vmem>>, %arg12: memref<512x128xf32, #tpu.memory_space<vmem>>, %arg13: memref<512x128xf32, #tpu.memory_space<vmem>>, %arg14: memref<1x128xf32, #tpu.memory_space<vmem>>, %arg15: memref<128x128xf32, #tpu.memory_space<vmem>>, %arg16: memref<1x128xf32, #tpu.memory_space<vmem>>, %arg17: memref<1x1xf32, #tpu.memory_space<smem>>, %arg18: memref<2xf32, #tpu.memory_space<smem>>) attributes {dimension_semantics = [#tpu.dimension_semantics<arbitrary>], iteration_bounds = array<i64: 95>, scalar_prefetch = 0 : i64, scratch_operands = 1 : i64, tpu.core_type = #tpu.core_type<tc>, window_params = [{pipeline_mode = #tpu.pipeline_mode<synchronous>, transform_indices = @transform_0, window_bounds = array<i64: 1536, 128>}, {pipeline_mode = #tpu.pipeline_mode<synchronous>, transform_indices = @transform_1, window_bounds = array<i64: 1536, 16>}, {pipeline_mode = #tpu.pipeline_mode<synchronous>, transform_indices = @transform_2, window_bounds = array<i64: 1536, 128>}, {pipeline_mode = #tpu.pipeline_mode<synchronous>, transform_indices = @transform_3, window_bounds = array<i64: 1536, 128>}, {pipeline_mode = #tpu.pipeline_mode<synchronous>, transform_indices = @transform_4, window_bounds = array<i64: 128, 128>}, {pipeline_mode = #tpu.pipeline_mode<synchronous>, transform_indices = @transform_5, window_bounds = array<i64: 16, 128>}, {pipeline_mode = #tpu.pipeline_mode<synchronous>, transform_indices = @transform_6, window_bounds = array<i64: 128, 128>}, {pipeline_mode = #tpu.pipeline_mode<synchronous>, transform_indices = @transform_7, window_bounds = array<i64: 128, 128>}, {pipeline_mode = #tpu.pipeline_mode<synchronous>, transform_indices = @transform_8, window_bounds = array<i64: 1, 128>}, {pipeline_mode = #tpu.pipeline_mode<synchronous>, transform_indices = @transform_9, window_bounds = array<i64: 128, 128>}, {pipeline_mode = #tpu.pipeline_mode<synchronous>, transform_indices = @transform_10, window_bounds = array<i64: 1, 128>}, {transform_indices = @transform_11, window_bounds = array<i64: 512, 128>}, {transform_indices = @transform_12, window_bounds = array<i64: 512, 128>}, {pipeline_mode = #tpu.pipeline_mode<synchronous>, transform_indices = @transform_13, window_bounds = array<i64: 1, 128>}, {pipeline_mode = #tpu.pipeline_mode<synchronous>, transform_indices = @transform_14, window_bounds = array<i64: 128, 128>}, {pipeline_mode = #tpu.pipeline_mode<synchronous>, transform_indices = @transform_15, window_bounds = array<i64: 1, 128>}, {transform_indices = @transform_16, window_bounds = array<i64: 1, 1>}]} {
    %eq3A = arith.constant 0 : i32
    %eq3A_0 = arith.cmpi eq, %arg0, %eq3A : i32
    %convert_element_type3A = arith.extui %eq3A_0 : i1 to i32
    %cond3A = arith.constant 0 : i32
    %cond3A_1 = arith.cmpi ne, %convert_element_type3A, %cond3A : i32
    scf.if %cond3A_1 {
      %get3A_17 = arith.constant 0 : index
      %get3A_18 = arith.constant 0 : index
      %get3A_19 = vector.load %arg1[%get3A_17, %get3A_18] : memref<1536x128xf32, #tpu.memory_space<vmem>>, vector<1536x128xf32>
      %get3A_20 = arith.constant 0 : index
      %get3A_21 = arith.constant 0 : index
      %get3A_22 = vector.load %arg5[%get3A_20, %get3A_21] : memref<128x128xf32, #tpu.memory_space<vmem>>, vector<128x128xf32>
      %dot_general3A = arith.constant dense<0.000000e+00> : vector<1536x128xf32>
      %dot_general3A_23 = tpu.matmul %get3A_19, %get3A_22, %dot_general3A {dimension_numbers = #tpu.dot_dimension_numbers<[1], [0], [0], [1], [0, 0, 1, 1], [], []>, transpose_lhs_hint = false} : vector<1536x128xf32>, vector<128x128xf32>, vector<1536x128xf32> -> vector<1536x128xf32>
      %get3A_24 = arith.constant 0 : index
      %get3A_25 = arith.constant 0 : index
      %get3A_26 = vector.load %arg2[%get3A_24, %get3A_25] : memref<1536x16xf32, #tpu.memory_space<vmem>>, vector<1536x16xf32>
      %get3A_27 = arith.constant 0 : index
      %get3A_28 = arith.constant 0 : index
      %get3A_29 = vector.load %arg6[%get3A_27, %get3A_28] : memref<16x128xf32, #tpu.memory_space<vmem>>, vector<16x128xf32>
      %dot_general3A_30 = arith.constant dense<0.000000e+00> : vector<1536x128xf32>
      %dot_general3A_31 = tpu.matmul %get3A_26, %get3A_29, %dot_general3A_30 {dimension_numbers = #tpu.dot_dimension_numbers<[1], [0], [0], [1], [0, 0, 1, 1], [], []>, transpose_lhs_hint = false} : vector<1536x16xf32>, vector<16x128xf32>, vector<1536x128xf32> -> vector<1536x128xf32>
      %add3A_32 = arith.addf %dot_general3A_23, %dot_general3A_31 : vector<1536x128xf32>
      %get3A_33 = arith.constant 0 : index
      %get3A_34 = arith.constant 0 : index
      %get3A_35 = vector.load %arg3[%get3A_33, %get3A_34] : memref<1536x128xf32, #tpu.memory_space<vmem>>, vector<1536x128xf32>
      %get3A_36 = arith.constant 0 : index
      %get3A_37 = arith.constant 0 : index
      %get3A_38 = vector.load %arg7[%get3A_36, %get3A_37] : memref<128x128xf32, #tpu.memory_space<vmem>>, vector<128x128xf32>
      %dot_general3A_39 = arith.constant dense<0.000000e+00> : vector<1536x128xf32>
      %dot_general3A_40 = tpu.matmul %get3A_35, %get3A_38, %dot_general3A_39 {dimension_numbers = #tpu.dot_dimension_numbers<[1], [0], [0], [1], [0, 0, 1, 1], [], []>, transpose_lhs_hint = false} : vector<1536x128xf32>, vector<128x128xf32>, vector<1536x128xf32> -> vector<1536x128xf32>
      %add3A_41 = arith.addf %add3A_32, %dot_general3A_40 : vector<1536x128xf32>
      %max3A = arith.constant 0.000000e+00 : f32
      %max3A_42 = vector.broadcast %max3A : f32 to vector<1536x128xf32>
      %max3A_43 = arith.maximumf %add3A_41, %max3A_42 : vector<1536x128xf32>
      %get3A_44 = arith.constant 0 : index
      %get3A_45 = arith.constant 0 : index
      %get3A_46 = vector.load %arg8[%get3A_44, %get3A_45] : memref<128x128xf32, #tpu.memory_space<vmem>>, vector<128x128xf32>
      %dot_general3A_47 = arith.constant dense<0.000000e+00> : vector<1536x128xf32>
      %dot_general3A_48 = tpu.matmul %max3A_43, %get3A_46, %dot_general3A_47 {dimension_numbers = #tpu.dot_dimension_numbers<[1], [0], [0], [1], [0, 0, 1, 1], [], []>, transpose_lhs_hint = false} : vector<1536x128xf32>, vector<128x128xf32>, vector<1536x128xf32> -> vector<1536x128xf32>
      %get3A_49 = arith.constant 0 : index
      %get3A_50 = arith.constant 0 : index
      %get3A_51 = vector.load %arg9[%get3A_49, %get3A_50] : memref<1x128xf32, #tpu.memory_space<vmem>>, vector<1x128xf32>
      %add3A_52 = vector.broadcast %get3A_51 : vector<1x128xf32> to vector<1536x128xf32>
      %add3A_53 = arith.addf %dot_general3A_48, %add3A_52 : vector<1536x128xf32>
      %max3A_54 = arith.constant 0.000000e+00 : f32
      %max3A_55 = vector.broadcast %max3A_54 : f32 to vector<1536x128xf32>
      %max3A_56 = arith.maximumf %add3A_53, %max3A_55 : vector<1536x128xf32>
      %get3A_57 = arith.constant 0 : index
      %get3A_58 = arith.constant 0 : index
      %get3A_59 = vector.load %arg10[%get3A_57, %get3A_58] : memref<128x128xf32, #tpu.memory_space<vmem>>, vector<128x128xf32>
      %dot_general3A_60 = arith.constant dense<0.000000e+00> : vector<1536x128xf32>
      %dot_general3A_61 = tpu.matmul %max3A_56, %get3A_59, %dot_general3A_60 {dimension_numbers = #tpu.dot_dimension_numbers<[1], [0], [0], [1], [0, 0, 1, 1], [], []>, transpose_lhs_hint = false} : vector<1536x128xf32>, vector<128x128xf32>, vector<1536x128xf32> -> vector<1536x128xf32>
      %get3A_62 = arith.constant 0 : index
      %get3A_63 = arith.constant 0 : index
      %get3A_64 = vector.load %arg11[%get3A_62, %get3A_63] : memref<1x128xf32, #tpu.memory_space<vmem>>, vector<1x128xf32>
      %add3A_65 = vector.broadcast %get3A_64 : vector<1x128xf32> to vector<1536x128xf32>
      %add3A_66 = arith.addf %dot_general3A_61, %add3A_65 : vector<1536x128xf32>
      %iota3A = tpu.iota {dimensions = array<i32: 0>} : vector<1536x128xi32>
      %iota3A_67 = tpu.iota {dimensions = array<i32: 1>} : vector<1536x128xi32>
      %lt3A = arith.constant 1500 : i32
      %lt3A_68 = vector.broadcast %lt3A : i32 to vector<1536x128xi32>
      %lt3A_69 = arith.cmpi slt, %iota3A, %lt3A_68 : vector<1536x128xi32>
      %lt3A_70 = arith.constant 2 : i32
      %lt3A_71 = vector.broadcast %lt3A_70 : i32 to vector<1536x128xi32>
      %lt3A_72 = arith.cmpi slt, %iota3A_67, %lt3A_71 : vector<1536x128xi32>
      %and3A = arith.andi %lt3A_69, %lt3A_72 : vector<1536x128xi1>
      %get3A_73 = arith.constant 0 : index
      %get3A_74 = arith.constant 0 : index
      %get3A_75 = vector.load %arg4[%get3A_73, %get3A_74] : memref<1536x128xf32, #tpu.memory_space<vmem>>, vector<1536x128xf32>
      %sub3A = arith.subf %add3A_66, %get3A_75 : vector<1536x128xf32>
      %abs3A = math.absf %sub3A : vector<1536x128xf32>
      %jit3A = arith.constant 0.000000e+00 : f32
      %broadcast_in_dim3A = vector.broadcast %jit3A : f32 to vector<1536x128xf32>
      %select_n3A = arith.select %and3A, %abs3A, %broadcast_in_dim3A : vector<1536x128xi1>, vector<1536x128xf32>
      %reduce_sum3A = vector.shape_cast %select_n3A : vector<1536x128xf32> to vector<1x1536x128xf32>
      %reduce_sum3A_76 = arith.constant dense<0.000000e+00> : vector<1xf32>
      %reduce_sum3A_77 = vector.multi_reduction <add>, %reduce_sum3A, %reduce_sum3A_76 [1, 2] : vector<1x1536x128xf32> to vector<1xf32>
      %reduce_sum3A_78 = vector.shape_cast %reduce_sum3A_77 : vector<1xf32> to vector<1x1x1xf32>
      %reduce_sum3A_79 = vector.extract %reduce_sum3A_78[0, 0, 0] : f32 from vector<1x1x1xf32>
      %swap3A_80 = arith.constant 0 : index
      %swap3A_81 = memref.load %arg18[%swap3A_80] : memref<2xf32, #tpu.memory_space<smem>>
      memref.store %reduce_sum3A_79, %arg18[%swap3A_80] : memref<2xf32, #tpu.memory_space<smem>>
      %swap3A_82 = arith.constant 0.000000e+00 : f32
      %swap3A_83 = arith.constant 1 : index
      %swap3A_84 = memref.load %arg18[%swap3A_83] : memref<2xf32, #tpu.memory_space<smem>>
      memref.store %swap3A_82, %arg18[%swap3A_83] : memref<2xf32, #tpu.memory_space<smem>>
    } else {
    }
    %gt3A = arith.constant 0 : i32
    %gt3A_2 = arith.cmpi sgt, %arg0, %gt3A : i32
    %convert_element_type3A_3 = arith.extui %gt3A_2 : i1 to i32
    %cond3A_4 = arith.constant 0 : i32
    %cond3A_5 = arith.cmpi ne, %convert_element_type3A_3, %cond3A_4 : i32
    scf.if %cond3A_5 {
      %get3A_17 = arith.constant 0 : index
      %get3A_18 = arith.constant 0 : index
      %get3A_19 = vector.load %arg12[%get3A_17, %get3A_18] : memref<512x128xf32, #tpu.memory_space<vmem>>, vector<512x128xf32>
      %get3A_20 = arith.constant 0 : index
      %get3A_21 = arith.constant 0 : index
      %get3A_22 = vector.load %arg14[%get3A_20, %get3A_21] : memref<1x128xf32, #tpu.memory_space<vmem>>, vector<1x128xf32>
      %add3A_23 = vector.broadcast %get3A_22 : vector<1x128xf32> to vector<512x128xf32>
      %add3A_24 = arith.addf %get3A_19, %add3A_23 : vector<512x128xf32>
      %max3A = arith.constant 0.000000e+00 : f32
      %max3A_25 = vector.broadcast %max3A : f32 to vector<512x128xf32>
      %max3A_26 = arith.maximumf %add3A_24, %max3A_25 : vector<512x128xf32>
      %get3A_27 = arith.constant 0 : index
      %get3A_28 = arith.constant 0 : index
      %get3A_29 = vector.load %arg15[%get3A_27, %get3A_28] : memref<128x128xf32, #tpu.memory_space<vmem>>, vector<128x128xf32>
      %dot_general3A = arith.constant dense<0.000000e+00> : vector<512x128xf32>
      %dot_general3A_30 = tpu.matmul %max3A_26, %get3A_29, %dot_general3A {dimension_numbers = #tpu.dot_dimension_numbers<[1], [0], [0], [1], [0, 0, 1, 1], [], []>, transpose_lhs_hint = false} : vector<512x128xf32>, vector<128x128xf32>, vector<512x128xf32> -> vector<512x128xf32>
      %get3A_31 = arith.constant 0 : index
      %get3A_32 = arith.constant 0 : index
      %get3A_33 = vector.load %arg16[%get3A_31, %get3A_32] : memref<1x128xf32, #tpu.memory_space<vmem>>, vector<1x128xf32>
      %add3A_34 = vector.broadcast %get3A_33 : vector<1x128xf32> to vector<512x128xf32>
      %add3A_35 = arith.addf %dot_general3A_30, %add3A_34 : vector<512x128xf32>
      %sub3A = arith.constant 1 : i32
      %sub3A_36 = arith.subi %arg0, %sub3A : i32
      %mul3A_37 = arith.constant 512 : i32
      %mul3A_38 = arith.muli %sub3A_36, %mul3A_37 : i32
      %iota3A = tpu.iota {dimensions = array<i32: 0>} : vector<512x128xi32>
      %add3A_39 = vector.broadcast %mul3A_38 : i32 to vector<512x128xi32>
      %add3A_40 = arith.addi %add3A_39, %iota3A : vector<512x128xi32>
      %iota3A_41 = tpu.iota {dimensions = array<i32: 1>} : vector<512x128xi32>
      %lt3A = arith.constant 48000 : i32
      %lt3A_42 = vector.broadcast %lt3A : i32 to vector<512x128xi32>
      %lt3A_43 = arith.cmpi slt, %add3A_40, %lt3A_42 : vector<512x128xi32>
      %lt3A_44 = arith.constant 2 : i32
      %lt3A_45 = vector.broadcast %lt3A_44 : i32 to vector<512x128xi32>
      %lt3A_46 = arith.cmpi slt, %iota3A_41, %lt3A_45 : vector<512x128xi32>
      %and3A = arith.andi %lt3A_43, %lt3A_46 : vector<512x128xi1>
      %get3A_47 = arith.constant 0 : index
      %get3A_48 = arith.constant 0 : index
      %get3A_49 = vector.load %arg13[%get3A_47, %get3A_48] : memref<512x128xf32, #tpu.memory_space<vmem>>, vector<512x128xf32>
      %sub3A_50 = arith.subf %add3A_35, %get3A_49 : vector<512x128xf32>
      %abs3A = math.absf %sub3A_50 : vector<512x128xf32>
      %jit3A = arith.constant 0.000000e+00 : f32
      %broadcast_in_dim3A = vector.broadcast %jit3A : f32 to vector<512x128xf32>
      %select_n3A = arith.select %and3A, %abs3A, %broadcast_in_dim3A : vector<512x128xi1>, vector<512x128xf32>
      %get3A_51 = arith.constant 1 : index
      %get3A_52 = memref.load %arg18[%get3A_51] : memref<2xf32, #tpu.memory_space<smem>>
      %reduce_sum3A = vector.shape_cast %select_n3A : vector<512x128xf32> to vector<1x512x128xf32>
      %reduce_sum3A_53 = arith.constant dense<0.000000e+00> : vector<1xf32>
      %reduce_sum3A_54 = vector.multi_reduction <add>, %reduce_sum3A, %reduce_sum3A_53 [1, 2] : vector<1x512x128xf32> to vector<1xf32>
      %reduce_sum3A_55 = vector.shape_cast %reduce_sum3A_54 : vector<1xf32> to vector<1x1x1xf32>
      %reduce_sum3A_56 = vector.extract %reduce_sum3A_55[0, 0, 0] : f32 from vector<1x1x1xf32>
      %add3A_57 = arith.addf %get3A_52, %reduce_sum3A_56 : f32
      %swap3A_58 = arith.constant 1 : index
      %swap3A_59 = memref.load %arg18[%swap3A_58] : memref<2xf32, #tpu.memory_space<smem>>
      memref.store %add3A_57, %arg18[%swap3A_58] : memref<2xf32, #tpu.memory_space<smem>>
    } else {
    }
    %get3A = arith.constant 0 : index
    %get3A_6 = memref.load %arg18[%get3A] : memref<2xf32, #tpu.memory_space<smem>>
    %mul3A = arith.constant 5.000000e-01 : f32
    %mul3A_7 = arith.mulf %mul3A, %get3A_6 : f32
    %div3A = arith.constant 3.000000e+03 : f32
    %div3A_8 = arith.divf %mul3A_7, %div3A : f32
    %get3A_9 = arith.constant 1 : index
    %get3A_10 = memref.load %arg18[%get3A_9] : memref<2xf32, #tpu.memory_space<smem>>
    %mul3A_11 = arith.constant 5.000000e-01 : f32
    %mul3A_12 = arith.mulf %mul3A_11, %get3A_10 : f32
    %div3A_13 = arith.constant 9.600000e+04 : f32
    %div3A_14 = arith.divf %mul3A_12, %div3A_13 : f32
    %add3A = arith.addf %div3A_8, %div3A_14 : f32
    %swap3A = arith.constant 0 : index
    %swap3A_15 = arith.constant 0 : index
    %swap3A_16 = memref.load %arg17[%swap3A, %swap3A_15] : memref<1x1xf32, #tpu.memory_space<smem>>
    memref.store %add3A, %arg17[%swap3A, %swap3A_15] : memref<1x1xf32, #tpu.memory_space<smem>>
    return
  }
  func.func @transform_0(%arg0: i32) -> (i32, i32) {
    %c0_i32 = arith.constant 0 : i32
    %c0_i32_0 = arith.constant 0 : i32
    %c0_i32_1 = arith.constant 0 : i32
    return %c0_i32, %c0_i32_0 : i32, i32
  }
  func.func @transform_1(%arg0: i32) -> (i32, i32) {
    %c0_i32 = arith.constant 0 : i32
    %c0_i32_0 = arith.constant 0 : i32
    %c0_i32_1 = arith.constant 0 : i32
    return %c0_i32, %c0_i32_0 : i32, i32
  }
  func.func @transform_2(%arg0: i32) -> (i32, i32) {
    %c0_i32 = arith.constant 0 : i32
    %c0_i32_0 = arith.constant 0 : i32
    %c0_i32_1 = arith.constant 0 : i32
    return %c0_i32, %c0_i32_0 : i32, i32
  }
  func.func @transform_3(%arg0: i32) -> (i32, i32) {
    %c0_i32 = arith.constant 0 : i32
    %c0_i32_0 = arith.constant 0 : i32
    %c0_i32_1 = arith.constant 0 : i32
    return %c0_i32, %c0_i32_0 : i32, i32
  }
  func.func @transform_4(%arg0: i32) -> (i32, i32) {
    %c0_i32 = arith.constant 0 : i32
    %c0_i32_0 = arith.constant 0 : i32
    %c0_i32_1 = arith.constant 0 : i32
    return %c0_i32, %c0_i32_0 : i32, i32
  }
  func.func @transform_5(%arg0: i32) -> (i32, i32) {
    %c0_i32 = arith.constant 0 : i32
    %c0_i32_0 = arith.constant 0 : i32
    %c0_i32_1 = arith.constant 0 : i32
    return %c0_i32, %c0_i32_0 : i32, i32
  }
  func.func @transform_6(%arg0: i32) -> (i32, i32) {
    %c0_i32 = arith.constant 0 : i32
    %c0_i32_0 = arith.constant 0 : i32
    %c0_i32_1 = arith.constant 0 : i32
    return %c0_i32, %c0_i32_0 : i32, i32
  }
  func.func @transform_7(%arg0: i32) -> (i32, i32) {
    %c0_i32 = arith.constant 0 : i32
    %c0_i32_0 = arith.constant 0 : i32
    %c0_i32_1 = arith.constant 0 : i32
    return %c0_i32, %c0_i32_0 : i32, i32
  }
  func.func @transform_8(%arg0: i32) -> (i32, i32) {
    %c0_i32 = arith.constant 0 : i32
    %c0_i32_0 = arith.constant 0 : i32
    %c0_i32_1 = arith.constant 0 : i32
    return %c0_i32, %c0_i32_0 : i32, i32
  }
  func.func @transform_9(%arg0: i32) -> (i32, i32) {
    %c0_i32 = arith.constant 0 : i32
    %c0_i32_0 = arith.constant 0 : i32
    %c0_i32_1 = arith.constant 0 : i32
    return %c0_i32, %c0_i32_0 : i32, i32
  }
  func.func @transform_10(%arg0: i32) -> (i32, i32) {
    %c0_i32 = arith.constant 0 : i32
    %c0_i32_0 = arith.constant 0 : i32
    %c0_i32_1 = arith.constant 0 : i32
    return %c0_i32, %c0_i32_0 : i32, i32
  }
  func.func @transform_11(%arg0: i32) -> (i32, i32) {
    %sub3A = arith.constant 1 : i32
    %sub3A_0 = arith.subi %arg0, %sub3A : i32
    %max3A = arith.constant 0 : i32
    %max3A_1 = arith.maxsi %sub3A_0, %max3A : i32
    %c0_i32 = arith.constant 0 : i32
    %c0_i32_2 = arith.constant 0 : i32
    return %max3A_1, %c0_i32 : i32, i32
  }
  func.func @transform_12(%arg0: i32) -> (i32, i32) {
    %sub3A = arith.constant 1 : i32
    %sub3A_0 = arith.subi %arg0, %sub3A : i32
    %max3A = arith.constant 0 : i32
    %max3A_1 = arith.maxsi %sub3A_0, %max3A : i32
    %c0_i32 = arith.constant 0 : i32
    %c0_i32_2 = arith.constant 0 : i32
    return %max3A_1, %c0_i32 : i32, i32
  }
  func.func @transform_13(%arg0: i32) -> (i32, i32) {
    %c0_i32 = arith.constant 0 : i32
    %c0_i32_0 = arith.constant 0 : i32
    %c0_i32_1 = arith.constant 0 : i32
    return %c0_i32, %c0_i32_0 : i32, i32
  }
  func.func @transform_14(%arg0: i32) -> (i32, i32) {
    %c0_i32 = arith.constant 0 : i32
    %c0_i32_0 = arith.constant 0 : i32
    %c0_i32_1 = arith.constant 0 : i32
    return %c0_i32, %c0_i32_0 : i32, i32
  }
  func.func @transform_15(%arg0: i32) -> (i32, i32) {
    %c0_i32 = arith.constant 0 : i32
    %c0_i32_0 = arith.constant 0 : i32
    %c0_i32_1 = arith.constant 0 : i32
    return %c0_i32, %c0_i32_0 : i32, i32
  }
  func.func @transform_16(%arg0: i32) -> (i32, i32) {
    %c0_i32 = arith.constant 0 : i32
    %c0_i32_0 = arith.constant 0 : i32
    %c0_i32_1 = arith.constant 0 : i32
    return %c0_i32, %c0_i32_0 : i32, i32
  }
}

</mosaic_0001>

<sc_bundles>
// kernel: kernel.11.cloned.1.call-start
scs
__scs_entry_jumppad:
0x0: {  	(pc) =	sbr.rel $0x88, $3  }
0x1: {  	(tag) =	ssettag $0x0;
	lr =	simm.s32 $0x1  }
0x2: {  	[smem:$0x3F8F] =	sst lr;
	_ =	strace $0xD0000000  }
0x3: {  	_ = 	snop  }
0x4: {  	_ = 	snop  }
0x5: {  	_ = 	snop  }
0x6: {  	_ = 	snop  }
0x7: {  	_ = 	snop  }
__scs_overlays_trampoline_lowered:
0x8: {  	[smem:$0x3F9E] =	sst s0  }
0x9: {  	[smem:$0x3F9F] =	sst s1  }
0xa: {  	[smem:$0x3FA0] =	sst s2  }
0xb: {  	[smem:$0x3FA1] =	sst s3  }
0xc: {  	[smem:$0x3FA2] =	sst s4  }
0xd: {  	[smem:$0x3FA3] =	sst s5  }
0xe: {  	[smem:$0x3FA4] =	sst s6  }
0xf: {  	[smem:$0x3FA5] =	sst s7  }
0x10: {  	[smem:$0x3FA6] =	sst s8  }
0x11: {  	[smem:$0x3FA7] =	sst s9;
	s0 =	simm.s32 @!p0 $0x0  }
0x12: {  	s1 =	sld [smem:$0x3F8D];
	s0 =	simm.s32 @p0 $0x1  }
0x13: {  	[smem:$0x3FA8] =	sst s0;
	s0 =	simm.s32 @!p1 $0x0  }
0x14: {  	s2 =	sld [smem:$0x3F8C];
	s0 =	simm.s32 @p1 $0x1  }
0x15: {  	[smem:$0x3FA9] =	sst s0;
	s0 =	simm.s32 @!p2 $0x0  }
0x16: {  	s3 =	sld [smem:$0x3FDB];
	s0 =	simm.s32 @p2 $0x1  }
0x17: {  	s4 =	simm.s32 $0x1BF5;
	[smem:$0x3FAB] =	sst s0  }
0x18: {  	s0 =	sld [smem:$0x3F8E];
	_ =	swait.ge [sflag:s4], $0x0  }
0x19: {  	s7 =	sld [smem:$0x3F8F]  }
0x1a: {  	s8 =	sadd.s32 $0xFFFFE003, lr  }
0x1b: {  	s9 =	sadd.s32 $0xFFFFFEF7, lr;
	s5 =	simm.s32 $0xFFFFFFFF;
	p2 =	slt.u32 s8, $0xFFFFF086  }
0x1c: {  	p1 =	slt.u32 s9, $0xF7A;
	s5 =	simm.s32 @!p2 $0x0  }
0x1d: {  	s5 =	simm.s32 @p1 $0x1;
	p0 =	seq.s32 s7, s2  }
0x1e: {  	s7 =	smul.u32 @!p0 $0xF7A, s2;
	p2 =	seq.s32 @!p0 s5, $0x0  }
0x1f: {  	s9 =	smul.u32 $0xF7A, s1;
	s8 =	simm.s32 @!p0 $0x1BF5;
	p2 =	por !p2, p0  }
0x20: {  	[sflag:s8] =	ssyncset.s32 @!p0 $0xFFFFF086;
	s6 =	sadd.s32 @!p0 s3, s7;
	s7 =	simm.s32 @!p0 $0x108  }
0x21: {  	s3 =	sadd.s32 s3, s9;
	s6 =	sadd.s32 @!p0 $0x88, s6;
	s7 =	simm.s32 @p2 $0x1082  }
0x22: {  	[simem:s7], [sflag:s8] =	dma.local @!p0 [hbm:s6], $0xF7A  }
0x23: {  	s9 =	sor.u32 $0xD0000000, s2;
	s6 =	simm.s32 $0x108;
	_ =	swait.ge @!p0 [sflag:s8], $0x0  }
0x24: {  	s3 =	sadd.s32 $0x88, s3;
	s6 =	simm.s32 @!p1 $0x1082;
	[sflag:s4] =	ssyncset.s32 $0xFFFFF086  }
0x25: {  	[simem:s6], [sflag:s4] =	dma.local [hbm:s3], $0xF7A  }
0x26: {  	[smem:$0x3F8F] =	sst s1;
	(tag) =	ssettag s2;
	_ =	strace s9  }
0x27: {  	s1 =	sld [smem:$0x3F9F]  }
0x28: {  	s2 =	sld [smem:$0x3FA0]  }
0x29: {  	s4 =	sld [smem:$0x3FA2]  }
0x2a: {  	p0 =	seq.s32 s5, $0x0;
	s5 =	sld [smem:$0x3FA3]  }
0x2b: {  	s6 =	sld [smem:$0x3FA4]  }
0x2c: {  	s7 =	sld [smem:$0x3FA5]  }
0x2d: {  	s3 =	simm.s32 $0x108;
	s8 =	sld [smem:$0x3FA6]  }
0x2e: {  	s3 =	simm.s32 @!p0 $0x1082;
	s9 =	sld [smem:$0x3FA7]  }
0x2f: {  	lr =	sadd.s32 s0, s3;
	s0 =	sld [smem:$0x3F9E]  }
0x30: {  	s3 =	sld [smem:$0x3FA1]  }
0x31: {  	[smem:$0x3FAA] =	sst s10  }
0x32: {  	s10 =	sld [smem:$0x3FA8];
	_ =	sdelay $0x3  }
0x33: {  	p0 =	seq.s32 s10, $0x1;
	s10 =	sld [smem:$0x3FAA];
	_ =	sdelay $0x3  }
0x34: {  	[smem:$0x3FAA] =	sst s10  }
0x35: {  	s10 =	sld [smem:$0x3FA9];
	_ =	sdelay $0x3  }
0x36: {  	p1 =	seq.s32 s10, $0x1;
	s10 =	sld [smem:$0x3FAA];
	_ =	sdelay $0x3  }
0x37: {  	[smem:$0x3FAA] =	sst s10  }
0x38: {  	s10 =	sld [smem:$0x3FAB]  }
0x39: {  	_ = 	snop;
	(pc) =	sbr.ind lr, $3  }
0x3a: {  	_ = 	snop  }
0x3b: {  	_ = 	snop  }
0x3c: {  	p2 =	seq.s32 s10, $0x1;
	s10 =	sld [smem:$0x3FAA]  }
0x3d: {  	_ =	shalt  }
0x3e: {  	_ =	shalt  }
0x3f: {  	_ =	shalt  }
0x40: {  	_ =	shalt  }
0x41: {  	_ =	shalt  }
0x42: {  	_ =	shalt  }
0x43: {  	_ =	shalt  }
0x44: {  	_ =	shalt  }
0x45: {  	_ =	shalt  }
0x46: {  	_ =	shalt  }
0x47: {  	_ =	shalt  }
0x48: {  	_ =	shalt  }
0x49: {  	_ =	shalt  }
0x4a: {  	_ =	shalt  }
0x4b: {  	_ =	shalt  }
0x4c: {  	_ =	shalt  }
0x4d: {  	_ =	shalt  }
0x4e: {  	_ =	shalt  }
0x4f: {  	_ =	shalt  }
0x50: {  	_ =	shalt  }
0x51: {  	_ =	shalt  }
0x52: {  	_ =	shalt  }
0x53: {  	_ =	shalt  }
0x54: {  	_ =	shalt  }
0x55: {  	_ =	shalt  }
0x56: {  	_ =	shalt  }
0x57: {  	_ =	shalt  }
0x58: {  	_ =	shalt  }
0x59: {  	_ =	shalt  }
0x5a: {  	_ =	shalt  }
0x5b: {  	_ =	shalt  }
0x5c: {  	_ =	shalt  }
0x5d: {  	_ =	shalt  }
0x5e: {  	_ =	shalt  }
0x5f: {  	_ =	shalt  }
0x60: {  	_ =	shalt  }
0x61: {  	_ =	shalt  }
0x62: {  	_ =	shalt  }
0x63: {  	_ =	shalt  }
0x64: {  	_ =	shalt  }
0x65: {  	_ =	shalt  }
0x66: {  	_ =	shalt  }
0x67: {  	_ =	shalt  }
0x68: {  	_ =	shalt  }
0x69: {  	_ =	shalt  }
0x6a: {  	_ =	shalt  }
0x6b: {  	_ =	shalt  }
0x6c: {  	_ =	shalt  }
0x6d: {  	_ =	shalt  }
0x6e: {  	_ =	shalt  }
0x6f: {  	_ =	shalt  }
0x70: {  	_ =	shalt  }
0x71: {  	_ =	shalt  }
0x72: {  	_ =	shalt  }
0x73: {  	_ =	shalt  }
0x74: {  	_ =	shalt  }
0x75: {  	_ =	shalt  }
0x76: {  	_ =	shalt  }
0x77: {  	_ =	shalt  }
0x78: {  	_ =	shalt  }
0x79: {  	_ =	shalt  }
0x7a: {  	_ =	shalt  }
0x7b: {  	_ =	shalt  }
0x7c: {  	_ =	shalt  }
0x7d: {  	_ =	shalt  }
0x7e: {  	_ =	shalt  }
0x7f: {  	_ =	shalt  }
0x80: {  	_ =	shalt  }
0x81: {  	_ =	shalt  }
0x82: {  	_ =	shalt  }
0x83: {  	_ =	shalt  }
0x84: {  	_ =	shalt  }
0x85: {  	_ =	shalt  }
0x86: {  	_ =	shalt  }
0x87: {  	_ =	shalt  }
.Lfunc_end0:
.L_simem_size_0:
called_computation_lowered:
.L_overlay_start_0:
0x88: {  	s2 =	sld [smem:$0x3FD9]  }
0x89: {  	s3 =	sld [smem:$0x3FFE];
	_ =	sdelay $0x1  }
0x8a: {  	s1 =	srdreg.scid  }
0x8b: {  	s0 =	sand.u32 $0x1, s1  }
0x8c: {  	s16 =	sshll.u32 s0, $0xA;
	s2 =	sadd.s32 s3, s2  }
0x8d: {  	s2 =	sadd.s32 s2, s16  }
0x8e: {  	[smem:$0x3FB6] =	sst s2  }
0x8f: {  	_ = 	snop  }
0x90: {  	(tm) =	ssettm $0x1  }
0x91: {  	s17 =	sld [smem:$0x3FFB];
	_ =	sdelay $0x3  }
0x92: {  	_ =	strace s17  }
0x93: {  	s2 =	sld [smem:$0x3FFC];
	_ =	sdelay $0x3  }
0x94: {  	_ =	strace s2  }
0x95: {  	s2 =	sld [smem:$0x3FFD];
	_ =	sdelay $0x3  }
0x96: {  	_ =	strace s2  }
0x97: {  	_ =	strace $0x8FFFFFFF  }
0x98: {  	s18 =	sld [smem:$0x3FDB];
	_ =	sdelay $0x1  }
0x99: {  	s19 =	simm.s32 $_scs_section_size  }
0x9a: {  	s4 =	simm.s32 $_size__tile_overlayer_lowered;
	s5 =	simm.s32 $_tile_overlayer_lowered  }
0x9b: {  	s22 =	simm.s32 $0x1BFF;
	s21 =	sshll.u32 s5, $0x1;
	s2 =	sadd.s32 s19, s18  }
0x9c: {  	s6 =	simm.s32 $0x0;
	s20 =	sshll.u32 s4, $0x1;
	s4 =	sadd.s32 s21, s2  }
0x9d: {  	[timem:s6], [sflag:s22] =	dma.local [hbm:s4], s20  }
0x9e: {  	_ =	swait.ge [sflag:s22], s20  }
0x9f: {  	s3 =	ssub.s32 $0x0, s20;
	[sflag:s22] =	ssyncset.done $0x0  }
0xa0: {  	[sflag:s22] =	ssyncadd.s32 s3;
	_ =	sdelay $0x1  }
0xa1: {  	s23 =	simm.s32 $0x1B8B  }
0xa2: {  	_ =	swait.ge [sflag:s23], $0x1  }
0xa3: {  	[sflag:s23] =	ssyncset.done $0x0  }
0xa4: {  	s25 =	simm.s32 $0x1B8E;
	s24 =	sld [smem:$0x3FFE];
	[sflag:s23] =	ssyncadd.s32 $0xFFFFFFFF  }
0xa5: {  	s26 =	simm.s32 $execute0_lowered;
	[smem:$0x3FD2] =	sst s25  }
0xa6: {  	s4 =	sshll.u32 s26, $0x1;
	_ =	strace $0x80000046;
	[dreg:$0x1] =	wrdreg $0xFFFFFFFF  }
0xa7: {  	s28 =	simm.s32 $_size_execute0_lowered;
	s2 =	sadd.s32 s2, s4;
	[dreg:$0x0] =	wrdreg $0x0  }
0xa8: {  	s4 =	sshll.u32 s28, $0x1;
	[dreg:$0x2] =	wrdreg s2  }
0xa9: {  	[dreg:$0x3] =	wrdreg s4  }
0xaa: {  	[dreg:$0x4] =	wrdreg $0xC0  }
0xab: {  	_ =	task [dreg:s6], $0x5FFFF  }
0xac: {  	[dreg:$0x1] =	wrdreg $0xFFFFFFFF  }
0xad: {  	[dreg:$0x0] =	wrdreg $0x60  }
0xae: {  	[dreg:$0x2] =	wrdreg s24  }
0xaf: {  	[dreg:$0x3] =	wrdreg $0x9  }
0xb0: {  	_ =	task.clear_ibuf [dreg:s6], $0x4FFFF;
	_ =	strace $0x90000046  }
0xb1: {  	s29 =	simm.s32 $0x9;
	_ =	strace $0x80000048  }
0xb2: {  	_ =	swait.ge [sflag:s29], $0x1  }
0xb3: {  	[sflag:s29] =	ssyncadd.s32 $0xFFFFFFFF  }
0xb4: {  	_ =	strace $0x90000048  }
0xb5: {  	_ =	sfence  }
0xb6: {  	s30 =	sld [smem:$0x0];
	_ =	sdelay $0x2  }
0xb7: {  	s31 =	sshll.u32 s1, $0xD;
	s1 =	sshrl.u32 s1, $0x2  }
0xb8: {  	s3 =	sand.u32 $0x4000, s31;
	s1 =	sadd.s32 s1, s30  }
0xb9: {  	s0 =	sor.u32 s3, s0;
	s1 =	sshll.u32 s1, $0x11  }
0xba: {  	s0 =	sor.u32 s1, s0  }
0xbb: {  	s0 =	sadd.s32 $0x8F2B, s0  }
0xbc: {  	[sflag:s0] =	ssyncadd.remote.s32 $0x1  }
0xbd: {  	_ =	sfence.sel $0xFFFF  }
0xbe: {  	[dreg:$0x0] =	wrdreg $0xFFFFFFFF;
	(pc) =	sbr.abs _section_cstart, $3  }
0xbf: {  	[dreg:$0x1] =	wrdreg $0xFFFFFFFF  }
0xc0: {  	_ =	task.clear_ibuf [dreg:s6], $0x2FFFF;
	_ =	strace $0x9FFFFFFF  }
0xc1: {  	(tm) =	ssettm $0x7FFFFFFF  }
tec
execute0_lowered:
.L_overlay_start_1:
0x0: {  	(tag) =	ssettag $0x1  }
0x1: {  	s5 =	rddreg [dreg:$0x0]  }
0x2: {  	s0 =	rddreg [dreg:$0x1]  }
0x3: {  	s3 =	srdreg.scid;
	s1 =	stileid.u32  }
0x4: {  	s2 =	simm.s32 $0x0;
	s17 =	simm.s32 $0x1900;
	s18 =	simm.s32 $0x5900  }
0x5: {  	s19 =	simm.s32 $0x60;
	s20 =	simm.s32 $0x5980;
	s14 =	smul.u32 $0xBC0, s1  }
0x6: {  	s21 =	simm.s32 $0x0;
	s9 =	sand.u32 $0x1, s3;
	s29 =	smul.u32 $0xBC00, s1  }
0x7: {  	s24 =	sshll.u32 s1, $0x1;
	[smem:$0x7FF] =	sst s2;
	s15 =	smul.u32 $0x5E0, s9  }
0x8: {  	s3 =	sadd.s32 $0x1B600, s5;
	s6 =	sor.u32 s9, s24;
	s16 =	smul.u32 $0x5E00, s9  }
0x9: {  	s4 =	sadd.s32 $0x4FD600, s5;
	s11 =	sadd.s32 $0x43400, s5;
	s7 =	smul.u32 $0x6, s6  }
0xa: {  	s13 =	sadd.s32 $0x44C00, s5;
	s10 =	ssub.s32 $0x2, s9;
	s8 =	smul.u32 $0x300, s6  }
0xb: {  	_ =	strace $0x80000047;
	s12 =	sshrl.u32 s10, $0x1;
	s6 =	smul.u32 $0x5E0, s6  }
0xc: {  	s30 =	sadd.s32 s29, s13;
	s10 =	ssub.s32 s10, s12;
	s14 =	sadd.s32 s15, s14  }
0xd: {  	s12 =	simm.s32 $0x2;
	s15 =	simm.s32 $0x1;
	s7 =	sadd.s32 s7, s5  }
0xe: {  	s8 =	sadd.s32 s8, s5;
	s25 =	sadd.s32 $0x580, s6;
	s9 =	smax.u32 s10, $0x1  }
0xf: {  	s31 =	sshrl.u32 s14, $0x3;
	s10 =	sadd.s32 s16, s30;
	s14 =	simm.s32 $0x80  }
0x10: {  	s16 =	simm.s32 $0x1880;
	s5 =	sadd.s32 $0x42E00, s7;
	s26 =	sshrl.u32 s25, $0x3  }
0x11: {  	s6 =	sadd.s32 $0x100C00, s8;
	s28 =	sshll.u32 s25, $0x4;
	s7 =	sadd.s32 s11, s26  }
0x12: {  	s8 =	sadd.s32 s13, s28;
	s11 =	sadd.s32 s31, s11;
	s13 =	simm.s32 $0x30  }
.LBB2_1:
0x13: {  	[tilespmem:s2], [sflag:$0x2] =	stream.linear.gather [hbm4b:s5+s2], $0x30, $0x38;
	[tilespmem:$0x8980] =	vst v63  }
0x14: {  	_ =	swait.ge [sflag:s12], $0x30  }
0x15: {  	[sflag:s12] =	ssyncset.done $0x0  }
0x16: {  	[sflag:s12] =	ssyncadd.s32 $0xFFFFFFD0  }
0x17: {  	[tilespmem:s14], [sflag:$0x1] =	stream.indirect.gather [hbm4b:s3+s13], $0x80, s2, s13, $0xb8;
	[tilespmem:$0x8980] =	vst v63  }
0x18: {  	_ =	swait.ge [sflag:s15], $0x1800  }
0x19: {  	[sflag:s15] =	ssyncset.done $0x0  }
0x1a: {  	[sflag:s15] =	ssyncadd.s32 $0xFFFFE800  }
0x1b: {  	[hbm4b:s6+s2] =	stream.linear.scatter [tilespmem:s14], [sflag:$0x2], $0x1800, $0x38;
	[tilespmem:$0x8980] =	vst v63  }
0x1c: {  	_ =	swait.ge [sflag:s12], $0x1800  }
0x1d: {  	[sflag:s12] =	ssyncset.done $0x0  }
0x1e: {  	s22 =	sadd.s32 $0x0, s11;
	[sflag:s12] =	ssyncadd.s32 $0xFFFFE800  }
0x1f: {  	[tilespmem:s16], [sflag:$0x2] =	stream.linear.gather [hbm4b:s22+s2], $0x80, $0x38;
	[tilespmem:$0x8980] =	vst v63  }
0x20: {  	_ =	swait.ge [sflag:s12], $0x80  }
0x21: {  	[sflag:s12] =	ssyncset.done $0x0  }
0x22: {  	[sflag:s12] =	ssyncadd.s32 $0xFFFFFF80  }
0x23: {  	[tilespmem:s17], [sflag:$0x1] =	stream.indirect.gather [hbm4b:s4+s14], $0x80, s16, s14, $0xb8;
	[tilespmem:$0x8980] =	vst v63  }
0x24: {  	_ =	swait.ge [sflag:s15], $0x4000  }
0x25: {  	[sflag:s15] =	ssyncset.done $0x0  }
0x26: {  	[sflag:s15] =	ssyncadd.s32 $0xFFFFC000  }
0x27: {  	[hbm4b:s10+s2] =	stream.linear.scatter [tilespmem:s17], [sflag:$0x2], $0x4000, $0x38;
	[tilespmem:$0x8980] =	vst v63  }
0x28: {  	s23 =	simm.s32 $0x10;
	_ =	swait.ge [sflag:s12], $0x4000  }
0x29: {  	s24 =	simm.s32 $0x20;
	s22 =	sadd.s32 $0x800, s10;
	[sflag:s12] =	ssyncset.done $0x0  }
.LBB2_2:
0x2a: {  	s25 =	sadd.s32 s23, s11  }
0x2b: {  	[sflag:s12] =	ssyncadd.s32 $0xFFFFC000;
	s23 =	smov.u32 s24;
	s26 =	sadd.s32 $0x10, s24  }
0x2c: {  	[tilespmem:s16], [sflag:$0x2] =	stream.linear.gather [hbm4b:s25+s2], $0x80, $0x38;
	[tilespmem:$0x8980] =	vst v63  }
0x2d: {  	p0 =	sne.s32 s24, $0xA0;
	_ =	swait.ge [sflag:s12], $0x80  }
0x2e: {  	[sflag:s12] =	ssyncset.done $0x0  }
0x2f: {  	[sflag:s12] =	ssyncadd.s32 $0xFFFFFF80  }
0x30: {  	[tilespmem:s17], [sflag:$0x1] =	stream.indirect.gather [hbm4b:s4+s14], $0x80, s16, s14, $0xb8;
	[tilespmem:$0x8980] =	vst v63  }
0x31: {  	_ =	swait.ge [sflag:s15], $0x4000  }
.Ltmp0:
0x32: {  	[sflag:s15] =	ssyncset.done $0x0;
	(pc) =	sbr.rel @p0 .LBB2_2-.Ltmp0, $4  }
0x33: {  	[sflag:s15] =	ssyncadd.s32 $0xFFFFC000  }
0x34: {  	[hbm4b:s22+s2] =	stream.linear.scatter [tilespmem:s17], [sflag:$0x2], $0x4000, $0x38;
	[tilespmem:$0x8980] =	vst v63  }
0x35: {  	_ =	swait.ge [sflag:s12], $0x4000  }
0x36: {  	s24 =	smov.u32 s26;
	s22 =	sadd.s32 $0x800, s22;
	[sflag:s12] =	ssyncset.done $0x0  }
0x37: {  	s23 =	sadd.s32 s23, s11;
	[sflag:s12] =	ssyncadd.s32 $0xFFFFC000  }
0x38: {  	[tilespmem:s16], [sflag:$0x2] =	stream.linear.gather [hbm4b:s23+s2], $0x80, $0x38;
	[tilespmem:$0x8980] =	vst v63  }
0x39: {  	_ =	swait.ge [sflag:s12], $0x80  }
0x3a: {  	[sflag:s12] =	ssyncset.done $0x0  }
0x3b: {  	[sflag:s12] =	ssyncadd.s32 $0xFFFFFF80  }
0x3c: {  	[tilespmem:s17], [sflag:$0x1] =	stream.indirect.gather [hbm4b:s4+s14], $0x80, s16, s14, $0xb8;
	[tilespmem:$0x8980] =	vst v63  }
0x3d: {  	_ =	swait.ge [sflag:s15], $0x4000  }
0x3e: {  	[sflag:s15] =	ssyncset.done $0x0  }
0x3f: {  	[sflag:s15] =	ssyncadd.s32 $0xFFFFC000  }
0x40: {  	[hbm4b:s22+s2] =	stream.linear.scatter [tilespmem:s17], [sflag:$0x2], $0x4000, $0x38;
	[tilespmem:$0x8980] =	vst v63  }
0x41: {  	_ =	swait.ge [sflag:s12], $0x4000  }
0x42: {  	[sflag:s12] =	ssyncset.done $0x0  }
0x43: {  	[sflag:s12] =	ssyncadd.s32 $0xFFFFC000  }
0x44: {  	[tilespmem:s18], [sflag:$0x2] =	stream.linear.gather [hbm4b:s7+s2], $0x60, $0x38;
	[tilespmem:$0x8980] =	vst v63  }
0x45: {  	_ =	swait.ge [sflag:s12], $0x60  }
0x46: {  	[sflag:s12] =	ssyncset.done $0x0  }
0x47: {  	[sflag:s12] =	ssyncadd.s32 $0xFFFFFFA0  }
0x48: {  	[tilespmem:s20], [sflag:$0x1] =	stream.indirect.gather [hbm4b:s4+s19], $0x80, s18, s19, $0xb8;
	[tilespmem:$0x8980] =	vst v63  }
0x49: {  	s21 =	sadd.s32 $0x1, s21;
	_ =	swait.ge [sflag:s15], $0x3000  }
0x4a: {  	p0 =	sne.s32 s21, s9;
	[sflag:s15] =	ssyncset.done $0x0  }
.Ltmp1:
0x4b: {  	[sflag:s15] =	ssyncadd.s32 $0xFFFFD000;
	(pc) =	sbr.rel @p0 .LBB2_1-.Ltmp1, $4  }
0x4c: {  	[hbm4b:s8+s2] =	stream.linear.scatter [tilespmem:s20], [sflag:$0x2], $0x3000, $0x38;
	[tilespmem:$0x8980] =	vst v63  }
0x4d: {  	_ =	swait.ge [sflag:s12], $0x3000  }
0x4e: {  	[sflag:s12] =	ssyncset.done $0x0  }
0x4f: {  	[sflag:s12] =	ssyncadd.s32 $0xFFFFD000  }
0x50: {  	_ =	sfence.sel $0x180000  }
0x51: {  	[bflag:$0x0] =	sbarrier.arrive $0xFFFF  }
0x52: {  	p0 =	sne.s32 s1, $0x0;
	_ =	strace $0x90000047  }
0x53: {  	s0 =	sadd.s32 @!p0 $0x100000, s0;
	[bflag:$0x2] =	sbarrier.arrive $0xFFFF  }
0x54: {  	[sflag:s0] =	ssyncadd.tile.s32 @!p0 $0x1;
	_ =	shalt  }
.Lfunc_end2:
_tile_overlayer_lowered:
.L_overlay_start_2:
0x55: {  	(tag) =	ssettag $0x2  }
0x56: {  	s0 =	rddreg [dreg:$0x0];
	s2 =	stileid.u32  }
0x57: {  	s1 =	rddreg [dreg:$0x1];
	p0 =	sne.s32 s2, $0x0  }
0x58: {  	s3 =	rddreg [dreg:$0x2];
	[bflag:$0x3] =	sbarrier.arrive $0xFFFF;
	s2 =	simm.s32 @!p0 $0x1C02  }
0x59: {  	[timem:s3], [sflag:s2] =	dma.local @!p0 [hbm:s0], s1  }
0x5a: {  	s0 =	simm.s32 @!p0 $0x2  }
0x5b: {  	_ =	swait.ge @!p0 [sflag:s0], s1  }
0x5c: {  	s1 =	ssub.s32 @!p0 $0x0, s1;
	[sflag:s0] =	ssyncset.done @!p0 $0x0  }
0x5d: {  	[sflag:s0] =	ssyncadd.s32 @!p0 s1  }
0x5e: {  	[bflag:$0x3] =	sbarrier.arrive $0xFFFF  }
0x5f: {  	_ =	shalt  }

// kernel: kernel.14.cloned.1.call-start
scs
__scs_entry_jumppad:
0x0: {  	(pc) =	sbr.rel $0x88, $3  }
0x1: {  	(tag) =	ssettag $0x0;
	lr =	simm.s32 $0x1  }
0x2: {  	[smem:$0x3F8F] =	sst lr;
	_ =	strace $0xD0000000  }
0x3: {  	_ = 	snop  }
0x4: {  	_ = 	snop  }
0x5: {  	_ = 	snop  }
0x6: {  	_ = 	snop  }
0x7: {  	_ = 	snop  }
__scs_overlays_trampoline_lowered:
0x8: {  	[smem:$0x3F9E] =	sst s0  }
0x9: {  	[smem:$0x3F9F] =	sst s1  }
0xa: {  	[smem:$0x3FA0] =	sst s2  }
0xb: {  	[smem:$0x3FA1] =	sst s3  }
0xc: {  	[smem:$0x3FA2] =	sst s4  }
0xd: {  	[smem:$0x3FA3] =	sst s5  }
0xe: {  	[smem:$0x3FA4] =	sst s6  }
0xf: {  	[smem:$0x3FA5] =	sst s7  }
0x10: {  	[smem:$0x3FA6] =	sst s8  }
0x11: {  	[smem:$0x3FA7] =	sst s9;
	s0 =	simm.s32 @!p0 $0x0  }
0x12: {  	s1 =	sld [smem:$0x3F8D];
	s0 =	simm.s32 @p0 $0x1  }
0x13: {  	[smem:$0x3FA8] =	sst s0;
	s0 =	simm.s32 @!p1 $0x0  }
0x14: {  	s2 =	sld [smem:$0x3F8C];
	s0 =	simm.s32 @p1 $0x1  }
0x15: {  	[smem:$0x3FA9] =	sst s0;
	s0 =	simm.s32 @!p2 $0x0  }
0x16: {  	s3 =	sld [smem:$0x3FDB];
	s0 =	simm.s32 @p2 $0x1  }
0x17: {  	s4 =	simm.s32 $0x1BF5;
	[smem:$0x3FAB] =	sst s0  }
0x18: {  	s0 =	sld [smem:$0x3F8E];
	_ =	swait.ge [sflag:s4], $0x0  }
0x19: {  	s7 =	sld [smem:$0x3F8F]  }
0x1a: {  	s8 =	sadd.s32 $0xFFFFE003, lr  }
0x1b: {  	s9 =	sadd.s32 $0xFFFFFEF7, lr;
	s5 =	simm.s32 $0xFFFFFFFF;
	p2 =	slt.u32 s8, $0xFFFFF086  }
0x1c: {  	p1 =	slt.u32 s9, $0xF7A;
	s5 =	simm.s32 @!p2 $0x0  }
0x1d: {  	s5 =	simm.s32 @p1 $0x1;
	p0 =	seq.s32 s7, s2  }
0x1e: {  	s7 =	smul.u32 @!p0 $0xF7A, s2;
	p2 =	seq.s32 @!p0 s5, $0x0  }
0x1f: {  	s9 =	smul.u32 $0xF7A, s1;
	s8 =	simm.s32 @!p0 $0x1BF5;
	p2 =	por !p2, p0  }
0x20: {  	[sflag:s8] =	ssyncset.s32 @!p0 $0xFFFFF086;
	s6 =	sadd.s32 @!p0 s3, s7;
	s7 =	simm.s32 @!p0 $0x108  }
0x21: {  	s3 =	sadd.s32 s3, s9;
	s6 =	sadd.s32 @!p0 $0x88, s6;
	s7 =	simm.s32 @p2 $0x1082  }
0x22: {  	[simem:s7], [sflag:s8] =	dma.local @!p0 [hbm:s6], $0xF7A  }
0x23: {  	s9 =	sor.u32 $0xD0000000, s2;
	s6 =	simm.s32 $0x108;
	_ =	swait.ge @!p0 [sflag:s8], $0x0  }
0x24: {  	s3 =	sadd.s32 $0x88, s3;
	s6 =	simm.s32 @!p1 $0x1082;
	[sflag:s4] =	ssyncset.s32 $0xFFFFF086  }
0x25: {  	[simem:s6], [sflag:s4] =	dma.local [hbm:s3], $0xF7A  }
0x26: {  	[smem:$0x3F8F] =	sst s1;
	(tag) =	ssettag s2;
	_ =	strace s9  }
0x27: {  	s1 =	sld [smem:$0x3F9F]  }
0x28: {  	s2 =	sld [smem:$0x3FA0]  }
0x29: {  	s4 =	sld [smem:$0x3FA2]  }
0x2a: {  	p0 =	seq.s32 s5, $0x0;
	s5 =	sld [smem:$0x3FA3]  }
0x2b: {  	s6 =	sld [smem:$0x3FA4]  }
0x2c: {  	s7 =	sld [smem:$0x3FA5]  }
0x2d: {  	s3 =	simm.s32 $0x108;
	s8 =	sld [smem:$0x3FA6]  }
0x2e: {  	s3 =	simm.s32 @!p0 $0x1082;
	s9 =	sld [smem:$0x3FA7]  }
0x2f: {  	lr =	sadd.s32 s0, s3;
	s0 =	sld [smem:$0x3F9E]  }
0x30: {  	s3 =	sld [smem:$0x3FA1]  }
0x31: {  	[smem:$0x3FAA] =	sst s10  }
0x32: {  	s10 =	sld [smem:$0x3FA8];
	_ =	sdelay $0x3  }
0x33: {  	p0 =	seq.s32 s10, $0x1;
	s10 =	sld [smem:$0x3FAA];
	_ =	sdelay $0x3  }
0x34: {  	[smem:$0x3FAA] =	sst s10  }
0x35: {  	s10 =	sld [smem:$0x3FA9];
	_ =	sdelay $0x3  }
0x36: {  	p1 =	seq.s32 s10, $0x1;
	s10 =	sld [smem:$0x3FAA];
	_ =	sdelay $0x3  }
0x37: {  	[smem:$0x3FAA] =	sst s10  }
0x38: {  	s10 =	sld [smem:$0x3FAB]  }
0x39: {  	_ = 	snop;
	(pc) =	sbr.ind lr, $3  }
0x3a: {  	_ = 	snop  }
0x3b: {  	_ = 	snop  }
0x3c: {  	p2 =	seq.s32 s10, $0x1;
	s10 =	sld [smem:$0x3FAA]  }
0x3d: {  	_ =	shalt  }
0x3e: {  	_ =	shalt  }
0x3f: {  	_ =	shalt  }
0x40: {  	_ =	shalt  }
0x41: {  	_ =	shalt  }
0x42: {  	_ =	shalt  }
0x43: {  	_ =	shalt  }
0x44: {  	_ =	shalt  }
0x45: {  	_ =	shalt  }
0x46: {  	_ =	shalt  }
0x47: {  	_ =	shalt  }
0x48: {  	_ =	shalt  }
0x49: {  	_ =	shalt  }
0x4a: {  	_ =	shalt  }
0x4b: {  	_ =	shalt  }
0x4c: {  	_ =	shalt  }
0x4d: {  	_ =	shalt  }
0x4e: {  	_ =	shalt  }
0x4f: {  	_ =	shalt  }
0x50: {  	_ =	shalt  }
0x51: {  	_ =	shalt  }
0x52: {  	_ =	shalt  }
0x53: {  	_ =	shalt  }
0x54: {  	_ =	shalt  }
0x55: {  	_ =	shalt  }
0x56: {  	_ =	shalt  }
0x57: {  	_ =	shalt  }
0x58: {  	_ =	shalt  }
0x59: {  	_ =	shalt  }
0x5a: {  	_ =	shalt  }
0x5b: {  	_ =	shalt  }
0x5c: {  	_ =	shalt  }
0x5d: {  	_ =	shalt  }
0x5e: {  	_ =	shalt  }
0x5f: {  	_ =	shalt  }
0x60: {  	_ =	shalt  }
0x61: {  	_ =	shalt  }
0x62: {  	_ =	shalt  }
0x63: {  	_ =	shalt  }
0x64: {  	_ =	shalt  }
0x65: {  	_ =	shalt  }
0x66: {  	_ =	shalt  }
0x67: {  	_ =	shalt  }
0x68: {  	_ =	shalt  }
0x69: {  	_ =	shalt  }
0x6a: {  	_ =	shalt  }
0x6b: {  	_ =	shalt  }
0x6c: {  	_ =	shalt  }
0x6d: {  	_ =	shalt  }
0x6e: {  	_ =	shalt  }
0x6f: {  	_ =	shalt  }
0x70: {  	_ =	shalt  }
0x71: {  	_ =	shalt  }
0x72: {  	_ =	shalt  }
0x73: {  	_ =	shalt  }
0x74: {  	_ =	shalt  }
0x75: {  	_ =	shalt  }
0x76: {  	_ =	shalt  }
0x77: {  	_ =	shalt  }
0x78: {  	_ =	shalt  }
0x79: {  	_ =	shalt  }
0x7a: {  	_ =	shalt  }
0x7b: {  	_ =	shalt  }
0x7c: {  	_ =	shalt  }
0x7d: {  	_ =	shalt  }
0x7e: {  	_ =	shalt  }
0x7f: {  	_ =	shalt  }
0x80: {  	_ =	shalt  }
0x81: {  	_ =	shalt  }
0x82: {  	_ =	shalt  }
0x83: {  	_ =	shalt  }
0x84: {  	_ =	shalt  }
0x85: {  	_ =	shalt  }
0x86: {  	_ =	shalt  }
0x87: {  	_ =	shalt  }
.Lfunc_end0:
.L_simem_size_0:
called_computation.1_lowered:
.L_overlay_start_0:
0x88: {  	s2 =	sld [smem:$0x3FD9]  }
0x89: {  	s3 =	sld [smem:$0x3FFE];
	_ =	sdelay $0x1  }
0x8a: {  	s1 =	srdreg.scid  }
0x8b: {  	s0 =	sand.u32 $0x1, s1  }
0x8c: {  	s17 =	sshll.u32 s0, $0xA;
	s2 =	sadd.s32 s3, s2  }
0x8d: {  	s2 =	sadd.s32 s2, s17  }
0x8e: {  	[smem:$0x3FB6] =	sst s2  }
0x8f: {  	_ = 	snop  }
0x90: {  	(tm) =	ssettm $0x1  }
0x91: {  	s18 =	sld [smem:$0x3FFB];
	_ =	sdelay $0x3  }
0x92: {  	_ =	strace s18  }
0x93: {  	s2 =	sld [smem:$0x3FFC];
	_ =	sdelay $0x3  }
0x94: {  	_ =	strace s2  }
0x95: {  	s2 =	sld [smem:$0x3FFD];
	_ =	sdelay $0x3  }
0x96: {  	_ =	strace s2  }
0x97: {  	_ =	strace $0x8FFFFFFF  }
0x98: {  	s19 =	sld [smem:$0x3FDB];
	_ =	sdelay $0x1  }
0x99: {  	s20 =	simm.s32 $_scs_section_size  }
0x9a: {  	s4 =	simm.s32 $_size__tile_overlayer_lowered;
	s5 =	simm.s32 $_tile_overlayer_lowered  }
0x9b: {  	s6 =	simm.s32 $0x1BFF;
	s21 =	sshll.u32 s5, $0x1;
	s3 =	sadd.s32 s20, s19  }
0x9c: {  	s22 =	simm.s32 $0x0;
	s4 =	sshll.u32 s4, $0x1;
	s5 =	sadd.s32 s21, s3  }
0x9d: {  	[timem:s22], [sflag:s6] =	dma.local [hbm:s5], s4  }
0x9e: {  	_ =	swait.ge [sflag:s6], s4  }
0x9f: {  	s4 =	ssub.s32 $0x0, s4;
	[sflag:s6] =	ssyncset.done $0x0  }
0xa0: {  	[sflag:s6] =	ssyncadd.s32 s4;
	_ =	sdelay $0x1  }
0xa1: {  	s23 =	simm.s32 $0x1B8B  }
0xa2: {  	_ =	swait.ge [sflag:s23], $0x1  }
0xa3: {  	[sflag:s23] =	ssyncset.done $0x0  }
0xa4: {  	[sflag:s23] =	ssyncadd.s32 $0xFFFFFFFF  }
0xa5: {  	s4 =	sld [smem:$0x0]  }
0xa6: {  	s5 =	sand.u32 $0xFFFFFFFE, s1  }
0xa7: {  	p0 =	sne.s32 s1, s5  }
0xa8: {  	s5 =	sshll.u32 @p0 s5, $0xE  }
0xa9: {  	s5 =	sadd.s32 @p0 $0x11B8D, s5;
	s6 =	sshll.u32 @p0 s4, $0x11  }
0xaa: {  	s5 =	sor.u32 @p0 s6, s5  }
0xab: {  	[sflag:s5] =	ssyncadd.remote.s32 @p0 $0x1;
	_ =	sdelay $0x1  }
0xac: {  	s5 =	simm.s32 @p0 $0x1B8D  }
0xad: {  	_ =	swait.eq @p0 [sflag:s5], $0x1  }
0xae: {  	[sflag:s5] =	ssyncadd.s32 @p0 $0xFFFFFFFF  }
0xaf: {  	s6 =	sshll.u32 @!p0 s1, $0xE  }
0xb0: {  	s6 =	sor.u32 @!p0 $0x4000, s6;
	s5 =	simm.s32 @!p0 $0x1B8D  }
0xb1: {  	s4 =	sshll.u32 @!p0 s4, $0x11;
	s6 =	sadd.s32 @!p0 $0x11B8D, s6;
	_ =	swait.eq @!p0 [sflag:s5], $0x1  }
0xb2: {  	s4 =	sor.u32 @!p0 s4, s6;
	[sflag:s5] =	ssyncadd.s32 @!p0 $0xFFFFFFFF  }
0xb3: {  	s25 =	simm.s32 $0x1B8E;
	s24 =	sld [smem:$0x3FFE];
	[sflag:s4] =	ssyncadd.remote.s32 @!p0 $0x1  }
0xb4: {  	s26 =	simm.s32 $execute0_lowered;
	[smem:$0x3FD2] =	sst s25  }
0xb5: {  	s5 =	sshll.u32 s26, $0x1;
	_ =	strace $0x8000004C;
	[dreg:$0x1] =	wrdreg $0xFFFFFFFF  }
0xb6: {  	s28 =	simm.s32 $_size_execute0_lowered;
	s3 =	sadd.s32 s3, s5;
	[dreg:$0x0] =	wrdreg $0x0  }
0xb7: {  	s5 =	sshll.u32 s28, $0x1;
	[dreg:$0x2] =	wrdreg s3  }
0xb8: {  	[dreg:$0x3] =	wrdreg s5  }
0xb9: {  	[dreg:$0x4] =	wrdreg $0xC0  }
0xba: {  	_ =	task [dreg:s22], $0x5FFFF  }
0xbb: {  	[dreg:$0x1] =	wrdreg $0xFFFFFFFF  }
0xbc: {  	[dreg:$0x0] =	wrdreg $0x60  }
0xbd: {  	[dreg:$0x2] =	wrdreg s24  }
0xbe: {  	[dreg:$0x3] =	wrdreg $0x0  }
0xbf: {  	[dreg:$0x4] =	wrdreg $0xA  }
0xc0: {  	_ =	task.clear_ibuf [dreg:s22], $0x5FFFF;
	_ =	strace $0x9000004C  }
0xc1: {  	s29 =	simm.s32 $0xA;
	_ =	strace $0x8000004E  }
0xc2: {  	_ =	swait.ge [sflag:s29], $0x1  }
0xc3: {  	[sflag:s29] =	ssyncadd.s32 $0xFFFFFFFF  }
0xc4: {  	_ =	strace $0x9000004E  }
0xc5: {  	_ =	sfence  }
0xc6: {  	s30 =	sld [smem:$0x0];
	_ =	sdelay $0x2  }
0xc7: {  	s31 =	sshll.u32 s1, $0xD;
	s1 =	sshrl.u32 s1, $0x2  }
0xc8: {  	s4 =	sand.u32 $0x4000, s31;
	s1 =	sadd.s32 s1, s30  }
0xc9: {  	s0 =	sor.u32 s4, s0;
	s1 =	sshll.u32 s1, $0x11  }
0xca: {  	s0 =	sor.u32 s1, s0  }
0xcb: {  	s0 =	sadd.s32 $0x8F2B, s0  }
0xcc: {  	[sflag:s0] =	ssyncadd.remote.s32 $0x1  }
0xcd: {  	_ =	sfence.sel $0xFFFF  }
0xce: {  	[dreg:$0x0] =	wrdreg $0xFFFFFFFF;
	(pc) =	sbr.abs _section_cstart, $3  }
0xcf: {  	[dreg:$0x1] =	wrdreg $0xFFFFFFFF  }
0xd0: {  	_ =	task.clear_ibuf [dreg:s22], $0x2FFFF;
	_ =	strace $0x9FFFFFFF  }
0xd1: {  	(tm) =	ssettm $0x7FFFFFFF  }
tec
execute0_lowered:
.L_overlay_start_1:
0x0: {  	(tag) =	ssettag $0x1  }
0x1: {  	s7 =	rddreg [dreg:$0x0]  }
0x2: {  	s1 =	rddreg [dreg:$0x1]  }
0x3: {  	s0 =	rddreg [dreg:$0x2]  }
0x4: {  	s3 =	simm.s32 $0x0;
	s2 =	stileid.u32;
	s5 =	srdreg.scid  }
0x5: {  	s19 =	simm.s32 $0x1;
	s20 =	simm.s32 $0x1BC00;
	s21 =	simm.s32 $0x1BC80  }
0x6: {  	s22 =	simm.s32 $0x80;
	s23 =	simm.s32 $0x17C00;
	[smem:$0x7FF] =	sst s3  }
0x7: {  	s18 =	sand.u32 $0x1, s5;
	s8 =	smul.u32 $0x4F000, s2;
	s5 =	sadd.s32 $0x183400, s7  }
0x8: {  	s4 =	sadd.s32 $0x11800, s7;
	s9 =	smul.u32 $0x2780, s2;
	s6 =	sadd.s32 $0x21F800, s7  }
0x9: {  	s31 =	sor.u32 $0x9C0, s2;
	p1 =	sgt.u32 s2, $0x3;
	_ =	strace $0x8000004D  }
0xa: {  	s10 =	ssub.s32 $0x2, s18;
	s12 =	sshll.u32 s31, $0x4;
	s15 =	sshll.u32 s31, $0x8  }
0xb: {  	p0 =	sne.s32 s18, $0x0;
	s18 =	simm.s32 $0x13C00;
	s11 =	sshrl.u32 s10, $0x1  }
.Ltmp0:
0xc: {  	s8 =	sshrl.u32 s8, $0x2;
	s16 =	sadd.s32 s9, s7;
	(pc) =	sbr.rel .LBB2_1-.Ltmp0, $4  }
0xd: {  	s12 =	sadd.s32 s4, s12;
	s13 =	sadd.s32 s6, s15;
	s15 =	sadd.s32 s5, s15  }
0xe: {  	s17 =	ssub.s32 s10, s11;
	s7 =	sadd.s32 s8, s1;
	s14 =	sadd.s32 $0x2BBC00, s16  }
0xf: {  	s16 =	sadd.s32 $0x2E3400, s16;
	s8 =	sadd.s32 $0x4000, s7;
	s9 =	sadd.s32 $0x8000, s7  }
0x10: {  	v0 =	vimm.f32 $0.0e+00;
	s10 =	sadd.s32 $0xC000, s7;
	s11 =	sadd.s32 $0x10000, s7;
	s17 =	smax.u32 s17, $0x1  }
.LBB2_18:
0x11: {  	[spmem:s1] =	stream.indirect.scatter.add.f32 [tilespmem:s23], [sflag:$0x1], $0x80, s20, s22, $0xb8;
	[tilespmem:$0x1C480] =	vst v63  }
0x12: {  	_ =	swait.ge [sflag:s19], $0x4000  }
0x13: {  	[sflag:s19] =	ssyncset.done $0x0  }
0x14: {  	[sflag:s19] =	ssyncadd.s32 $0xFFFFC000  }
.LBB2_19:
0x15: {  	s3 =	sadd.s32 $0x1, s3  }
0x16: {  	s25 =	sshll.u32 s2, $0x6;
	[bflag:$0x0] =	sbarrier.arrive $0xFFFF;
	p2 =	sne.s32 s3, s17  }
.Ltmp1:
0x17: {  	s26 =	sshrl.u32 s7, $0x3;
	s25 =	sor.u32 $0x1C01, s25;
	(pc) =	sbr.rel @!p2 .LBB2_20-.Ltmp1, $4  }
0x18: {  	[hbm:s24], [sflag:s25] =	dma.local [spmem:s26], $0x2780  }
0x19: {  	_ =	swait.ge [sflag:s19], $0x2780  }
0x1a: {  	[sflag:s19] =	ssyncset.done $0x0  }
0x1b: {  	[sflag:s19] =	ssyncadd.s32 $0xFFFFD880  }
.LBB2_1:
0x1c: {  	s24 =	simm.s32 $0x0;
	s25 =	simm.s32 $0x200  }
.LBB2_2:
0x1d: {  	p2 =	sne.s32 s25, $0xFE00;
	[tilespmem:s24+$0x17C70] =	vst v0  }
0x1e: {  	[tilespmem:s24+$0x13C00] =	vst v0  }
0x1f: {  	[tilespmem:s24+$0x17C00] =	vst v0  }
0x20: {  	[tilespmem:s24+$0x13C10] =	vst v0  }
0x21: {  	[tilespmem:s24+$0x17C10] =	vst v0  }
0x22: {  	[tilespmem:s24+$0x13C20] =	vst v0  }
0x23: {  	[tilespmem:s24+$0x17C20] =	vst v0  }
0x24: {  	[tilespmem:s24+$0x13C30] =	vst v0  }
0x25: {  	[tilespmem:s24+$0x17C30] =	vst v0  }
0x26: {  	[tilespmem:s24+$0x13C40] =	vst v0  }
0x27: {  	[tilespmem:s24+$0x17C40] =	vst v0  }
.Ltmp2:
0x28: {  	[tilespmem:s24+$0x13C50] =	vst v0;
	(pc) =	sbr.rel @p2 .LBB2_2-.Ltmp2, $4  }
0x29: {  	[tilespmem:s24+$0x17C50] =	vst v0  }
0x2a: {  	[tilespmem:s24+$0x13C60] =	vst v0  }
0x2b: {  	[tilespmem:s24+$0x17C60] =	vst v0  }
0x2c: {  	[tilespmem:s24+$0x13C70] =	vst v0;
	s24 =	sshra.s32 s25, $0x2;
	s25 =	sadd.s32 $0x200, s25  }
0x2d: {  	[tilespmem:s24+$0x17C70] =	vst v0  }
0x2e: {  	[tilespmem:s24+$0x13C00] =	vst v0  }
0x2f: {  	[tilespmem:s24+$0x17C00] =	vst v0  }
0x30: {  	[tilespmem:s24+$0x13C10] =	vst v0  }
0x31: {  	[tilespmem:s24+$0x17C10] =	vst v0  }
0x32: {  	[tilespmem:s24+$0x13C20] =	vst v0  }
0x33: {  	[tilespmem:s24+$0x17C20] =	vst v0  }
0x34: {  	[tilespmem:s24+$0x13C30] =	vst v0  }
0x35: {  	[tilespmem:s24+$0x17C30] =	vst v0  }
0x36: {  	[tilespmem:s24+$0x13C40] =	vst v0  }
0x37: {  	[tilespmem:s24+$0x17C40] =	vst v0  }
0x38: {  	[tilespmem:s24+$0x13C50] =	vst v0  }
0x39: {  	[tilespmem:s24+$0x17C50] =	vst v0  }
0x3a: {  	[tilespmem:s24+$0x13C60] =	vst v0  }
0x3b: {  	[tilespmem:s24+$0x17C60] =	vst v0  }
0x3c: {  	[tilespmem:s24+$0x13C70] =	vst v0  }
0x3d: {  	[spmem:s7] =	stream.linear.scatter [tilespmem:s18], [sflag:$0x1], $0x4000, $0x38;
	[tilespmem:$0x1C480] =	vst v63  }
0x3e: {  	_ =	swait.ge [sflag:s19], $0x4000  }
0x3f: {  	[sflag:s19] =	ssyncset.done $0x0  }
0x40: {  	[sflag:s19] =	ssyncadd.s32 $0xFFFFC000  }
0x41: {  	[spmem:s8] =	stream.linear.scatter [tilespmem:s18], [sflag:$0x1], $0x4000, $0x38;
	[tilespmem:$0x1C480] =	vst v63  }
0x42: {  	_ =	swait.ge [sflag:s19], $0x4000  }
0x43: {  	[sflag:s19] =	ssyncset.done $0x0  }
0x44: {  	[sflag:s19] =	ssyncadd.s32 $0xFFFFC000  }
0x45: {  	[spmem:s9] =	stream.linear.scatter [tilespmem:s18], [sflag:$0x1], $0x4000, $0x38;
	[tilespmem:$0x1C480] =	vst v63  }
0x46: {  	_ =	swait.ge [sflag:s19], $0x4000  }
0x47: {  	[sflag:s19] =	ssyncset.done $0x0  }
0x48: {  	[sflag:s19] =	ssyncadd.s32 $0xFFFFC000  }
0x49: {  	[spmem:s10] =	stream.linear.scatter [tilespmem:s18], [sflag:$0x1], $0x4000, $0x38;
	[tilespmem:$0x1C480] =	vst v63  }
0x4a: {  	_ =	swait.ge [sflag:s19], $0x4000  }
0x4b: {  	[sflag:s19] =	ssyncset.done $0x0  }
0x4c: {  	[sflag:s19] =	ssyncadd.s32 $0xFFFFC000  }
0x4d: {  	[spmem:s11] =	stream.linear.scatter [tilespmem:s18], [sflag:$0x1], $0x3C00, $0x38;
	[tilespmem:$0x1C480] =	vst v63  }
.Ltmp3:
0x4e: {  	_ =	swait.ge [sflag:s19], $0x3C00;
	(pc) =	sbr.rel @p0 .LBB2_11-.Ltmp3, $4  }
0x4f: {  	[sflag:s19] =	ssyncset.done $0x0  }
0x50: {  	[sflag:s19] =	ssyncadd.s32 $0xFFFFC400  }
0x51: {  	[bflag:$0x0] =	sbarrier.arrive $0xFFFF  }
0x52: {  	s24 =	simm.s32 $0x0;
	s25 =	simm.s32 $0x0;
	s26 =	simm.s32 $0x0  }
.LBB2_4:
0x53: {  	s26 =	sshll.u32 s25, $0x4  }
0x54: {  	s26 =	sor.u32 s2, s26  }
0x55: {  	s28 =	sshll.u32 s26, $0x4  }
0x56: {  	s28 =	sadd.s32 s4, s28  }
0x57: {  	[tilespmem:s20], [sflag:$0x1] =	stream.linear.gather [hbm4b:s28+s24], $0x80, $0x38;
	[tilespmem:$0x1C480] =	vst v63  }
0x58: {  	_ =	swait.ge [sflag:s19], $0x80  }
0x59: {  	s26 =	sshll.u32 s26, $0x8;
	[sflag:s19] =	ssyncset.done $0x0  }
0x5a: {  	s26 =	sadd.s32 s5, s26;
	[sflag:s19] =	ssyncadd.s32 $0xFFFFFF80  }
0x5b: {  	[tilespmem:s21], [sflag:$0x1] =	stream.linear.gather [hbm4b:s26+s24], $0x800, $0x38;
	[tilespmem:$0x1C480] =	vst v63  }
0x5c: {  	s30 =	sand.u32 $0x1E00, s24;
	_ =	swait.ge [sflag:s19], $0x800  }
0x5d: {  	s28 =	sand.u32 $0x70, s24;
	s26 =	sshrl.u32 s30, $0x2;
	[sflag:s19] =	ssyncset.done $0x0  }
0x5e: {  	s26 =	sor.u32 s28, s26;
	[sflag:s19] =	ssyncadd.s32 $0xFFFFF800  }
0x5f: {  	v1 =	vld [tilespmem:s26+$0x1BC80];
	_ =	sdelay $0x1  }
0x60: {  	s31 =	simm.s32 $0x40  }
0x61: {  	s29 =	sand.u32 $0x1E00, s31;
	s28 =	simm.s32 $0x10  }
0x62: {  	s29 =	sshrl.u32 s29, $0x2;
	s28 =	sand.u32 $0x70, s28;
	s26 =	simm.s32 $0x17C00  }
0x63: {  	s29 =	sor.u32 s28, s29;
	[tilespmem:s26+$0x0] =	vst v1  }
0x64: {  	v1 =	vld [tilespmem:s29+$0x1BC80]  }
0x65: {  	s28 =	simm.s32 $0x80;
	s29 =	simm.s32 $0x20  }
.LBB2_5:
0x66: {  	s30 =	sand.u32 $0x1E00, s28  }
0x67: {  	p2 =	sne.s32 s28, $0x1FC0;
	s28 =	sadd.s32 $0x40, s28;
	s31 =	sand.u32 $0x70, s29  }
.Ltmp4:
0x68: {  	s26 =	sadd.s32 $0x80, s26;
	s30 =	sshrl.u32 s30, $0x2;
	(pc) =	sbr.rel @p2 .LBB2_5-.Ltmp4, $3  }
0x69: {  	s30 =	sor.u32 s31, s30;
	[tilespmem:s26+$0x0] =	vst v1  }
0x6a: {  	v1 =	vld [tilespmem:s30+$0x1BC80];
	_ =	sdelay $0x1  }
0x6b: {  	s29 =	sadd.s32 $0x10, s29  }
0x6c: {  	s25 =	sadd.s32 $0x1, s25  }
0x6d: {  	s26 =	sadd.s32 $0x80, s26;
	p2 =	sne.s32 s25, $0x9C  }
.Ltmp5:
0x6e: {  	[tilespmem:s26+$0x0] =	vst v1;
	(pc) =	sbr.rel @p2 .LBB2_4-.Ltmp5, $4  }
0x6f: {  	[spmem:s1] =	stream.indirect.scatter.add.f32 [tilespmem:s23], [sflag:$0x1], $0x80, s20, s22, $0xb8;
	[tilespmem:$0x1C480] =	vst v63  }
0x70: {  	_ =	swait.ge [sflag:s19], $0x4000  }
0x71: {  	[sflag:s19] =	ssyncset.done $0x0  }
0x72: {  	[sflag:s19] =	ssyncadd.s32 $0xFFFFC000  }
.Ltmp6:
0x73: {  	(pc) =	sbr.rel @p1 .LBB2_19-.Ltmp6, $2  }
0x74: {  	_ =	sdelay $0x2  }
0x75: {  	s24 =	smov.u32 s16  }
0x76: {  	s24 =	simm.s32 $0x0  }
0x77: {  	[tilespmem:s20], [sflag:$0x1] =	stream.linear.gather [hbm4b:s12+s24], $0x80, $0x38;
	[tilespmem:$0x1C480] =	vst v63  }
0x78: {  	_ =	swait.ge [sflag:s19], $0x80  }
0x79: {  	[sflag:s19] =	ssyncset.done $0x0  }
0x7a: {  	[sflag:s19] =	ssyncadd.s32 $0xFFFFFF80  }
0x7b: {  	[tilespmem:s21], [sflag:$0x1] =	stream.linear.gather [hbm4b:s15+s24], $0x800, $0x38;
	[tilespmem:$0x1C480] =	vst v63  }
0x7c: {  	s25 =	sand.u32 $0x1E00, s24;
	_ =	swait.ge [sflag:s19], $0x800  }
0x7d: {  	s25 =	sshrl.u32 s25, $0x2;
	s24 =	sand.u32 $0x70, s24;
	[sflag:s19] =	ssyncset.done $0x0  }
0x7e: {  	s24 =	sor.u32 s24, s25;
	[sflag:s19] =	ssyncadd.s32 $0xFFFFF800  }
0x7f: {  	v1 =	vld [tilespmem:s24+$0x1BC80];
	_ =	sdelay $0x1  }
0x80: {  	s30 =	simm.s32 $0x40  }
0x81: {  	s31 =	simm.s32 $0x10;
	s26 =	sand.u32 $0x1E00, s30  }
0x82: {  	s26 =	sshrl.u32 s26, $0x2;
	s25 =	sand.u32 $0x70, s31;
	s24 =	simm.s32 $0x17C00  }
0x83: {  	s26 =	sor.u32 s25, s26;
	[tilespmem:s24+$0x0] =	vst v1  }
0x84: {  	v1 =	vld [tilespmem:s26+$0x1BC80]  }
0x85: {  	s25 =	simm.s32 $0x80;
	s26 =	simm.s32 $0x20  }
.LBB2_9:
0x86: {  	s28 =	sand.u32 $0x1E00, s25  }
0x87: {  	p2 =	seq.s32 s25, $0x1FC0;
	s25 =	sadd.s32 $0x40, s25;
	s29 =	sand.u32 $0x70, s26  }
.Ltmp7:
0x88: {  	s24 =	sadd.s32 $0x80, s24;
	s28 =	sshrl.u32 s28, $0x2;
	(pc) =	sbr.rel @!p2 .LBB2_9-.Ltmp7, $3  }
0x89: {  	s28 =	sor.u32 s29, s28;
	[tilespmem:s24+$0x0] =	vst v1  }
0x8a: {  	v1 =	vld [tilespmem:s28+$0x1BC80];
	_ =	sdelay $0x1  }
0x8b: {  	s26 =	sadd.s32 $0x10, s26  }
.Ltmp8:
0x8c: {  	(pc) =	sbr.rel .LBB2_18-.Ltmp8, $3  }
0x8d: {  	_ =	sdelay $0x1  }
0x8e: {  	s24 =	sadd.s32 $0x80, s24  }
0x8f: {  	[tilespmem:s24+$0x0] =	vst v1;
	s24 =	smov.u32 s16  }
.LBB2_11:
0x90: {  	s25 =	sshll.u32 s26, $0x4  }
0x91: {  	s25 =	sor.u32 s2, s25  }
0x92: {  	s28 =	sshll.u32 s25, $0x4  }
0x93: {  	s28 =	sadd.s32 s4, s28  }
0x94: {  	[tilespmem:s20], [sflag:$0x1] =	stream.linear.gather [hbm4b:s28+s24], $0x80, $0x38;
	[tilespmem:$0x1C480] =	vst v63  }
0x95: {  	_ =	swait.ge [sflag:s19], $0x80  }
0x96: {  	s25 =	sshll.u32 s25, $0x8;
	[sflag:s19] =	ssyncset.done $0x0  }
0x97: {  	s25 =	sadd.s32 s6, s25;
	[sflag:s19] =	ssyncadd.s32 $0xFFFFFF80  }
0x98: {  	[tilespmem:s21], [sflag:$0x1] =	stream.linear.gather [hbm4b:s25+s24], $0x800, $0x38;
	[tilespmem:$0x1C480] =	vst v63  }
0x99: {  	s30 =	sand.u32 $0x1E00, s24;
	_ =	swait.ge [sflag:s19], $0x800  }
0x9a: {  	s28 =	sand.u32 $0x70, s24;
	s25 =	sshrl.u32 s30, $0x2;
	[sflag:s19] =	ssyncset.done $0x0  }
0x9b: {  	s25 =	sor.u32 s28, s25;
	[sflag:s19] =	ssyncadd.s32 $0xFFFFF800  }
0x9c: {  	v1 =	vld [tilespmem:s25+$0x1BC80];
	_ =	sdelay $0x1  }
0x9d: {  	s31 =	simm.s32 $0x40  }
0x9e: {  	s29 =	sand.u32 $0x1E00, s31;
	s28 =	simm.s32 $0x10  }
0x9f: {  	s29 =	sshrl.u32 s29, $0x2;
	s28 =	sand.u32 $0x70, s28;
	s25 =	simm.s32 $0x17C00  }
0xa0: {  	s29 =	sor.u32 s28, s29;
	[tilespmem:s25+$0x0] =	vst v1  }
0xa1: {  	v1 =	vld [tilespmem:s29+$0x1BC80]  }
0xa2: {  	s28 =	simm.s32 $0x80;
	s29 =	simm.s32 $0x20  }
.LBB2_12:
0xa3: {  	s30 =	sand.u32 $0x1E00, s28  }
0xa4: {  	p2 =	sne.s32 s28, $0x1FC0;
	s28 =	sadd.s32 $0x40, s28;
	s31 =	sand.u32 $0x70, s29  }
.Ltmp9:
0xa5: {  	s25 =	sadd.s32 $0x80, s25;
	s30 =	sshrl.u32 s30, $0x2;
	(pc) =	sbr.rel @p2 .LBB2_12-.Ltmp9, $3  }
0xa6: {  	s30 =	sor.u32 s31, s30;
	[tilespmem:s25+$0x0] =	vst v1  }
0xa7: {  	v1 =	vld [tilespmem:s30+$0x1BC80];
	_ =	sdelay $0x1  }
0xa8: {  	s29 =	sadd.s32 $0x10, s29  }
0xa9: {  	s26 =	sadd.s32 $0x1, s26  }
0xaa: {  	s25 =	sadd.s32 $0x80, s25;
	p2 =	sne.s32 s26, $0x9C  }
.Ltmp10:
0xab: {  	[tilespmem:s25+$0x0] =	vst v1;
	(pc) =	sbr.rel @p2 .LBB2_11-.Ltmp10, $4  }
0xac: {  	[spmem:s1] =	stream.indirect.scatter.add.f32 [tilespmem:s23], [sflag:$0x1], $0x80, s20, s22, $0xb8;
	[tilespmem:$0x1C480] =	vst v63  }
0xad: {  	_ =	swait.ge [sflag:s19], $0x4000  }
0xae: {  	[sflag:s19] =	ssyncset.done $0x0  }
0xaf: {  	[sflag:s19] =	ssyncadd.s32 $0xFFFFC000  }
.Ltmp11:
0xb0: {  	(pc) =	sbr.rel @p1 .LBB2_19-.Ltmp11, $2  }
0xb1: {  	_ =	sdelay $0x2  }
0xb2: {  	s24 =	smov.u32 s14  }
0xb3: {  	s24 =	simm.s32 $0x0  }
0xb4: {  	[tilespmem:s20], [sflag:$0x1] =	stream.linear.gather [hbm4b:s12+s24], $0x80, $0x38;
	[tilespmem:$0x1C480] =	vst v63  }
0xb5: {  	_ =	swait.ge [sflag:s19], $0x80  }
0xb6: {  	[sflag:s19] =	ssyncset.done $0x0  }
0xb7: {  	[sflag:s19] =	ssyncadd.s32 $0xFFFFFF80  }
0xb8: {  	[tilespmem:s21], [sflag:$0x1] =	stream.linear.gather [hbm4b:s13+s24], $0x800, $0x38;
	[tilespmem:$0x1C480] =	vst v63  }
0xb9: {  	s25 =	sand.u32 $0x1E00, s24;
	_ =	swait.ge [sflag:s19], $0x800  }
0xba: {  	s25 =	sshrl.u32 s25, $0x2;
	s24 =	sand.u32 $0x70, s24;
	[sflag:s19] =	ssyncset.done $0x0  }
0xbb: {  	s24 =	sor.u32 s24, s25;
	[sflag:s19] =	ssyncadd.s32 $0xFFFFF800  }
0xbc: {  	v1 =	vld [tilespmem:s24+$0x1BC80];
	_ =	sdelay $0x1  }
0xbd: {  	s30 =	simm.s32 $0x40  }
0xbe: {  	s31 =	simm.s32 $0x10;
	s26 =	sand.u32 $0x1E00, s30  }
0xbf: {  	s26 =	sshrl.u32 s26, $0x2;
	s25 =	sand.u32 $0x70, s31;
	s24 =	simm.s32 $0x17C00  }
0xc0: {  	s26 =	sor.u32 s25, s26;
	[tilespmem:s24+$0x0] =	vst v1  }
0xc1: {  	v1 =	vld [tilespmem:s26+$0x1BC80]  }
0xc2: {  	s25 =	simm.s32 $0x80;
	s26 =	simm.s32 $0x20  }
.LBB2_16:
0xc3: {  	s28 =	sand.u32 $0x1E00, s25  }
0xc4: {  	p2 =	sne.s32 s25, $0x1FC0;
	s25 =	sadd.s32 $0x40, s25;
	s29 =	sand.u32 $0x70, s26  }
.Ltmp12:
0xc5: {  	s24 =	sadd.s32 $0x80, s24;
	s28 =	sshrl.u32 s28, $0x2;
	(pc) =	sbr.rel @p2 .LBB2_16-.Ltmp12, $3  }
0xc6: {  	s28 =	sor.u32 s29, s28;
	[tilespmem:s24+$0x0] =	vst v1  }
0xc7: {  	v1 =	vld [tilespmem:s28+$0x1BC80];
	_ =	sdelay $0x1  }
0xc8: {  	s26 =	sadd.s32 $0x10, s26  }
.Ltmp13:
0xc9: {  	(pc) =	sbr.rel .LBB2_18-.Ltmp13, $3  }
0xca: {  	_ =	sdelay $0x1  }
0xcb: {  	s24 =	sadd.s32 $0x80, s24  }
0xcc: {  	[tilespmem:s24+$0x0] =	vst v1;
	s24 =	smov.u32 s14  }
.LBB2_20:
0xcd: {  	_ =	sfence.sel $0x180000  }
0xce: {  	[bflag:$0x0] =	sbarrier.arrive $0xFFFF  }
0xcf: {  	p0 =	sne.s32 s2, $0x0;
	_ =	strace $0x9000004D  }
0xd0: {  	s0 =	sadd.s32 @!p0 $0x100000, s0;
	[bflag:$0x2] =	sbarrier.arrive $0xFFFF  }
0xd1: {  	[sflag:s0] =	ssyncadd.tile.s32 @!p0 $0x1;
	_ =	shalt  }
.Lfunc_end2:
_tile_overlayer_lowered:
.L_overlay_start_2:
0xd2: {  	(tag) =	ssettag $0x2  }
0xd3: {  	s0 =	rddreg [dreg:$0x0];
	s2 =	stileid.u32  }
0xd4: {  	s1 =	rddreg [dreg:$0x1];
	p0 =	sne.s32 s2, $0x0  }
0xd5: {  	s3 =	rddreg [dreg:$0x2];
	[bflag:$0x3] =	sbarrier.arrive $0xFFFF;
	s2 =	simm.s32 @!p0 $0x1C01  }
0xd6: {  	[timem:s3], [sflag:s2] =	dma.local @!p0 [hbm:s0], s1  }
0xd7: {  	s0 =	simm.s32 @!p0 $0x1  }
0xd8: {  	_ =	swait.ge @!p0 [sflag:s0], s1  }
0xd9: {  	s1 =	ssub.s32 @!p0 $0x0, s1;
	[sflag:s0] =	ssyncset.done @!p0 $0x0  }
0xda: {  	[sflag:s0] =	ssyncadd.s32 @!p0 s1  }
0xdb: {  	[bflag:$0x3] =	sbarrier.arrive $0xFFFF  }
0xdc: {  	_ =	shalt  }

// kernel: kernel.17.cloned.1.call-start
scs
__scs_entry_jumppad:
0x0: {  	(pc) =	sbr.rel $0x88, $3  }
0x1: {  	(tag) =	ssettag $0x0;
	lr =	simm.s32 $0x1  }
0x2: {  	[smem:$0x3F8F] =	sst lr;
	_ =	strace $0xD0000000  }
0x3: {  	_ = 	snop  }
0x4: {  	_ = 	snop  }
0x5: {  	_ = 	snop  }
0x6: {  	_ = 	snop  }
0x7: {  	_ = 	snop  }
__scs_overlays_trampoline_lowered:
0x8: {  	[smem:$0x3F9E] =	sst s0  }
0x9: {  	[smem:$0x3F9F] =	sst s1  }
0xa: {  	[smem:$0x3FA0] =	sst s2  }
0xb: {  	[smem:$0x3FA1] =	sst s3  }
0xc: {  	[smem:$0x3FA2] =	sst s4  }
0xd: {  	[smem:$0x3FA3] =	sst s5  }
0xe: {  	[smem:$0x3FA4] =	sst s6  }
0xf: {  	[smem:$0x3FA5] =	sst s7  }
0x10: {  	[smem:$0x3FA6] =	sst s8  }
0x11: {  	[smem:$0x3FA7] =	sst s9;
	s0 =	simm.s32 @!p0 $0x0  }
0x12: {  	s1 =	sld [smem:$0x3F8D];
	s0 =	simm.s32 @p0 $0x1  }
0x13: {  	[smem:$0x3FA8] =	sst s0;
	s0 =	simm.s32 @!p1 $0x0  }
0x14: {  	s2 =	sld [smem:$0x3F8C];
	s0 =	simm.s32 @p1 $0x1  }
0x15: {  	[smem:$0x3FA9] =	sst s0;
	s0 =	simm.s32 @!p2 $0x0  }
0x16: {  	s3 =	sld [smem:$0x3FDB];
	s0 =	simm.s32 @p2 $0x1  }
0x17: {  	s4 =	simm.s32 $0x1BF5;
	[smem:$0x3FAB] =	sst s0  }
0x18: {  	s0 =	sld [smem:$0x3F8E];
	_ =	swait.ge [sflag:s4], $0x0  }
0x19: {  	s7 =	sld [smem:$0x3F8F]  }
0x1a: {  	s8 =	sadd.s32 $0xFFFFE003, lr  }
0x1b: {  	s9 =	sadd.s32 $0xFFFFFEF7, lr;
	s5 =	simm.s32 $0xFFFFFFFF;
	p2 =	slt.u32 s8, $0xFFFFF086  }
0x1c: {  	p1 =	slt.u32 s9, $0xF7A;
	s5 =	simm.s32 @!p2 $0x0  }
0x1d: {  	s5 =	simm.s32 @p1 $0x1;
	p0 =	seq.s32 s7, s2  }
0x1e: {  	s7 =	smul.u32 @!p0 $0xF7A, s2;
	p2 =	seq.s32 @!p0 s5, $0x0  }
0x1f: {  	s9 =	smul.u32 $0xF7A, s1;
	s8 =	simm.s32 @!p0 $0x1BF5;
	p2 =	por !p2, p0  }
0x20: {  	[sflag:s8] =	ssyncset.s32 @!p0 $0xFFFFF086;
	s6 =	sadd.s32 @!p0 s3, s7;
	s7 =	simm.s32 @!p0 $0x108  }
0x21: {  	s3 =	sadd.s32 s3, s9;
	s6 =	sadd.s32 @!p0 $0x88, s6;
	s7 =	simm.s32 @p2 $0x1082  }
0x22: {  	[simem:s7], [sflag:s8] =	dma.local @!p0 [hbm:s6], $0xF7A  }
0x23: {  	s9 =	sor.u32 $0xD0000000, s2;
	s6 =	simm.s32 $0x108;
	_ =	swait.ge @!p0 [sflag:s8], $0x0  }
0x24: {  	s3 =	sadd.s32 $0x88, s3;
	s6 =	simm.s32 @!p1 $0x1082;
	[sflag:s4] =	ssyncset.s32 $0xFFFFF086  }
0x25: {  	[simem:s6], [sflag:s4] =	dma.local [hbm:s3], $0xF7A  }
0x26: {  	[smem:$0x3F8F] =	sst s1;
	(tag) =	ssettag s2;
	_ =	strace s9  }
0x27: {  	s1 =	sld [smem:$0x3F9F]  }
0x28: {  	s2 =	sld [smem:$0x3FA0]  }
0x29: {  	s4 =	sld [smem:$0x3FA2]  }
0x2a: {  	p0 =	seq.s32 s5, $0x0;
	s5 =	sld [smem:$0x3FA3]  }
0x2b: {  	s6 =	sld [smem:$0x3FA4]  }
0x2c: {  	s7 =	sld [smem:$0x3FA5]  }
0x2d: {  	s3 =	simm.s32 $0x108;
	s8 =	sld [smem:$0x3FA6]  }
0x2e: {  	s3 =	simm.s32 @!p0 $0x1082;
	s9 =	sld [smem:$0x3FA7]  }
0x2f: {  	lr =	sadd.s32 s0, s3;
	s0 =	sld [smem:$0x3F9E]  }
0x30: {  	s3 =	sld [smem:$0x3FA1]  }
0x31: {  	[smem:$0x3FAA] =	sst s10  }
0x32: {  	s10 =	sld [smem:$0x3FA8];
	_ =	sdelay $0x3  }
0x33: {  	p0 =	seq.s32 s10, $0x1;
	s10 =	sld [smem:$0x3FAA];
	_ =	sdelay $0x3  }
0x34: {  	[smem:$0x3FAA] =	sst s10  }
0x35: {  	s10 =	sld [smem:$0x3FA9];
	_ =	sdelay $0x3  }
0x36: {  	p1 =	seq.s32 s10, $0x1;
	s10 =	sld [smem:$0x3FAA];
	_ =	sdelay $0x3  }
0x37: {  	[smem:$0x3FAA] =	sst s10  }
0x38: {  	s10 =	sld [smem:$0x3FAB]  }
0x39: {  	_ = 	snop;
	(pc) =	sbr.ind lr, $3  }
0x3a: {  	_ = 	snop  }
0x3b: {  	_ = 	snop  }
0x3c: {  	p2 =	seq.s32 s10, $0x1;
	s10 =	sld [smem:$0x3FAA]  }
0x3d: {  	_ =	shalt  }
0x3e: {  	_ =	shalt  }
0x3f: {  	_ =	shalt  }
0x40: {  	_ =	shalt  }
0x41: {  	_ =	shalt  }
0x42: {  	_ =	shalt  }
0x43: {  	_ =	shalt  }
0x44: {  	_ =	shalt  }
0x45: {  	_ =	shalt  }
0x46: {  	_ =	shalt  }
0x47: {  	_ =	shalt  }
0x48: {  	_ =	shalt  }
0x49: {  	_ =	shalt  }
0x4a: {  	_ =	shalt  }
0x4b: {  	_ =	shalt  }
0x4c: {  	_ =	shalt  }
0x4d: {  	_ =	shalt  }
0x4e: {  	_ =	shalt  }
0x4f: {  	_ =	shalt  }
0x50: {  	_ =	shalt  }
0x51: {  	_ =	shalt  }
0x52: {  	_ =	shalt  }
0x53: {  	_ =	shalt  }
0x54: {  	_ =	shalt  }
0x55: {  	_ =	shalt  }
0x56: {  	_ =	shalt  }
0x57: {  	_ =	shalt  }
0x58: {  	_ =	shalt  }
0x59: {  	_ =	shalt  }
0x5a: {  	_ =	shalt  }
0x5b: {  	_ =	shalt  }
0x5c: {  	_ =	shalt  }
0x5d: {  	_ =	shalt  }
0x5e: {  	_ =	shalt  }
0x5f: {  	_ =	shalt  }
0x60: {  	_ =	shalt  }
0x61: {  	_ =	shalt  }
0x62: {  	_ =	shalt  }
0x63: {  	_ =	shalt  }
0x64: {  	_ =	shalt  }
0x65: {  	_ =	shalt  }
0x66: {  	_ =	shalt  }
0x67: {  	_ =	shalt  }
0x68: {  	_ =	shalt  }
0x69: {  	_ =	shalt  }
0x6a: {  	_ =	shalt  }
0x6b: {  	_ =	shalt  }
0x6c: {  	_ =	shalt  }
0x6d: {  	_ =	shalt  }
0x6e: {  	_ =	shalt  }
0x6f: {  	_ =	shalt  }
0x70: {  	_ =	shalt  }
0x71: {  	_ =	shalt  }
0x72: {  	_ =	shalt  }
0x73: {  	_ =	shalt  }
0x74: {  	_ =	shalt  }
0x75: {  	_ =	shalt  }
0x76: {  	_ =	shalt  }
0x77: {  	_ =	shalt  }
0x78: {  	_ =	shalt  }
0x79: {  	_ =	shalt  }
0x7a: {  	_ =	shalt  }
0x7b: {  	_ =	shalt  }
0x7c: {  	_ =	shalt  }
0x7d: {  	_ =	shalt  }
0x7e: {  	_ =	shalt  }
0x7f: {  	_ =	shalt  }
0x80: {  	_ =	shalt  }
0x81: {  	_ =	shalt  }
0x82: {  	_ =	shalt  }
0x83: {  	_ =	shalt  }
0x84: {  	_ =	shalt  }
0x85: {  	_ =	shalt  }
0x86: {  	_ =	shalt  }
0x87: {  	_ =	shalt  }
.Lfunc_end0:
.L_simem_size_0:
called_computation.2_lowered:
.L_overlay_start_0:
0x88: {  	s2 =	sld [smem:$0x3FD9]  }
0x89: {  	s3 =	sld [smem:$0x3FFE];
	_ =	sdelay $0x1  }
0x8a: {  	s1 =	srdreg.scid  }
0x8b: {  	s0 =	sand.u32 $0x1, s1  }
0x8c: {  	s17 =	sshll.u32 s0, $0xA;
	s2 =	sadd.s32 s3, s2  }
0x8d: {  	s2 =	sadd.s32 s2, s17  }
0x8e: {  	[smem:$0x3FB6] =	sst s2  }
0x8f: {  	_ = 	snop  }
0x90: {  	(tm) =	ssettm $0x1  }
0x91: {  	s18 =	sld [smem:$0x3FFB];
	_ =	sdelay $0x3  }
0x92: {  	_ =	strace s18  }
0x93: {  	s2 =	sld [smem:$0x3FFC];
	_ =	sdelay $0x3  }
0x94: {  	_ =	strace s2  }
0x95: {  	s2 =	sld [smem:$0x3FFD];
	_ =	sdelay $0x3  }
0x96: {  	_ =	strace s2  }
0x97: {  	_ =	strace $0x8FFFFFFF  }
0x98: {  	s19 =	sld [smem:$0x3FDB];
	_ =	sdelay $0x1  }
0x99: {  	s20 =	simm.s32 $_scs_section_size  }
0x9a: {  	s4 =	simm.s32 $_size__tile_overlayer_lowered;
	s5 =	simm.s32 $_tile_overlayer_lowered  }
0x9b: {  	s6 =	simm.s32 $0x1BFF;
	s21 =	sshll.u32 s5, $0x1;
	s3 =	sadd.s32 s20, s19  }
0x9c: {  	s22 =	simm.s32 $0x0;
	s4 =	sshll.u32 s4, $0x1;
	s5 =	sadd.s32 s21, s3  }
0x9d: {  	[timem:s22], [sflag:s6] =	dma.local [hbm:s5], s4  }
0x9e: {  	_ =	swait.ge [sflag:s6], s4  }
0x9f: {  	s4 =	ssub.s32 $0x0, s4;
	[sflag:s6] =	ssyncset.done $0x0  }
0xa0: {  	[sflag:s6] =	ssyncadd.s32 s4;
	_ =	sdelay $0x1  }
0xa1: {  	s23 =	simm.s32 $0x1B8B  }
0xa2: {  	_ =	swait.ge [sflag:s23], $0x1  }
0xa3: {  	[sflag:s23] =	ssyncset.done $0x0  }
0xa4: {  	[sflag:s23] =	ssyncadd.s32 $0xFFFFFFFF  }
0xa5: {  	s4 =	sld [smem:$0x0]  }
0xa6: {  	s5 =	sand.u32 $0xFFFFFFFE, s1  }
0xa7: {  	p0 =	sne.s32 s1, s5  }
0xa8: {  	s5 =	sshll.u32 @p0 s5, $0xE  }
0xa9: {  	s5 =	sadd.s32 @p0 $0x11B8D, s5;
	s6 =	sshll.u32 @p0 s4, $0x11  }
0xaa: {  	s5 =	sor.u32 @p0 s6, s5  }
0xab: {  	[sflag:s5] =	ssyncadd.remote.s32 @p0 $0x1;
	_ =	sdelay $0x1  }
0xac: {  	s5 =	simm.s32 @p0 $0x1B8D  }
0xad: {  	_ =	swait.eq @p0 [sflag:s5], $0x1  }
0xae: {  	[sflag:s5] =	ssyncadd.s32 @p0 $0xFFFFFFFF  }
0xaf: {  	s6 =	sshll.u32 @!p0 s1, $0xE  }
0xb0: {  	s6 =	sor.u32 @!p0 $0x4000, s6;
	s5 =	simm.s32 @!p0 $0x1B8D  }
0xb1: {  	s4 =	sshll.u32 @!p0 s4, $0x11;
	s6 =	sadd.s32 @!p0 $0x11B8D, s6;
	_ =	swait.eq @!p0 [sflag:s5], $0x1  }
0xb2: {  	s4 =	sor.u32 @!p0 s4, s6;
	[sflag:s5] =	ssyncadd.s32 @!p0 $0xFFFFFFFF  }
0xb3: {  	s25 =	simm.s32 $0x1B8E;
	s24 =	sld [smem:$0x3FFE];
	[sflag:s4] =	ssyncadd.remote.s32 @!p0 $0x1  }
0xb4: {  	s26 =	simm.s32 $execute0_lowered;
	[smem:$0x3FD2] =	sst s25  }
0xb5: {  	s5 =	sshll.u32 s26, $0x1;
	_ =	strace $0x80000049;
	[dreg:$0x1] =	wrdreg $0xFFFFFFFF  }
0xb6: {  	s28 =	simm.s32 $_size_execute0_lowered;
	s3 =	sadd.s32 s3, s5;
	[dreg:$0x0] =	wrdreg $0x0  }
0xb7: {  	s5 =	sshll.u32 s28, $0x1;
	[dreg:$0x2] =	wrdreg s3  }
0xb8: {  	[dreg:$0x3] =	wrdreg s5  }
0xb9: {  	[dreg:$0x4] =	wrdreg $0xC0  }
0xba: {  	_ =	task [dreg:s22], $0x5FFFF  }
0xbb: {  	[dreg:$0x1] =	wrdreg $0xFFFFFFFF  }
0xbc: {  	[dreg:$0x0] =	wrdreg $0x60  }
0xbd: {  	[dreg:$0x2] =	wrdreg s24  }
0xbe: {  	[dreg:$0x3] =	wrdreg $0x0  }
0xbf: {  	[dreg:$0x4] =	wrdreg $0xB  }
0xc0: {  	_ =	task.clear_ibuf [dreg:s22], $0x5FFFF;
	_ =	strace $0x90000049  }
0xc1: {  	s29 =	simm.s32 $0xB;
	_ =	strace $0x8000004B  }
0xc2: {  	_ =	swait.ge [sflag:s29], $0x1  }
0xc3: {  	[sflag:s29] =	ssyncadd.s32 $0xFFFFFFFF  }
0xc4: {  	_ =	strace $0x9000004B  }
0xc5: {  	_ =	sfence  }
0xc6: {  	s30 =	sld [smem:$0x0];
	_ =	sdelay $0x2  }
0xc7: {  	s31 =	sshll.u32 s1, $0xD;
	s1 =	sshrl.u32 s1, $0x2  }
0xc8: {  	s4 =	sand.u32 $0x4000, s31;
	s1 =	sadd.s32 s1, s30  }
0xc9: {  	s0 =	sor.u32 s4, s0;
	s1 =	sshll.u32 s1, $0x11  }
0xca: {  	s0 =	sor.u32 s1, s0  }
0xcb: {  	s0 =	sadd.s32 $0x8F2B, s0  }
0xcc: {  	[sflag:s0] =	ssyncadd.remote.s32 $0x1  }
0xcd: {  	_ =	sfence.sel $0xFFFF  }
0xce: {  	[dreg:$0x0] =	wrdreg $0xFFFFFFFF;
	(pc) =	sbr.abs _section_cstart, $3  }
0xcf: {  	[dreg:$0x1] =	wrdreg $0xFFFFFFFF  }
0xd0: {  	_ =	task.clear_ibuf [dreg:s22], $0x2FFFF;
	_ =	strace $0x9FFFFFFF  }
0xd1: {  	(tm) =	ssettm $0x7FFFFFFF  }
tec
execute0_lowered:
.L_overlay_start_1:
0x0: {  	(tag) =	ssettag $0x1  }
0x1: {  	s0 =	rddreg [dreg:$0x0]  }
0x2: {  	s2 =	rddreg [dreg:$0x1];
	s18 =	stileid.u32  }
0x3: {  	s3 =	simm.s32 $0x0;
	s7 =	srdreg.scid;
	s1 =	smul.u32 $0xC, s18  }
0x4: {  	s28 =	simm.s32 $0x1BD00;
	s29 =	simm.s32 $0x1BD80;
	s6 =	smul.u32 $0x2780, s18  }
0x5: {  	s30 =	simm.s32 $0x20;
	s31 =	simm.s32 $0x1BE00;
	s8 =	smul.u32 $0x4F000, s18  }
0x6: {  	[smem:$0x7FF] =	sst s3;
	s4 =	sadd.s32 $0x106C00, s0;
	s20 =	smul.u32 $0x600, s18  }
0x7: {  	s5 =	sadd.s32 $0x12E400, s0;
	s14 =	sadd.s32 $0x7A00, s0;
	s10 =	smul.u32 $0x4E20, s18  }
0x8: {  	s15 =	sadd.s32 $0x11800, s0;
	s19 =	sand.u32 $0x1, s7;
	s25 =	smul.u32 $0x9C4, s18  }
0x9: {  	_ =	strace $0x8000004A;
	s9 =	ssub.s32 $0x2, s19;
	p0 =	sne.s32 s19, $0x0  }
0xa: {  	s19 =	simm.s32 $0x13C00;
	s1 =	sadd.s32 s1, s0;
	s16 =	sadd.s32 s6, s0  }
0xb: {  	s21 =	sshrl.u32 s8, $0x2;
	s22 =	sshrl.u32 s9, $0x1;
	s0 =	sadd.s32 s20, s0  }
0xc: {  	s12 =	sshrl.u32 s10, $0x3;
	s18 =	sadd.s32 s25, s14;
	s20 =	simm.s32 $0x2  }
0xd: {  	s6 =	sadd.s32 s21, s2;
	s11 =	sadd.s32 $0x43000, s1;
	s24 =	sadd.s32 $0x9C0, s12  }
0xe: {  	s17 =	ssub.s32 s9, s22;
	s0 =	sadd.s32 $0x17D400, s0;
	s26 =	sadd.s32 $0x155C00, s16  }
0xf: {  	s22 =	simm.s32 $0x17C00;
	s1 =	simm.s32 $0x0;
	s23 =	sadd.s32 $0x4000, s6  }
.Ltmp0:
0x10: {  	s8 =	sadd.s32 $0x8000, s6;
	s9 =	sadd.s32 $0xC000, s6;
	(pc) =	sbr.rel .LBB2_1-.Ltmp0, $4  }
0x11: {  	s10 =	sadd.s32 $0x10000, s6;
	s12 =	sadd.s32 s14, s24;
	[dreg:$0x4] =	wrdreg s0  }
0x12: {  	s13 =	sadd.s32 s15, s24;
	[dreg:$0x5] =	wrdreg s26;
	s16 =	smax.u32 s17, $0x1  }
0x13: {  	s17 =	sadd.s32 s25, s15;
	s24 =	simm.s32 $0x80;
	s25 =	simm.s32 $0x17D00  }
0x14: {  	v0 =	vimm.f32 $0.0e+00;
	s26 =	simm.s32 $0x1;
	[dreg:$0x3] =	wrdreg s23;
	s23 =	simm.s32 $0x17C80  }
.LBB2_9:
0x15: {  	s0 =	sadd.s32 s14, s18;
	[sflag:s20] =	ssyncadd.s32 $0xFFFFC000  }
0x16: {  	[tilespmem:s22], [sflag:$0x2] =	stream.linear.gather [hbm4b:s0+s3], $0x80, $0x38;
	[tilespmem:$0x1FE80] =	vst v63  }
0x17: {  	_ =	swait.ge [sflag:s20], $0x80  }
0x18: {  	[sflag:s20] =	ssyncset.done $0x0  }
0x19: {  	s7 =	sadd.s32 s14, s17;
	[sflag:s20] =	ssyncadd.s32 $0xFFFFFF80  }
0x1a: {  	[tilespmem:s23], [sflag:$0x2] =	stream.linear.gather [hbm4b:s7+s3], $0x80, $0x38;
	[tilespmem:$0x1FE80] =	vst v63  }
0x1b: {  	_ =	swait.ge [sflag:s20], $0x80  }
0x1c: {  	[sflag:s20] =	ssyncset.done $0x0  }
0x1d: {  	[sflag:s20] =	ssyncadd.s32 $0xFFFFFF80  }
0x1e: {  	[tilespmem:s25], [sflag:$0x1] =	stream.indirect.gather [hbm4b:s5+s24], $0x80, s22, s24, $0xb8;
	[tilespmem:$0x1FE80] =	vst v63  }
0x1f: {  	_ =	swait.ge [sflag:s26], $0x4000  }
0x20: {  	[sflag:s26] =	ssyncset.done $0x0  }
0x21: {  	[sflag:s26] =	ssyncadd.s32 $0xFFFFC000  }
0x22: {  	[spmem:s2] =	stream.indirect.scatter.add.f32 [tilespmem:s25], [sflag:$0x2], $0x80, s23, s24, $0xb8;
	[tilespmem:$0x1FE80] =	vst v63  }
0x23: {  	_ =	swait.ge [sflag:s20], $0x4000  }
0x24: {  	[sflag:s20] =	ssyncset.done $0x0  }
0x25: {  	[sflag:s20] =	ssyncadd.s32 $0xFFFFC000  }
0x26: {  	[tilespmem:s28], [sflag:$0x2] =	stream.linear.gather [hbm4b:s12+s3], $0x20, $0x38;
	[tilespmem:$0x1FE80] =	vst v63  }
0x27: {  	_ =	swait.ge [sflag:s20], $0x20  }
0x28: {  	[sflag:s20] =	ssyncset.done $0x0  }
0x29: {  	[sflag:s20] =	ssyncadd.s32 $0xFFFFFFE0  }
0x2a: {  	[tilespmem:s29], [sflag:$0x2] =	stream.linear.gather [hbm4b:s13+s3], $0x20, $0x38;
	[tilespmem:$0x1FE80] =	vst v63  }
0x2b: {  	_ =	swait.ge [sflag:s20], $0x20  }
0x2c: {  	[sflag:s20] =	ssyncset.done $0x0  }
0x2d: {  	[sflag:s20] =	ssyncadd.s32 $0xFFFFFFE0  }
0x2e: {  	[tilespmem:s31], [sflag:$0x1] =	stream.indirect.gather [hbm4b:s5+s30], $0x80, s28, s30, $0xb8;
	[tilespmem:$0x1FE80] =	vst v63  }
0x2f: {  	_ =	swait.ge [sflag:s26], $0x1000  }
0x30: {  	[sflag:s26] =	ssyncset.done $0x0  }
0x31: {  	[sflag:s26] =	ssyncadd.s32 $0xFFFFF000  }
0x32: {  	[spmem:s2] =	stream.indirect.scatter.add.f32 [tilespmem:s31], [sflag:$0x2], $0x80, s29, s30, $0xb8;
	[tilespmem:$0x1FE80] =	vst v63  }
0x33: {  	_ =	swait.ge [sflag:s20], $0x1000  }
0x34: {  	[sflag:s20] =	ssyncset.done $0x0  }
0x35: {  	s14 =	simm.s32 $0x1FE00;
	[sflag:s20] =	ssyncadd.s32 $0xFFFFF000  }
0x36: {  	s15 =	simm.s32 $0x1CE00;
	s7 =	simm.s32 $0x60;
	[bflag:$0x0] =	sbarrier.arrive $0xFFFF  }
0x37: {  	[tilespmem:s15], [sflag:$0x2] =	stream.indirect.gather [spmem:s2], $0x80, s14, s7, $0xb8;
	[tilespmem:$0x1FE80] =	vst v63  }
0x38: {  	_ =	swait.ge [sflag:s20], $0x3000  }
0x39: {  	[sflag:s20] =	ssyncset.done $0x0  }
0x3a: {  	s21 =	rddreg [dreg:$0x4];
	[sflag:s20] =	ssyncadd.s32 $0xFFFFD000  }
0x3b: {  	[hbm4b:s21+s3] =	stream.linear.scatter [tilespmem:s15], [sflag:$0x2], $0x3000, $0x38;
	[tilespmem:$0x1FE80] =	vst v63  }
0x3c: {  	_ =	swait.ge [sflag:s20], $0x3000  }
0x3d: {  	[sflag:s20] =	ssyncset.done $0x0  }
0x3e: {  	[sflag:s20] =	ssyncadd.s32 $0xFFFFD000  }
.LBB2_10:
0x3f: {  	s1 =	sadd.s32 $0x1, s1  }
0x40: {  	p1 =	sne.s32 s1, s16  }
.Ltmp1:
0x41: {  	_ = 	snop;
	(pc) =	sbr.rel @!p1 .LBB2_11-.Ltmp1, $1  }
0x42: {  	_ =	sdelay $0x3  }
.LBB2_1:
0x43: {  	s14 =	simm.s32 $0x0;
	s15 =	simm.s32 $0x200  }
.LBB2_2:
0x44: {  	p1 =	sne.s32 s15, $0xFE00;
	[tilespmem:s14+$0x13C70] =	vst v0  }
0x45: {  	[tilespmem:s14+$0x13C00] =	vst v0  }
0x46: {  	[tilespmem:s14+$0x13C10] =	vst v0  }
.Ltmp2:
0x47: {  	[tilespmem:s14+$0x13C20] =	vst v0;
	(pc) =	sbr.rel @p1 .LBB2_2-.Ltmp2, $4  }
0x48: {  	[tilespmem:s14+$0x13C30] =	vst v0  }
0x49: {  	[tilespmem:s14+$0x13C40] =	vst v0  }
0x4a: {  	[tilespmem:s14+$0x13C50] =	vst v0  }
0x4b: {  	[tilespmem:s14+$0x13C60] =	vst v0;
	s14 =	sshra.s32 s15, $0x2;
	s15 =	sadd.s32 $0x200, s15  }
0x4c: {  	[tilespmem:s14+$0x13C70] =	vst v0  }
0x4d: {  	[tilespmem:s14+$0x13C00] =	vst v0  }
0x4e: {  	[tilespmem:s14+$0x13C10] =	vst v0  }
0x4f: {  	[tilespmem:s14+$0x13C20] =	vst v0  }
0x50: {  	[tilespmem:s14+$0x13C30] =	vst v0  }
0x51: {  	[tilespmem:s14+$0x13C40] =	vst v0  }
0x52: {  	[tilespmem:s14+$0x13C50] =	vst v0  }
0x53: {  	[tilespmem:s14+$0x13C60] =	vst v0  }
0x54: {  	[spmem:s6] =	stream.linear.scatter [tilespmem:s19], [sflag:$0x2], $0x4000, $0x38;
	[tilespmem:$0x1FE80] =	vst v63  }
0x55: {  	_ =	swait.ge [sflag:s20], $0x4000  }
0x56: {  	[sflag:s20] =	ssyncset.done $0x0  }
0x57: {  	s0 =	rddreg [dreg:$0x3];
	[sflag:s20] =	ssyncadd.s32 $0xFFFFC000  }
0x58: {  	[spmem:s0] =	stream.linear.scatter [tilespmem:s19], [sflag:$0x2], $0x4000, $0x38;
	[tilespmem:$0x1FE80] =	vst v63  }
0x59: {  	_ =	swait.ge [sflag:s20], $0x4000  }
0x5a: {  	[sflag:s20] =	ssyncset.done $0x0  }
0x5b: {  	[sflag:s20] =	ssyncadd.s32 $0xFFFFC000  }
0x5c: {  	[spmem:s8] =	stream.linear.scatter [tilespmem:s19], [sflag:$0x2], $0x4000, $0x38;
	[tilespmem:$0x1FE80] =	vst v63  }
0x5d: {  	_ =	swait.ge [sflag:s20], $0x4000  }
0x5e: {  	[sflag:s20] =	ssyncset.done $0x0  }
0x5f: {  	[sflag:s20] =	ssyncadd.s32 $0xFFFFC000  }
0x60: {  	[spmem:s9] =	stream.linear.scatter [tilespmem:s19], [sflag:$0x2], $0x4000, $0x38;
	[tilespmem:$0x1FE80] =	vst v63  }
0x61: {  	_ =	swait.ge [sflag:s20], $0x4000  }
0x62: {  	[sflag:s20] =	ssyncset.done $0x0  }
0x63: {  	[sflag:s20] =	ssyncadd.s32 $0xFFFFC000  }
0x64: {  	[spmem:s10] =	stream.linear.scatter [tilespmem:s19], [sflag:$0x2], $0x3C00, $0x38;
	[tilespmem:$0x1FE80] =	vst v63  }
0x65: {  	_ =	swait.ge [sflag:s20], $0x3C00  }
0x66: {  	[sflag:s20] =	ssyncset.done $0x0  }
0x67: {  	s15 =	simm.s32 $0x0;
	s21 =	simm.s32 $0x1FE00;
	[sflag:s20] =	ssyncadd.s32 $0xFFFFC400  }
0x68: {  	[tilespmem:s21], [sflag:$0x2] =	stream.linear.gather [hbm4b:s11+s15], $0x60, $0x38;
	[tilespmem:$0x1FE80] =	vst v63  }
.Ltmp3:
0x69: {  	_ =	swait.ge [sflag:s20], $0x60;
	(pc) =	sbr.rel @p0 .LBB2_7-.Ltmp3, $3  }
0x6a: {  	[sflag:s20] =	ssyncset.done $0x0  }
0x6b: {  	[sflag:s20] =	ssyncadd.s32 $0xFFFFFFA0  }
0x6c: {  	[bflag:$0x0] =	sbarrier.arrive $0xFFFF;
	_ =	sdelay $0x1  }
0x6d: {  	s14 =	sadd.s32 $0x0, s18  }
0x6e: {  	[tilespmem:s22], [sflag:$0x2] =	stream.linear.gather [hbm4b:s14+s3], $0x80, $0x38;
	[tilespmem:$0x1FE80] =	vst v63  }
0x6f: {  	_ =	swait.ge [sflag:s20], $0x80  }
0x70: {  	[sflag:s20] =	ssyncset.done $0x0  }
0x71: {  	s21 =	sadd.s32 $0x0, s17;
	[sflag:s20] =	ssyncadd.s32 $0xFFFFFF80  }
0x72: {  	[tilespmem:s23], [sflag:$0x2] =	stream.linear.gather [hbm4b:s21+s3], $0x80, $0x38;
	[tilespmem:$0x1FE80] =	vst v63  }
0x73: {  	_ =	swait.ge [sflag:s20], $0x80  }
0x74: {  	[sflag:s20] =	ssyncset.done $0x0  }
0x75: {  	[sflag:s20] =	ssyncadd.s32 $0xFFFFFF80  }
0x76: {  	[tilespmem:s25], [sflag:$0x1] =	stream.indirect.gather [hbm4b:s4+s24], $0x80, s22, s24, $0xb8;
	[tilespmem:$0x1FE80] =	vst v63  }
0x77: {  	_ =	swait.ge [sflag:s26], $0x4000  }
0x78: {  	[sflag:s26] =	ssyncset.done $0x0  }
0x79: {  	[sflag:s26] =	ssyncadd.s32 $0xFFFFC000  }
0x7a: {  	[spmem:s2] =	stream.indirect.scatter.add.f32 [tilespmem:s25], [sflag:$0x2], $0x80, s23, s24, $0xb8;
	[tilespmem:$0x1FE80] =	vst v63  }
0x7b: {  	_ =	swait.ge [sflag:s20], $0x4000  }
0x7c: {  	s15 =	simm.s32 $0x20;
	s14 =	simm.s32 $0x10;
	[sflag:s20] =	ssyncset.done $0x0  }
.LBB2_5:
0x7d: {  	s0 =	sadd.s32 s14, s18  }
0x7e: {  	[sflag:s20] =	ssyncadd.s32 $0xFFFFC000;
	s21 =	smov.u32 s15;
	s7 =	sadd.s32 $0x10, s15  }
0x7f: {  	[tilespmem:s22], [sflag:$0x2] =	stream.linear.gather [hbm4b:s0+s3], $0x80, $0x38;
	[tilespmem:$0x1FE80] =	vst v63  }
0x80: {  	p1 =	sne.s32 s15, $0x9B0;
	_ =	swait.ge [sflag:s20], $0x80  }
0x81: {  	[sflag:s20] =	ssyncset.done $0x0  }
0x82: {  	s0 =	sadd.s32 s14, s17;
	s14 =	smov.u32 s21;
	[sflag:s20] =	ssyncadd.s32 $0xFFFFFF80  }
0x83: {  	[tilespmem:s23], [sflag:$0x2] =	stream.linear.gather [hbm4b:s0+s3], $0x80, $0x38;
	[tilespmem:$0x1FE80] =	vst v63  }
0x84: {  	_ =	swait.ge [sflag:s20], $0x80  }
0x85: {  	[sflag:s20] =	ssyncset.done $0x0  }
0x86: {  	[sflag:s20] =	ssyncadd.s32 $0xFFFFFF80  }
0x87: {  	[tilespmem:s25], [sflag:$0x1] =	stream.indirect.gather [hbm4b:s4+s24], $0x80, s22, s24, $0xb8;
	[tilespmem:$0x1FE80] =	vst v63  }
0x88: {  	_ =	swait.ge [sflag:s26], $0x4000  }
.Ltmp4:
0x89: {  	[sflag:s26] =	ssyncset.done $0x0;
	(pc) =	sbr.rel @p1 .LBB2_5-.Ltmp4, $4  }
0x8a: {  	[sflag:s26] =	ssyncadd.s32 $0xFFFFC000  }
0x8b: {  	[spmem:s2] =	stream.indirect.scatter.add.f32 [tilespmem:s25], [sflag:$0x2], $0x80, s23, s24, $0xb8;
	[tilespmem:$0x1FE80] =	vst v63  }
0x8c: {  	_ =	swait.ge [sflag:s20], $0x4000  }
0x8d: {  	s15 =	smov.u32 s7;
	[sflag:s20] =	ssyncset.done $0x0  }
0x8e: {  	s0 =	sadd.s32 s14, s18;
	[sflag:s20] =	ssyncadd.s32 $0xFFFFC000  }
0x8f: {  	[tilespmem:s22], [sflag:$0x2] =	stream.linear.gather [hbm4b:s0+s3], $0x80, $0x38;
	[tilespmem:$0x1FE80] =	vst v63  }
0x90: {  	_ =	swait.ge [sflag:s20], $0x80  }
0x91: {  	[sflag:s20] =	ssyncset.done $0x0  }
0x92: {  	s14 =	sadd.s32 s14, s17;
	[sflag:s20] =	ssyncadd.s32 $0xFFFFFF80  }
0x93: {  	[tilespmem:s23], [sflag:$0x2] =	stream.linear.gather [hbm4b:s14+s3], $0x80, $0x38;
	[tilespmem:$0x1FE80] =	vst v63  }
0x94: {  	_ =	swait.ge [sflag:s20], $0x80  }
0x95: {  	[sflag:s20] =	ssyncset.done $0x0  }
0x96: {  	[sflag:s20] =	ssyncadd.s32 $0xFFFFFF80  }
0x97: {  	[tilespmem:s25], [sflag:$0x1] =	stream.indirect.gather [hbm4b:s4+s24], $0x80, s22, s24, $0xb8;
	[tilespmem:$0x1FE80] =	vst v63  }
0x98: {  	_ =	swait.ge [sflag:s26], $0x4000  }
0x99: {  	[sflag:s26] =	ssyncset.done $0x0  }
0x9a: {  	[sflag:s26] =	ssyncadd.s32 $0xFFFFC000  }
0x9b: {  	[spmem:s2] =	stream.indirect.scatter.add.f32 [tilespmem:s25], [sflag:$0x2], $0x80, s23, s24, $0xb8;
	[tilespmem:$0x1FE80] =	vst v63  }
0x9c: {  	_ =	swait.ge [sflag:s20], $0x4000  }
0x9d: {  	[sflag:s20] =	ssyncset.done $0x0  }
0x9e: {  	[sflag:s20] =	ssyncadd.s32 $0xFFFFC000  }
0x9f: {  	[tilespmem:s28], [sflag:$0x2] =	stream.linear.gather [hbm4b:s12+s3], $0x20, $0x38;
	[tilespmem:$0x1FE80] =	vst v63  }
0xa0: {  	_ =	swait.ge [sflag:s20], $0x20  }
0xa1: {  	[sflag:s20] =	ssyncset.done $0x0  }
0xa2: {  	[sflag:s20] =	ssyncadd.s32 $0xFFFFFFE0  }
0xa3: {  	[tilespmem:s29], [sflag:$0x2] =	stream.linear.gather [hbm4b:s13+s3], $0x20, $0x38;
	[tilespmem:$0x1FE80] =	vst v63  }
0xa4: {  	_ =	swait.ge [sflag:s20], $0x20  }
0xa5: {  	[sflag:s20] =	ssyncset.done $0x0  }
0xa6: {  	[sflag:s20] =	ssyncadd.s32 $0xFFFFFFE0  }
0xa7: {  	[tilespmem:s31], [sflag:$0x1] =	stream.indirect.gather [hbm4b:s4+s30], $0x80, s28, s30, $0xb8;
	[tilespmem:$0x1FE80] =	vst v63  }
0xa8: {  	_ =	swait.ge [sflag:s26], $0x1000  }
0xa9: {  	[sflag:s26] =	ssyncset.done $0x0  }
0xaa: {  	[sflag:s26] =	ssyncadd.s32 $0xFFFFF000  }
0xab: {  	[spmem:s2] =	stream.indirect.scatter.add.f32 [tilespmem:s31], [sflag:$0x2], $0x80, s29, s30, $0xb8;
	[tilespmem:$0x1FE80] =	vst v63  }
0xac: {  	_ =	swait.ge [sflag:s20], $0x1000  }
0xad: {  	[sflag:s20] =	ssyncset.done $0x0  }
0xae: {  	s15 =	stileid.u32;
	[sflag:s20] =	ssyncadd.s32 $0xFFFFF000  }
0xaf: {  	s7 =	sshrl.u32 s6, $0x3;
	s0 =	sshll.u32 s15, $0x6;
	[bflag:$0x0] =	sbarrier.arrive $0xFFFF  }
.Ltmp5:
0xb0: {  	s0 =	sor.u32 $0x1C02, s0;
	s21 =	rddreg [dreg:$0x5];
	(pc) =	sbr.rel .LBB2_10-.Ltmp5, $4  }
0xb1: {  	[hbm:s21], [sflag:s0] =	dma.local [spmem:s7], $0x2780  }
0xb2: {  	_ =	swait.ge [sflag:s20], $0x2780  }
0xb3: {  	[sflag:s20] =	ssyncset.done $0x0  }
0xb4: {  	[sflag:s20] =	ssyncadd.s32 $0xFFFFD880  }
.LBB2_7:
0xb5: {  	s0 =	sadd.s32 $0x0, s18  }
0xb6: {  	[tilespmem:s22], [sflag:$0x2] =	stream.linear.gather [hbm4b:s0+s3], $0x80, $0x38;
	[tilespmem:$0x1FE80] =	vst v63  }
0xb7: {  	_ =	swait.ge [sflag:s20], $0x80  }
0xb8: {  	[sflag:s20] =	ssyncset.done $0x0  }
0xb9: {  	s21 =	sadd.s32 $0x0, s17;
	[sflag:s20] =	ssyncadd.s32 $0xFFFFFF80  }
0xba: {  	[tilespmem:s23], [sflag:$0x2] =	stream.linear.gather [hbm4b:s21+s3], $0x80, $0x38;
	[tilespmem:$0x1FE80] =	vst v63  }
0xbb: {  	_ =	swait.ge [sflag:s20], $0x80  }
0xbc: {  	[sflag:s20] =	ssyncset.done $0x0  }
0xbd: {  	[sflag:s20] =	ssyncadd.s32 $0xFFFFFF80  }
0xbe: {  	[tilespmem:s25], [sflag:$0x1] =	stream.indirect.gather [hbm4b:s5+s24], $0x80, s22, s24, $0xb8;
	[tilespmem:$0x1FE80] =	vst v63  }
0xbf: {  	_ =	swait.ge [sflag:s26], $0x4000  }
0xc0: {  	[sflag:s26] =	ssyncset.done $0x0  }
0xc1: {  	[sflag:s26] =	ssyncadd.s32 $0xFFFFC000  }
0xc2: {  	[spmem:s2] =	stream.indirect.scatter.add.f32 [tilespmem:s25], [sflag:$0x2], $0x80, s23, s24, $0xb8;
	[tilespmem:$0x1FE80] =	vst v63  }
0xc3: {  	_ =	swait.ge [sflag:s20], $0x4000  }
0xc4: {  	s14 =	simm.s32 $0x10;
	s15 =	simm.s32 $0x20;
	[sflag:s20] =	ssyncset.done $0x0  }
.LBB2_8:
0xc5: {  	s0 =	sadd.s32 s14, s18  }
0xc6: {  	[sflag:s20] =	ssyncadd.s32 $0xFFFFC000;
	s7 =	smov.u32 s15;
	s21 =	sadd.s32 $0x10, s15  }
0xc7: {  	[tilespmem:s22], [sflag:$0x2] =	stream.linear.gather [hbm4b:s0+s3], $0x80, $0x38;
	[tilespmem:$0x1FE80] =	vst v63  }
0xc8: {  	p1 =	sne.s32 s15, $0x9B0;
	_ =	swait.ge [sflag:s20], $0x80  }
0xc9: {  	[sflag:s20] =	ssyncset.done $0x0  }
0xca: {  	s0 =	sadd.s32 s14, s17;
	s14 =	smov.u32 s7;
	[sflag:s20] =	ssyncadd.s32 $0xFFFFFF80  }
0xcb: {  	[tilespmem:s23], [sflag:$0x2] =	stream.linear.gather [hbm4b:s0+s3], $0x80, $0x38;
	[tilespmem:$0x1FE80] =	vst v63  }
0xcc: {  	_ =	swait.ge [sflag:s20], $0x80  }
0xcd: {  	[sflag:s20] =	ssyncset.done $0x0  }
0xce: {  	[sflag:s20] =	ssyncadd.s32 $0xFFFFFF80  }
0xcf: {  	[tilespmem:s25], [sflag:$0x1] =	stream.indirect.gather [hbm4b:s5+s24], $0x80, s22, s24, $0xb8;
	[tilespmem:$0x1FE80] =	vst v63  }
0xd0: {  	_ =	swait.ge [sflag:s26], $0x4000  }
.Ltmp6:
0xd1: {  	[sflag:s26] =	ssyncset.done $0x0;
	(pc) =	sbr.rel @p1 .LBB2_8-.Ltmp6, $4  }
0xd2: {  	[sflag:s26] =	ssyncadd.s32 $0xFFFFC000  }
0xd3: {  	[spmem:s2] =	stream.indirect.scatter.add.f32 [tilespmem:s25], [sflag:$0x2], $0x80, s23, s24, $0xb8;
	[tilespmem:$0x1FE80] =	vst v63  }
0xd4: {  	_ =	swait.ge [sflag:s20], $0x4000  }
0xd5: {  	s15 =	smov.u32 s21;
	[sflag:s20] =	ssyncset.done $0x0  }
.Ltmp7:
0xd6: {  	_ = 	snop;
	(pc) =	sbr.rel .LBB2_9-.Ltmp7, $1  }
0xd7: {  	_ =	sdelay $0x3  }
.LBB2_11:
0xd8: {  	_ =	sfence.sel $0x180000  }
0xd9: {  	[bflag:$0x0] =	sbarrier.arrive $0xFFFF  }
0xda: {  	_ =	strace $0x9000004A  }
0xdb: {  	s0 =	stileid.u32;
	[bflag:$0x2] =	sbarrier.arrive $0xFFFF  }
0xdc: {  	p0 =	sne.s32 s0, $0x0;
	s0 =	rddreg [dreg:$0x2]  }
0xdd: {  	s0 =	sadd.s32 @!p0 $0x100000, s0  }
0xde: {  	[sflag:s0] =	ssyncadd.tile.s32 @!p0 $0x1;
	_ =	shalt  }
.Lfunc_end2:
_tile_overlayer_lowered:
.L_overlay_start_2:
0xdf: {  	(tag) =	ssettag $0x2  }
0xe0: {  	s0 =	rddreg [dreg:$0x0];
	s2 =	stileid.u32  }
0xe1: {  	s1 =	rddreg [dreg:$0x1];
	p0 =	sne.s32 s2, $0x0  }
0xe2: {  	s3 =	rddreg [dreg:$0x2];
	[bflag:$0x3] =	sbarrier.arrive $0xFFFF;
	s2 =	simm.s32 @!p0 $0x1C02  }
0xe3: {  	[timem:s3], [sflag:s2] =	dma.local @!p0 [hbm:s0], s1  }
0xe4: {  	s0 =	simm.s32 @!p0 $0x2  }
0xe5: {  	_ =	swait.ge @!p0 [sflag:s0], s1  }
0xe6: {  	s1 =	ssub.s32 @!p0 $0x0, s1;
	[sflag:s0] =	ssyncset.done @!p0 $0x0  }
0xe7: {  	[sflag:s0] =	ssyncadd.s32 @!p0 s1  }
0xe8: {  	[bflag:$0x3] =	sbarrier.arrive $0xFFFF  }
0xe9: {  	_ =	shalt  }

// kernel: kernel.20.cloned.1.call-start
scs
__scs_entry_jumppad:
0x0: {  	(pc) =	sbr.rel $0x88, $3  }
0x1: {  	(tag) =	ssettag $0x0;
	lr =	simm.s32 $0x1  }
0x2: {  	[smem:$0x3F8F] =	sst lr;
	_ =	strace $0xD0000000  }
0x3: {  	_ = 	snop  }
0x4: {  	_ = 	snop  }
0x5: {  	_ = 	snop  }
0x6: {  	_ = 	snop  }
0x7: {  	_ = 	snop  }
__scs_overlays_trampoline_lowered:
0x8: {  	[smem:$0x3F9E] =	sst s0  }
0x9: {  	[smem:$0x3F9F] =	sst s1  }
0xa: {  	[smem:$0x3FA0] =	sst s2  }
0xb: {  	[smem:$0x3FA1] =	sst s3  }
0xc: {  	[smem:$0x3FA2] =	sst s4  }
0xd: {  	[smem:$0x3FA3] =	sst s5  }
0xe: {  	[smem:$0x3FA4] =	sst s6  }
0xf: {  	[smem:$0x3FA5] =	sst s7  }
0x10: {  	[smem:$0x3FA6] =	sst s8  }
0x11: {  	[smem:$0x3FA7] =	sst s9;
	s0 =	simm.s32 @!p0 $0x0  }
0x12: {  	s1 =	sld [smem:$0x3F8D];
	s0 =	simm.s32 @p0 $0x1  }
0x13: {  	[smem:$0x3FA8] =	sst s0;
	s0 =	simm.s32 @!p1 $0x0  }
0x14: {  	s2 =	sld [smem:$0x3F8C];
	s0 =	simm.s32 @p1 $0x1  }
0x15: {  	[smem:$0x3FA9] =	sst s0;
	s0 =	simm.s32 @!p2 $0x0  }
0x16: {  	s3 =	sld [smem:$0x3FDB];
	s0 =	simm.s32 @p2 $0x1  }
0x17: {  	s4 =	simm.s32 $0x1BF5;
	[smem:$0x3FAB] =	sst s0  }
0x18: {  	s0 =	sld [smem:$0x3F8E];
	_ =	swait.ge [sflag:s4], $0x0  }
0x19: {  	s7 =	sld [smem:$0x3F8F]  }
0x1a: {  	s8 =	sadd.s32 $0xFFFFE003, lr  }
0x1b: {  	s9 =	sadd.s32 $0xFFFFFEF7, lr;
	s5 =	simm.s32 $0xFFFFFFFF;
	p2 =	slt.u32 s8, $0xFFFFF086  }
0x1c: {  	p1 =	slt.u32 s9, $0xF7A;
	s5 =	simm.s32 @!p2 $0x0  }
0x1d: {  	s5 =	simm.s32 @p1 $0x1;
	p0 =	seq.s32 s7, s2  }
0x1e: {  	s7 =	smul.u32 @!p0 $0xF7A, s2;
	p2 =	seq.s32 @!p0 s5, $0x0  }
0x1f: {  	s9 =	smul.u32 $0xF7A, s1;
	s8 =	simm.s32 @!p0 $0x1BF5;
	p2 =	por !p2, p0  }
0x20: {  	[sflag:s8] =	ssyncset.s32 @!p0 $0xFFFFF086;
	s6 =	sadd.s32 @!p0 s3, s7;
	s7 =	simm.s32 @!p0 $0x108  }
0x21: {  	s3 =	sadd.s32 s3, s9;
	s6 =	sadd.s32 @!p0 $0x88, s6;
	s7 =	simm.s32 @p2 $0x1082  }
0x22: {  	[simem:s7], [sflag:s8] =	dma.local @!p0 [hbm:s6], $0xF7A  }
0x23: {  	s9 =	sor.u32 $0xD0000000, s2;
	s6 =	simm.s32 $0x108;
	_ =	swait.ge @!p0 [sflag:s8], $0x0  }
0x24: {  	s3 =	sadd.s32 $0x88, s3;
	s6 =	simm.s32 @!p1 $0x1082;
	[sflag:s4] =	ssyncset.s32 $0xFFFFF086  }
0x25: {  	[simem:s6], [sflag:s4] =	dma.local [hbm:s3], $0xF7A  }
0x26: {  	[smem:$0x3F8F] =	sst s1;
	(tag) =	ssettag s2;
	_ =	strace s9  }
0x27: {  	s1 =	sld [smem:$0x3F9F]  }
0x28: {  	s2 =	sld [smem:$0x3FA0]  }
0x29: {  	s4 =	sld [smem:$0x3FA2]  }
0x2a: {  	p0 =	seq.s32 s5, $0x0;
	s5 =	sld [smem:$0x3FA3]  }
0x2b: {  	s6 =	sld [smem:$0x3FA4]  }
0x2c: {  	s7 =	sld [smem:$0x3FA5]  }
0x2d: {  	s3 =	simm.s32 $0x108;
	s8 =	sld [smem:$0x3FA6]  }
0x2e: {  	s3 =	simm.s32 @!p0 $0x1082;
	s9 =	sld [smem:$0x3FA7]  }
0x2f: {  	lr =	sadd.s32 s0, s3;
	s0 =	sld [smem:$0x3F9E]  }
0x30: {  	s3 =	sld [smem:$0x3FA1]  }
0x31: {  	[smem:$0x3FAA] =	sst s10  }
0x32: {  	s10 =	sld [smem:$0x3FA8];
	_ =	sdelay $0x3  }
0x33: {  	p0 =	seq.s32 s10, $0x1;
	s10 =	sld [smem:$0x3FAA];
	_ =	sdelay $0x3  }
0x34: {  	[smem:$0x3FAA] =	sst s10  }
0x35: {  	s10 =	sld [smem:$0x3FA9];
	_ =	sdelay $0x3  }
0x36: {  	p1 =	seq.s32 s10, $0x1;
	s10 =	sld [smem:$0x3FAA];
	_ =	sdelay $0x3  }
0x37: {  	[smem:$0x3FAA] =	sst s10  }
0x38: {  	s10 =	sld [smem:$0x3FAB]  }
0x39: {  	_ = 	snop;
	(pc) =	sbr.ind lr, $3  }
0x3a: {  	_ = 	snop  }
0x3b: {  	_ = 	snop  }
0x3c: {  	p2 =	seq.s32 s10, $0x1;
	s10 =	sld [smem:$0x3FAA]  }
0x3d: {  	_ =	shalt  }
0x3e: {  	_ =	shalt  }
0x3f: {  	_ =	shalt  }
0x40: {  	_ =	shalt  }
0x41: {  	_ =	shalt  }
0x42: {  	_ =	shalt  }
0x43: {  	_ =	shalt  }
0x44: {  	_ =	shalt  }
0x45: {  	_ =	shalt  }
0x46: {  	_ =	shalt  }
0x47: {  	_ =	shalt  }
0x48: {  	_ =	shalt  }
0x49: {  	_ =	shalt  }
0x4a: {  	_ =	shalt  }
0x4b: {  	_ =	shalt  }
0x4c: {  	_ =	shalt  }
0x4d: {  	_ =	shalt  }
0x4e: {  	_ =	shalt  }
0x4f: {  	_ =	shalt  }
0x50: {  	_ =	shalt  }
0x51: {  	_ =	shalt  }
0x52: {  	_ =	shalt  }
0x53: {  	_ =	shalt  }
0x54: {  	_ =	shalt  }
0x55: {  	_ =	shalt  }
0x56: {  	_ =	shalt  }
0x57: {  	_ =	shalt  }
0x58: {  	_ =	shalt  }
0x59: {  	_ =	shalt  }
0x5a: {  	_ =	shalt  }
0x5b: {  	_ =	shalt  }
0x5c: {  	_ =	shalt  }
0x5d: {  	_ =	shalt  }
0x5e: {  	_ =	shalt  }
0x5f: {  	_ =	shalt  }
0x60: {  	_ =	shalt  }
0x61: {  	_ =	shalt  }
0x62: {  	_ =	shalt  }
0x63: {  	_ =	shalt  }
0x64: {  	_ =	shalt  }
0x65: {  	_ =	shalt  }
0x66: {  	_ =	shalt  }
0x67: {  	_ =	shalt  }
0x68: {  	_ =	shalt  }
0x69: {  	_ =	shalt  }
0x6a: {  	_ =	shalt  }
0x6b: {  	_ =	shalt  }
0x6c: {  	_ =	shalt  }
0x6d: {  	_ =	shalt  }
0x6e: {  	_ =	shalt  }
0x6f: {  	_ =	shalt  }
0x70: {  	_ =	shalt  }
0x71: {  	_ =	shalt  }
0x72: {  	_ =	shalt  }
0x73: {  	_ =	shalt  }
0x74: {  	_ =	shalt  }
0x75: {  	_ =	shalt  }
0x76: {  	_ =	shalt  }
0x77: {  	_ =	shalt  }
0x78: {  	_ =	shalt  }
0x79: {  	_ =	shalt  }
0x7a: {  	_ =	shalt  }
0x7b: {  	_ =	shalt  }
0x7c: {  	_ =	shalt  }
0x7d: {  	_ =	shalt  }
0x7e: {  	_ =	shalt  }
0x7f: {  	_ =	shalt  }
0x80: {  	_ =	shalt  }
0x81: {  	_ =	shalt  }
0x82: {  	_ =	shalt  }
0x83: {  	_ =	shalt  }
0x84: {  	_ =	shalt  }
0x85: {  	_ =	shalt  }
0x86: {  	_ =	shalt  }
0x87: {  	_ =	shalt  }
.Lfunc_end0:
.L_simem_size_0:
called_computation.3_lowered:
.L_overlay_start_0:
0x88: {  	s2 =	sld [smem:$0x3FD9]  }
0x89: {  	s3 =	sld [smem:$0x3FFE];
	_ =	sdelay $0x1  }
0x8a: {  	s1 =	srdreg.scid  }
0x8b: {  	s0 =	sand.u32 $0x1, s1  }
0x8c: {  	s16 =	sshll.u32 s0, $0xA;
	s2 =	sadd.s32 s3, s2  }
0x8d: {  	s2 =	sadd.s32 s2, s16  }
0x8e: {  	[smem:$0x3FB6] =	sst s2  }
0x8f: {  	_ = 	snop  }
0x90: {  	(tm) =	ssettm $0x1  }
0x91: {  	s17 =	sld [smem:$0x3FFB];
	_ =	sdelay $0x3  }
0x92: {  	_ =	strace s17  }
0x93: {  	s2 =	sld [smem:$0x3FFC];
	_ =	sdelay $0x3  }
0x94: {  	_ =	strace s2  }
0x95: {  	s2 =	sld [smem:$0x3FFD];
	_ =	sdelay $0x3  }
0x96: {  	_ =	strace s2  }
0x97: {  	_ =	strace $0x8FFFFFFF  }
0x98: {  	s18 =	sld [smem:$0x3FDB];
	_ =	sdelay $0x1  }
0x99: {  	s19 =	simm.s32 $_scs_section_size  }
0x9a: {  	s4 =	simm.s32 $_size__tile_overlayer_lowered;
	s5 =	simm.s32 $_tile_overlayer_lowered  }
0x9b: {  	s22 =	simm.s32 $0x1BFF;
	s21 =	sshll.u32 s5, $0x1;
	s2 =	sadd.s32 s19, s18  }
0x9c: {  	s6 =	simm.s32 $0x0;
	s20 =	sshll.u32 s4, $0x1;
	s4 =	sadd.s32 s21, s2  }
0x9d: {  	[timem:s6], [sflag:s22] =	dma.local [hbm:s4], s20  }
0x9e: {  	_ =	swait.ge [sflag:s22], s20  }
0x9f: {  	s3 =	ssub.s32 $0x0, s20;
	[sflag:s22] =	ssyncset.done $0x0  }
0xa0: {  	[sflag:s22] =	ssyncadd.s32 s3;
	_ =	sdelay $0x1  }
0xa1: {  	s23 =	simm.s32 $0x1B8B  }
0xa2: {  	_ =	swait.ge [sflag:s23], $0x1  }
0xa3: {  	[sflag:s23] =	ssyncset.done $0x0  }
0xa4: {  	s25 =	simm.s32 $0x1B8E;
	s24 =	sld [smem:$0x3FFE];
	[sflag:s23] =	ssyncadd.s32 $0xFFFFFFFF  }
0xa5: {  	s26 =	simm.s32 $execute0_lowered;
	[smem:$0x3FD2] =	sst s25  }
0xa6: {  	s4 =	sshll.u32 s26, $0x1;
	_ =	strace $0x8000004F;
	[dreg:$0x1] =	wrdreg $0xFFFFFFFF  }
0xa7: {  	s28 =	simm.s32 $_size_execute0_lowered;
	s2 =	sadd.s32 s2, s4;
	[dreg:$0x0] =	wrdreg $0x0  }
0xa8: {  	s4 =	sshll.u32 s28, $0x1;
	[dreg:$0x2] =	wrdreg s2  }
0xa9: {  	[dreg:$0x3] =	wrdreg s4  }
0xaa: {  	[dreg:$0x4] =	wrdreg $0xC0  }
0xab: {  	_ =	task [dreg:s6], $0x5FFFF  }
0xac: {  	[dreg:$0x1] =	wrdreg $0xFFFFFFFF  }
0xad: {  	[dreg:$0x0] =	wrdreg $0x60  }
0xae: {  	[dreg:$0x2] =	wrdreg s24  }
0xaf: {  	[dreg:$0x3] =	wrdreg $0x9  }
0xb0: {  	_ =	task.clear_ibuf [dreg:s6], $0x4FFFF;
	_ =	strace $0x9000004F  }
0xb1: {  	s29 =	simm.s32 $0x9;
	_ =	strace $0x80000051  }
0xb2: {  	_ =	swait.ge [sflag:s29], $0x1  }
0xb3: {  	[sflag:s29] =	ssyncadd.s32 $0xFFFFFFFF  }
0xb4: {  	_ =	strace $0x90000051  }
0xb5: {  	_ =	sfence  }
0xb6: {  	s30 =	sld [smem:$0x0];
	_ =	sdelay $0x2  }
0xb7: {  	s31 =	sshll.u32 s1, $0xD;
	s1 =	sshrl.u32 s1, $0x2  }
0xb8: {  	s3 =	sand.u32 $0x4000, s31;
	s1 =	sadd.s32 s1, s30  }
0xb9: {  	s0 =	sor.u32 s3, s0;
	s1 =	sshll.u32 s1, $0x11  }
0xba: {  	s0 =	sor.u32 s1, s0  }
0xbb: {  	s0 =	sadd.s32 $0x8F2B, s0  }
0xbc: {  	[sflag:s0] =	ssyncadd.remote.s32 $0x1  }
0xbd: {  	_ =	sfence.sel $0xFFFF  }
0xbe: {  	[dreg:$0x0] =	wrdreg $0xFFFFFFFF;
	(pc) =	sbr.abs _section_cstart, $3  }
0xbf: {  	[dreg:$0x1] =	wrdreg $0xFFFFFFFF  }
0xc0: {  	_ =	task.clear_ibuf [dreg:s6], $0x2FFFF;
	_ =	strace $0x9FFFFFFF  }
0xc1: {  	(tm) =	ssettm $0x7FFFFFFF  }
tec
execute0_lowered:
.L_overlay_start_1:
0x0: {  	(tag) =	ssettag $0x1  }
0x1: {  	s0 =	rddreg [dreg:$0x0];
	s2 =	simm.s32 $0x0  }
0x2: {  	s1 =	srdreg.scid;
	s4 =	stileid.u32;
	s18 =	simm.s32 $0xE200  }
0x3: {  	s19 =	simm.s32 $0x2;
	s20 =	simm.s32 $0x30;
	s21 =	simm.s32 $0xE280  }
0x4: {  	s22 =	simm.s32 $0x1;
	s23 =	simm.s32 $0x80;
	s28 =	simm.s32 $0x8180  }
0x5: {  	s29 =	simm.s32 $0x60;
	s30 =	simm.s32 $0x8200;
	[smem:$0x7FF] =	sst s2  }
0x6: {  	s3 =	sadd.s32 $0x1CE00, s0;
	s6 =	sshll.u32 s4, $0x1;
	s4 =	sadd.s32 $0x1B600, s0  }
0x7: {  	s1 =	sand.u32 $0x1, s1;
	s5 =	sadd.s32 $0x106C00, s0;
	s8 =	sadd.s32 $0x12E400, s0  }
0x8: {  	s9 =	sadd.s32 $0x2E3400, s0;
	s10 =	sadd.s32 $0x43400, s0;
	s7 =	sor.u32 s1, s6  }
0x9: {  	_ =	strace $0x80000050;
	s6 =	sadd.s32 $0x155C00, s0;
	s24 =	smul.u32 $0x6, s7  }
0xa: {  	[dreg:$0x2] =	wrdreg s8;
	s1 =	ssub.s32 $0x2, s1;
	s11 =	smul.u32 $0x300, s7  }
0xb: {  	[dreg:$0x3] =	wrdreg s9;
	s12 =	sshrl.u32 s1, $0x1;
	s9 =	smul.u32 $0x5E0, s7  }
0xc: {  	s1 =	ssub.s32 s1, s12;
	s8 =	sadd.s32 s24, s0;
	s0 =	sadd.s32 s11, s0  }
0xd: {  	s26 =	sadd.s32 $0x580, s9;
	s17 =	smax.u32 s1, $0x1;
	s24 =	simm.s32 $0x100  }
0xe: {  	s25 =	sadd.s32 $0x43200, s8;
	s12 =	sadd.s32 $0x7A00, s0;
	s13 =	sadd.s32 $0xDA00, s0  }
0xf: {  	s31 =	sshrl.u32 s26, $0x3;
	s7 =	sshll.u32 s26, $0x4;
	s26 =	simm.s32 $0x8100  }
0x10: {  	s0 =	simm.s32 $0x0;
	[dreg:$0x4] =	wrdreg s25;
	s14 =	sadd.s32 s3, s31  }
0x11: {  	s15 =	sadd.s32 s4, s31;
	s16 =	sadd.s32 s10, s7;
	s25 =	simm.s32 $0x4100  }
.LBB2_1:
0x12: {  	s1 =	rddreg [dreg:$0x4]  }
0x13: {  	[tilespmem:s18], [sflag:$0x2] =	stream.linear.gather [hbm4b:s1+s2], $0x30, $0x38;
	[tilespmem:$0xFA80] =	vst v63  }
0x14: {  	_ =	swait.ge [sflag:s19], $0x30  }
0x15: {  	[sflag:s19] =	ssyncset.done $0x0  }
0x16: {  	s11 =	rddreg [dreg:$0x2];
	[sflag:s19] =	ssyncadd.s32 $0xFFFFFFD0  }
0x17: {  	[tilespmem:s21], [sflag:$0x1] =	stream.indirect.gather [hbm4b:s11+s20], $0x80, s18, s20, $0xb8;
	[tilespmem:$0xFA80] =	vst v63  }
0x18: {  	_ =	swait.ge [sflag:s22], $0x1800  }
0x19: {  	[sflag:s22] =	ssyncset.done $0x0  }
0x1a: {  	[sflag:s22] =	ssyncadd.s32 $0xFFFFE800  }
0x1b: {  	[hbm4b:s12+s2] =	stream.linear.scatter [tilespmem:s21], [sflag:$0x2], $0x1800, $0x38;
	[tilespmem:$0xFA80] =	vst v63  }
0x1c: {  	_ =	swait.ge [sflag:s19], $0x1800  }
0x1d: {  	[sflag:s19] =	ssyncset.done $0x0  }
0x1e: {  	s31 =	rddreg [dreg:$0x3];
	[sflag:s19] =	ssyncadd.s32 $0xFFFFE800  }
0x1f: {  	[tilespmem:s21], [sflag:$0x1] =	stream.indirect.gather [hbm4b:s31+s20], $0x80, s18, s20, $0xb8;
	[tilespmem:$0xFA80] =	vst v63  }
0x20: {  	_ =	swait.ge [sflag:s22], $0x1800  }
0x21: {  	[sflag:s22] =	ssyncset.done $0x0  }
0x22: {  	[sflag:s22] =	ssyncadd.s32 $0xFFFFE800  }
0x23: {  	[hbm4b:s13+s2] =	stream.linear.scatter [tilespmem:s21], [sflag:$0x2], $0x1800, $0x38;
	[tilespmem:$0xFA80] =	vst v63  }
0x24: {  	_ =	swait.ge [sflag:s19], $0x1800  }
0x25: {  	[sflag:s19] =	ssyncset.done $0x0  }
0x26: {  	s1 =	simm.s32 $0x0;
	[sflag:s19] =	ssyncadd.s32 $0xFFFFE800  }
.LBB2_2:
0x27: {  	s7 =	sshll.u32 s1, $0x7  }
0x28: {  	s31 =	sadd.s32 s9, s7  }
0x29: {  	s7 =	sshrl.u32 s31, $0x3  }
0x2a: {  	s11 =	simm.s32 $0x0;
	s8 =	sadd.s32 s3, s7  }
0x2b: {  	[tilespmem:s11], [sflag:$0x2] =	stream.linear.gather [hbm4b:s8+s11], $0x80, $0x38;
	[tilespmem:$0xFA80] =	vst v63  }
0x2c: {  	_ =	swait.ge [sflag:s19], $0x80  }
0x2d: {  	[sflag:s19] =	ssyncset.done $0x0  }
0x2e: {  	s7 =	sadd.s32 s4, s7;
	[sflag:s19] =	ssyncadd.s32 $0xFFFFFF80  }
0x2f: {  	[tilespmem:s23], [sflag:$0x2] =	stream.linear.gather [hbm4b:s7+s11], $0x80, $0x38;
	[tilespmem:$0xFA80] =	vst v63  }
0x30: {  	_ =	swait.ge [sflag:s19], $0x80  }
0x31: {  	[sflag:s19] =	ssyncset.done $0x0  }
0x32: {  	[sflag:s19] =	ssyncadd.s32 $0xFFFFFF80  }
0x33: {  	[tilespmem:s24], [sflag:$0x1] =	stream.indirect.gather [hbm4b:s5+s23], $0x80, s11, s23, $0xb8;
	[tilespmem:$0xFA80] =	vst v63  }
0x34: {  	_ =	swait.ge [sflag:s22], $0x4000  }
0x35: {  	[sflag:s22] =	ssyncset.done $0x0  }
0x36: {  	[sflag:s22] =	ssyncadd.s32 $0xFFFFC000  }
0x37: {  	[tilespmem:s25], [sflag:$0x1] =	stream.indirect.gather [hbm4b:s6+s23], $0x80, s23, s23, $0xb8;
	[tilespmem:$0xFA80] =	vst v63  }
0x38: {  	_ =	swait.ge [sflag:s22], $0x4000  }
0x39: {  	[sflag:s22] =	ssyncset.done $0x0  }
0x3a: {  	s7 =	simm.s32 $0x0;
	[sflag:s22] =	ssyncadd.s32 $0xFFFFC000  }
0x3b: {  	v7 =	vld [tilespmem:s7+$0x4100]  }
0x3c: {  	v11 =	vld [tilespmem:s7+$0x4110]  }
0x3d: {  	v5 =	vld [tilespmem:s7+$0x4120]  }
0x3e: {  	v4 =	vld [tilespmem:s7+$0x4130]  }
0x3f: {  	v3 =	vld [tilespmem:s7+$0x4140]  }
0x40: {  	v2 =	vld [tilespmem:s7+$0x4150]  }
0x41: {  	v1 =	vld [tilespmem:s7+$0x4160]  }
0x42: {  	v0 =	vld [tilespmem:s7+$0x4170]  }
0x43: {  	v12 =	vld [tilespmem:s7+$0x100]  }
0x44: {  	v13 =	vld [tilespmem:s7+$0x110]  }
0x45: {  	v10 =	vld [tilespmem:s7+$0x120]  }
0x46: {  	v9 =	vld [tilespmem:s7+$0x130]  }
0x47: {  	v8 =	vld [tilespmem:s7+$0x140]  }
0x48: {  	v6 =	vld [tilespmem:s7+$0x150];
	v12 =	vadd.f32 v7, v12  }
0x49: {  	s8 =	simm.s32 $0x200;
	v11 =	vadd.f32 v11, v13;
	v7 =	vld [tilespmem:s7+$0x160]  }
.LBB2_3:
0x4a: {  	s11 =	sshra.s32 s8, $0x2;
	p0 =	sne.s32 s8, $0xFE00;
	[tilespmem:s7+$0x100] =	vst v12;
	v5 =	vadd.f32 v5, v10;
	v10 =	vld [tilespmem:s7+$0x170]  }
0x4b: {  	v12 =	vld [tilespmem:s11+$0x4100];
	[tilespmem:s7+$0x110] =	vst v11;
	v4 =	vadd.f32 v4, v9  }
0x4c: {  	v11 =	vld [tilespmem:s11+$0x4110];
	[tilespmem:s7+$0x120] =	vst v5;
	v3 =	vadd.f32 v3, v8  }
0x4d: {  	v5 =	vld [tilespmem:s11+$0x4120];
	[tilespmem:s7+$0x130] =	vst v4;
	v2 =	vadd.f32 v2, v6  }
0x4e: {  	v4 =	vld [tilespmem:s11+$0x4130];
	[tilespmem:s7+$0x140] =	vst v3;
	v1 =	vadd.f32 v1, v7  }
0x4f: {  	v3 =	vld [tilespmem:s11+$0x4140];
	[tilespmem:s7+$0x150] =	vst v2;
	v0 =	vadd.f32 v0, v10  }
0x50: {  	v2 =	vld [tilespmem:s11+$0x4150];
	[tilespmem:s7+$0x160] =	vst v1  }
0x51: {  	v1 =	vld [tilespmem:s11+$0x4160];
	[tilespmem:s7+$0x170] =	vst v0;
	s7 =	smov.u32 s11  }
0x52: {  	v0 =	vld [tilespmem:s7+$0x4170]  }
0x53: {  	v6 =	vld [tilespmem:s7+$0x100]  }
0x54: {  	v7 =	vld [tilespmem:s7+$0x110]  }
.Ltmp0:
0x55: {  	v10 =	vld [tilespmem:s7+$0x120];
	(pc) =	sbr.rel @p0 .LBB2_3-.Ltmp0, $4  }
0x56: {  	v9 =	vld [tilespmem:s7+$0x130]  }
0x57: {  	v8 =	vld [tilespmem:s7+$0x140]  }
0x58: {  	v12 =	vadd.f32 v12, v6;
	v6 =	vld [tilespmem:s7+$0x150]  }
0x59: {  	s8 =	sadd.s32 $0x200, s8;
	v11 =	vadd.f32 v11, v7;
	v7 =	vld [tilespmem:s7+$0x160]  }
0x5a: {  	[tilespmem:s7+$0x100] =	vst v12;
	v5 =	vadd.f32 v5, v10;
	v63 =	vld [tilespmem:s7+$0x170]  }
0x5b: {  	[tilespmem:s7+$0x110] =	vst v11;
	v4 =	vadd.f32 v4, v9  }
0x5c: {  	[tilespmem:s7+$0x120] =	vst v5;
	v3 =	vadd.f32 v3, v8  }
0x5d: {  	[tilespmem:s7+$0x130] =	vst v4;
	v2 =	vadd.f32 v2, v6  }
0x5e: {  	[tilespmem:s7+$0x140] =	vst v3;
	v1 =	vadd.f32 v1, v7  }
0x5f: {  	s1 =	sadd.s32 $0x1, s1;
	[tilespmem:s7+$0x150] =	vst v2;
	v0 =	vadd.f32 v0, v63  }
0x60: {  	s8 =	sshll.u32 s31, $0x4;
	p0 =	sne.s32 s1, $0xB;
	[tilespmem:s7+$0x160] =	vst v1  }
.Ltmp1:
0x61: {  	s31 =	sadd.s32 s10, s8;
	[tilespmem:s7+$0x170] =	vst v0;
	(pc) =	sbr.rel @p0 .LBB2_2-.Ltmp1, $4  }
0x62: {  	[hbm4b:s31+s2] =	stream.linear.scatter [tilespmem:s24], [sflag:$0x2], $0x4000, $0x38;
	[tilespmem:$0xFA80] =	vst v63  }
0x63: {  	_ =	swait.ge [sflag:s19], $0x4000  }
0x64: {  	[sflag:s19] =	ssyncset.done $0x0  }
0x65: {  	[sflag:s19] =	ssyncadd.s32 $0xFFFFC000  }
0x66: {  	s1 =	simm.s32 $0x0  }
0x67: {  	[tilespmem:s26], [sflag:$0x2] =	stream.linear.gather [hbm4b:s14+s1], $0x60, $0x38;
	[tilespmem:$0xFA80] =	vst v63  }
0x68: {  	_ =	swait.ge [sflag:s19], $0x60  }
0x69: {  	[sflag:s19] =	ssyncset.done $0x0  }
0x6a: {  	[sflag:s19] =	ssyncadd.s32 $0xFFFFFFA0  }
0x6b: {  	[tilespmem:s28], [sflag:$0x2] =	stream.linear.gather [hbm4b:s15+s1], $0x60, $0x38;
	[tilespmem:$0xFA80] =	vst v63  }
0x6c: {  	_ =	swait.ge [sflag:s19], $0x60  }
0x6d: {  	[sflag:s19] =	ssyncset.done $0x0  }
0x6e: {  	[sflag:s19] =	ssyncadd.s32 $0xFFFFFFA0  }
0x6f: {  	[tilespmem:s30], [sflag:$0x1] =	stream.indirect.gather [hbm4b:s5+s29], $0x80, s26, s29, $0xb8;
	[tilespmem:$0xFA80] =	vst v63  }
0x70: {  	_ =	swait.ge [sflag:s22], $0x3000  }
0x71: {  	[sflag:s22] =	ssyncset.done $0x0  }
0x72: {  	s31 =	simm.s32 $0xB200;
	[sflag:s22] =	ssyncadd.s32 $0xFFFFD000  }
0x73: {  	[tilespmem:s31], [sflag:$0x1] =	stream.indirect.gather [hbm4b:s6+s29], $0x80, s28, s29, $0xb8;
	[tilespmem:$0xFA80] =	vst v63  }
0x74: {  	_ =	swait.ge [sflag:s22], $0x3000  }
0x75: {  	[sflag:s22] =	ssyncset.done $0x0  }
0x76: {  	s1 =	simm.s32 $0x0;
	[sflag:s22] =	ssyncadd.s32 $0xFFFFD000  }
0x77: {  	v7 =	vld [tilespmem:s1+$0xB200]  }
0x78: {  	v11 =	vld [tilespmem:s1+$0xB210]  }
0x79: {  	v5 =	vld [tilespmem:s1+$0xB220]  }
0x7a: {  	v4 =	vld [tilespmem:s1+$0xB230]  }
0x7b: {  	v3 =	vld [tilespmem:s1+$0xB240]  }
0x7c: {  	v2 =	vld [tilespmem:s1+$0xB250]  }
0x7d: {  	v1 =	vld [tilespmem:s1+$0xB260]  }
0x7e: {  	v0 =	vld [tilespmem:s1+$0xB270]  }
0x7f: {  	v12 =	vld [tilespmem:s1+$0x8200]  }
0x80: {  	v13 =	vld [tilespmem:s1+$0x8210]  }
0x81: {  	v10 =	vld [tilespmem:s1+$0x8220]  }
0x82: {  	v9 =	vld [tilespmem:s1+$0x8230]  }
0x83: {  	v8 =	vld [tilespmem:s1+$0x8240]  }
0x84: {  	v6 =	vld [tilespmem:s1+$0x8250];
	v12 =	vadd.f32 v7, v12  }
0x85: {  	s7 =	simm.s32 $0x200;
	v11 =	vadd.f32 v11, v13;
	v7 =	vld [tilespmem:s1+$0x8260]  }
.LBB2_6:
0x86: {  	s8 =	sshra.s32 s7, $0x2;
	p0 =	sne.s32 s7, $0xBE00;
	[tilespmem:s1+$0x8200] =	vst v12;
	v5 =	vadd.f32 v5, v10;
	v10 =	vld [tilespmem:s1+$0x8270]  }
0x87: {  	v12 =	vld [tilespmem:s8+$0xB200];
	[tilespmem:s1+$0x8210] =	vst v11;
	v4 =	vadd.f32 v4, v9  }
0x88: {  	v11 =	vld [tilespmem:s8+$0xB210];
	[tilespmem:s1+$0x8220] =	vst v5;
	v3 =	vadd.f32 v3, v8  }
0x89: {  	v5 =	vld [tilespmem:s8+$0xB220];
	[tilespmem:s1+$0x8230] =	vst v4;
	v2 =	vadd.f32 v2, v6  }
0x8a: {  	v4 =	vld [tilespmem:s8+$0xB230];
	[tilespmem:s1+$0x8240] =	vst v3;
	v1 =	vadd.f32 v1, v7  }
0x8b: {  	v3 =	vld [tilespmem:s8+$0xB240];
	[tilespmem:s1+$0x8250] =	vst v2;
	v0 =	vadd.f32 v0, v10  }
0x8c: {  	v2 =	vld [tilespmem:s8+$0xB250];
	[tilespmem:s1+$0x8260] =	vst v1  }
0x8d: {  	v1 =	vld [tilespmem:s8+$0xB260];
	[tilespmem:s1+$0x8270] =	vst v0;
	s1 =	smov.u32 s8  }
0x8e: {  	v0 =	vld [tilespmem:s1+$0xB270]  }
0x8f: {  	v6 =	vld [tilespmem:s1+$0x8200]  }
0x90: {  	v7 =	vld [tilespmem:s1+$0x8210]  }
.Ltmp2:
0x91: {  	v10 =	vld [tilespmem:s1+$0x8220];
	(pc) =	sbr.rel @p0 .LBB2_6-.Ltmp2, $4  }
0x92: {  	v9 =	vld [tilespmem:s1+$0x8230]  }
0x93: {  	v8 =	vld [tilespmem:s1+$0x8240]  }
0x94: {  	v12 =	vadd.f32 v12, v6;
	v6 =	vld [tilespmem:s1+$0x8250]  }
0x95: {  	s7 =	sadd.s32 $0x200, s7;
	v11 =	vadd.f32 v11, v7;
	v7 =	vld [tilespmem:s1+$0x8260]  }
0x96: {  	[tilespmem:s1+$0x8200] =	vst v12;
	v5 =	vadd.f32 v5, v10;
	v63 =	vld [tilespmem:s1+$0x8270]  }
0x97: {  	[tilespmem:s1+$0x8210] =	vst v11;
	v4 =	vadd.f32 v4, v9  }
0x98: {  	[tilespmem:s1+$0x8220] =	vst v5;
	v3 =	vadd.f32 v3, v8  }
0x99: {  	[tilespmem:s1+$0x8230] =	vst v4;
	v2 =	vadd.f32 v2, v6  }
0x9a: {  	[tilespmem:s1+$0x8240] =	vst v3;
	v1 =	vadd.f32 v1, v7  }
0x9b: {  	s0 =	sadd.s32 $0x1, s0;
	[tilespmem:s1+$0x8250] =	vst v2;
	v0 =	vadd.f32 v0, v63  }
0x9c: {  	p0 =	sne.s32 s0, s17;
	[tilespmem:s1+$0x8260] =	vst v1  }
.Ltmp3:
0x9d: {  	[tilespmem:s1+$0x8270] =	vst v0;
	(pc) =	sbr.rel @p0 .LBB2_1-.Ltmp3, $4  }
0x9e: {  	[hbm4b:s16+s2] =	stream.linear.scatter [tilespmem:s30], [sflag:$0x2], $0x3000, $0x38;
	[tilespmem:$0xFA80] =	vst v63  }
0x9f: {  	_ =	swait.ge [sflag:s19], $0x3000  }
0xa0: {  	[sflag:s19] =	ssyncset.done $0x0  }
0xa1: {  	[sflag:s19] =	ssyncadd.s32 $0xFFFFD000  }
0xa2: {  	_ =	sfence.sel $0x180000  }
0xa3: {  	[bflag:$0x0] =	sbarrier.arrive $0xFFFF  }
0xa4: {  	_ =	strace $0x90000050  }
0xa5: {  	s0 =	stileid.u32;
	[bflag:$0x2] =	sbarrier.arrive $0xFFFF  }
0xa6: {  	p0 =	sne.s32 s0, $0x0;
	s0 =	rddreg [dreg:$0x1]  }
0xa7: {  	s0 =	sadd.s32 @!p0 $0x100000, s0  }
0xa8: {  	[sflag:s0] =	ssyncadd.tile.s32 @!p0 $0x1;
	_ =	shalt  }
.Lfunc_end2:
_tile_overlayer_lowered:
.L_overlay_start_2:
0xa9: {  	(tag) =	ssettag $0x2  }
0xaa: {  	s0 =	rddreg [dreg:$0x0];
	s2 =	stileid.u32  }
0xab: {  	s1 =	rddreg [dreg:$0x1];
	p0 =	sne.s32 s2, $0x0  }
0xac: {  	s3 =	rddreg [dreg:$0x2];
	[bflag:$0x3] =	sbarrier.arrive $0xFFFF;
	s2 =	simm.s32 @!p0 $0x1C02  }
0xad: {  	[timem:s3], [sflag:s2] =	dma.local @!p0 [hbm:s0], s1  }
0xae: {  	s0 =	simm.s32 @!p0 $0x2  }
0xaf: {  	_ =	swait.ge @!p0 [sflag:s0], s1  }
0xb0: {  	s1 =	ssub.s32 @!p0 $0x0, s1;
	[sflag:s0] =	ssyncset.done @!p0 $0x0  }
0xb1: {  	[sflag:s0] =	ssyncadd.s32 @!p0 s1  }
0xb2: {  	[bflag:$0x3] =	sbarrier.arrive $0xFFFF  }
0xb3: {  	_ =	shalt  }

</sc_bundles>
